<compile_context>
chip_gen: v7x
topology: tpu7x:2x2x1
jax: 0.10.2.dev20260603
libtpu: 0.0.44.dev20260713+nightly
codegen_flags: <defaults>
</compile_context>

<pallas_src>
import functools

import jax
import jax.numpy as jnp
from jax import lax
from jax.experimental import pallas as pl
from jax.experimental.pallas import tpu as pltpu
from jax.experimental.pallas import tpu_sc as plsc

N = 10000
E = 640000
IN = 84
HID = 512
ED = 6
NGF = 16
NG = 128

FC = 128
NCH = HID // FC
EB = 128
NW = 32
EPW0 = E // NW
NB = 160
EPW = NB * EB
PAD = EPW - EPW0
IG = 16
NGRP = NB // IG
NP = 10240
RPT = NP // 16
ZR = 128
RB = 1000
G = N // RB



def _sc_body(*refs):
    (sd_h, zer_h, *rest) = refs
    tables = rest[:NCH]
    aouts = rest[NCH:2 * NCH]
    (sda, sdb, bufa, bufb, acc, sema, semb, sesa, sesb) = rest[2 * NCH:]

    c = lax.axis_index("c")
    s = lax.axis_index("s")
    w = c * 16 + s
    row0 = s * RPT

    for ch in range(NCH):
        tbl = tables[ch]

        pltpu.sync_copy(zer_h, acc.at[pl.ds(row0, RPT)])
        plsc.subcore_barrier()

        pltpu.sync_copy(sd_h.at[w, 0], sda)
        pltpu.async_copy(tbl.at[sda.at[0]], bufa, sema)

        @pl.loop(0, NB, step=2)
        def _edges(j):
            pltpu.sync_copy(sd_h.at[w, j + 1], sdb)
            pltpu.make_async_copy(tbl.at[sda.at[0]], bufa, sema).wait()
            pltpu.async_copy(tbl.at[sdb.at[0]], bufb, semb)
            pltpu.sync_copy(bufa, acc.at[sda.at[1]], add=True)
            pltpu.sync_copy(sd_h.at[w, lax.rem(j + 2, NB)], sda)
            pltpu.make_async_copy(tbl.at[sdb.at[0]], bufb, semb).wait()
            pltpu.async_copy(tbl.at[sda.at[0]], bufa, sema)
            pltpu.sync_copy(bufb, acc.at[sdb.at[1]], add=True)

        pltpu.make_async_copy(tbl.at[sda.at[0]], bufa, sema).wait()

        plsc.subcore_barrier()
        pltpu.sync_copy(acc.at[pl.ds(row0, RPT)], aouts[ch].at[c, pl.ds(row0, RPT)])


_sc_agg = pl.kernel(
    _sc_body,
    out_type=[jax.ShapeDtypeStruct((2, NP, FC), jnp.float32) for _ in range(NCH)],
    mesh=plsc.VectorSubcoreMesh(core_axis_name="c", subcore_axis_name="s"),
    scratch_types=[
        pltpu.VMEM((2, EB), jnp.int32),
        pltpu.VMEM((2, EB), jnp.int32),
        pltpu.VMEM((EB, FC), jnp.float32),
        pltpu.VMEM((EB, FC), jnp.float32),
        pltpu.VMEM_SHARED((NP, FC), jnp.float32),
        pltpu.SemaphoreType.DMA,
        pltpu.SemaphoreType.DMA,
        pltpu.SemaphoreType.DMA,
        pltpu.SemaphoreType.DMA,
    ],
    name="sc_edge_agg",
)


def _sc_stats_body(dst_h, ea_h, zer_h, st_h, dst_i, erow, acc2):
    c = lax.axis_index("c")
    s = lax.axis_index("s")
    w = c * 16 + s
    row0 = s * RPT

    pltpu.sync_copy(zer_h, acc2.at[pl.ds(row0, RPT)])
    plsc.subcore_barrier()

    @pl.loop(0, NB)
    def _stats(j):
        pltpu.sync_copy(dst_h.at[pl.ds(w * EPW + j * EB, EB)], dst_i)
        pltpu.sync_copy(ea_h.at[pl.ds(w * EPW + j * EB, EB)], erow)
        pltpu.sync_copy(erow, acc2.at[dst_i], add=True)

    plsc.subcore_barrier()
    pltpu.sync_copy(acc2.at[pl.ds(row0, RPT)], st_h.at[c, pl.ds(row0, RPT)])


_sc_stats = pl.kernel(
    _sc_stats_body,
    out_type=[jax.ShapeDtypeStruct((2, NP, FC), jnp.float32)],
    mesh=plsc.VectorSubcoreMesh(core_axis_name="c", subcore_axis_name="s"),
    scratch_types=[
        pltpu.VMEM((EB,), jnp.int32),
        pltpu.VMEM((EB, FC), jnp.float32),
        pltpu.VMEM_SHARED((NP, FC), jnp.float32),
    ],
    name="sc_edge_stats",
)



def _k1_body(x_ref, wm_ref, ws_ref, bs_ref, *outs):
    xa = x_ref[...]
    pre = jnp.dot(xa, wm_ref[...], preferred_element_type=jnp.float32)
    for ch in range(NCH):
        outs[ch][...] = pre[:, ch * FC:(ch + 1) * FC]
    outs[NCH][...] = jnp.dot(xa, ws_ref[...],
                             preferred_element_type=jnp.float32) + bs_ref[...]


_k1 = pl.pallas_call(
    _k1_body,
    grid=(G,),
    in_specs=[
        pl.BlockSpec((RB, IN), lambda i: (i, 0)),
        pl.BlockSpec((IN, HID), lambda i: (0, 0)),
        pl.BlockSpec((IN, HID), lambda i: (0, 0)),
        pl.BlockSpec((1, HID), lambda i: (0, 0)),
    ],
    out_specs=[pl.BlockSpec((RB, FC), lambda i: (i, 0)) for _ in range(NCH)]
    + [pl.BlockSpec((RB, HID), lambda i: (i, 0))],
    out_shape=[jax.ShapeDtypeStruct((N, FC), jnp.float32) for _ in range(NCH)]
    + [jax.ShapeDtypeStruct((N, HID), jnp.float32)],
)


def _mid_body(residual, *refs):
    a_refs = refs[:NCH]
    st_ref, prev_ref, we_ref, bb_ref, wmn_ref, x_ref = refs[NCH:NCH + 6]
    q_refs = refs[NCH + 6:]
    aggs = []
    for a in a_refs:
        av = a[...]
        aggs.append(av[0] + av[1])
    agg = jnp.concatenate(aggs, axis=1)
    st = st_ref[...]
    sv = st[0] + st[1]
    d = jnp.dot(sv[:, :ED], we_ref[...], preferred_element_type=jnp.float32)
    d = d + sv[:, ED:ED + 1] * bb_ref[...]
    prev = prev_ref[...]
    xl = jnp.maximum(agg + d + prev, 0.0)
    if residual:
        xl = xl + prev
    x_ref[...] = xl
    q = jnp.dot(xl, wmn_ref[...], preferred_element_type=jnp.float32)
    for ch, qr in enumerate(q_refs):
        qr[...] = q[:, ch * FC:(ch + 1) * FC]


def _make_mid(residual):
    return pl.pallas_call(
        functools.partial(_mid_body, residual),
        grid=(G,),
        in_specs=[pl.BlockSpec((2, RB, FC), lambda i: (0, i, 0)) for _ in range(NCH)]
        + [
            pl.BlockSpec((2, RB, FC), lambda i: (0, i, 0)),
            pl.BlockSpec((RB, HID), lambda i: (i, 0)),
            pl.BlockSpec((ED, HID), lambda i: (0, 0)),
            pl.BlockSpec((1, HID), lambda i: (0, 0)),
            pl.BlockSpec((HID, HID), lambda i: (0, 0)),
        ],
        out_specs=[pl.BlockSpec((RB, HID), lambda i: (i, 0))]
        + [pl.BlockSpec((RB, FC), lambda i: (i, 0)) for _ in range(NCH)],
        out_shape=[jax.ShapeDtypeStruct((N, HID), jnp.float32)]
        + [jax.ShapeDtypeStruct((N, FC), jnp.float32) for _ in range(NCH)],
    )


_mid1 = _make_mid(False)
_mid2 = _make_mid(True)


def _e3_body(*refs):
    a_refs = refs[:NCH]
    st_ref, prev_ref, we_ref, bb_ref, b_ref, psum_ref, cnt_ref = refs[NCH:]
    i = pl.program_id(0)
    aggs = []
    for a in a_refs:
        av = a[...]
        aggs.append(av[0] + av[1])
    agg = jnp.concatenate(aggs, axis=1)
    st = st_ref[...]
    sv = st[0] + st[1]
    d = jnp.dot(sv[:, :ED], we_ref[...], preferred_element_type=jnp.float32)
    d = d + sv[:, ED:ED + 1] * bb_ref[...]
    prev = prev_ref[...]
    x3 = jnp.maximum(agg + d + prev, 0.0) + prev
    b = b_ref[0, 0]
    gid = lax.broadcasted_iota(jnp.int32, (NG, RB), 0)
    mask = (gid == b[None, :]).astype(jnp.float32)

    @pl.when(i == 0)
    def _():
        psum_ref[...] = jnp.zeros_like(psum_ref)
        cnt_ref[...] = jnp.zeros_like(cnt_ref)

    psum_ref[...] += jnp.dot(mask, x3, preferred_element_type=jnp.float32)
    cnt_ref[...] += jnp.sum(mask, axis=1, keepdims=True)


_e3 = pl.pallas_call(
    _e3_body,
    grid=(G,),
    in_specs=[pl.BlockSpec((2, RB, FC), lambda i: (0, i, 0)) for _ in range(NCH)]
    + [
        pl.BlockSpec((2, RB, FC), lambda i: (0, i, 0)),
        pl.BlockSpec((RB, HID), lambda i: (i, 0)),
        pl.BlockSpec((ED, HID), lambda i: (0, 0)),
        pl.BlockSpec((1, HID), lambda i: (0, 0)),
        pl.BlockSpec((1, 1, RB), lambda i: (i, 0, 0)),
    ],
    out_specs=[
        pl.BlockSpec((NG, HID), lambda i: (0, 0)),
        pl.BlockSpec((NG, 1), lambda i: (0, 0)),
    ],
    out_shape=[
        jax.ShapeDtypeStruct((NG, HID), jnp.float32),
        jax.ShapeDtypeStruct((NG, 1), jnp.float32),
    ],
)


def _fin_body(psum_ref, cnt_ref, ga_ref, wg_ref, bg_ref, wc_ref, bc_ref,
              wl_ref, bl_ref, out_ref):
    pooled = psum_ref[...] / jnp.maximum(cnt_ref[...], 1.0)
    g = jnp.dot(ga_ref[...], wg_ref[...],
                preferred_element_type=jnp.float32) + bg_ref[...]
    comb = jnp.concatenate([pooled, g], axis=1)
    h = jnp.maximum(jnp.dot(comb, wc_ref[...],
                            preferred_element_type=jnp.float32) + bc_ref[...], 0.0)
    out_ref[...] = jnp.dot(h, wl_ref[...],
                           preferred_element_type=jnp.float32) + bl_ref[...]


_fin = pl.pallas_call(
    _fin_body,
    out_shape=jax.ShapeDtypeStruct((NG, 1), jnp.float32),
)



def kernel(x, edge_index, edge_attr, batch, graph_attr,
           Wm1, bm1, We1, be1, Wm2, bm2, We2, be2,
           Wm3, bm3, We3, be3, Wm4, bm4, We4, be4,
           Ws1, bs1, Wg, bg, Wc, bc, Wl, bl):
    pad_dst = jnp.broadcast_to(
        N + (jnp.arange(PAD, dtype=jnp.int32) % (NP - N - 16)), (NW, PAD))
    src_w = jnp.concatenate(
        [edge_index[0].reshape(NW, EPW0),
         jnp.zeros((NW, PAD), jnp.int32)], axis=1).reshape(NW, NB, EB)
    dst_w = jnp.concatenate(
        [edge_index[1].reshape(NW, EPW0), pad_dst], axis=1).reshape(NW, NB, EB)
    sd = jnp.stack([src_w, dst_w], axis=2)
    dst = dst_w.reshape(NW * EPW)
    ea7 = jnp.concatenate([edge_attr, jnp.ones((E, 1), jnp.float32)], axis=1)
    ea7 = jnp.concatenate(
        [ea7.reshape(NW, EPW0, ED + 1),
         jnp.zeros((NW, PAD, ED + 1), jnp.float32)], axis=1)
    ea128 = jnp.pad(ea7.reshape(NW * EPW, ED + 1),
                    ((0, 0), (0, FC - ED - 1)))

    *p, xself = _k1(x, Wm1, Ws1, bs1.reshape(1, HID))

    zer = jnp.zeros((RPT, FC), jnp.float32)
    (stats,) = _sc_stats(dst, ea128, zer)
    a = _sc_agg(sd, zer, *p)
    x1, *q = _mid1(*a, stats, xself, We1, (bm1 + be1).reshape(1, HID), Wm2)

    a = _sc_agg(sd, zer, *q)
    x2, *q = _mid2(*a, stats, x1, We2, (bm2 + be2).reshape(1, HID), Wm3)

    a = _sc_agg(sd, zer, *q)
    psum, cnt = _e3(*a, stats, x2, We3,
                    (bm3 + be3).reshape(1, HID), batch.reshape(G, 1, RB))

    return _fin(psum, cnt, graph_attr, Wg, bg.reshape(1, HID),
                Wc, bc.reshape(1, HID), Wl, bl.reshape(1, 1))

# --- scband reference (transcript-rebuilt; emitter-appended) ---
"""Pipeline reference for scband-gnn-70239895158818 (READ-ONLY COPY).

The authoritative reference and input builder live on the scoring server;
editing this copy changes nothing except your own understanding.
"""

import jax, jax.numpy as jnp
import numpy as np

N = 10000
E = 640000
IN = 84
HID = 512
ED = 6
NGF = 16
NG = 128


def _lin_init(key, fin, fout):
    k1, k2 = jax.random.split(key)
    lim = 1.0 / np.sqrt(fin)
    W = jax.random.uniform(k1, (fin, fout), jnp.float32, -lim, lim)
    b = jax.random.uniform(k2, (fout,), jnp.float32, -lim, lim)
    return W, b


def setup_inputs(seed: int = 0):
    key = jax.random.key(seed)
    ks = jax.random.split(key, 20)
    inp = {}
    inp["x"] = jax.random.normal(ks[0], (N, IN), jnp.float32)
    inp["edge_index"] = jax.random.randint(ks[1], (2, E), 0, N, dtype=jnp.int32)
    inp["edge_attr"] = jax.random.normal(ks[2], (E, ED), jnp.float32)
    inp["batch"] = jnp.sort(jax.random.randint(ks[3], (N,), 0, NG, dtype=jnp.int32))
    inp["graph_attr"] = jax.random.normal(ks[4], (NG, NGF), jnp.float32)
    dims = [(IN, HID), (HID, HID), (HID, HID), (HID, HID)]
    for i, (fi, fo) in enumerate(dims, start=1):
        Wm, bm = _lin_init(ks[4 + i], fi, fo)
        We, be = _lin_init(ks[8 + i], ED, fo)
        inp["Wm%d" % i], inp["bm%d" % i] = Wm, bm
        inp["We%d" % i], inp["be%d" % i] = We, be
    inp["Ws1"], inp["bs1"] = _lin_init(ks[13], IN, HID)
    inp["Wg"], inp["bg"] = _lin_init(ks[14], NGF, HID)
    inp["Wc"], inp["bc"] = _lin_init(ks[15], 2 * HID, HID)
    inp["Wl"], inp["bl"] = _lin_init(ks[16], HID, 1)
    return inp


def _conv(x, src, dst, ea, Wm, bm, We, be, Ws=None, bs=None):
    # GeneralConv (add aggregation): msg = lin_msg(x_j) + lin_edge(edge_attr);
    # lin_msg is linear so we apply it pre-gather (math-equivalent).
    msg = (x @ Wm + bm)[src] + (ea @ We + be)
    agg = jax.ops.segment_sum(msg, dst, num_segments=N)
    x_self = (x @ Ws + bs) if Ws is not None else x
    return agg + x_self


def reference(x, edge_index, edge_attr, batch, graph_attr,
              Wm1, bm1, We1, be1, Wm2, bm2, We2, be2,
              Wm3, bm3, We3, be3, Wm4, bm4, We4, be4,
              Ws1, bs1, Wg, bg, Wc, bc, Wl, bl):
    src, dst = edge_index[0], edge_index[1]
    x1 = jax.nn.relu(_conv(x, src, dst, edge_attr, Wm1, bm1, We1, be1, Ws1, bs1))
    x2 = jax.nn.relu(_conv(x1, src, dst, edge_attr, Wm2, bm2, We2, be2)) + x1
    x3 = jax.nn.relu(_conv(x2, src, dst, edge_attr, Wm3, bm3, We3, be3)) + x2
    x4 = jax.nn.relu(_conv(x3, src, dst, edge_attr, Wm4, bm4, We4, be4)) + x3  # computed but unused, as in original
    sums = jax.ops.segment_sum(x3, batch, num_segments=NG)
    cnt = jax.ops.segment_sum(jnp.ones((N,), jnp.float32), batch, num_segments=NG)
    pooled = sums / jnp.maximum(cnt, 1.0)[:, None]
    g = graph_attr @ Wg + bg
    comb = jnp.concatenate([pooled, g], axis=1)
    comb = jax.nn.relu(comb @ Wc + bc)
    out = comb @ Wl + bl
    return out

if __name__ == "__main__":
    import jax
    _d = setup_inputs()
    print(jax.jit(kernel)(*tuple(_d.values())))

</pallas_src>

<mosaic_0001>
#map = affine_map<(d0, d1) -> (0)>
#map1 = affine_map<(d0, d1) -> (0, 0)>
#map2 = affine_map<(d0, d1) -> (0, 0, 0)>
module attributes {stable_mosaic.version = 14 : i64} {
  func.func @sc_edge_stats(%arg0: i32, %arg1: i32, %arg2: memref<655360xi32, #tpu.memory_space<hbm>>, %arg3: memref<655360x128xf32, #tpu.memory_space<hbm>>, %arg4: memref<640x128xf32, #tpu.memory_space<hbm>>, %arg5: memref<2x10240x128xf32, #tpu.memory_space<hbm>>, %arg6: memref<128xi32, #tpu.memory_space<vmem>>, %arg7: memref<128x128xf32, #tpu.memory_space<vmem>>, %arg8: memref<10240x128xf32, #tpu.memory_space<vmem_shared>>) attributes {dimension_semantics = [#tpu.dimension_semantics<core_parallel>, #tpu.dimension_semantics<subcore_parallel>], iteration_bounds = array<i64: 2, 16>, scalar_prefetch = 0 : i64, scratch_operands = 3 : i64, tpu.core_type = #tpu.core_type<sc_vector_subcore>, window_params = [{transform_indices = #map}, {transform_indices = #map1}, {transform_indices = #map1}, {transform_indices = #map2}]} {
    %mul3A = arith.constant 16 : i32
    %mul3A_0 = arith.muli %arg0, %mul3A : i32
    %add3A = arith.addi %mul3A_0, %arg1 : i32
    %mul3A_1 = arith.constant 640 : i32
    %mul3A_2 = arith.muli %arg1, %mul3A_1 : i32
    "tpu.region"() ({
      %run_scoped3A = tpu.sem_alloc : memref<!tpu.dma_semaphore, #tpu.memory_space<semaphore_mem>>
      %dma_start3A = arith.constant 0 : i32
      %dma_start3A_8 = tpu.memref_slice %arg8[%mul3A_2, %dma_start3A] : memref<10240x128xf32, #tpu.memory_space<vmem_shared>> -> memref<640x128xf32, #tpu.memory_space<vmem_shared>>
      tpu.enqueue_dma source(%arg4 : memref<640x128xf32, #tpu.memory_space<hbm>>) target(%dma_start3A_8 : memref<640x128xf32, #tpu.memory_space<vmem_shared>>) target_semaphore(%run_scoped3A : memref<!tpu.dma_semaphore, #tpu.memory_space<semaphore_mem>>)
      %dma_wait3A = arith.constant 0 : i32
      %dma_wait3A_9 = tpu.memref_slice %arg8[%mul3A_2, %dma_wait3A] : memref<10240x128xf32, #tpu.memory_space<vmem_shared>> -> memref<640x128xf32, #tpu.memory_space<vmem_shared>>
      tpu.wait_dma2 semaphore(%run_scoped3A : memref<!tpu.dma_semaphore, #tpu.memory_space<semaphore_mem>>) src(%arg4 : memref<640x128xf32, #tpu.memory_space<hbm>>) dst(%dma_wait3A_9 : memref<640x128xf32, #tpu.memory_space<vmem_shared>>)
      tpu.yield
    }) : () -> ()
    %barrier3A = arith.constant 0 : index
    tpu.barrier barrier_id(%barrier3A)
    %scan3A = arith.constant 0 : i32
    %scan3A_3 = arith.constant 160 : i32
    %scan3A_4 = arith.addi %scan3A, %scan3A_3 : i32
    %scan3A_5 = arith.constant 1 : i32
    scf.for %scan3A_8 = %scan3A to %scan3A_4 step %scan3A_5  : i32 {
      %mul3A_9 = arith.constant 1 : i32
      %mul3A_10 = arith.muli %scan3A_8, %mul3A_9 : i32
      %add3A_11 = arith.constant 0 : i32
      %add3A_12 = arith.addi %add3A_11, %mul3A_10 : i32
      %mul3A_13 = arith.constant 20480 : i32
      %mul3A_14 = arith.muli %add3A, %mul3A_13 : i32
      %mul3A_15 = arith.constant 128 : i32
      %mul3A_16 = arith.muli %add3A_12, %mul3A_15 : i32
      %add3A_17 = arith.addi %mul3A_14, %mul3A_16 : i32
      "tpu.region"() ({
        %run_scoped3A = tpu.sem_alloc : memref<!tpu.dma_semaphore, #tpu.memory_space<semaphore_mem>>
        %dma_start3A = tpu.memref_slice %arg2[%add3A_17] : memref<655360xi32, #tpu.memory_space<hbm>> -> memref<128xi32, #tpu.memory_space<hbm>>
        %dma_start3A_23 = tpu.memref_slice %arg2[%add3A_17] : memref<655360xi32, #tpu.memory_space<hbm>> -> memref<128xi32, #tpu.memory_space<hbm>>
        tpu.enqueue_dma source(%dma_start3A_23 : memref<128xi32, #tpu.memory_space<hbm>>) target(%arg6 : memref<128xi32, #tpu.memory_space<vmem>>) target_semaphore(%run_scoped3A : memref<!tpu.dma_semaphore, #tpu.memory_space<semaphore_mem>>)
        %dma_wait3A = tpu.memref_slice %arg2[%add3A_17] : memref<655360xi32, #tpu.memory_space<hbm>> -> memref<128xi32, #tpu.memory_space<hbm>>
        %dma_wait3A_24 = tpu.memref_slice %arg2[%add3A_17] : memref<655360xi32, #tpu.memory_space<hbm>> -> memref<128xi32, #tpu.memory_space<hbm>>
        tpu.wait_dma2 semaphore(%run_scoped3A : memref<!tpu.dma_semaphore, #tpu.memory_space<semaphore_mem>>) src(%dma_wait3A_24 : memref<128xi32, #tpu.memory_space<hbm>>) dst(%arg6 : memref<128xi32, #tpu.memory_space<vmem>>)
        tpu.yield
      }) : () -> ()
      %mul3A_18 = arith.constant 20480 : i32
      %mul3A_19 = arith.muli %add3A, %mul3A_18 : i32
      %mul3A_20 = arith.constant 128 : i32
      %mul3A_21 = arith.muli %add3A_12, %mul3A_20 : i32
      %add3A_22 = arith.addi %mul3A_19, %mul3A_21 : i32
      "tpu.region"() ({
        %run_scoped3A = tpu.sem_alloc : memref<!tpu.dma_semaphore, #tpu.memory_space<semaphore_mem>>
        %dma_start3A = arith.constant 0 : i32
        %dma_start3A_23 = tpu.memref_slice %arg3[%add3A_22, %dma_start3A] : memref<655360x128xf32, #tpu.memory_space<hbm>> -> memref<128x128xf32, #tpu.memory_space<hbm>>
        %dma_start3A_24 = arith.constant 0 : i32
        %dma_start3A_25 = tpu.memref_slice %arg3[%add3A_22, %dma_start3A_24] : memref<655360x128xf32, #tpu.memory_space<hbm>> -> memref<128x128xf32, #tpu.memory_space<hbm>>
        tpu.enqueue_dma source(%dma_start3A_25 : memref<128x128xf32, #tpu.memory_space<hbm>>) target(%arg7 : memref<128x128xf32, #tpu.memory_space<vmem>>) target_semaphore(%run_scoped3A : memref<!tpu.dma_semaphore, #tpu.memory_space<semaphore_mem>>)
        %dma_wait3A = arith.constant 0 : i32
        %dma_wait3A_26 = tpu.memref_slice %arg3[%add3A_22, %dma_wait3A] : memref<655360x128xf32, #tpu.memory_space<hbm>> -> memref<128x128xf32, #tpu.memory_space<hbm>>
        %dma_wait3A_27 = arith.constant 0 : i32
        %dma_wait3A_28 = tpu.memref_slice %arg3[%add3A_22, %dma_wait3A_27] : memref<655360x128xf32, #tpu.memory_space<hbm>> -> memref<128x128xf32, #tpu.memory_space<hbm>>
        tpu.wait_dma2 semaphore(%run_scoped3A : memref<!tpu.dma_semaphore, #tpu.memory_space<semaphore_mem>>) src(%dma_wait3A_28 : memref<128x128xf32, #tpu.memory_space<hbm>>) dst(%arg7 : memref<128x128xf32, #tpu.memory_space<vmem>>)
        tpu.yield
      }) : () -> ()
      "tpu.region"() ({
        %run_scoped3A = tpu.sem_alloc : memref<!tpu.dma_semaphore, #tpu.memory_space<semaphore_mem>>
        %dma_start3A = arith.constant 0 : i32
        %dma_start3A_23 = arith.constant 0 : i32
        %dma_start3A_24 = tpu.memref_slice %arg8[%dma_start3A, %dma_start3A_23] : memref<10240x128xf32, #tpu.memory_space<vmem_shared>> -> memref<10240x128xf32, #tpu.memory_space<vmem_shared>>
        tpu.enqueue_indirect_dma source(%arg7 : memref<128x128xf32, #tpu.memory_space<vmem>>) target(%dma_start3A_24 : memref<10240x128xf32, #tpu.memory_space<vmem_shared>>) offsets(%arg6 : memref<128xi32, #tpu.memory_space<vmem>>) semaphore(%run_scoped3A : memref<!tpu.dma_semaphore, #tpu.memory_space<semaphore_mem>>) {add = true}
        %dma_wait3A = arith.constant 0 : i32
        %dma_wait3A_25 = arith.constant 0 : i32
        %dma_wait3A_26 = tpu.memref_slice %arg8[%dma_wait3A, %dma_wait3A_25] : memref<10240x128xf32, #tpu.memory_space<vmem_shared>> -> memref<10240x128xf32, #tpu.memory_space<vmem_shared>>
        tpu.wait_indirect_dma semaphore(%run_scoped3A : memref<!tpu.dma_semaphore, #tpu.memory_space<semaphore_mem>>) src(%arg7 : memref<128x128xf32, #tpu.memory_space<vmem>>) dst(%dma_wait3A_26 : memref<10240x128xf32, #tpu.memory_space<vmem_shared>>)
        tpu.yield
      }) : () -> ()
    }
    %scan3A_6 = arith.constant 160 : i32
    %barrier3A_7 = arith.constant 0 : index
    tpu.barrier barrier_id(%barrier3A_7)
    "tpu.region"() ({
      %run_scoped3A = tpu.sem_alloc : memref<!tpu.dma_semaphore, #tpu.memory_space<semaphore_mem>>
      %dma_start3A = arith.constant 0 : i32
      %dma_start3A_8 = tpu.memref_slice %arg5[%arg0, %mul3A_2, %dma_start3A] : memref<2x10240x128xf32, #tpu.memory_space<hbm>> -> memref<1x640x128xf32, #tpu.memory_space<hbm>>
      %dma_start3A_9 = tpu.memref_squeeze %dma_start3A_8 : memref<1x640x128xf32, #tpu.memory_space<hbm>> -> memref<640x128xf32, #tpu.memory_space<hbm>>
      %dma_start3A_10 = arith.constant 0 : i32
      %dma_start3A_11 = tpu.memref_slice %arg8[%mul3A_2, %dma_start3A_10] : memref<10240x128xf32, #tpu.memory_space<vmem_shared>> -> memref<640x128xf32, #tpu.memory_space<vmem_shared>>
      tpu.enqueue_dma source(%dma_start3A_11 : memref<640x128xf32, #tpu.memory_space<vmem_shared>>) target(%dma_start3A_9 : memref<640x128xf32, #tpu.memory_space<hbm>>) target_semaphore(%run_scoped3A : memref<!tpu.dma_semaphore, #tpu.memory_space<semaphore_mem>>)
      %dma_wait3A = arith.constant 0 : i32
      %dma_wait3A_12 = tpu.memref_slice %arg5[%arg0, %mul3A_2, %dma_wait3A] : memref<2x10240x128xf32, #tpu.memory_space<hbm>> -> memref<1x640x128xf32, #tpu.memory_space<hbm>>
      %dma_wait3A_13 = tpu.memref_squeeze %dma_wait3A_12 : memref<1x640x128xf32, #tpu.memory_space<hbm>> -> memref<640x128xf32, #tpu.memory_space<hbm>>
      %dma_wait3A_14 = arith.constant 0 : i32
      %dma_wait3A_15 = tpu.memref_slice %arg8[%mul3A_2, %dma_wait3A_14] : memref<10240x128xf32, #tpu.memory_space<vmem_shared>> -> memref<640x128xf32, #tpu.memory_space<vmem_shared>>
      tpu.wait_dma2 semaphore(%run_scoped3A : memref<!tpu.dma_semaphore, #tpu.memory_space<semaphore_mem>>) src(%dma_wait3A_15 : memref<640x128xf32, #tpu.memory_space<vmem_shared>>) dst(%dma_wait3A_13 : memref<640x128xf32, #tpu.memory_space<hbm>>)
      tpu.yield
    }) : () -> ()
    return
  }
}

#map = affine_map<(d0, d1) -> (0, 0, 0, 0)>
#map1 = affine_map<(d0, d1) -> (0, 0)>
#map2 = affine_map<(d0, d1) -> (0, 0, 0)>
module attributes {stable_mosaic.version = 14 : i64} {
  func.func @sc_edge_agg(%arg0: i32, %arg1: i32, %arg2: memref<32x160x2x128xi32, #tpu.memory_space<hbm>>, %arg3: memref<640x128xf32, #tpu.memory_space<hbm>>, %arg4: memref<10000x128xf32, #tpu.memory_space<hbm>>, %arg5: memref<10000x128xf32, #tpu.memory_space<hbm>>, %arg6: memref<10000x128xf32, #tpu.memory_space<hbm>>, %arg7: memref<10000x128xf32, #tpu.memory_space<hbm>>, %arg8: memref<2x10240x128xf32, #tpu.memory_space<hbm>>, %arg9: memref<2x10240x128xf32, #tpu.memory_space<hbm>>, %arg10: memref<2x10240x128xf32, #tpu.memory_space<hbm>>, %arg11: memref<2x10240x128xf32, #tpu.memory_space<hbm>>, %arg12: memref<2x128xi32, #tpu.memory_space<vmem>>, %arg13: memref<2x128xi32, #tpu.memory_space<vmem>>, %arg14: memref<128x128xf32, #tpu.memory_space<vmem>>, %arg15: memref<128x128xf32, #tpu.memory_space<vmem>>, %arg16: memref<10240x128xf32, #tpu.memory_space<vmem_shared>>, %arg17: memref<!tpu.dma_semaphore, #tpu.memory_space<semaphore_mem>>, %arg18: memref<!tpu.dma_semaphore, #tpu.memory_space<semaphore_mem>>, %arg19: memref<!tpu.dma_semaphore, #tpu.memory_space<semaphore_mem>>, %arg20: memref<!tpu.dma_semaphore, #tpu.memory_space<semaphore_mem>>) attributes {dimension_semantics = [#tpu.dimension_semantics<core_parallel>, #tpu.dimension_semantics<subcore_parallel>], iteration_bounds = array<i64: 2, 16>, scalar_prefetch = 0 : i64, scratch_operands = 9 : i64, tpu.core_type = #tpu.core_type<sc_vector_subcore>, window_params = [{transform_indices = #map}, {transform_indices = #map1}, {transform_indices = #map1}, {transform_indices = #map1}, {transform_indices = #map1}, {transform_indices = #map1}, {transform_indices = #map2}, {transform_indices = #map2}, {transform_indices = #map2}, {transform_indices = #map2}]} {
    %mul3A = arith.constant 16 : i32
    %mul3A_0 = arith.muli %arg0, %mul3A : i32
    %add3A = arith.addi %mul3A_0, %arg1 : i32
    %mul3A_1 = arith.constant 640 : i32
    %mul3A_2 = arith.muli %arg1, %mul3A_1 : i32
    "tpu.region"() ({
      %run_scoped3A_86 = tpu.sem_alloc : memref<!tpu.dma_semaphore, #tpu.memory_space<semaphore_mem>>
      %dma_start3A_87 = arith.constant 0 : i32
      %dma_start3A_88 = tpu.memref_slice %arg16[%mul3A_2, %dma_start3A_87] : memref<10240x128xf32, #tpu.memory_space<vmem_shared>> -> memref<640x128xf32, #tpu.memory_space<vmem_shared>>
      tpu.enqueue_dma source(%arg3 : memref<640x128xf32, #tpu.memory_space<hbm>>) target(%dma_start3A_88 : memref<640x128xf32, #tpu.memory_space<vmem_shared>>) target_semaphore(%run_scoped3A_86 : memref<!tpu.dma_semaphore, #tpu.memory_space<semaphore_mem>>)
      %dma_wait3A_89 = arith.constant 0 : i32
      %dma_wait3A_90 = tpu.memref_slice %arg16[%mul3A_2, %dma_wait3A_89] : memref<10240x128xf32, #tpu.memory_space<vmem_shared>> -> memref<640x128xf32, #tpu.memory_space<vmem_shared>>
      tpu.wait_dma2 semaphore(%run_scoped3A_86 : memref<!tpu.dma_semaphore, #tpu.memory_space<semaphore_mem>>) src(%arg3 : memref<640x128xf32, #tpu.memory_space<hbm>>) dst(%dma_wait3A_90 : memref<640x128xf32, #tpu.memory_space<vmem_shared>>)
      tpu.yield
    }) : () -> ()
    %barrier3A = arith.constant 0 : index
    tpu.barrier barrier_id(%barrier3A)
    %run_scoped3A = arith.constant 0 : i32
    "tpu.region"() ({
      %run_scoped3A_86 = tpu.sem_alloc : memref<!tpu.dma_semaphore, #tpu.memory_space<semaphore_mem>>
      %dma_start3A_87 = arith.constant 0 : i32
      %dma_start3A_88 = arith.constant 0 : i32
      %dma_start3A_89 = tpu.memref_slice %arg2[%add3A, %run_scoped3A, %dma_start3A_87, %dma_start3A_88] : memref<32x160x2x128xi32, #tpu.memory_space<hbm>> -> memref<1x1x2x128xi32, #tpu.memory_space<hbm>>
      %dma_start3A_90 = tpu.memref_squeeze %dma_start3A_89 : memref<1x1x2x128xi32, #tpu.memory_space<hbm>> -> memref<2x128xi32, #tpu.memory_space<hbm>>
      %dma_start3A_91 = arith.constant 0 : i32
      %dma_start3A_92 = arith.constant 0 : i32
      %dma_start3A_93 = tpu.memref_slice %arg2[%add3A, %run_scoped3A, %dma_start3A_91, %dma_start3A_92] : memref<32x160x2x128xi32, #tpu.memory_space<hbm>> -> memref<1x1x2x128xi32, #tpu.memory_space<hbm>>
      %dma_start3A_94 = tpu.memref_squeeze %dma_start3A_93 : memref<1x1x2x128xi32, #tpu.memory_space<hbm>> -> memref<2x128xi32, #tpu.memory_space<hbm>>
      tpu.enqueue_dma source(%dma_start3A_94 : memref<2x128xi32, #tpu.memory_space<hbm>>) target(%arg12 : memref<2x128xi32, #tpu.memory_space<vmem>>) target_semaphore(%run_scoped3A_86 : memref<!tpu.dma_semaphore, #tpu.memory_space<semaphore_mem>>)
      %dma_wait3A_95 = arith.constant 0 : i32
      %dma_wait3A_96 = arith.constant 0 : i32
      %dma_wait3A_97 = tpu.memref_slice %arg2[%add3A, %run_scoped3A, %dma_wait3A_95, %dma_wait3A_96] : memref<32x160x2x128xi32, #tpu.memory_space<hbm>> -> memref<1x1x2x128xi32, #tpu.memory_space<hbm>>
      %dma_wait3A_98 = tpu.memref_squeeze %dma_wait3A_97 : memref<1x1x2x128xi32, #tpu.memory_space<hbm>> -> memref<2x128xi32, #tpu.memory_space<hbm>>
      %dma_wait3A_99 = arith.constant 0 : i32
      %dma_wait3A_100 = arith.constant 0 : i32
      %dma_wait3A_101 = tpu.memref_slice %arg2[%add3A, %run_scoped3A, %dma_wait3A_99, %dma_wait3A_100] : memref<32x160x2x128xi32, #tpu.memory_space<hbm>> -> memref<1x1x2x128xi32, #tpu.memory_space<hbm>>
      %dma_wait3A_102 = tpu.memref_squeeze %dma_wait3A_101 : memref<1x1x2x128xi32, #tpu.memory_space<hbm>> -> memref<2x128xi32, #tpu.memory_space<hbm>>
      tpu.wait_dma2 semaphore(%run_scoped3A_86 : memref<!tpu.dma_semaphore, #tpu.memory_space<semaphore_mem>>) src(%dma_wait3A_102 : memref<2x128xi32, #tpu.memory_space<hbm>>) dst(%arg12 : memref<2x128xi32, #tpu.memory_space<vmem>>)
      tpu.yield
    }) : () -> ()
    %dma_start3A = arith.constant 0 : i32
    %dma_start3A_3 = arith.constant 0 : i32
    %dma_start3A_4 = tpu.memref_slice %arg12[%dma_start3A, %dma_start3A_3] : memref<2x128xi32, #tpu.memory_space<vmem>> -> memref<1x128xi32, #tpu.memory_space<vmem>>
    %dma_start3A_5 = tpu.memref_squeeze %dma_start3A_4 : memref<1x128xi32, #tpu.memory_space<vmem>> -> memref<128xi32, #tpu.memory_space<vmem>>
    %dma_start3A_6 = arith.constant 0 : i32
    %dma_start3A_7 = arith.constant 0 : i32
    %dma_start3A_8 = tpu.memref_slice %arg4[%dma_start3A_6, %dma_start3A_7] : memref<10000x128xf32, #tpu.memory_space<hbm>> -> memref<10000x128xf32, #tpu.memory_space<hbm>>
    tpu.enqueue_indirect_dma source(%dma_start3A_8 : memref<10000x128xf32, #tpu.memory_space<hbm>>) target(%arg14 : memref<128x128xf32, #tpu.memory_space<vmem>>) offsets(%dma_start3A_5 : memref<128xi32, #tpu.memory_space<vmem>>) semaphore(%arg17 : memref<!tpu.dma_semaphore, #tpu.memory_space<semaphore_mem>>)
    %scan3A = arith.constant 0 : i32
    %scan3A_9 = arith.constant 80 : i32
    %scan3A_10 = arith.addi %scan3A, %scan3A_9 : i32
    %scan3A_11 = arith.constant 1 : i32
    scf.for %scan3A_86 = %scan3A to %scan3A_10 step %scan3A_11  : i32 {
      %mul3A_87 = arith.constant 2 : i32
      %mul3A_88 = arith.muli %scan3A_86, %mul3A_87 : i32
      %add3A_89 = arith.constant 0 : i32
      %add3A_90 = arith.addi %add3A_89, %mul3A_88 : i32
      %add3A_91 = arith.constant 1 : i32
      %add3A_92 = arith.addi %add3A_90, %add3A_91 : i32
      "tpu.region"() ({
        %run_scoped3A_126 = tpu.sem_alloc : memref<!tpu.dma_semaphore, #tpu.memory_space<semaphore_mem>>
        %dma_start3A_127 = arith.constant 0 : i32
        %dma_start3A_128 = arith.constant 0 : i32
        %dma_start3A_129 = tpu.memref_slice %arg2[%add3A, %add3A_92, %dma_start3A_127, %dma_start3A_128] : memref<32x160x2x128xi32, #tpu.memory_space<hbm>> -> memref<1x1x2x128xi32, #tpu.memory_space<hbm>>
        %dma_start3A_130 = tpu.memref_squeeze %dma_start3A_129 : memref<1x1x2x128xi32, #tpu.memory_space<hbm>> -> memref<2x128xi32, #tpu.memory_space<hbm>>
        %dma_start3A_131 = arith.constant 0 : i32
        %dma_start3A_132 = arith.constant 0 : i32
        %dma_start3A_133 = tpu.memref_slice %arg2[%add3A, %add3A_92, %dma_start3A_131, %dma_start3A_132] : memref<32x160x2x128xi32, #tpu.memory_space<hbm>> -> memref<1x1x2x128xi32, #tpu.memory_space<hbm>>
        %dma_start3A_134 = tpu.memref_squeeze %dma_start3A_133 : memref<1x1x2x128xi32, #tpu.memory_space<hbm>> -> memref<2x128xi32, #tpu.memory_space<hbm>>
        tpu.enqueue_dma source(%dma_start3A_134 : memref<2x128xi32, #tpu.memory_space<hbm>>) target(%arg13 : memref<2x128xi32, #tpu.memory_space<vmem>>) target_semaphore(%run_scoped3A_126 : memref<!tpu.dma_semaphore, #tpu.memory_space<semaphore_mem>>)
        %dma_wait3A_135 = arith.constant 0 : i32
        %dma_wait3A_136 = arith.constant 0 : i32
        %dma_wait3A_137 = tpu.memref_slice %arg2[%add3A, %add3A_92, %dma_wait3A_135, %dma_wait3A_136] : memref<32x160x2x128xi32, #tpu.memory_space<hbm>> -> memref<1x1x2x128xi32, #tpu.memory_space<hbm>>
        %dma_wait3A_138 = tpu.memref_squeeze %dma_wait3A_137 : memref<1x1x2x128xi32, #tpu.memory_space<hbm>> -> memref<2x128xi32, #tpu.memory_space<hbm>>
        %dma_wait3A_139 = arith.constant 0 : i32
        %dma_wait3A_140 = arith.constant 0 : i32
        %dma_wait3A_141 = tpu.memref_slice %arg2[%add3A, %add3A_92, %dma_wait3A_139, %dma_wait3A_140] : memref<32x160x2x128xi32, #tpu.memory_space<hbm>> -> memref<1x1x2x128xi32, #tpu.memory_space<hbm>>
        %dma_wait3A_142 = tpu.memref_squeeze %dma_wait3A_141 : memref<1x1x2x128xi32, #tpu.memory_space<hbm>> -> memref<2x128xi32, #tpu.memory_space<hbm>>
        tpu.wait_dma2 semaphore(%run_scoped3A_126 : memref<!tpu.dma_semaphore, #tpu.memory_space<semaphore_mem>>) src(%dma_wait3A_142 : memref<2x128xi32, #tpu.memory_space<hbm>>) dst(%arg13 : memref<2x128xi32, #tpu.memory_space<vmem>>)
        tpu.yield
      }) : () -> ()
      %dma_wait3A_93 = arith.constant 0 : i32
      %dma_wait3A_94 = arith.constant 0 : i32
      %dma_wait3A_95 = tpu.memref_slice %arg12[%dma_wait3A_93, %dma_wait3A_94] : memref<2x128xi32, #tpu.memory_space<vmem>> -> memref<1x128xi32, #tpu.memory_space<vmem>>
      %dma_wait3A_96 = tpu.memref_squeeze %dma_wait3A_95 : memref<1x128xi32, #tpu.memory_space<vmem>> -> memref<128xi32, #tpu.memory_space<vmem>>
      %dma_wait3A_97 = arith.constant 0 : i32
      %dma_wait3A_98 = arith.constant 0 : i32
      %dma_wait3A_99 = tpu.memref_slice %arg4[%dma_wait3A_97, %dma_wait3A_98] : memref<10000x128xf32, #tpu.memory_space<hbm>> -> memref<10000x128xf32, #tpu.memory_space<hbm>>
      tpu.wait_indirect_dma semaphore(%arg17 : memref<!tpu.dma_semaphore, #tpu.memory_space<semaphore_mem>>) src(%dma_wait3A_99 : memref<10000x128xf32, #tpu.memory_space<hbm>>) dst(%arg14 : memref<128x128xf32, #tpu.memory_space<vmem>>)
      %dma_start3A_100 = arith.constant 0 : i32
      %dma_start3A_101 = arith.constant 0 : i32
      %dma_start3A_102 = tpu.memref_slice %arg13[%dma_start3A_100, %dma_start3A_101] : memref<2x128xi32, #tpu.memory_space<vmem>> -> memref<1x128xi32, #tpu.memory_space<vmem>>
      %dma_start3A_103 = tpu.memref_squeeze %dma_start3A_102 : memref<1x128xi32, #tpu.memory_space<vmem>> -> memref<128xi32, #tpu.memory_space<vmem>>
      %dma_start3A_104 = arith.constant 0 : i32
      %dma_start3A_105 = arith.constant 0 : i32
      %dma_start3A_106 = tpu.memref_slice %arg4[%dma_start3A_104, %dma_start3A_105] : memref<10000x128xf32, #tpu.memory_space<hbm>> -> memref<10000x128xf32, #tpu.memory_space<hbm>>
      tpu.enqueue_indirect_dma source(%dma_start3A_106 : memref<10000x128xf32, #tpu.memory_space<hbm>>) target(%arg15 : memref<128x128xf32, #tpu.memory_space<vmem>>) offsets(%dma_start3A_103 : memref<128xi32, #tpu.memory_space<vmem>>) semaphore(%arg18 : memref<!tpu.dma_semaphore, #tpu.memory_space<semaphore_mem>>)
      %run_scoped3A_107 = arith.constant 1 : i32
      "tpu.region"() ({
        %run_scoped3A_126 = tpu.sem_alloc : memref<!tpu.dma_semaphore, #tpu.memory_space<semaphore_mem>>
        %dma_start3A_127 = arith.constant 0 : i32
        %dma_start3A_128 = tpu.memref_slice %arg12[%run_scoped3A_107, %dma_start3A_127] : memref<2x128xi32, #tpu.memory_space<vmem>> -> memref<1x128xi32, #tpu.memory_space<vmem>>
        %dma_start3A_129 = tpu.memref_squeeze %dma_start3A_128 : memref<1x128xi32, #tpu.memory_space<vmem>> -> memref<128xi32, #tpu.memory_space<vmem>>
        %dma_start3A_130 = arith.constant 0 : i32
        %dma_start3A_131 = arith.constant 0 : i32
        %dma_start3A_132 = tpu.memref_slice %arg16[%dma_start3A_130, %dma_start3A_131] : memref<10240x128xf32, #tpu.memory_space<vmem_shared>> -> memref<10240x128xf32, #tpu.memory_space<vmem_shared>>
        tpu.enqueue_indirect_dma source(%arg14 : memref<128x128xf32, #tpu.memory_space<vmem>>) target(%dma_start3A_132 : memref<10240x128xf32, #tpu.memory_space<vmem_shared>>) offsets(%dma_start3A_129 : memref<128xi32, #tpu.memory_space<vmem>>) semaphore(%run_scoped3A_126 : memref<!tpu.dma_semaphore, #tpu.memory_space<semaphore_mem>>) {add = true}
        %dma_wait3A_133 = arith.constant 0 : i32
        %dma_wait3A_134 = tpu.memref_slice %arg12[%run_scoped3A_107, %dma_wait3A_133] : memref<2x128xi32, #tpu.memory_space<vmem>> -> memref<1x128xi32, #tpu.memory_space<vmem>>
        %dma_wait3A_135 = tpu.memref_squeeze %dma_wait3A_134 : memref<1x128xi32, #tpu.memory_space<vmem>> -> memref<128xi32, #tpu.memory_space<vmem>>
        %dma_wait3A_136 = arith.constant 0 : i32
        %dma_wait3A_137 = arith.constant 0 : i32
        %dma_wait3A_138 = tpu.memref_slice %arg16[%dma_wait3A_136, %dma_wait3A_137] : memref<10240x128xf32, #tpu.memory_space<vmem_shared>> -> memref<10240x128xf32, #tpu.memory_space<vmem_shared>>
        tpu.wait_indirect_dma semaphore(%run_scoped3A_126 : memref<!tpu.dma_semaphore, #tpu.memory_space<semaphore_mem>>) src(%arg14 : memref<128x128xf32, #tpu.memory_space<vmem>>) dst(%dma_wait3A_138 : memref<10240x128xf32, #tpu.memory_space<vmem_shared>>)
        tpu.yield
      }) : () -> ()
      %add3A_108 = arith.constant 2 : i32
      %add3A_109 = arith.addi %add3A_90, %add3A_108 : i32
      %rem3A = arith.constant 160 : i32
      %rem3A_110 = arith.remsi %add3A_109, %rem3A : i32
      "tpu.region"() ({
        %run_scoped3A_126 = tpu.sem_alloc : memref<!tpu.dma_semaphore, #tpu.memory_space<semaphore_mem>>
        %dma_start3A_127 = arith.constant 0 : i32
        %dma_start3A_128 = arith.constant 0 : i32
        %dma_start3A_129 = tpu.memref_slice %arg2[%add3A, %rem3A_110, %dma_start3A_127, %dma_start3A_128] : memref<32x160x2x128xi32, #tpu.memory_space<hbm>> -> memref<1x1x2x128xi32, #tpu.memory_space<hbm>>
        %dma_start3A_130 = tpu.memref_squeeze %dma_start3A_129 : memref<1x1x2x128xi32, #tpu.memory_space<hbm>> -> memref<2x128xi32, #tpu.memory_space<hbm>>
        %dma_start3A_131 = arith.constant 0 : i32
        %dma_start3A_132 = arith.constant 0 : i32
        %dma_start3A_133 = tpu.memref_slice %arg2[%add3A, %rem3A_110, %dma_start3A_131, %dma_start3A_132] : memref<32x160x2x128xi32, #tpu.memory_space<hbm>> -> memref<1x1x2x128xi32, #tpu.memory_space<hbm>>
        %dma_start3A_134 = tpu.memref_squeeze %dma_start3A_133 : memref<1x1x2x128xi32, #tpu.memory_space<hbm>> -> memref<2x128xi32, #tpu.memory_space<hbm>>
        tpu.enqueue_dma source(%dma_start3A_134 : memref<2x128xi32, #tpu.memory_space<hbm>>) target(%arg12 : memref<2x128xi32, #tpu.memory_space<vmem>>) target_semaphore(%run_scoped3A_126 : memref<!tpu.dma_semaphore, #tpu.memory_space<semaphore_mem>>)
        %dma_wait3A_135 = arith.constant 0 : i32
        %dma_wait3A_136 = arith.constant 0 : i32
        %dma_wait3A_137 = tpu.memref_slice %arg2[%add3A, %rem3A_110, %dma_wait3A_135, %dma_wait3A_136] : memref<32x160x2x128xi32, #tpu.memory_space<hbm>> -> memref<1x1x2x128xi32, #tpu.memory_space<hbm>>
        %dma_wait3A_138 = tpu.memref_squeeze %dma_wait3A_137 : memref<1x1x2x128xi32, #tpu.memory_space<hbm>> -> memref<2x128xi32, #tpu.memory_space<hbm>>
        %dma_wait3A_139 = arith.constant 0 : i32
        %dma_wait3A_140 = arith.constant 0 : i32
        %dma_wait3A_141 = tpu.memref_slice %arg2[%add3A, %rem3A_110, %dma_wait3A_139, %dma_wait3A_140] : memref<32x160x2x128xi32, #tpu.memory_space<hbm>> -> memref<1x1x2x128xi32, #tpu.memory_space<hbm>>
        %dma_wait3A_142 = tpu.memref_squeeze %dma_wait3A_141 : memref<1x1x2x128xi32, #tpu.memory_space<hbm>> -> memref<2x128xi32, #tpu.memory_space<hbm>>
        tpu.wait_dma2 semaphore(%run_scoped3A_126 : memref<!tpu.dma_semaphore, #tpu.memory_space<semaphore_mem>>) src(%dma_wait3A_142 : memref<2x128xi32, #tpu.memory_space<hbm>>) dst(%arg12 : memref<2x128xi32, #tpu.memory_space<vmem>>)
        tpu.yield
      }) : () -> ()
      %dma_wait3A_111 = arith.constant 0 : i32
      %dma_wait3A_112 = arith.constant 0 : i32
      %dma_wait3A_113 = tpu.memref_slice %arg13[%dma_wait3A_111, %dma_wait3A_112] : memref<2x128xi32, #tpu.memory_space<vmem>> -> memref<1x128xi32, #tpu.memory_space<vmem>>
      %dma_wait3A_114 = tpu.memref_squeeze %dma_wait3A_113 : memref<1x128xi32, #tpu.memory_space<vmem>> -> memref<128xi32, #tpu.memory_space<vmem>>
      %dma_wait3A_115 = arith.constant 0 : i32
      %dma_wait3A_116 = arith.constant 0 : i32
      %dma_wait3A_117 = tpu.memref_slice %arg4[%dma_wait3A_115, %dma_wait3A_116] : memref<10000x128xf32, #tpu.memory_space<hbm>> -> memref<10000x128xf32, #tpu.memory_space<hbm>>
      tpu.wait_indirect_dma semaphore(%arg18 : memref<!tpu.dma_semaphore, #tpu.memory_space<semaphore_mem>>) src(%dma_wait3A_117 : memref<10000x128xf32, #tpu.memory_space<hbm>>) dst(%arg15 : memref<128x128xf32, #tpu.memory_space<vmem>>)
      %dma_start3A_118 = arith.constant 0 : i32
      %dma_start3A_119 = arith.constant 0 : i32
      %dma_start3A_120 = tpu.memref_slice %arg12[%dma_start3A_118, %dma_start3A_119] : memref<2x128xi32, #tpu.memory_space<vmem>> -> memref<1x128xi32, #tpu.memory_space<vmem>>
      %dma_start3A_121 = tpu.memref_squeeze %dma_start3A_120 : memref<1x128xi32, #tpu.memory_space<vmem>> -> memref<128xi32, #tpu.memory_space<vmem>>
      %dma_start3A_122 = arith.constant 0 : i32
      %dma_start3A_123 = arith.constant 0 : i32
      %dma_start3A_124 = tpu.memref_slice %arg4[%dma_start3A_122, %dma_start3A_123] : memref<10000x128xf32, #tpu.memory_space<hbm>> -> memref<10000x128xf32, #tpu.memory_space<hbm>>
      tpu.enqueue_indirect_dma source(%dma_start3A_124 : memref<10000x128xf32, #tpu.memory_space<hbm>>) target(%arg14 : memref<128x128xf32, #tpu.memory_space<vmem>>) offsets(%dma_start3A_121 : memref<128xi32, #tpu.memory_space<vmem>>) semaphore(%arg17 : memref<!tpu.dma_semaphore, #tpu.memory_space<semaphore_mem>>)
      %run_scoped3A_125 = arith.constant 1 : i32
      "tpu.region"() ({
        %run_scoped3A_126 = tpu.sem_alloc : memref<!tpu.dma_semaphore, #tpu.memory_space<semaphore_mem>>
        %dma_start3A_127 = arith.constant 0 : i32
        %dma_start3A_128 = tpu.memref_slice %arg13[%run_scoped3A_125, %dma_start3A_127] : memref<2x128xi32, #tpu.memory_space<vmem>> -> memref<1x128xi32, #tpu.memory_space<vmem>>
        %dma_start3A_129 = tpu.memref_squeeze %dma_start3A_128 : memref<1x128xi32, #tpu.memory_space<vmem>> -> memref<128xi32, #tpu.memory_space<vmem>>
        %dma_start3A_130 = arith.constant 0 : i32
        %dma_start3A_131 = arith.constant 0 : i32
        %dma_start3A_132 = tpu.memref_slice %arg16[%dma_start3A_130, %dma_start3A_131] : memref<10240x128xf32, #tpu.memory_space<vmem_shared>> -> memref<10240x128xf32, #tpu.memory_space<vmem_shared>>
        tpu.enqueue_indirect_dma source(%arg15 : memref<128x128xf32, #tpu.memory_space<vmem>>) target(%dma_start3A_132 : memref<10240x128xf32, #tpu.memory_space<vmem_shared>>) offsets(%dma_start3A_129 : memref<128xi32, #tpu.memory_space<vmem>>) semaphore(%run_scoped3A_126 : memref<!tpu.dma_semaphore, #tpu.memory_space<semaphore_mem>>) {add = true}
        %dma_wait3A_133 = arith.constant 0 : i32
        %dma_wait3A_134 = tpu.memref_slice %arg13[%run_scoped3A_125, %dma_wait3A_133] : memref<2x128xi32, #tpu.memory_space<vmem>> -> memref<1x128xi32, #tpu.memory_space<vmem>>
        %dma_wait3A_135 = tpu.memref_squeeze %dma_wait3A_134 : memref<1x128xi32, #tpu.memory_space<vmem>> -> memref<128xi32, #tpu.memory_space<vmem>>
        %dma_wait3A_136 = arith.constant 0 : i32
        %dma_wait3A_137 = arith.constant 0 : i32
        %dma_wait3A_138 = tpu.memref_slice %arg16[%dma_wait3A_136, %dma_wait3A_137] : memref<10240x128xf32, #tpu.memory_space<vmem_shared>> -> memref<10240x128xf32, #tpu.memory_space<vmem_shared>>
        tpu.wait_indirect_dma semaphore(%run_scoped3A_126 : memref<!tpu.dma_semaphore, #tpu.memory_space<semaphore_mem>>) src(%arg15 : memref<128x128xf32, #tpu.memory_space<vmem>>) dst(%dma_wait3A_138 : memref<10240x128xf32, #tpu.memory_space<vmem_shared>>)
        tpu.yield
      }) : () -> ()
    }
    %scan3A_12 = arith.constant 80 : i32
    %dma_wait3A = arith.constant 0 : i32
    %dma_wait3A_13 = arith.constant 0 : i32
    %dma_wait3A_14 = tpu.memref_slice %arg12[%dma_wait3A, %dma_wait3A_13] : memref<2x128xi32, #tpu.memory_space<vmem>> -> memref<1x128xi32, #tpu.memory_space<vmem>>
    %dma_wait3A_15 = tpu.memref_squeeze %dma_wait3A_14 : memref<1x128xi32, #tpu.memory_space<vmem>> -> memref<128xi32, #tpu.memory_space<vmem>>
    %dma_wait3A_16 = arith.constant 0 : i32
    %dma_wait3A_17 = arith.constant 0 : i32
    %dma_wait3A_18 = tpu.memref_slice %arg4[%dma_wait3A_16, %dma_wait3A_17] : memref<10000x128xf32, #tpu.memory_space<hbm>> -> memref<10000x128xf32, #tpu.memory_space<hbm>>
    tpu.wait_indirect_dma semaphore(%arg17 : memref<!tpu.dma_semaphore, #tpu.memory_space<semaphore_mem>>) src(%dma_wait3A_18 : memref<10000x128xf32, #tpu.memory_space<hbm>>) dst(%arg14 : memref<128x128xf32, #tpu.memory_space<vmem>>)
    %barrier3A_19 = arith.constant 0 : index
    tpu.barrier barrier_id(%barrier3A_19)
    "tpu.region"() ({
      %run_scoped3A_86 = tpu.sem_alloc : memref<!tpu.dma_semaphore, #tpu.memory_space<semaphore_mem>>
      %dma_start3A_87 = arith.constant 0 : i32
      %dma_start3A_88 = tpu.memref_slice %arg8[%arg0, %mul3A_2, %dma_start3A_87] : memref<2x10240x128xf32, #tpu.memory_space<hbm>> -> memref<1x640x128xf32, #tpu.memory_space<hbm>>
      %dma_start3A_89 = tpu.memref_squeeze %dma_start3A_88 : memref<1x640x128xf32, #tpu.memory_space<hbm>> -> memref<640x128xf32, #tpu.memory_space<hbm>>
      %dma_start3A_90 = arith.constant 0 : i32
      %dma_start3A_91 = tpu.memref_slice %arg16[%mul3A_2, %dma_start3A_90] : memref<10240x128xf32, #tpu.memory_space<vmem_shared>> -> memref<640x128xf32, #tpu.memory_space<vmem_shared>>
      tpu.enqueue_dma source(%dma_start3A_91 : memref<640x128xf32, #tpu.memory_space<vmem_shared>>) target(%dma_start3A_89 : memref<640x128xf32, #tpu.memory_space<hbm>>) target_semaphore(%run_scoped3A_86 : memref<!tpu.dma_semaphore, #tpu.memory_space<semaphore_mem>>)
      %dma_wait3A_92 = arith.constant 0 : i32
      %dma_wait3A_93 = tpu.memref_slice %arg8[%arg0, %mul3A_2, %dma_wait3A_92] : memref<2x10240x128xf32, #tpu.memory_space<hbm>> -> memref<1x640x128xf32, #tpu.memory_space<hbm>>
      %dma_wait3A_94 = tpu.memref_squeeze %dma_wait3A_93 : memref<1x640x128xf32, #tpu.memory_space<hbm>> -> memref<640x128xf32, #tpu.memory_space<hbm>>
      %dma_wait3A_95 = arith.constant 0 : i32
      %dma_wait3A_96 = tpu.memref_slice %arg16[%mul3A_2, %dma_wait3A_95] : memref<10240x128xf32, #tpu.memory_space<vmem_shared>> -> memref<640x128xf32, #tpu.memory_space<vmem_shared>>
      tpu.wait_dma2 semaphore(%run_scoped3A_86 : memref<!tpu.dma_semaphore, #tpu.memory_space<semaphore_mem>>) src(%dma_wait3A_96 : memref<640x128xf32, #tpu.memory_space<vmem_shared>>) dst(%dma_wait3A_94 : memref<640x128xf32, #tpu.memory_space<hbm>>)
      tpu.yield
    }) : () -> ()
    "tpu.region"() ({
      %run_scoped3A_86 = tpu.sem_alloc : memref<!tpu.dma_semaphore, #tpu.memory_space<semaphore_mem>>
      %dma_start3A_87 = arith.constant 0 : i32
      %dma_start3A_88 = tpu.memref_slice %arg16[%mul3A_2, %dma_start3A_87] : memref<10240x128xf32, #tpu.memory_space<vmem_shared>> -> memref<640x128xf32, #tpu.memory_space<vmem_shared>>
      tpu.enqueue_dma source(%arg3 : memref<640x128xf32, #tpu.memory_space<hbm>>) target(%dma_start3A_88 : memref<640x128xf32, #tpu.memory_space<vmem_shared>>) target_semaphore(%run_scoped3A_86 : memref<!tpu.dma_semaphore, #tpu.memory_space<semaphore_mem>>)
      %dma_wait3A_89 = arith.constant 0 : i32
      %dma_wait3A_90 = tpu.memref_slice %arg16[%mul3A_2, %dma_wait3A_89] : memref<10240x128xf32, #tpu.memory_space<vmem_shared>> -> memref<640x128xf32, #tpu.memory_space<vmem_shared>>
      tpu.wait_dma2 semaphore(%run_scoped3A_86 : memref<!tpu.dma_semaphore, #tpu.memory_space<semaphore_mem>>) src(%arg3 : memref<640x128xf32, #tpu.memory_space<hbm>>) dst(%dma_wait3A_90 : memref<640x128xf32, #tpu.memory_space<vmem_shared>>)
      tpu.yield
    }) : () -> ()
    %barrier3A_20 = arith.constant 0 : index
    tpu.barrier barrier_id(%barrier3A_20)
    %run_scoped3A_21 = arith.constant 0 : i32
    "tpu.region"() ({
      %run_scoped3A_86 = tpu.sem_alloc : memref<!tpu.dma_semaphore, #tpu.memory_space<semaphore_mem>>
      %dma_start3A_87 = arith.constant 0 : i32
      %dma_start3A_88 = arith.constant 0 : i32
      %dma_start3A_89 = tpu.memref_slice %arg2[%add3A, %run_scoped3A_21, %dma_start3A_87, %dma_start3A_88] : memref<32x160x2x128xi32, #tpu.memory_space<hbm>> -> memref<1x1x2x128xi32, #tpu.memory_space<hbm>>
      %dma_start3A_90 = tpu.memref_squeeze %dma_start3A_89 : memref<1x1x2x128xi32, #tpu.memory_space<hbm>> -> memref<2x128xi32, #tpu.memory_space<hbm>>
      %dma_start3A_91 = arith.constant 0 : i32
      %dma_start3A_92 = arith.constant 0 : i32
      %dma_start3A_93 = tpu.memref_slice %arg2[%add3A, %run_scoped3A_21, %dma_start3A_91, %dma_start3A_92] : memref<32x160x2x128xi32, #tpu.memory_space<hbm>> -> memref<1x1x2x128xi32, #tpu.memory_space<hbm>>
      %dma_start3A_94 = tpu.memref_squeeze %dma_start3A_93 : memref<1x1x2x128xi32, #tpu.memory_space<hbm>> -> memref<2x128xi32, #tpu.memory_space<hbm>>
      tpu.enqueue_dma source(%dma_start3A_94 : memref<2x128xi32, #tpu.memory_space<hbm>>) target(%arg12 : memref<2x128xi32, #tpu.memory_space<vmem>>) target_semaphore(%run_scoped3A_86 : memref<!tpu.dma_semaphore, #tpu.memory_space<semaphore_mem>>)
      %dma_wait3A_95 = arith.constant 0 : i32
      %dma_wait3A_96 = arith.constant 0 : i32
      %dma_wait3A_97 = tpu.memref_slice %arg2[%add3A, %run_scoped3A_21, %dma_wait3A_95, %dma_wait3A_96] : memref<32x160x2x128xi32, #tpu.memory_space<hbm>> -> memref<1x1x2x128xi32, #tpu.memory_space<hbm>>
      %dma_wait3A_98 = tpu.memref_squeeze %dma_wait3A_97 : memref<1x1x2x128xi32, #tpu.memory_space<hbm>> -> memref<2x128xi32, #tpu.memory_space<hbm>>
      %dma_wait3A_99 = arith.constant 0 : i32
      %dma_wait3A_100 = arith.constant 0 : i32
      %dma_wait3A_101 = tpu.memref_slice %arg2[%add3A, %run_scoped3A_21, %dma_wait3A_99, %dma_wait3A_100] : memref<32x160x2x128xi32, #tpu.memory_space<hbm>> -> memref<1x1x2x128xi32, #tpu.memory_space<hbm>>
      %dma_wait3A_102 = tpu.memref_squeeze %dma_wait3A_101 : memref<1x1x2x128xi32, #tpu.memory_space<hbm>> -> memref<2x128xi32, #tpu.memory_space<hbm>>
      tpu.wait_dma2 semaphore(%run_scoped3A_86 : memref<!tpu.dma_semaphore, #tpu.memory_space<semaphore_mem>>) src(%dma_wait3A_102 : memref<2x128xi32, #tpu.memory_space<hbm>>) dst(%arg12 : memref<2x128xi32, #tpu.memory_space<vmem>>)
      tpu.yield
    }) : () -> ()
    %dma_start3A_22 = arith.constant 0 : i32
    %dma_start3A_23 = arith.constant 0 : i32
    %dma_start3A_24 = tpu.memref_slice %arg12[%dma_start3A_22, %dma_start3A_23] : memref<2x128xi32, #tpu.memory_space<vmem>> -> memref<1x128xi32, #tpu.memory_space<vmem>>
    %dma_start3A_25 = tpu.memref_squeeze %dma_start3A_24 : memref<1x128xi32, #tpu.memory_space<vmem>> -> memref<128xi32, #tpu.memory_space<vmem>>
    %dma_start3A_26 = arith.constant 0 : i32
    %dma_start3A_27 = arith.constant 0 : i32
    %dma_start3A_28 = tpu.memref_slice %arg5[%dma_start3A_26, %dma_start3A_27] : memref<10000x128xf32, #tpu.memory_space<hbm>> -> memref<10000x128xf32, #tpu.memory_space<hbm>>
    tpu.enqueue_indirect_dma source(%dma_start3A_28 : memref<10000x128xf32, #tpu.memory_space<hbm>>) target(%arg14 : memref<128x128xf32, #tpu.memory_space<vmem>>) offsets(%dma_start3A_25 : memref<128xi32, #tpu.memory_space<vmem>>) semaphore(%arg17 : memref<!tpu.dma_semaphore, #tpu.memory_space<semaphore_mem>>)
    %scan3A_29 = arith.constant 0 : i32
    %scan3A_30 = arith.constant 80 : i32
    %scan3A_31 = arith.addi %scan3A_29, %scan3A_30 : i32
    %scan3A_32 = arith.constant 1 : i32
    scf.for %scan3A_86 = %scan3A_29 to %scan3A_31 step %scan3A_32  : i32 {
      %mul3A_87 = arith.constant 2 : i32
      %mul3A_88 = arith.muli %scan3A_86, %mul3A_87 : i32
      %add3A_89 = arith.constant 0 : i32
      %add3A_90 = arith.addi %add3A_89, %mul3A_88 : i32
      %add3A_91 = arith.constant 1 : i32
      %add3A_92 = arith.addi %add3A_90, %add3A_91 : i32
      "tpu.region"() ({
        %run_scoped3A_126 = tpu.sem_alloc : memref<!tpu.dma_semaphore, #tpu.memory_space<semaphore_mem>>
        %dma_start3A_127 = arith.constant 0 : i32
        %dma_start3A_128 = arith.constant 0 : i32
        %dma_start3A_129 = tpu.memref_slice %arg2[%add3A, %add3A_92, %dma_start3A_127, %dma_start3A_128] : memref<32x160x2x128xi32, #tpu.memory_space<hbm>> -> memref<1x1x2x128xi32, #tpu.memory_space<hbm>>
        %dma_start3A_130 = tpu.memref_squeeze %dma_start3A_129 : memref<1x1x2x128xi32, #tpu.memory_space<hbm>> -> memref<2x128xi32, #tpu.memory_space<hbm>>
        %dma_start3A_131 = arith.constant 0 : i32
        %dma_start3A_132 = arith.constant 0 : i32
        %dma_start3A_133 = tpu.memref_slice %arg2[%add3A, %add3A_92, %dma_start3A_131, %dma_start3A_132] : memref<32x160x2x128xi32, #tpu.memory_space<hbm>> -> memref<1x1x2x128xi32, #tpu.memory_space<hbm>>
        %dma_start3A_134 = tpu.memref_squeeze %dma_start3A_133 : memref<1x1x2x128xi32, #tpu.memory_space<hbm>> -> memref<2x128xi32, #tpu.memory_space<hbm>>
        tpu.enqueue_dma source(%dma_start3A_134 : memref<2x128xi32, #tpu.memory_space<hbm>>) target(%arg13 : memref<2x128xi32, #tpu.memory_space<vmem>>) target_semaphore(%run_scoped3A_126 : memref<!tpu.dma_semaphore, #tpu.memory_space<semaphore_mem>>)
        %dma_wait3A_135 = arith.constant 0 : i32
        %dma_wait3A_136 = arith.constant 0 : i32
        %dma_wait3A_137 = tpu.memref_slice %arg2[%add3A, %add3A_92, %dma_wait3A_135, %dma_wait3A_136] : memref<32x160x2x128xi32, #tpu.memory_space<hbm>> -> memref<1x1x2x128xi32, #tpu.memory_space<hbm>>
        %dma_wait3A_138 = tpu.memref_squeeze %dma_wait3A_137 : memref<1x1x2x128xi32, #tpu.memory_space<hbm>> -> memref<2x128xi32, #tpu.memory_space<hbm>>
        %dma_wait3A_139 = arith.constant 0 : i32
        %dma_wait3A_140 = arith.constant 0 : i32
        %dma_wait3A_141 = tpu.memref_slice %arg2[%add3A, %add3A_92, %dma_wait3A_139, %dma_wait3A_140] : memref<32x160x2x128xi32, #tpu.memory_space<hbm>> -> memref<1x1x2x128xi32, #tpu.memory_space<hbm>>
        %dma_wait3A_142 = tpu.memref_squeeze %dma_wait3A_141 : memref<1x1x2x128xi32, #tpu.memory_space<hbm>> -> memref<2x128xi32, #tpu.memory_space<hbm>>
        tpu.wait_dma2 semaphore(%run_scoped3A_126 : memref<!tpu.dma_semaphore, #tpu.memory_space<semaphore_mem>>) src(%dma_wait3A_142 : memref<2x128xi32, #tpu.memory_space<hbm>>) dst(%arg13 : memref<2x128xi32, #tpu.memory_space<vmem>>)
        tpu.yield
      }) : () -> ()
      %dma_wait3A_93 = arith.constant 0 : i32
      %dma_wait3A_94 = arith.constant 0 : i32
      %dma_wait3A_95 = tpu.memref_slice %arg12[%dma_wait3A_93, %dma_wait3A_94] : memref<2x128xi32, #tpu.memory_space<vmem>> -> memref<1x128xi32, #tpu.memory_space<vmem>>
      %dma_wait3A_96 = tpu.memref_squeeze %dma_wait3A_95 : memref<1x128xi32, #tpu.memory_space<vmem>> -> memref<128xi32, #tpu.memory_space<vmem>>
      %dma_wait3A_97 = arith.constant 0 : i32
      %dma_wait3A_98 = arith.constant 0 : i32
      %dma_wait3A_99 = tpu.memref_slice %arg5[%dma_wait3A_97, %dma_wait3A_98] : memref<10000x128xf32, #tpu.memory_space<hbm>> -> memref<10000x128xf32, #tpu.memory_space<hbm>>
      tpu.wait_indirect_dma semaphore(%arg17 : memref<!tpu.dma_semaphore, #tpu.memory_space<semaphore_mem>>) src(%dma_wait3A_99 : memref<10000x128xf32, #tpu.memory_space<hbm>>) dst(%arg14 : memref<128x128xf32, #tpu.memory_space<vmem>>)
      %dma_start3A_100 = arith.constant 0 : i32
      %dma_start3A_101 = arith.constant 0 : i32
      %dma_start3A_102 = tpu.memref_slice %arg13[%dma_start3A_100, %dma_start3A_101] : memref<2x128xi32, #tpu.memory_space<vmem>> -> memref<1x128xi32, #tpu.memory_space<vmem>>
      %dma_start3A_103 = tpu.memref_squeeze %dma_start3A_102 : memref<1x128xi32, #tpu.memory_space<vmem>> -> memref<128xi32, #tpu.memory_space<vmem>>
      %dma_start3A_104 = arith.constant 0 : i32
      %dma_start3A_105 = arith.constant 0 : i32
      %dma_start3A_106 = tpu.memref_slice %arg5[%dma_start3A_104, %dma_start3A_105] : memref<10000x128xf32, #tpu.memory_space<hbm>> -> memref<10000x128xf32, #tpu.memory_space<hbm>>
      tpu.enqueue_indirect_dma source(%dma_start3A_106 : memref<10000x128xf32, #tpu.memory_space<hbm>>) target(%arg15 : memref<128x128xf32, #tpu.memory_space<vmem>>) offsets(%dma_start3A_103 : memref<128xi32, #tpu.memory_space<vmem>>) semaphore(%arg18 : memref<!tpu.dma_semaphore, #tpu.memory_space<semaphore_mem>>)
      %run_scoped3A_107 = arith.constant 1 : i32
      "tpu.region"() ({
        %run_scoped3A_126 = tpu.sem_alloc : memref<!tpu.dma_semaphore, #tpu.memory_space<semaphore_mem>>
        %dma_start3A_127 = arith.constant 0 : i32
        %dma_start3A_128 = tpu.memref_slice %arg12[%run_scoped3A_107, %dma_start3A_127] : memref<2x128xi32, #tpu.memory_space<vmem>> -> memref<1x128xi32, #tpu.memory_space<vmem>>
        %dma_start3A_129 = tpu.memref_squeeze %dma_start3A_128 : memref<1x128xi32, #tpu.memory_space<vmem>> -> memref<128xi32, #tpu.memory_space<vmem>>
        %dma_start3A_130 = arith.constant 0 : i32
        %dma_start3A_131 = arith.constant 0 : i32
        %dma_start3A_132 = tpu.memref_slice %arg16[%dma_start3A_130, %dma_start3A_131] : memref<10240x128xf32, #tpu.memory_space<vmem_shared>> -> memref<10240x128xf32, #tpu.memory_space<vmem_shared>>
        tpu.enqueue_indirect_dma source(%arg14 : memref<128x128xf32, #tpu.memory_space<vmem>>) target(%dma_start3A_132 : memref<10240x128xf32, #tpu.memory_space<vmem_shared>>) offsets(%dma_start3A_129 : memref<128xi32, #tpu.memory_space<vmem>>) semaphore(%run_scoped3A_126 : memref<!tpu.dma_semaphore, #tpu.memory_space<semaphore_mem>>) {add = true}
        %dma_wait3A_133 = arith.constant 0 : i32
        %dma_wait3A_134 = tpu.memref_slice %arg12[%run_scoped3A_107, %dma_wait3A_133] : memref<2x128xi32, #tpu.memory_space<vmem>> -> memref<1x128xi32, #tpu.memory_space<vmem>>
        %dma_wait3A_135 = tpu.memref_squeeze %dma_wait3A_134 : memref<1x128xi32, #tpu.memory_space<vmem>> -> memref<128xi32, #tpu.memory_space<vmem>>
        %dma_wait3A_136 = arith.constant 0 : i32
        %dma_wait3A_137 = arith.constant 0 : i32
        %dma_wait3A_138 = tpu.memref_slice %arg16[%dma_wait3A_136, %dma_wait3A_137] : memref<10240x128xf32, #tpu.memory_space<vmem_shared>> -> memref<10240x128xf32, #tpu.memory_space<vmem_shared>>
        tpu.wait_indirect_dma semaphore(%run_scoped3A_126 : memref<!tpu.dma_semaphore, #tpu.memory_space<semaphore_mem>>) src(%arg14 : memref<128x128xf32, #tpu.memory_space<vmem>>) dst(%dma_wait3A_138 : memref<10240x128xf32, #tpu.memory_space<vmem_shared>>)
        tpu.yield
      }) : () -> ()
      %add3A_108 = arith.constant 2 : i32
      %add3A_109 = arith.addi %add3A_90, %add3A_108 : i32
      %rem3A = arith.constant 160 : i32
      %rem3A_110 = arith.remsi %add3A_109, %rem3A : i32
      "tpu.region"() ({
        %run_scoped3A_126 = tpu.sem_alloc : memref<!tpu.dma_semaphore, #tpu.memory_space<semaphore_mem>>
        %dma_start3A_127 = arith.constant 0 : i32
        %dma_start3A_128 = arith.constant 0 : i32
        %dma_start3A_129 = tpu.memref_slice %arg2[%add3A, %rem3A_110, %dma_start3A_127, %dma_start3A_128] : memref<32x160x2x128xi32, #tpu.memory_space<hbm>> -> memref<1x1x2x128xi32, #tpu.memory_space<hbm>>
        %dma_start3A_130 = tpu.memref_squeeze %dma_start3A_129 : memref<1x1x2x128xi32, #tpu.memory_space<hbm>> -> memref<2x128xi32, #tpu.memory_space<hbm>>
        %dma_start3A_131 = arith.constant 0 : i32
        %dma_start3A_132 = arith.constant 0 : i32
        %dma_start3A_133 = tpu.memref_slice %arg2[%add3A, %rem3A_110, %dma_start3A_131, %dma_start3A_132] : memref<32x160x2x128xi32, #tpu.memory_space<hbm>> -> memref<1x1x2x128xi32, #tpu.memory_space<hbm>>
        %dma_start3A_134 = tpu.memref_squeeze %dma_start3A_133 : memref<1x1x2x128xi32, #tpu.memory_space<hbm>> -> memref<2x128xi32, #tpu.memory_space<hbm>>
        tpu.enqueue_dma source(%dma_start3A_134 : memref<2x128xi32, #tpu.memory_space<hbm>>) target(%arg12 : memref<2x128xi32, #tpu.memory_space<vmem>>) target_semaphore(%run_scoped3A_126 : memref<!tpu.dma_semaphore, #tpu.memory_space<semaphore_mem>>)
        %dma_wait3A_135 = arith.constant 0 : i32
        %dma_wait3A_136 = arith.constant 0 : i32
        %dma_wait3A_137 = tpu.memref_slice %arg2[%add3A, %rem3A_110, %dma_wait3A_135, %dma_wait3A_136] : memref<32x160x2x128xi32, #tpu.memory_space<hbm>> -> memref<1x1x2x128xi32, #tpu.memory_space<hbm>>
        %dma_wait3A_138 = tpu.memref_squeeze %dma_wait3A_137 : memref<1x1x2x128xi32, #tpu.memory_space<hbm>> -> memref<2x128xi32, #tpu.memory_space<hbm>>
        %dma_wait3A_139 = arith.constant 0 : i32
        %dma_wait3A_140 = arith.constant 0 : i32
        %dma_wait3A_141 = tpu.memref_slice %arg2[%add3A, %rem3A_110, %dma_wait3A_139, %dma_wait3A_140] : memref<32x160x2x128xi32, #tpu.memory_space<hbm>> -> memref<1x1x2x128xi32, #tpu.memory_space<hbm>>
        %dma_wait3A_142 = tpu.memref_squeeze %dma_wait3A_141 : memref<1x1x2x128xi32, #tpu.memory_space<hbm>> -> memref<2x128xi32, #tpu.memory_space<hbm>>
        tpu.wait_dma2 semaphore(%run_scoped3A_126 : memref<!tpu.dma_semaphore, #tpu.memory_space<semaphore_mem>>) src(%dma_wait3A_142 : memref<2x128xi32, #tpu.memory_space<hbm>>) dst(%arg12 : memref<2x128xi32, #tpu.memory_space<vmem>>)
        tpu.yield
      }) : () -> ()
      %dma_wait3A_111 = arith.constant 0 : i32
      %dma_wait3A_112 = arith.constant 0 : i32
      %dma_wait3A_113 = tpu.memref_slice %arg13[%dma_wait3A_111, %dma_wait3A_112] : memref<2x128xi32, #tpu.memory_space<vmem>> -> memref<1x128xi32, #tpu.memory_space<vmem>>
      %dma_wait3A_114 = tpu.memref_squeeze %dma_wait3A_113 : memref<1x128xi32, #tpu.memory_space<vmem>> -> memref<128xi32, #tpu.memory_space<vmem>>
      %dma_wait3A_115 = arith.constant 0 : i32
      %dma_wait3A_116 = arith.constant 0 : i32
      %dma_wait3A_117 = tpu.memref_slice %arg5[%dma_wait3A_115, %dma_wait3A_116] : memref<10000x128xf32, #tpu.memory_space<hbm>> -> memref<10000x128xf32, #tpu.memory_space<hbm>>
      tpu.wait_indirect_dma semaphore(%arg18 : memref<!tpu.dma_semaphore, #tpu.memory_space<semaphore_mem>>) src(%dma_wait3A_117 : memref<10000x128xf32, #tpu.memory_space<hbm>>) dst(%arg15 : memref<128x128xf32, #tpu.memory_space<vmem>>)
      %dma_start3A_118 = arith.constant 0 : i32
      %dma_start3A_119 = arith.constant 0 : i32
      %dma_start3A_120 = tpu.memref_slice %arg12[%dma_start3A_118, %dma_start3A_119] : memref<2x128xi32, #tpu.memory_space<vmem>> -> memref<1x128xi32, #tpu.memory_space<vmem>>
      %dma_start3A_121 = tpu.memref_squeeze %dma_start3A_120 : memref<1x128xi32, #tpu.memory_space<vmem>> -> memref<128xi32, #tpu.memory_space<vmem>>
      %dma_start3A_122 = arith.constant 0 : i32
      %dma_start3A_123 = arith.constant 0 : i32
      %dma_start3A_124 = tpu.memref_slice %arg5[%dma_start3A_122, %dma_start3A_123] : memref<10000x128xf32, #tpu.memory_space<hbm>> -> memref<10000x128xf32, #tpu.memory_space<hbm>>
      tpu.enqueue_indirect_dma source(%dma_start3A_124 : memref<10000x128xf32, #tpu.memory_space<hbm>>) target(%arg14 : memref<128x128xf32, #tpu.memory_space<vmem>>) offsets(%dma_start3A_121 : memref<128xi32, #tpu.memory_space<vmem>>) semaphore(%arg17 : memref<!tpu.dma_semaphore, #tpu.memory_space<semaphore_mem>>)
      %run_scoped3A_125 = arith.constant 1 : i32
      "tpu.region"() ({
        %run_scoped3A_126 = tpu.sem_alloc : memref<!tpu.dma_semaphore, #tpu.memory_space<semaphore_mem>>
        %dma_start3A_127 = arith.constant 0 : i32
        %dma_start3A_128 = tpu.memref_slice %arg13[%run_scoped3A_125, %dma_start3A_127] : memref<2x128xi32, #tpu.memory_space<vmem>> -> memref<1x128xi32, #tpu.memory_space<vmem>>
        %dma_start3A_129 = tpu.memref_squeeze %dma_start3A_128 : memref<1x128xi32, #tpu.memory_space<vmem>> -> memref<128xi32, #tpu.memory_space<vmem>>
        %dma_start3A_130 = arith.constant 0 : i32
        %dma_start3A_131 = arith.constant 0 : i32
        %dma_start3A_132 = tpu.memref_slice %arg16[%dma_start3A_130, %dma_start3A_131] : memref<10240x128xf32, #tpu.memory_space<vmem_shared>> -> memref<10240x128xf32, #tpu.memory_space<vmem_shared>>
        tpu.enqueue_indirect_dma source(%arg15 : memref<128x128xf32, #tpu.memory_space<vmem>>) target(%dma_start3A_132 : memref<10240x128xf32, #tpu.memory_space<vmem_shared>>) offsets(%dma_start3A_129 : memref<128xi32, #tpu.memory_space<vmem>>) semaphore(%run_scoped3A_126 : memref<!tpu.dma_semaphore, #tpu.memory_space<semaphore_mem>>) {add = true}
        %dma_wait3A_133 = arith.constant 0 : i32
        %dma_wait3A_134 = tpu.memref_slice %arg13[%run_scoped3A_125, %dma_wait3A_133] : memref<2x128xi32, #tpu.memory_space<vmem>> -> memref<1x128xi32, #tpu.memory_space<vmem>>
        %dma_wait3A_135 = tpu.memref_squeeze %dma_wait3A_134 : memref<1x128xi32, #tpu.memory_space<vmem>> -> memref<128xi32, #tpu.memory_space<vmem>>
        %dma_wait3A_136 = arith.constant 0 : i32
        %dma_wait3A_137 = arith.constant 0 : i32
        %dma_wait3A_138 = tpu.memref_slice %arg16[%dma_wait3A_136, %dma_wait3A_137] : memref<10240x128xf32, #tpu.memory_space<vmem_shared>> -> memref<10240x128xf32, #tpu.memory_space<vmem_shared>>
        tpu.wait_indirect_dma semaphore(%run_scoped3A_126 : memref<!tpu.dma_semaphore, #tpu.memory_space<semaphore_mem>>) src(%arg15 : memref<128x128xf32, #tpu.memory_space<vmem>>) dst(%dma_wait3A_138 : memref<10240x128xf32, #tpu.memory_space<vmem_shared>>)
        tpu.yield
      }) : () -> ()
    }
    %scan3A_33 = arith.constant 80 : i32
    %dma_wait3A_34 = arith.constant 0 : i32
    %dma_wait3A_35 = arith.constant 0 : i32
    %dma_wait3A_36 = tpu.memref_slice %arg12[%dma_wait3A_34, %dma_wait3A_35] : memref<2x128xi32, #tpu.memory_space<vmem>> -> memref<1x128xi32, #tpu.memory_space<vmem>>
    %dma_wait3A_37 = tpu.memref_squeeze %dma_wait3A_36 : memref<1x128xi32, #tpu.memory_space<vmem>> -> memref<128xi32, #tpu.memory_space<vmem>>
    %dma_wait3A_38 = arith.constant 0 : i32
    %dma_wait3A_39 = arith.constant 0 : i32
    %dma_wait3A_40 = tpu.memref_slice %arg5[%dma_wait3A_38, %dma_wait3A_39] : memref<10000x128xf32, #tpu.memory_space<hbm>> -> memref<10000x128xf32, #tpu.memory_space<hbm>>
    tpu.wait_indirect_dma semaphore(%arg17 : memref<!tpu.dma_semaphore, #tpu.memory_space<semaphore_mem>>) src(%dma_wait3A_40 : memref<10000x128xf32, #tpu.memory_space<hbm>>) dst(%arg14 : memref<128x128xf32, #tpu.memory_space<vmem>>)
    %barrier3A_41 = arith.constant 0 : index
    tpu.barrier barrier_id(%barrier3A_41)
    "tpu.region"() ({
      %run_scoped3A_86 = tpu.sem_alloc : memref<!tpu.dma_semaphore, #tpu.memory_space<semaphore_mem>>
      %dma_start3A_87 = arith.constant 0 : i32
      %dma_start3A_88 = tpu.memref_slice %arg9[%arg0, %mul3A_2, %dma_start3A_87] : memref<2x10240x128xf32, #tpu.memory_space<hbm>> -> memref<1x640x128xf32, #tpu.memory_space<hbm>>
      %dma_start3A_89 = tpu.memref_squeeze %dma_start3A_88 : memref<1x640x128xf32, #tpu.memory_space<hbm>> -> memref<640x128xf32, #tpu.memory_space<hbm>>
      %dma_start3A_90 = arith.constant 0 : i32
      %dma_start3A_91 = tpu.memref_slice %arg16[%mul3A_2, %dma_start3A_90] : memref<10240x128xf32, #tpu.memory_space<vmem_shared>> -> memref<640x128xf32, #tpu.memory_space<vmem_shared>>
      tpu.enqueue_dma source(%dma_start3A_91 : memref<640x128xf32, #tpu.memory_space<vmem_shared>>) target(%dma_start3A_89 : memref<640x128xf32, #tpu.memory_space<hbm>>) target_semaphore(%run_scoped3A_86 : memref<!tpu.dma_semaphore, #tpu.memory_space<semaphore_mem>>)
      %dma_wait3A_92 = arith.constant 0 : i32
      %dma_wait3A_93 = tpu.memref_slice %arg9[%arg0, %mul3A_2, %dma_wait3A_92] : memref<2x10240x128xf32, #tpu.memory_space<hbm>> -> memref<1x640x128xf32, #tpu.memory_space<hbm>>
      %dma_wait3A_94 = tpu.memref_squeeze %dma_wait3A_93 : memref<1x640x128xf32, #tpu.memory_space<hbm>> -> memref<640x128xf32, #tpu.memory_space<hbm>>
      %dma_wait3A_95 = arith.constant 0 : i32
      %dma_wait3A_96 = tpu.memref_slice %arg16[%mul3A_2, %dma_wait3A_95] : memref<10240x128xf32, #tpu.memory_space<vmem_shared>> -> memref<640x128xf32, #tpu.memory_space<vmem_shared>>
      tpu.wait_dma2 semaphore(%run_scoped3A_86 : memref<!tpu.dma_semaphore, #tpu.memory_space<semaphore_mem>>) src(%dma_wait3A_96 : memref<640x128xf32, #tpu.memory_space<vmem_shared>>) dst(%dma_wait3A_94 : memref<640x128xf32, #tpu.memory_space<hbm>>)
      tpu.yield
    }) : () -> ()
    "tpu.region"() ({
      %run_scoped3A_86 = tpu.sem_alloc : memref<!tpu.dma_semaphore, #tpu.memory_space<semaphore_mem>>
      %dma_start3A_87 = arith.constant 0 : i32
      %dma_start3A_88 = tpu.memref_slice %arg16[%mul3A_2, %dma_start3A_87] : memref<10240x128xf32, #tpu.memory_space<vmem_shared>> -> memref<640x128xf32, #tpu.memory_space<vmem_shared>>
      tpu.enqueue_dma source(%arg3 : memref<640x128xf32, #tpu.memory_space<hbm>>) target(%dma_start3A_88 : memref<640x128xf32, #tpu.memory_space<vmem_shared>>) target_semaphore(%run_scoped3A_86 : memref<!tpu.dma_semaphore, #tpu.memory_space<semaphore_mem>>)
      %dma_wait3A_89 = arith.constant 0 : i32
      %dma_wait3A_90 = tpu.memref_slice %arg16[%mul3A_2, %dma_wait3A_89] : memref<10240x128xf32, #tpu.memory_space<vmem_shared>> -> memref<640x128xf32, #tpu.memory_space<vmem_shared>>
      tpu.wait_dma2 semaphore(%run_scoped3A_86 : memref<!tpu.dma_semaphore, #tpu.memory_space<semaphore_mem>>) src(%arg3 : memref<640x128xf32, #tpu.memory_space<hbm>>) dst(%dma_wait3A_90 : memref<640x128xf32, #tpu.memory_space<vmem_shared>>)
      tpu.yield
    }) : () -> ()
    %barrier3A_42 = arith.constant 0 : index
    tpu.barrier barrier_id(%barrier3A_42)
    %run_scoped3A_43 = arith.constant 0 : i32
    "tpu.region"() ({
      %run_scoped3A_86 = tpu.sem_alloc : memref<!tpu.dma_semaphore, #tpu.memory_space<semaphore_mem>>
      %dma_start3A_87 = arith.constant 0 : i32
      %dma_start3A_88 = arith.constant 0 : i32
      %dma_start3A_89 = tpu.memref_slice %arg2[%add3A, %run_scoped3A_43, %dma_start3A_87, %dma_start3A_88] : memref<32x160x2x128xi32, #tpu.memory_space<hbm>> -> memref<1x1x2x128xi32, #tpu.memory_space<hbm>>
      %dma_start3A_90 = tpu.memref_squeeze %dma_start3A_89 : memref<1x1x2x128xi32, #tpu.memory_space<hbm>> -> memref<2x128xi32, #tpu.memory_space<hbm>>
      %dma_start3A_91 = arith.constant 0 : i32
      %dma_start3A_92 = arith.constant 0 : i32
      %dma_start3A_93 = tpu.memref_slice %arg2[%add3A, %run_scoped3A_43, %dma_start3A_91, %dma_start3A_92] : memref<32x160x2x128xi32, #tpu.memory_space<hbm>> -> memref<1x1x2x128xi32, #tpu.memory_space<hbm>>
      %dma_start3A_94 = tpu.memref_squeeze %dma_start3A_93 : memref<1x1x2x128xi32, #tpu.memory_space<hbm>> -> memref<2x128xi32, #tpu.memory_space<hbm>>
      tpu.enqueue_dma source(%dma_start3A_94 : memref<2x128xi32, #tpu.memory_space<hbm>>) target(%arg12 : memref<2x128xi32, #tpu.memory_space<vmem>>) target_semaphore(%run_scoped3A_86 : memref<!tpu.dma_semaphore, #tpu.memory_space<semaphore_mem>>)
      %dma_wait3A_95 = arith.constant 0 : i32
      %dma_wait3A_96 = arith.constant 0 : i32
      %dma_wait3A_97 = tpu.memref_slice %arg2[%add3A, %run_scoped3A_43, %dma_wait3A_95, %dma_wait3A_96] : memref<32x160x2x128xi32, #tpu.memory_space<hbm>> -> memref<1x1x2x128xi32, #tpu.memory_space<hbm>>
      %dma_wait3A_98 = tpu.memref_squeeze %dma_wait3A_97 : memref<1x1x2x128xi32, #tpu.memory_space<hbm>> -> memref<2x128xi32, #tpu.memory_space<hbm>>
      %dma_wait3A_99 = arith.constant 0 : i32
      %dma_wait3A_100 = arith.constant 0 : i32
      %dma_wait3A_101 = tpu.memref_slice %arg2[%add3A, %run_scoped3A_43, %dma_wait3A_99, %dma_wait3A_100] : memref<32x160x2x128xi32, #tpu.memory_space<hbm>> -> memref<1x1x2x128xi32, #tpu.memory_space<hbm>>
      %dma_wait3A_102 = tpu.memref_squeeze %dma_wait3A_101 : memref<1x1x2x128xi32, #tpu.memory_space<hbm>> -> memref<2x128xi32, #tpu.memory_space<hbm>>
      tpu.wait_dma2 semaphore(%run_scoped3A_86 : memref<!tpu.dma_semaphore, #tpu.memory_space<semaphore_mem>>) src(%dma_wait3A_102 : memref<2x128xi32, #tpu.memory_space<hbm>>) dst(%arg12 : memref<2x128xi32, #tpu.memory_space<vmem>>)
      tpu.yield
    }) : () -> ()
    %dma_start3A_44 = arith.constant 0 : i32
    %dma_start3A_45 = arith.constant 0 : i32
    %dma_start3A_46 = tpu.memref_slice %arg12[%dma_start3A_44, %dma_start3A_45] : memref<2x128xi32, #tpu.memory_space<vmem>> -> memref<1x128xi32, #tpu.memory_space<vmem>>
    %dma_start3A_47 = tpu.memref_squeeze %dma_start3A_46 : memref<1x128xi32, #tpu.memory_space<vmem>> -> memref<128xi32, #tpu.memory_space<vmem>>
    %dma_start3A_48 = arith.constant 0 : i32
    %dma_start3A_49 = arith.constant 0 : i32
    %dma_start3A_50 = tpu.memref_slice %arg6[%dma_start3A_48, %dma_start3A_49] : memref<10000x128xf32, #tpu.memory_space<hbm>> -> memref<10000x128xf32, #tpu.memory_space<hbm>>
    tpu.enqueue_indirect_dma source(%dma_start3A_50 : memref<10000x128xf32, #tpu.memory_space<hbm>>) target(%arg14 : memref<128x128xf32, #tpu.memory_space<vmem>>) offsets(%dma_start3A_47 : memref<128xi32, #tpu.memory_space<vmem>>) semaphore(%arg17 : memref<!tpu.dma_semaphore, #tpu.memory_space<semaphore_mem>>)
    %scan3A_51 = arith.constant 0 : i32
    %scan3A_52 = arith.constant 80 : i32
    %scan3A_53 = arith.addi %scan3A_51, %scan3A_52 : i32
    %scan3A_54 = arith.constant 1 : i32
    scf.for %scan3A_86 = %scan3A_51 to %scan3A_53 step %scan3A_54  : i32 {
      %mul3A_87 = arith.constant 2 : i32
      %mul3A_88 = arith.muli %scan3A_86, %mul3A_87 : i32
      %add3A_89 = arith.constant 0 : i32
      %add3A_90 = arith.addi %add3A_89, %mul3A_88 : i32
      %add3A_91 = arith.constant 1 : i32
      %add3A_92 = arith.addi %add3A_90, %add3A_91 : i32
      "tpu.region"() ({
        %run_scoped3A_126 = tpu.sem_alloc : memref<!tpu.dma_semaphore, #tpu.memory_space<semaphore_mem>>
        %dma_start3A_127 = arith.constant 0 : i32
        %dma_start3A_128 = arith.constant 0 : i32
        %dma_start3A_129 = tpu.memref_slice %arg2[%add3A, %add3A_92, %dma_start3A_127, %dma_start3A_128] : memref<32x160x2x128xi32, #tpu.memory_space<hbm>> -> memref<1x1x2x128xi32, #tpu.memory_space<hbm>>
        %dma_start3A_130 = tpu.memref_squeeze %dma_start3A_129 : memref<1x1x2x128xi32, #tpu.memory_space<hbm>> -> memref<2x128xi32, #tpu.memory_space<hbm>>
        %dma_start3A_131 = arith.constant 0 : i32
        %dma_start3A_132 = arith.constant 0 : i32
        %dma_start3A_133 = tpu.memref_slice %arg2[%add3A, %add3A_92, %dma_start3A_131, %dma_start3A_132] : memref<32x160x2x128xi32, #tpu.memory_space<hbm>> -> memref<1x1x2x128xi32, #tpu.memory_space<hbm>>
        %dma_start3A_134 = tpu.memref_squeeze %dma_start3A_133 : memref<1x1x2x128xi32, #tpu.memory_space<hbm>> -> memref<2x128xi32, #tpu.memory_space<hbm>>
        tpu.enqueue_dma source(%dma_start3A_134 : memref<2x128xi32, #tpu.memory_space<hbm>>) target(%arg13 : memref<2x128xi32, #tpu.memory_space<vmem>>) target_semaphore(%run_scoped3A_126 : memref<!tpu.dma_semaphore, #tpu.memory_space<semaphore_mem>>)
        %dma_wait3A_135 = arith.constant 0 : i32
        %dma_wait3A_136 = arith.constant 0 : i32
        %dma_wait3A_137 = tpu.memref_slice %arg2[%add3A, %add3A_92, %dma_wait3A_135, %dma_wait3A_136] : memref<32x160x2x128xi32, #tpu.memory_space<hbm>> -> memref<1x1x2x128xi32, #tpu.memory_space<hbm>>
        %dma_wait3A_138 = tpu.memref_squeeze %dma_wait3A_137 : memref<1x1x2x128xi32, #tpu.memory_space<hbm>> -> memref<2x128xi32, #tpu.memory_space<hbm>>
        %dma_wait3A_139 = arith.constant 0 : i32
        %dma_wait3A_140 = arith.constant 0 : i32
        %dma_wait3A_141 = tpu.memref_slice %arg2[%add3A, %add3A_92, %dma_wait3A_139, %dma_wait3A_140] : memref<32x160x2x128xi32, #tpu.memory_space<hbm>> -> memref<1x1x2x128xi32, #tpu.memory_space<hbm>>
        %dma_wait3A_142 = tpu.memref_squeeze %dma_wait3A_141 : memref<1x1x2x128xi32, #tpu.memory_space<hbm>> -> memref<2x128xi32, #tpu.memory_space<hbm>>
        tpu.wait_dma2 semaphore(%run_scoped3A_126 : memref<!tpu.dma_semaphore, #tpu.memory_space<semaphore_mem>>) src(%dma_wait3A_142 : memref<2x128xi32, #tpu.memory_space<hbm>>) dst(%arg13 : memref<2x128xi32, #tpu.memory_space<vmem>>)
        tpu.yield
      }) : () -> ()
      %dma_wait3A_93 = arith.constant 0 : i32
      %dma_wait3A_94 = arith.constant 0 : i32
      %dma_wait3A_95 = tpu.memref_slice %arg12[%dma_wait3A_93, %dma_wait3A_94] : memref<2x128xi32, #tpu.memory_space<vmem>> -> memref<1x128xi32, #tpu.memory_space<vmem>>
      %dma_wait3A_96 = tpu.memref_squeeze %dma_wait3A_95 : memref<1x128xi32, #tpu.memory_space<vmem>> -> memref<128xi32, #tpu.memory_space<vmem>>
      %dma_wait3A_97 = arith.constant 0 : i32
      %dma_wait3A_98 = arith.constant 0 : i32
      %dma_wait3A_99 = tpu.memref_slice %arg6[%dma_wait3A_97, %dma_wait3A_98] : memref<10000x128xf32, #tpu.memory_space<hbm>> -> memref<10000x128xf32, #tpu.memory_space<hbm>>
      tpu.wait_indirect_dma semaphore(%arg17 : memref<!tpu.dma_semaphore, #tpu.memory_space<semaphore_mem>>) src(%dma_wait3A_99 : memref<10000x128xf32, #tpu.memory_space<hbm>>) dst(%arg14 : memref<128x128xf32, #tpu.memory_space<vmem>>)
      %dma_start3A_100 = arith.constant 0 : i32
      %dma_start3A_101 = arith.constant 0 : i32
      %dma_start3A_102 = tpu.memref_slice %arg13[%dma_start3A_100, %dma_start3A_101] : memref<2x128xi32, #tpu.memory_space<vmem>> -> memref<1x128xi32, #tpu.memory_space<vmem>>
      %dma_start3A_103 = tpu.memref_squeeze %dma_start3A_102 : memref<1x128xi32, #tpu.memory_space<vmem>> -> memref<128xi32, #tpu.memory_space<vmem>>
      %dma_start3A_104 = arith.constant 0 : i32
      %dma_start3A_105 = arith.constant 0 : i32
      %dma_start3A_106 = tpu.memref_slice %arg6[%dma_start3A_104, %dma_start3A_105] : memref<10000x128xf32, #tpu.memory_space<hbm>> -> memref<10000x128xf32, #tpu.memory_space<hbm>>
      tpu.enqueue_indirect_dma source(%dma_start3A_106 : memref<10000x128xf32, #tpu.memory_space<hbm>>) target(%arg15 : memref<128x128xf32, #tpu.memory_space<vmem>>) offsets(%dma_start3A_103 : memref<128xi32, #tpu.memory_space<vmem>>) semaphore(%arg18 : memref<!tpu.dma_semaphore, #tpu.memory_space<semaphore_mem>>)
      %run_scoped3A_107 = arith.constant 1 : i32
      "tpu.region"() ({
        %run_scoped3A_126 = tpu.sem_alloc : memref<!tpu.dma_semaphore, #tpu.memory_space<semaphore_mem>>
        %dma_start3A_127 = arith.constant 0 : i32
        %dma_start3A_128 = tpu.memref_slice %arg12[%run_scoped3A_107, %dma_start3A_127] : memref<2x128xi32, #tpu.memory_space<vmem>> -> memref<1x128xi32, #tpu.memory_space<vmem>>
        %dma_start3A_129 = tpu.memref_squeeze %dma_start3A_128 : memref<1x128xi32, #tpu.memory_space<vmem>> -> memref<128xi32, #tpu.memory_space<vmem>>
        %dma_start3A_130 = arith.constant 0 : i32
        %dma_start3A_131 = arith.constant 0 : i32
        %dma_start3A_132 = tpu.memref_slice %arg16[%dma_start3A_130, %dma_start3A_131] : memref<10240x128xf32, #tpu.memory_space<vmem_shared>> -> memref<10240x128xf32, #tpu.memory_space<vmem_shared>>
        tpu.enqueue_indirect_dma source(%arg14 : memref<128x128xf32, #tpu.memory_space<vmem>>) target(%dma_start3A_132 : memref<10240x128xf32, #tpu.memory_space<vmem_shared>>) offsets(%dma_start3A_129 : memref<128xi32, #tpu.memory_space<vmem>>) semaphore(%run_scoped3A_126 : memref<!tpu.dma_semaphore, #tpu.memory_space<semaphore_mem>>) {add = true}
        %dma_wait3A_133 = arith.constant 0 : i32
        %dma_wait3A_134 = tpu.memref_slice %arg12[%run_scoped3A_107, %dma_wait3A_133] : memref<2x128xi32, #tpu.memory_space<vmem>> -> memref<1x128xi32, #tpu.memory_space<vmem>>
        %dma_wait3A_135 = tpu.memref_squeeze %dma_wait3A_134 : memref<1x128xi32, #tpu.memory_space<vmem>> -> memref<128xi32, #tpu.memory_space<vmem>>
        %dma_wait3A_136 = arith.constant 0 : i32
        %dma_wait3A_137 = arith.constant 0 : i32
        %dma_wait3A_138 = tpu.memref_slice %arg16[%dma_wait3A_136, %dma_wait3A_137] : memref<10240x128xf32, #tpu.memory_space<vmem_shared>> -> memref<10240x128xf32, #tpu.memory_space<vmem_shared>>
        tpu.wait_indirect_dma semaphore(%run_scoped3A_126 : memref<!tpu.dma_semaphore, #tpu.memory_space<semaphore_mem>>) src(%arg14 : memref<128x128xf32, #tpu.memory_space<vmem>>) dst(%dma_wait3A_138 : memref<10240x128xf32, #tpu.memory_space<vmem_shared>>)
        tpu.yield
      }) : () -> ()
      %add3A_108 = arith.constant 2 : i32
      %add3A_109 = arith.addi %add3A_90, %add3A_108 : i32
      %rem3A = arith.constant 160 : i32
      %rem3A_110 = arith.remsi %add3A_109, %rem3A : i32
      "tpu.region"() ({
        %run_scoped3A_126 = tpu.sem_alloc : memref<!tpu.dma_semaphore, #tpu.memory_space<semaphore_mem>>
        %dma_start3A_127 = arith.constant 0 : i32
        %dma_start3A_128 = arith.constant 0 : i32
        %dma_start3A_129 = tpu.memref_slice %arg2[%add3A, %rem3A_110, %dma_start3A_127, %dma_start3A_128] : memref<32x160x2x128xi32, #tpu.memory_space<hbm>> -> memref<1x1x2x128xi32, #tpu.memory_space<hbm>>
        %dma_start3A_130 = tpu.memref_squeeze %dma_start3A_129 : memref<1x1x2x128xi32, #tpu.memory_space<hbm>> -> memref<2x128xi32, #tpu.memory_space<hbm>>
        %dma_start3A_131 = arith.constant 0 : i32
        %dma_start3A_132 = arith.constant 0 : i32
        %dma_start3A_133 = tpu.memref_slice %arg2[%add3A, %rem3A_110, %dma_start3A_131, %dma_start3A_132] : memref<32x160x2x128xi32, #tpu.memory_space<hbm>> -> memref<1x1x2x128xi32, #tpu.memory_space<hbm>>
        %dma_start3A_134 = tpu.memref_squeeze %dma_start3A_133 : memref<1x1x2x128xi32, #tpu.memory_space<hbm>> -> memref<2x128xi32, #tpu.memory_space<hbm>>
        tpu.enqueue_dma source(%dma_start3A_134 : memref<2x128xi32, #tpu.memory_space<hbm>>) target(%arg12 : memref<2x128xi32, #tpu.memory_space<vmem>>) target_semaphore(%run_scoped3A_126 : memref<!tpu.dma_semaphore, #tpu.memory_space<semaphore_mem>>)
        %dma_wait3A_135 = arith.constant 0 : i32
        %dma_wait3A_136 = arith.constant 0 : i32
        %dma_wait3A_137 = tpu.memref_slice %arg2[%add3A, %rem3A_110, %dma_wait3A_135, %dma_wait3A_136] : memref<32x160x2x128xi32, #tpu.memory_space<hbm>> -> memref<1x1x2x128xi32, #tpu.memory_space<hbm>>
        %dma_wait3A_138 = tpu.memref_squeeze %dma_wait3A_137 : memref<1x1x2x128xi32, #tpu.memory_space<hbm>> -> memref<2x128xi32, #tpu.memory_space<hbm>>
        %dma_wait3A_139 = arith.constant 0 : i32
        %dma_wait3A_140 = arith.constant 0 : i32
        %dma_wait3A_141 = tpu.memref_slice %arg2[%add3A, %rem3A_110, %dma_wait3A_139, %dma_wait3A_140] : memref<32x160x2x128xi32, #tpu.memory_space<hbm>> -> memref<1x1x2x128xi32, #tpu.memory_space<hbm>>
        %dma_wait3A_142 = tpu.memref_squeeze %dma_wait3A_141 : memref<1x1x2x128xi32, #tpu.memory_space<hbm>> -> memref<2x128xi32, #tpu.memory_space<hbm>>
        tpu.wait_dma2 semaphore(%run_scoped3A_126 : memref<!tpu.dma_semaphore, #tpu.memory_space<semaphore_mem>>) src(%dma_wait3A_142 : memref<2x128xi32, #tpu.memory_space<hbm>>) dst(%arg12 : memref<2x128xi32, #tpu.memory_space<vmem>>)
        tpu.yield
      }) : () -> ()
      %dma_wait3A_111 = arith.constant 0 : i32
      %dma_wait3A_112 = arith.constant 0 : i32
      %dma_wait3A_113 = tpu.memref_slice %arg13[%dma_wait3A_111, %dma_wait3A_112] : memref<2x128xi32, #tpu.memory_space<vmem>> -> memref<1x128xi32, #tpu.memory_space<vmem>>
      %dma_wait3A_114 = tpu.memref_squeeze %dma_wait3A_113 : memref<1x128xi32, #tpu.memory_space<vmem>> -> memref<128xi32, #tpu.memory_space<vmem>>
      %dma_wait3A_115 = arith.constant 0 : i32
      %dma_wait3A_116 = arith.constant 0 : i32
      %dma_wait3A_117 = tpu.memref_slice %arg6[%dma_wait3A_115, %dma_wait3A_116] : memref<10000x128xf32, #tpu.memory_space<hbm>> -> memref<10000x128xf32, #tpu.memory_space<hbm>>
      tpu.wait_indirect_dma semaphore(%arg18 : memref<!tpu.dma_semaphore, #tpu.memory_space<semaphore_mem>>) src(%dma_wait3A_117 : memref<10000x128xf32, #tpu.memory_space<hbm>>) dst(%arg15 : memref<128x128xf32, #tpu.memory_space<vmem>>)
      %dma_start3A_118 = arith.constant 0 : i32
      %dma_start3A_119 = arith.constant 0 : i32
      %dma_start3A_120 = tpu.memref_slice %arg12[%dma_start3A_118, %dma_start3A_119] : memref<2x128xi32, #tpu.memory_space<vmem>> -> memref<1x128xi32, #tpu.memory_space<vmem>>
      %dma_start3A_121 = tpu.memref_squeeze %dma_start3A_120 : memref<1x128xi32, #tpu.memory_space<vmem>> -> memref<128xi32, #tpu.memory_space<vmem>>
      %dma_start3A_122 = arith.constant 0 : i32
      %dma_start3A_123 = arith.constant 0 : i32
      %dma_start3A_124 = tpu.memref_slice %arg6[%dma_start3A_122, %dma_start3A_123] : memref<10000x128xf32, #tpu.memory_space<hbm>> -> memref<10000x128xf32, #tpu.memory_space<hbm>>
      tpu.enqueue_indirect_dma source(%dma_start3A_124 : memref<10000x128xf32, #tpu.memory_space<hbm>>) target(%arg14 : memref<128x128xf32, #tpu.memory_space<vmem>>) offsets(%dma_start3A_121 : memref<128xi32, #tpu.memory_space<vmem>>) semaphore(%arg17 : memref<!tpu.dma_semaphore, #tpu.memory_space<semaphore_mem>>)
      %run_scoped3A_125 = arith.constant 1 : i32
      "tpu.region"() ({
        %run_scoped3A_126 = tpu.sem_alloc : memref<!tpu.dma_semaphore, #tpu.memory_space<semaphore_mem>>
        %dma_start3A_127 = arith.constant 0 : i32
        %dma_start3A_128 = tpu.memref_slice %arg13[%run_scoped3A_125, %dma_start3A_127] : memref<2x128xi32, #tpu.memory_space<vmem>> -> memref<1x128xi32, #tpu.memory_space<vmem>>
        %dma_start3A_129 = tpu.memref_squeeze %dma_start3A_128 : memref<1x128xi32, #tpu.memory_space<vmem>> -> memref<128xi32, #tpu.memory_space<vmem>>
        %dma_start3A_130 = arith.constant 0 : i32
        %dma_start3A_131 = arith.constant 0 : i32
        %dma_start3A_132 = tpu.memref_slice %arg16[%dma_start3A_130, %dma_start3A_131] : memref<10240x128xf32, #tpu.memory_space<vmem_shared>> -> memref<10240x128xf32, #tpu.memory_space<vmem_shared>>
        tpu.enqueue_indirect_dma source(%arg15 : memref<128x128xf32, #tpu.memory_space<vmem>>) target(%dma_start3A_132 : memref<10240x128xf32, #tpu.memory_space<vmem_shared>>) offsets(%dma_start3A_129 : memref<128xi32, #tpu.memory_space<vmem>>) semaphore(%run_scoped3A_126 : memref<!tpu.dma_semaphore, #tpu.memory_space<semaphore_mem>>) {add = true}
        %dma_wait3A_133 = arith.constant 0 : i32
        %dma_wait3A_134 = tpu.memref_slice %arg13[%run_scoped3A_125, %dma_wait3A_133] : memref<2x128xi32, #tpu.memory_space<vmem>> -> memref<1x128xi32, #tpu.memory_space<vmem>>
        %dma_wait3A_135 = tpu.memref_squeeze %dma_wait3A_134 : memref<1x128xi32, #tpu.memory_space<vmem>> -> memref<128xi32, #tpu.memory_space<vmem>>
        %dma_wait3A_136 = arith.constant 0 : i32
        %dma_wait3A_137 = arith.constant 0 : i32
        %dma_wait3A_138 = tpu.memref_slice %arg16[%dma_wait3A_136, %dma_wait3A_137] : memref<10240x128xf32, #tpu.memory_space<vmem_shared>> -> memref<10240x128xf32, #tpu.memory_space<vmem_shared>>
        tpu.wait_indirect_dma semaphore(%run_scoped3A_126 : memref<!tpu.dma_semaphore, #tpu.memory_space<semaphore_mem>>) src(%arg15 : memref<128x128xf32, #tpu.memory_space<vmem>>) dst(%dma_wait3A_138 : memref<10240x128xf32, #tpu.memory_space<vmem_shared>>)
        tpu.yield
      }) : () -> ()
    }
    %scan3A_55 = arith.constant 80 : i32
    %dma_wait3A_56 = arith.constant 0 : i32
    %dma_wait3A_57 = arith.constant 0 : i32
    %dma_wait3A_58 = tpu.memref_slice %arg12[%dma_wait3A_56, %dma_wait3A_57] : memref<2x128xi32, #tpu.memory_space<vmem>> -> memref<1x128xi32, #tpu.memory_space<vmem>>
    %dma_wait3A_59 = tpu.memref_squeeze %dma_wait3A_58 : memref<1x128xi32, #tpu.memory_space<vmem>> -> memref<128xi32, #tpu.memory_space<vmem>>
    %dma_wait3A_60 = arith.constant 0 : i32
    %dma_wait3A_61 = arith.constant 0 : i32
    %dma_wait3A_62 = tpu.memref_slice %arg6[%dma_wait3A_60, %dma_wait3A_61] : memref<10000x128xf32, #tpu.memory_space<hbm>> -> memref<10000x128xf32, #tpu.memory_space<hbm>>
    tpu.wait_indirect_dma semaphore(%arg17 : memref<!tpu.dma_semaphore, #tpu.memory_space<semaphore_mem>>) src(%dma_wait3A_62 : memref<10000x128xf32, #tpu.memory_space<hbm>>) dst(%arg14 : memref<128x128xf32, #tpu.memory_space<vmem>>)
    %barrier3A_63 = arith.constant 0 : index
    tpu.barrier barrier_id(%barrier3A_63)
    "tpu.region"() ({
      %run_scoped3A_86 = tpu.sem_alloc : memref<!tpu.dma_semaphore, #tpu.memory_space<semaphore_mem>>
      %dma_start3A_87 = arith.constant 0 : i32
      %dma_start3A_88 = tpu.memref_slice %arg10[%arg0, %mul3A_2, %dma_start3A_87] : memref<2x10240x128xf32, #tpu.memory_space<hbm>> -> memref<1x640x128xf32, #tpu.memory_space<hbm>>
      %dma_start3A_89 = tpu.memref_squeeze %dma_start3A_88 : memref<1x640x128xf32, #tpu.memory_space<hbm>> -> memref<640x128xf32, #tpu.memory_space<hbm>>
      %dma_start3A_90 = arith.constant 0 : i32
      %dma_start3A_91 = tpu.memref_slice %arg16[%mul3A_2, %dma_start3A_90] : memref<10240x128xf32, #tpu.memory_space<vmem_shared>> -> memref<640x128xf32, #tpu.memory_space<vmem_shared>>
      tpu.enqueue_dma source(%dma_start3A_91 : memref<640x128xf32, #tpu.memory_space<vmem_shared>>) target(%dma_start3A_89 : memref<640x128xf32, #tpu.memory_space<hbm>>) target_semaphore(%run_scoped3A_86 : memref<!tpu.dma_semaphore, #tpu.memory_space<semaphore_mem>>)
      %dma_wait3A_92 = arith.constant 0 : i32
      %dma_wait3A_93 = tpu.memref_slice %arg10[%arg0, %mul3A_2, %dma_wait3A_92] : memref<2x10240x128xf32, #tpu.memory_space<hbm>> -> memref<1x640x128xf32, #tpu.memory_space<hbm>>
      %dma_wait3A_94 = tpu.memref_squeeze %dma_wait3A_93 : memref<1x640x128xf32, #tpu.memory_space<hbm>> -> memref<640x128xf32, #tpu.memory_space<hbm>>
      %dma_wait3A_95 = arith.constant 0 : i32
      %dma_wait3A_96 = tpu.memref_slice %arg16[%mul3A_2, %dma_wait3A_95] : memref<10240x128xf32, #tpu.memory_space<vmem_shared>> -> memref<640x128xf32, #tpu.memory_space<vmem_shared>>
      tpu.wait_dma2 semaphore(%run_scoped3A_86 : memref<!tpu.dma_semaphore, #tpu.memory_space<semaphore_mem>>) src(%dma_wait3A_96 : memref<640x128xf32, #tpu.memory_space<vmem_shared>>) dst(%dma_wait3A_94 : memref<640x128xf32, #tpu.memory_space<hbm>>)
      tpu.yield
    }) : () -> ()
    "tpu.region"() ({
      %run_scoped3A_86 = tpu.sem_alloc : memref<!tpu.dma_semaphore, #tpu.memory_space<semaphore_mem>>
      %dma_start3A_87 = arith.constant 0 : i32
      %dma_start3A_88 = tpu.memref_slice %arg16[%mul3A_2, %dma_start3A_87] : memref<10240x128xf32, #tpu.memory_space<vmem_shared>> -> memref<640x128xf32, #tpu.memory_space<vmem_shared>>
      tpu.enqueue_dma source(%arg3 : memref<640x128xf32, #tpu.memory_space<hbm>>) target(%dma_start3A_88 : memref<640x128xf32, #tpu.memory_space<vmem_shared>>) target_semaphore(%run_scoped3A_86 : memref<!tpu.dma_semaphore, #tpu.memory_space<semaphore_mem>>)
      %dma_wait3A_89 = arith.constant 0 : i32
      %dma_wait3A_90 = tpu.memref_slice %arg16[%mul3A_2, %dma_wait3A_89] : memref<10240x128xf32, #tpu.memory_space<vmem_shared>> -> memref<640x128xf32, #tpu.memory_space<vmem_shared>>
      tpu.wait_dma2 semaphore(%run_scoped3A_86 : memref<!tpu.dma_semaphore, #tpu.memory_space<semaphore_mem>>) src(%arg3 : memref<640x128xf32, #tpu.memory_space<hbm>>) dst(%dma_wait3A_90 : memref<640x128xf32, #tpu.memory_space<vmem_shared>>)
      tpu.yield
    }) : () -> ()
    %barrier3A_64 = arith.constant 0 : index
    tpu.barrier barrier_id(%barrier3A_64)
    %run_scoped3A_65 = arith.constant 0 : i32
    "tpu.region"() ({
      %run_scoped3A_86 = tpu.sem_alloc : memref<!tpu.dma_semaphore, #tpu.memory_space<semaphore_mem>>
      %dma_start3A_87 = arith.constant 0 : i32
      %dma_start3A_88 = arith.constant 0 : i32
      %dma_start3A_89 = tpu.memref_slice %arg2[%add3A, %run_scoped3A_65, %dma_start3A_87, %dma_start3A_88] : memref<32x160x2x128xi32, #tpu.memory_space<hbm>> -> memref<1x1x2x128xi32, #tpu.memory_space<hbm>>
      %dma_start3A_90 = tpu.memref_squeeze %dma_start3A_89 : memref<1x1x2x128xi32, #tpu.memory_space<hbm>> -> memref<2x128xi32, #tpu.memory_space<hbm>>
      %dma_start3A_91 = arith.constant 0 : i32
      %dma_start3A_92 = arith.constant 0 : i32
      %dma_start3A_93 = tpu.memref_slice %arg2[%add3A, %run_scoped3A_65, %dma_start3A_91, %dma_start3A_92] : memref<32x160x2x128xi32, #tpu.memory_space<hbm>> -> memref<1x1x2x128xi32, #tpu.memory_space<hbm>>
      %dma_start3A_94 = tpu.memref_squeeze %dma_start3A_93 : memref<1x1x2x128xi32, #tpu.memory_space<hbm>> -> memref<2x128xi32, #tpu.memory_space<hbm>>
      tpu.enqueue_dma source(%dma_start3A_94 : memref<2x128xi32, #tpu.memory_space<hbm>>) target(%arg12 : memref<2x128xi32, #tpu.memory_space<vmem>>) target_semaphore(%run_scoped3A_86 : memref<!tpu.dma_semaphore, #tpu.memory_space<semaphore_mem>>)
      %dma_wait3A_95 = arith.constant 0 : i32
      %dma_wait3A_96 = arith.constant 0 : i32
      %dma_wait3A_97 = tpu.memref_slice %arg2[%add3A, %run_scoped3A_65, %dma_wait3A_95, %dma_wait3A_96] : memref<32x160x2x128xi32, #tpu.memory_space<hbm>> -> memref<1x1x2x128xi32, #tpu.memory_space<hbm>>
      %dma_wait3A_98 = tpu.memref_squeeze %dma_wait3A_97 : memref<1x1x2x128xi32, #tpu.memory_space<hbm>> -> memref<2x128xi32, #tpu.memory_space<hbm>>
      %dma_wait3A_99 = arith.constant 0 : i32
      %dma_wait3A_100 = arith.constant 0 : i32
      %dma_wait3A_101 = tpu.memref_slice %arg2[%add3A, %run_scoped3A_65, %dma_wait3A_99, %dma_wait3A_100] : memref<32x160x2x128xi32, #tpu.memory_space<hbm>> -> memref<1x1x2x128xi32, #tpu.memory_space<hbm>>
      %dma_wait3A_102 = tpu.memref_squeeze %dma_wait3A_101 : memref<1x1x2x128xi32, #tpu.memory_space<hbm>> -> memref<2x128xi32, #tpu.memory_space<hbm>>
      tpu.wait_dma2 semaphore(%run_scoped3A_86 : memref<!tpu.dma_semaphore, #tpu.memory_space<semaphore_mem>>) src(%dma_wait3A_102 : memref<2x128xi32, #tpu.memory_space<hbm>>) dst(%arg12 : memref<2x128xi32, #tpu.memory_space<vmem>>)
      tpu.yield
    }) : () -> ()
    %dma_start3A_66 = arith.constant 0 : i32
    %dma_start3A_67 = arith.constant 0 : i32
    %dma_start3A_68 = tpu.memref_slice %arg12[%dma_start3A_66, %dma_start3A_67] : memref<2x128xi32, #tpu.memory_space<vmem>> -> memref<1x128xi32, #tpu.memory_space<vmem>>
    %dma_start3A_69 = tpu.memref_squeeze %dma_start3A_68 : memref<1x128xi32, #tpu.memory_space<vmem>> -> memref<128xi32, #tpu.memory_space<vmem>>
    %dma_start3A_70 = arith.constant 0 : i32
    %dma_start3A_71 = arith.constant 0 : i32
    %dma_start3A_72 = tpu.memref_slice %arg7[%dma_start3A_70, %dma_start3A_71] : memref<10000x128xf32, #tpu.memory_space<hbm>> -> memref<10000x128xf32, #tpu.memory_space<hbm>>
    tpu.enqueue_indirect_dma source(%dma_start3A_72 : memref<10000x128xf32, #tpu.memory_space<hbm>>) target(%arg14 : memref<128x128xf32, #tpu.memory_space<vmem>>) offsets(%dma_start3A_69 : memref<128xi32, #tpu.memory_space<vmem>>) semaphore(%arg17 : memref<!tpu.dma_semaphore, #tpu.memory_space<semaphore_mem>>)
    %scan3A_73 = arith.constant 0 : i32
    %scan3A_74 = arith.constant 80 : i32
    %scan3A_75 = arith.addi %scan3A_73, %scan3A_74 : i32
    %scan3A_76 = arith.constant 1 : i32
    scf.for %scan3A_86 = %scan3A_73 to %scan3A_75 step %scan3A_76  : i32 {
      %mul3A_87 = arith.constant 2 : i32
      %mul3A_88 = arith.muli %scan3A_86, %mul3A_87 : i32
      %add3A_89 = arith.constant 0 : i32
      %add3A_90 = arith.addi %add3A_89, %mul3A_88 : i32
      %add3A_91 = arith.constant 1 : i32
      %add3A_92 = arith.addi %add3A_90, %add3A_91 : i32
      "tpu.region"() ({
        %run_scoped3A_126 = tpu.sem_alloc : memref<!tpu.dma_semaphore, #tpu.memory_space<semaphore_mem>>
        %dma_start3A_127 = arith.constant 0 : i32
        %dma_start3A_128 = arith.constant 0 : i32
        %dma_start3A_129 = tpu.memref_slice %arg2[%add3A, %add3A_92, %dma_start3A_127, %dma_start3A_128] : memref<32x160x2x128xi32, #tpu.memory_space<hbm>> -> memref<1x1x2x128xi32, #tpu.memory_space<hbm>>
        %dma_start3A_130 = tpu.memref_squeeze %dma_start3A_129 : memref<1x1x2x128xi32, #tpu.memory_space<hbm>> -> memref<2x128xi32, #tpu.memory_space<hbm>>
        %dma_start3A_131 = arith.constant 0 : i32
        %dma_start3A_132 = arith.constant 0 : i32
        %dma_start3A_133 = tpu.memref_slice %arg2[%add3A, %add3A_92, %dma_start3A_131, %dma_start3A_132] : memref<32x160x2x128xi32, #tpu.memory_space<hbm>> -> memref<1x1x2x128xi32, #tpu.memory_space<hbm>>
        %dma_start3A_134 = tpu.memref_squeeze %dma_start3A_133 : memref<1x1x2x128xi32, #tpu.memory_space<hbm>> -> memref<2x128xi32, #tpu.memory_space<hbm>>
        tpu.enqueue_dma source(%dma_start3A_134 : memref<2x128xi32, #tpu.memory_space<hbm>>) target(%arg13 : memref<2x128xi32, #tpu.memory_space<vmem>>) target_semaphore(%run_scoped3A_126 : memref<!tpu.dma_semaphore, #tpu.memory_space<semaphore_mem>>)
        %dma_wait3A_135 = arith.constant 0 : i32
        %dma_wait3A_136 = arith.constant 0 : i32
        %dma_wait3A_137 = tpu.memref_slice %arg2[%add3A, %add3A_92, %dma_wait3A_135, %dma_wait3A_136] : memref<32x160x2x128xi32, #tpu.memory_space<hbm>> -> memref<1x1x2x128xi32, #tpu.memory_space<hbm>>
        %dma_wait3A_138 = tpu.memref_squeeze %dma_wait3A_137 : memref<1x1x2x128xi32, #tpu.memory_space<hbm>> -> memref<2x128xi32, #tpu.memory_space<hbm>>
        %dma_wait3A_139 = arith.constant 0 : i32
        %dma_wait3A_140 = arith.constant 0 : i32
        %dma_wait3A_141 = tpu.memref_slice %arg2[%add3A, %add3A_92, %dma_wait3A_139, %dma_wait3A_140] : memref<32x160x2x128xi32, #tpu.memory_space<hbm>> -> memref<1x1x2x128xi32, #tpu.memory_space<hbm>>
        %dma_wait3A_142 = tpu.memref_squeeze %dma_wait3A_141 : memref<1x1x2x128xi32, #tpu.memory_space<hbm>> -> memref<2x128xi32, #tpu.memory_space<hbm>>
        tpu.wait_dma2 semaphore(%run_scoped3A_126 : memref<!tpu.dma_semaphore, #tpu.memory_space<semaphore_mem>>) src(%dma_wait3A_142 : memref<2x128xi32, #tpu.memory_space<hbm>>) dst(%arg13 : memref<2x128xi32, #tpu.memory_space<vmem>>)
        tpu.yield
      }) : () -> ()
      %dma_wait3A_93 = arith.constant 0 : i32
      %dma_wait3A_94 = arith.constant 0 : i32
      %dma_wait3A_95 = tpu.memref_slice %arg12[%dma_wait3A_93, %dma_wait3A_94] : memref<2x128xi32, #tpu.memory_space<vmem>> -> memref<1x128xi32, #tpu.memory_space<vmem>>
      %dma_wait3A_96 = tpu.memref_squeeze %dma_wait3A_95 : memref<1x128xi32, #tpu.memory_space<vmem>> -> memref<128xi32, #tpu.memory_space<vmem>>
      %dma_wait3A_97 = arith.constant 0 : i32
      %dma_wait3A_98 = arith.constant 0 : i32
      %dma_wait3A_99 = tpu.memref_slice %arg7[%dma_wait3A_97, %dma_wait3A_98] : memref<10000x128xf32, #tpu.memory_space<hbm>> -> memref<10000x128xf32, #tpu.memory_space<hbm>>
      tpu.wait_indirect_dma semaphore(%arg17 : memref<!tpu.dma_semaphore, #tpu.memory_space<semaphore_mem>>) src(%dma_wait3A_99 : memref<10000x128xf32, #tpu.memory_space<hbm>>) dst(%arg14 : memref<128x128xf32, #tpu.memory_space<vmem>>)
      %dma_start3A_100 = arith.constant 0 : i32
      %dma_start3A_101 = arith.constant 0 : i32
      %dma_start3A_102 = tpu.memref_slice %arg13[%dma_start3A_100, %dma_start3A_101] : memref<2x128xi32, #tpu.memory_space<vmem>> -> memref<1x128xi32, #tpu.memory_space<vmem>>
      %dma_start3A_103 = tpu.memref_squeeze %dma_start3A_102 : memref<1x128xi32, #tpu.memory_space<vmem>> -> memref<128xi32, #tpu.memory_space<vmem>>
      %dma_start3A_104 = arith.constant 0 : i32
      %dma_start3A_105 = arith.constant 0 : i32
      %dma_start3A_106 = tpu.memref_slice %arg7[%dma_start3A_104, %dma_start3A_105] : memref<10000x128xf32, #tpu.memory_space<hbm>> -> memref<10000x128xf32, #tpu.memory_space<hbm>>
      tpu.enqueue_indirect_dma source(%dma_start3A_106 : memref<10000x128xf32, #tpu.memory_space<hbm>>) target(%arg15 : memref<128x128xf32, #tpu.memory_space<vmem>>) offsets(%dma_start3A_103 : memref<128xi32, #tpu.memory_space<vmem>>) semaphore(%arg18 : memref<!tpu.dma_semaphore, #tpu.memory_space<semaphore_mem>>)
      %run_scoped3A_107 = arith.constant 1 : i32
      "tpu.region"() ({
        %run_scoped3A_126 = tpu.sem_alloc : memref<!tpu.dma_semaphore, #tpu.memory_space<semaphore_mem>>
        %dma_start3A_127 = arith.constant 0 : i32
        %dma_start3A_128 = tpu.memref_slice %arg12[%run_scoped3A_107, %dma_start3A_127] : memref<2x128xi32, #tpu.memory_space<vmem>> -> memref<1x128xi32, #tpu.memory_space<vmem>>
        %dma_start3A_129 = tpu.memref_squeeze %dma_start3A_128 : memref<1x128xi32, #tpu.memory_space<vmem>> -> memref<128xi32, #tpu.memory_space<vmem>>
        %dma_start3A_130 = arith.constant 0 : i32
        %dma_start3A_131 = arith.constant 0 : i32
        %dma_start3A_132 = tpu.memref_slice %arg16[%dma_start3A_130, %dma_start3A_131] : memref<10240x128xf32, #tpu.memory_space<vmem_shared>> -> memref<10240x128xf32, #tpu.memory_space<vmem_shared>>
        tpu.enqueue_indirect_dma source(%arg14 : memref<128x128xf32, #tpu.memory_space<vmem>>) target(%dma_start3A_132 : memref<10240x128xf32, #tpu.memory_space<vmem_shared>>) offsets(%dma_start3A_129 : memref<128xi32, #tpu.memory_space<vmem>>) semaphore(%run_scoped3A_126 : memref<!tpu.dma_semaphore, #tpu.memory_space<semaphore_mem>>) {add = true}
        %dma_wait3A_133 = arith.constant 0 : i32
        %dma_wait3A_134 = tpu.memref_slice %arg12[%run_scoped3A_107, %dma_wait3A_133] : memref<2x128xi32, #tpu.memory_space<vmem>> -> memref<1x128xi32, #tpu.memory_space<vmem>>
        %dma_wait3A_135 = tpu.memref_squeeze %dma_wait3A_134 : memref<1x128xi32, #tpu.memory_space<vmem>> -> memref<128xi32, #tpu.memory_space<vmem>>
        %dma_wait3A_136 = arith.constant 0 : i32
        %dma_wait3A_137 = arith.constant 0 : i32
        %dma_wait3A_138 = tpu.memref_slice %arg16[%dma_wait3A_136, %dma_wait3A_137] : memref<10240x128xf32, #tpu.memory_space<vmem_shared>> -> memref<10240x128xf32, #tpu.memory_space<vmem_shared>>
        tpu.wait_indirect_dma semaphore(%run_scoped3A_126 : memref<!tpu.dma_semaphore, #tpu.memory_space<semaphore_mem>>) src(%arg14 : memref<128x128xf32, #tpu.memory_space<vmem>>) dst(%dma_wait3A_138 : memref<10240x128xf32, #tpu.memory_space<vmem_shared>>)
        tpu.yield
      }) : () -> ()
      %add3A_108 = arith.constant 2 : i32
      %add3A_109 = arith.addi %add3A_90, %add3A_108 : i32
      %rem3A = arith.constant 160 : i32
      %rem3A_110 = arith.remsi %add3A_109, %rem3A : i32
      "tpu.region"() ({
        %run_scoped3A_126 = tpu.sem_alloc : memref<!tpu.dma_semaphore, #tpu.memory_space<semaphore_mem>>
        %dma_start3A_127 = arith.constant 0 : i32
        %dma_start3A_128 = arith.constant 0 : i32
        %dma_start3A_129 = tpu.memref_slice %arg2[%add3A, %rem3A_110, %dma_start3A_127, %dma_start3A_128] : memref<32x160x2x128xi32, #tpu.memory_space<hbm>> -> memref<1x1x2x128xi32, #tpu.memory_space<hbm>>
        %dma_start3A_130 = tpu.memref_squeeze %dma_start3A_129 : memref<1x1x2x128xi32, #tpu.memory_space<hbm>> -> memref<2x128xi32, #tpu.memory_space<hbm>>
        %dma_start3A_131 = arith.constant 0 : i32
        %dma_start3A_132 = arith.constant 0 : i32
        %dma_start3A_133 = tpu.memref_slice %arg2[%add3A, %rem3A_110, %dma_start3A_131, %dma_start3A_132] : memref<32x160x2x128xi32, #tpu.memory_space<hbm>> -> memref<1x1x2x128xi32, #tpu.memory_space<hbm>>
        %dma_start3A_134 = tpu.memref_squeeze %dma_start3A_133 : memref<1x1x2x128xi32, #tpu.memory_space<hbm>> -> memref<2x128xi32, #tpu.memory_space<hbm>>
        tpu.enqueue_dma source(%dma_start3A_134 : memref<2x128xi32, #tpu.memory_space<hbm>>) target(%arg12 : memref<2x128xi32, #tpu.memory_space<vmem>>) target_semaphore(%run_scoped3A_126 : memref<!tpu.dma_semaphore, #tpu.memory_space<semaphore_mem>>)
        %dma_wait3A_135 = arith.constant 0 : i32
        %dma_wait3A_136 = arith.constant 0 : i32
        %dma_wait3A_137 = tpu.memref_slice %arg2[%add3A, %rem3A_110, %dma_wait3A_135, %dma_wait3A_136] : memref<32x160x2x128xi32, #tpu.memory_space<hbm>> -> memref<1x1x2x128xi32, #tpu.memory_space<hbm>>
        %dma_wait3A_138 = tpu.memref_squeeze %dma_wait3A_137 : memref<1x1x2x128xi32, #tpu.memory_space<hbm>> -> memref<2x128xi32, #tpu.memory_space<hbm>>
        %dma_wait3A_139 = arith.constant 0 : i32
        %dma_wait3A_140 = arith.constant 0 : i32
        %dma_wait3A_141 = tpu.memref_slice %arg2[%add3A, %rem3A_110, %dma_wait3A_139, %dma_wait3A_140] : memref<32x160x2x128xi32, #tpu.memory_space<hbm>> -> memref<1x1x2x128xi32, #tpu.memory_space<hbm>>
        %dma_wait3A_142 = tpu.memref_squeeze %dma_wait3A_141 : memref<1x1x2x128xi32, #tpu.memory_space<hbm>> -> memref<2x128xi32, #tpu.memory_space<hbm>>
        tpu.wait_dma2 semaphore(%run_scoped3A_126 : memref<!tpu.dma_semaphore, #tpu.memory_space<semaphore_mem>>) src(%dma_wait3A_142 : memref<2x128xi32, #tpu.memory_space<hbm>>) dst(%arg12 : memref<2x128xi32, #tpu.memory_space<vmem>>)
        tpu.yield
      }) : () -> ()
      %dma_wait3A_111 = arith.constant 0 : i32
      %dma_wait3A_112 = arith.constant 0 : i32
      %dma_wait3A_113 = tpu.memref_slice %arg13[%dma_wait3A_111, %dma_wait3A_112] : memref<2x128xi32, #tpu.memory_space<vmem>> -> memref<1x128xi32, #tpu.memory_space<vmem>>
      %dma_wait3A_114 = tpu.memref_squeeze %dma_wait3A_113 : memref<1x128xi32, #tpu.memory_space<vmem>> -> memref<128xi32, #tpu.memory_space<vmem>>
      %dma_wait3A_115 = arith.constant 0 : i32
      %dma_wait3A_116 = arith.constant 0 : i32
      %dma_wait3A_117 = tpu.memref_slice %arg7[%dma_wait3A_115, %dma_wait3A_116] : memref<10000x128xf32, #tpu.memory_space<hbm>> -> memref<10000x128xf32, #tpu.memory_space<hbm>>
      tpu.wait_indirect_dma semaphore(%arg18 : memref<!tpu.dma_semaphore, #tpu.memory_space<semaphore_mem>>) src(%dma_wait3A_117 : memref<10000x128xf32, #tpu.memory_space<hbm>>) dst(%arg15 : memref<128x128xf32, #tpu.memory_space<vmem>>)
      %dma_start3A_118 = arith.constant 0 : i32
      %dma_start3A_119 = arith.constant 0 : i32
      %dma_start3A_120 = tpu.memref_slice %arg12[%dma_start3A_118, %dma_start3A_119] : memref<2x128xi32, #tpu.memory_space<vmem>> -> memref<1x128xi32, #tpu.memory_space<vmem>>
      %dma_start3A_121 = tpu.memref_squeeze %dma_start3A_120 : memref<1x128xi32, #tpu.memory_space<vmem>> -> memref<128xi32, #tpu.memory_space<vmem>>
      %dma_start3A_122 = arith.constant 0 : i32
      %dma_start3A_123 = arith.constant 0 : i32
      %dma_start3A_124 = tpu.memref_slice %arg7[%dma_start3A_122, %dma_start3A_123] : memref<10000x128xf32, #tpu.memory_space<hbm>> -> memref<10000x128xf32, #tpu.memory_space<hbm>>
      tpu.enqueue_indirect_dma source(%dma_start3A_124 : memref<10000x128xf32, #tpu.memory_space<hbm>>) target(%arg14 : memref<128x128xf32, #tpu.memory_space<vmem>>) offsets(%dma_start3A_121 : memref<128xi32, #tpu.memory_space<vmem>>) semaphore(%arg17 : memref<!tpu.dma_semaphore, #tpu.memory_space<semaphore_mem>>)
      %run_scoped3A_125 = arith.constant 1 : i32
      "tpu.region"() ({
        %run_scoped3A_126 = tpu.sem_alloc : memref<!tpu.dma_semaphore, #tpu.memory_space<semaphore_mem>>
        %dma_start3A_127 = arith.constant 0 : i32
        %dma_start3A_128 = tpu.memref_slice %arg13[%run_scoped3A_125, %dma_start3A_127] : memref<2x128xi32, #tpu.memory_space<vmem>> -> memref<1x128xi32, #tpu.memory_space<vmem>>
        %dma_start3A_129 = tpu.memref_squeeze %dma_start3A_128 : memref<1x128xi32, #tpu.memory_space<vmem>> -> memref<128xi32, #tpu.memory_space<vmem>>
        %dma_start3A_130 = arith.constant 0 : i32
        %dma_start3A_131 = arith.constant 0 : i32
        %dma_start3A_132 = tpu.memref_slice %arg16[%dma_start3A_130, %dma_start3A_131] : memref<10240x128xf32, #tpu.memory_space<vmem_shared>> -> memref<10240x128xf32, #tpu.memory_space<vmem_shared>>
        tpu.enqueue_indirect_dma source(%arg15 : memref<128x128xf32, #tpu.memory_space<vmem>>) target(%dma_start3A_132 : memref<10240x128xf32, #tpu.memory_space<vmem_shared>>) offsets(%dma_start3A_129 : memref<128xi32, #tpu.memory_space<vmem>>) semaphore(%run_scoped3A_126 : memref<!tpu.dma_semaphore, #tpu.memory_space<semaphore_mem>>) {add = true}
        %dma_wait3A_133 = arith.constant 0 : i32
        %dma_wait3A_134 = tpu.memref_slice %arg13[%run_scoped3A_125, %dma_wait3A_133] : memref<2x128xi32, #tpu.memory_space<vmem>> -> memref<1x128xi32, #tpu.memory_space<vmem>>
        %dma_wait3A_135 = tpu.memref_squeeze %dma_wait3A_134 : memref<1x128xi32, #tpu.memory_space<vmem>> -> memref<128xi32, #tpu.memory_space<vmem>>
        %dma_wait3A_136 = arith.constant 0 : i32
        %dma_wait3A_137 = arith.constant 0 : i32
        %dma_wait3A_138 = tpu.memref_slice %arg16[%dma_wait3A_136, %dma_wait3A_137] : memref<10240x128xf32, #tpu.memory_space<vmem_shared>> -> memref<10240x128xf32, #tpu.memory_space<vmem_shared>>
        tpu.wait_indirect_dma semaphore(%run_scoped3A_126 : memref<!tpu.dma_semaphore, #tpu.memory_space<semaphore_mem>>) src(%arg15 : memref<128x128xf32, #tpu.memory_space<vmem>>) dst(%dma_wait3A_138 : memref<10240x128xf32, #tpu.memory_space<vmem_shared>>)
        tpu.yield
      }) : () -> ()
    }
    %scan3A_77 = arith.constant 80 : i32
    %dma_wait3A_78 = arith.constant 0 : i32
    %dma_wait3A_79 = arith.constant 0 : i32
    %dma_wait3A_80 = tpu.memref_slice %arg12[%dma_wait3A_78, %dma_wait3A_79] : memref<2x128xi32, #tpu.memory_space<vmem>> -> memref<1x128xi32, #tpu.memory_space<vmem>>
    %dma_wait3A_81 = tpu.memref_squeeze %dma_wait3A_80 : memref<1x128xi32, #tpu.memory_space<vmem>> -> memref<128xi32, #tpu.memory_space<vmem>>
    %dma_wait3A_82 = arith.constant 0 : i32
    %dma_wait3A_83 = arith.constant 0 : i32
    %dma_wait3A_84 = tpu.memref_slice %arg7[%dma_wait3A_82, %dma_wait3A_83] : memref<10000x128xf32, #tpu.memory_space<hbm>> -> memref<10000x128xf32, #tpu.memory_space<hbm>>
    tpu.wait_indirect_dma semaphore(%arg17 : memref<!tpu.dma_semaphore, #tpu.memory_space<semaphore_mem>>) src(%dma_wait3A_84 : memref<10000x128xf32, #tpu.memory_space<hbm>>) dst(%arg14 : memref<128x128xf32, #tpu.memory_space<vmem>>)
    %barrier3A_85 = arith.constant 0 : index
    tpu.barrier barrier_id(%barrier3A_85)
    "tpu.region"() ({
      %run_scoped3A_86 = tpu.sem_alloc : memref<!tpu.dma_semaphore, #tpu.memory_space<semaphore_mem>>
      %dma_start3A_87 = arith.constant 0 : i32
      %dma_start3A_88 = tpu.memref_slice %arg11[%arg0, %mul3A_2, %dma_start3A_87] : memref<2x10240x128xf32, #tpu.memory_space<hbm>> -> memref<1x640x128xf32, #tpu.memory_space<hbm>>
      %dma_start3A_89 = tpu.memref_squeeze %dma_start3A_88 : memref<1x640x128xf32, #tpu.memory_space<hbm>> -> memref<640x128xf32, #tpu.memory_space<hbm>>
      %dma_start3A_90 = arith.constant 0 : i32
      %dma_start3A_91 = tpu.memref_slice %arg16[%mul3A_2, %dma_start3A_90] : memref<10240x128xf32, #tpu.memory_space<vmem_shared>> -> memref<640x128xf32, #tpu.memory_space<vmem_shared>>
      tpu.enqueue_dma source(%dma_start3A_91 : memref<640x128xf32, #tpu.memory_space<vmem_shared>>) target(%dma_start3A_89 : memref<640x128xf32, #tpu.memory_space<hbm>>) target_semaphore(%run_scoped3A_86 : memref<!tpu.dma_semaphore, #tpu.memory_space<semaphore_mem>>)
      %dma_wait3A_92 = arith.constant 0 : i32
      %dma_wait3A_93 = tpu.memref_slice %arg11[%arg0, %mul3A_2, %dma_wait3A_92] : memref<2x10240x128xf32, #tpu.memory_space<hbm>> -> memref<1x640x128xf32, #tpu.memory_space<hbm>>
      %dma_wait3A_94 = tpu.memref_squeeze %dma_wait3A_93 : memref<1x640x128xf32, #tpu.memory_space<hbm>> -> memref<640x128xf32, #tpu.memory_space<hbm>>
      %dma_wait3A_95 = arith.constant 0 : i32
      %dma_wait3A_96 = tpu.memref_slice %arg16[%mul3A_2, %dma_wait3A_95] : memref<10240x128xf32, #tpu.memory_space<vmem_shared>> -> memref<640x128xf32, #tpu.memory_space<vmem_shared>>
      tpu.wait_dma2 semaphore(%run_scoped3A_86 : memref<!tpu.dma_semaphore, #tpu.memory_space<semaphore_mem>>) src(%dma_wait3A_96 : memref<640x128xf32, #tpu.memory_space<vmem_shared>>) dst(%dma_wait3A_94 : memref<640x128xf32, #tpu.memory_space<hbm>>)
      tpu.yield
    }) : () -> ()
    return
  }
}

#map = affine_map<(d0, d1) -> (0, 0, 0, 0)>
#map1 = affine_map<(d0, d1) -> (0, 0)>
#map2 = affine_map<(d0, d1) -> (0, 0, 0)>
module attributes {stable_mosaic.version = 14 : i64} {
  func.func @sc_edge_agg(%arg0: i32, %arg1: i32, %arg2: memref<32x160x2x128xi32, #tpu.memory_space<hbm>>, %arg3: memref<640x128xf32, #tpu.memory_space<hbm>>, %arg4: memref<10000x128xf32, #tpu.memory_space<hbm>>, %arg5: memref<10000x128xf32, #tpu.memory_space<hbm>>, %arg6: memref<10000x128xf32, #tpu.memory_space<hbm>>, %arg7: memref<10000x128xf32, #tpu.memory_space<hbm>>, %arg8: memref<2x10240x128xf32, #tpu.memory_space<hbm>>, %arg9: memref<2x10240x128xf32, #tpu.memory_space<hbm>>, %arg10: memref<2x10240x128xf32, #tpu.memory_space<hbm>>, %arg11: memref<2x10240x128xf32, #tpu.memory_space<hbm>>, %arg12: memref<2x128xi32, #tpu.memory_space<vmem>>, %arg13: memref<2x128xi32, #tpu.memory_space<vmem>>, %arg14: memref<128x128xf32, #tpu.memory_space<vmem>>, %arg15: memref<128x128xf32, #tpu.memory_space<vmem>>, %arg16: memref<10240x128xf32, #tpu.memory_space<vmem_shared>>, %arg17: memref<!tpu.dma_semaphore, #tpu.memory_space<semaphore_mem>>, %arg18: memref<!tpu.dma_semaphore, #tpu.memory_space<semaphore_mem>>, %arg19: memref<!tpu.dma_semaphore, #tpu.memory_space<semaphore_mem>>, %arg20: memref<!tpu.dma_semaphore, #tpu.memory_space<semaphore_mem>>) attributes {dimension_semantics = [#tpu.dimension_semantics<core_parallel>, #tpu.dimension_semantics<subcore_parallel>], iteration_bounds = array<i64: 2, 16>, scalar_prefetch = 0 : i64, scratch_operands = 9 : i64, tpu.core_type = #tpu.core_type<sc_vector_subcore>, window_params = [{transform_indices = #map}, {transform_indices = #map1}, {transform_indices = #map1}, {transform_indices = #map1}, {transform_indices = #map1}, {transform_indices = #map1}, {transform_indices = #map2}, {transform_indices = #map2}, {transform_indices = #map2}, {transform_indices = #map2}]} {
    %mul3A = arith.constant 16 : i32
    %mul3A_0 = arith.muli %arg0, %mul3A : i32
    %add3A = arith.addi %mul3A_0, %arg1 : i32
    %mul3A_1 = arith.constant 640 : i32
    %mul3A_2 = arith.muli %arg1, %mul3A_1 : i32
    "tpu.region"() ({
      %run_scoped3A_86 = tpu.sem_alloc : memref<!tpu.dma_semaphore, #tpu.memory_space<semaphore_mem>>
      %dma_start3A_87 = arith.constant 0 : i32
      %dma_start3A_88 = tpu.memref_slice %arg16[%mul3A_2, %dma_start3A_87] : memref<10240x128xf32, #tpu.memory_space<vmem_shared>> -> memref<640x128xf32, #tpu.memory_space<vmem_shared>>
      tpu.enqueue_dma source(%arg3 : memref<640x128xf32, #tpu.memory_space<hbm>>) target(%dma_start3A_88 : memref<640x128xf32, #tpu.memory_space<vmem_shared>>) target_semaphore(%run_scoped3A_86 : memref<!tpu.dma_semaphore, #tpu.memory_space<semaphore_mem>>)
      %dma_wait3A_89 = arith.constant 0 : i32
      %dma_wait3A_90 = tpu.memref_slice %arg16[%mul3A_2, %dma_wait3A_89] : memref<10240x128xf32, #tpu.memory_space<vmem_shared>> -> memref<640x128xf32, #tpu.memory_space<vmem_shared>>
      tpu.wait_dma2 semaphore(%run_scoped3A_86 : memref<!tpu.dma_semaphore, #tpu.memory_space<semaphore_mem>>) src(%arg3 : memref<640x128xf32, #tpu.memory_space<hbm>>) dst(%dma_wait3A_90 : memref<640x128xf32, #tpu.memory_space<vmem_shared>>)
      tpu.yield
    }) : () -> ()
    %barrier3A = arith.constant 0 : index
    tpu.barrier barrier_id(%barrier3A)
    %run_scoped3A = arith.constant 0 : i32
    "tpu.region"() ({
      %run_scoped3A_86 = tpu.sem_alloc : memref<!tpu.dma_semaphore, #tpu.memory_space<semaphore_mem>>
      %dma_start3A_87 = arith.constant 0 : i32
      %dma_start3A_88 = arith.constant 0 : i32
      %dma_start3A_89 = tpu.memref_slice %arg2[%add3A, %run_scoped3A, %dma_start3A_87, %dma_start3A_88] : memref<32x160x2x128xi32, #tpu.memory_space<hbm>> -> memref<1x1x2x128xi32, #tpu.memory_space<hbm>>
      %dma_start3A_90 = tpu.memref_squeeze %dma_start3A_89 : memref<1x1x2x128xi32, #tpu.memory_space<hbm>> -> memref<2x128xi32, #tpu.memory_space<hbm>>
      %dma_start3A_91 = arith.constant 0 : i32
      %dma_start3A_92 = arith.constant 0 : i32
      %dma_start3A_93 = tpu.memref_slice %arg2[%add3A, %run_scoped3A, %dma_start3A_91, %dma_start3A_92] : memref<32x160x2x128xi32, #tpu.memory_space<hbm>> -> memref<1x1x2x128xi32, #tpu.memory_space<hbm>>
      %dma_start3A_94 = tpu.memref_squeeze %dma_start3A_93 : memref<1x1x2x128xi32, #tpu.memory_space<hbm>> -> memref<2x128xi32, #tpu.memory_space<hbm>>
      tpu.enqueue_dma source(%dma_start3A_94 : memref<2x128xi32, #tpu.memory_space<hbm>>) target(%arg12 : memref<2x128xi32, #tpu.memory_space<vmem>>) target_semaphore(%run_scoped3A_86 : memref<!tpu.dma_semaphore, #tpu.memory_space<semaphore_mem>>)
      %dma_wait3A_95 = arith.constant 0 : i32
      %dma_wait3A_96 = arith.constant 0 : i32
      %dma_wait3A_97 = tpu.memref_slice %arg2[%add3A, %run_scoped3A, %dma_wait3A_95, %dma_wait3A_96] : memref<32x160x2x128xi32, #tpu.memory_space<hbm>> -> memref<1x1x2x128xi32, #tpu.memory_space<hbm>>
      %dma_wait3A_98 = tpu.memref_squeeze %dma_wait3A_97 : memref<1x1x2x128xi32, #tpu.memory_space<hbm>> -> memref<2x128xi32, #tpu.memory_space<hbm>>
      %dma_wait3A_99 = arith.constant 0 : i32
      %dma_wait3A_100 = arith.constant 0 : i32
      %dma_wait3A_101 = tpu.memref_slice %arg2[%add3A, %run_scoped3A, %dma_wait3A_99, %dma_wait3A_100] : memref<32x160x2x128xi32, #tpu.memory_space<hbm>> -> memref<1x1x2x128xi32, #tpu.memory_space<hbm>>
      %dma_wait3A_102 = tpu.memref_squeeze %dma_wait3A_101 : memref<1x1x2x128xi32, #tpu.memory_space<hbm>> -> memref<2x128xi32, #tpu.memory_space<hbm>>
      tpu.wait_dma2 semaphore(%run_scoped3A_86 : memref<!tpu.dma_semaphore, #tpu.memory_space<semaphore_mem>>) src(%dma_wait3A_102 : memref<2x128xi32, #tpu.memory_space<hbm>>) dst(%arg12 : memref<2x128xi32, #tpu.memory_space<vmem>>)
      tpu.yield
    }) : () -> ()
    %dma_start3A = arith.constant 0 : i32
    %dma_start3A_3 = arith.constant 0 : i32
    %dma_start3A_4 = tpu.memref_slice %arg12[%dma_start3A, %dma_start3A_3] : memref<2x128xi32, #tpu.memory_space<vmem>> -> memref<1x128xi32, #tpu.memory_space<vmem>>
    %dma_start3A_5 = tpu.memref_squeeze %dma_start3A_4 : memref<1x128xi32, #tpu.memory_space<vmem>> -> memref<128xi32, #tpu.memory_space<vmem>>
    %dma_start3A_6 = arith.constant 0 : i32
    %dma_start3A_7 = arith.constant 0 : i32
    %dma_start3A_8 = tpu.memref_slice %arg4[%dma_start3A_6, %dma_start3A_7] : memref<10000x128xf32, #tpu.memory_space<hbm>> -> memref<10000x128xf32, #tpu.memory_space<hbm>>
    tpu.enqueue_indirect_dma source(%dma_start3A_8 : memref<10000x128xf32, #tpu.memory_space<hbm>>) target(%arg14 : memref<128x128xf32, #tpu.memory_space<vmem>>) offsets(%dma_start3A_5 : memref<128xi32, #tpu.memory_space<vmem>>) semaphore(%arg17 : memref<!tpu.dma_semaphore, #tpu.memory_space<semaphore_mem>>)
    %scan3A = arith.constant 0 : i32
    %scan3A_9 = arith.constant 80 : i32
    %scan3A_10 = arith.addi %scan3A, %scan3A_9 : i32
    %scan3A_11 = arith.constant 1 : i32
    scf.for %scan3A_86 = %scan3A to %scan3A_10 step %scan3A_11  : i32 {
      %mul3A_87 = arith.constant 2 : i32
      %mul3A_88 = arith.muli %scan3A_86, %mul3A_87 : i32
      %add3A_89 = arith.constant 0 : i32
      %add3A_90 = arith.addi %add3A_89, %mul3A_88 : i32
      %add3A_91 = arith.constant 1 : i32
      %add3A_92 = arith.addi %add3A_90, %add3A_91 : i32
      "tpu.region"() ({
        %run_scoped3A_126 = tpu.sem_alloc : memref<!tpu.dma_semaphore, #tpu.memory_space<semaphore_mem>>
        %dma_start3A_127 = arith.constant 0 : i32
        %dma_start3A_128 = arith.constant 0 : i32
        %dma_start3A_129 = tpu.memref_slice %arg2[%add3A, %add3A_92, %dma_start3A_127, %dma_start3A_128] : memref<32x160x2x128xi32, #tpu.memory_space<hbm>> -> memref<1x1x2x128xi32, #tpu.memory_space<hbm>>
        %dma_start3A_130 = tpu.memref_squeeze %dma_start3A_129 : memref<1x1x2x128xi32, #tpu.memory_space<hbm>> -> memref<2x128xi32, #tpu.memory_space<hbm>>
        %dma_start3A_131 = arith.constant 0 : i32
        %dma_start3A_132 = arith.constant 0 : i32
        %dma_start3A_133 = tpu.memref_slice %arg2[%add3A, %add3A_92, %dma_start3A_131, %dma_start3A_132] : memref<32x160x2x128xi32, #tpu.memory_space<hbm>> -> memref<1x1x2x128xi32, #tpu.memory_space<hbm>>
        %dma_start3A_134 = tpu.memref_squeeze %dma_start3A_133 : memref<1x1x2x128xi32, #tpu.memory_space<hbm>> -> memref<2x128xi32, #tpu.memory_space<hbm>>
        tpu.enqueue_dma source(%dma_start3A_134 : memref<2x128xi32, #tpu.memory_space<hbm>>) target(%arg13 : memref<2x128xi32, #tpu.memory_space<vmem>>) target_semaphore(%run_scoped3A_126 : memref<!tpu.dma_semaphore, #tpu.memory_space<semaphore_mem>>)
        %dma_wait3A_135 = arith.constant 0 : i32
        %dma_wait3A_136 = arith.constant 0 : i32
        %dma_wait3A_137 = tpu.memref_slice %arg2[%add3A, %add3A_92, %dma_wait3A_135, %dma_wait3A_136] : memref<32x160x2x128xi32, #tpu.memory_space<hbm>> -> memref<1x1x2x128xi32, #tpu.memory_space<hbm>>
        %dma_wait3A_138 = tpu.memref_squeeze %dma_wait3A_137 : memref<1x1x2x128xi32, #tpu.memory_space<hbm>> -> memref<2x128xi32, #tpu.memory_space<hbm>>
        %dma_wait3A_139 = arith.constant 0 : i32
        %dma_wait3A_140 = arith.constant 0 : i32
        %dma_wait3A_141 = tpu.memref_slice %arg2[%add3A, %add3A_92, %dma_wait3A_139, %dma_wait3A_140] : memref<32x160x2x128xi32, #tpu.memory_space<hbm>> -> memref<1x1x2x128xi32, #tpu.memory_space<hbm>>
        %dma_wait3A_142 = tpu.memref_squeeze %dma_wait3A_141 : memref<1x1x2x128xi32, #tpu.memory_space<hbm>> -> memref<2x128xi32, #tpu.memory_space<hbm>>
        tpu.wait_dma2 semaphore(%run_scoped3A_126 : memref<!tpu.dma_semaphore, #tpu.memory_space<semaphore_mem>>) src(%dma_wait3A_142 : memref<2x128xi32, #tpu.memory_space<hbm>>) dst(%arg13 : memref<2x128xi32, #tpu.memory_space<vmem>>)
        tpu.yield
      }) : () -> ()
      %dma_wait3A_93 = arith.constant 0 : i32
      %dma_wait3A_94 = arith.constant 0 : i32
      %dma_wait3A_95 = tpu.memref_slice %arg12[%dma_wait3A_93, %dma_wait3A_94] : memref<2x128xi32, #tpu.memory_space<vmem>> -> memref<1x128xi32, #tpu.memory_space<vmem>>
      %dma_wait3A_96 = tpu.memref_squeeze %dma_wait3A_95 : memref<1x128xi32, #tpu.memory_space<vmem>> -> memref<128xi32, #tpu.memory_space<vmem>>
      %dma_wait3A_97 = arith.constant 0 : i32
      %dma_wait3A_98 = arith.constant 0 : i32
      %dma_wait3A_99 = tpu.memref_slice %arg4[%dma_wait3A_97, %dma_wait3A_98] : memref<10000x128xf32, #tpu.memory_space<hbm>> -> memref<10000x128xf32, #tpu.memory_space<hbm>>
      tpu.wait_indirect_dma semaphore(%arg17 : memref<!tpu.dma_semaphore, #tpu.memory_space<semaphore_mem>>) src(%dma_wait3A_99 : memref<10000x128xf32, #tpu.memory_space<hbm>>) dst(%arg14 : memref<128x128xf32, #tpu.memory_space<vmem>>)
      %dma_start3A_100 = arith.constant 0 : i32
      %dma_start3A_101 = arith.constant 0 : i32
      %dma_start3A_102 = tpu.memref_slice %arg13[%dma_start3A_100, %dma_start3A_101] : memref<2x128xi32, #tpu.memory_space<vmem>> -> memref<1x128xi32, #tpu.memory_space<vmem>>
      %dma_start3A_103 = tpu.memref_squeeze %dma_start3A_102 : memref<1x128xi32, #tpu.memory_space<vmem>> -> memref<128xi32, #tpu.memory_space<vmem>>
      %dma_start3A_104 = arith.constant 0 : i32
      %dma_start3A_105 = arith.constant 0 : i32
      %dma_start3A_106 = tpu.memref_slice %arg4[%dma_start3A_104, %dma_start3A_105] : memref<10000x128xf32, #tpu.memory_space<hbm>> -> memref<10000x128xf32, #tpu.memory_space<hbm>>
      tpu.enqueue_indirect_dma source(%dma_start3A_106 : memref<10000x128xf32, #tpu.memory_space<hbm>>) target(%arg15 : memref<128x128xf32, #tpu.memory_space<vmem>>) offsets(%dma_start3A_103 : memref<128xi32, #tpu.memory_space<vmem>>) semaphore(%arg18 : memref<!tpu.dma_semaphore, #tpu.memory_space<semaphore_mem>>)
      %run_scoped3A_107 = arith.constant 1 : i32
      "tpu.region"() ({
        %run_scoped3A_126 = tpu.sem_alloc : memref<!tpu.dma_semaphore, #tpu.memory_space<semaphore_mem>>
        %dma_start3A_127 = arith.constant 0 : i32
        %dma_start3A_128 = tpu.memref_slice %arg12[%run_scoped3A_107, %dma_start3A_127] : memref<2x128xi32, #tpu.memory_space<vmem>> -> memref<1x128xi32, #tpu.memory_space<vmem>>
        %dma_start3A_129 = tpu.memref_squeeze %dma_start3A_128 : memref<1x128xi32, #tpu.memory_space<vmem>> -> memref<128xi32, #tpu.memory_space<vmem>>
        %dma_start3A_130 = arith.constant 0 : i32
        %dma_start3A_131 = arith.constant 0 : i32
        %dma_start3A_132 = tpu.memref_slice %arg16[%dma_start3A_130, %dma_start3A_131] : memref<10240x128xf32, #tpu.memory_space<vmem_shared>> -> memref<10240x128xf32, #tpu.memory_space<vmem_shared>>
        tpu.enqueue_indirect_dma source(%arg14 : memref<128x128xf32, #tpu.memory_space<vmem>>) target(%dma_start3A_132 : memref<10240x128xf32, #tpu.memory_space<vmem_shared>>) offsets(%dma_start3A_129 : memref<128xi32, #tpu.memory_space<vmem>>) semaphore(%run_scoped3A_126 : memref<!tpu.dma_semaphore, #tpu.memory_space<semaphore_mem>>) {add = true}
        %dma_wait3A_133 = arith.constant 0 : i32
        %dma_wait3A_134 = tpu.memref_slice %arg12[%run_scoped3A_107, %dma_wait3A_133] : memref<2x128xi32, #tpu.memory_space<vmem>> -> memref<1x128xi32, #tpu.memory_space<vmem>>
        %dma_wait3A_135 = tpu.memref_squeeze %dma_wait3A_134 : memref<1x128xi32, #tpu.memory_space<vmem>> -> memref<128xi32, #tpu.memory_space<vmem>>
        %dma_wait3A_136 = arith.constant 0 : i32
        %dma_wait3A_137 = arith.constant 0 : i32
        %dma_wait3A_138 = tpu.memref_slice %arg16[%dma_wait3A_136, %dma_wait3A_137] : memref<10240x128xf32, #tpu.memory_space<vmem_shared>> -> memref<10240x128xf32, #tpu.memory_space<vmem_shared>>
        tpu.wait_indirect_dma semaphore(%run_scoped3A_126 : memref<!tpu.dma_semaphore, #tpu.memory_space<semaphore_mem>>) src(%arg14 : memref<128x128xf32, #tpu.memory_space<vmem>>) dst(%dma_wait3A_138 : memref<10240x128xf32, #tpu.memory_space<vmem_shared>>)
        tpu.yield
      }) : () -> ()
      %add3A_108 = arith.constant 2 : i32
      %add3A_109 = arith.addi %add3A_90, %add3A_108 : i32
      %rem3A = arith.constant 160 : i32
      %rem3A_110 = arith.remsi %add3A_109, %rem3A : i32
      "tpu.region"() ({
        %run_scoped3A_126 = tpu.sem_alloc : memref<!tpu.dma_semaphore, #tpu.memory_space<semaphore_mem>>
        %dma_start3A_127 = arith.constant 0 : i32
        %dma_start3A_128 = arith.constant 0 : i32
        %dma_start3A_129 = tpu.memref_slice %arg2[%add3A, %rem3A_110, %dma_start3A_127, %dma_start3A_128] : memref<32x160x2x128xi32, #tpu.memory_space<hbm>> -> memref<1x1x2x128xi32, #tpu.memory_space<hbm>>
        %dma_start3A_130 = tpu.memref_squeeze %dma_start3A_129 : memref<1x1x2x128xi32, #tpu.memory_space<hbm>> -> memref<2x128xi32, #tpu.memory_space<hbm>>
        %dma_start3A_131 = arith.constant 0 : i32
        %dma_start3A_132 = arith.constant 0 : i32
        %dma_start3A_133 = tpu.memref_slice %arg2[%add3A, %rem3A_110, %dma_start3A_131, %dma_start3A_132] : memref<32x160x2x128xi32, #tpu.memory_space<hbm>> -> memref<1x1x2x128xi32, #tpu.memory_space<hbm>>
        %dma_start3A_134 = tpu.memref_squeeze %dma_start3A_133 : memref<1x1x2x128xi32, #tpu.memory_space<hbm>> -> memref<2x128xi32, #tpu.memory_space<hbm>>
        tpu.enqueue_dma source(%dma_start3A_134 : memref<2x128xi32, #tpu.memory_space<hbm>>) target(%arg12 : memref<2x128xi32, #tpu.memory_space<vmem>>) target_semaphore(%run_scoped3A_126 : memref<!tpu.dma_semaphore, #tpu.memory_space<semaphore_mem>>)
        %dma_wait3A_135 = arith.constant 0 : i32
        %dma_wait3A_136 = arith.constant 0 : i32
        %dma_wait3A_137 = tpu.memref_slice %arg2[%add3A, %rem3A_110, %dma_wait3A_135, %dma_wait3A_136] : memref<32x160x2x128xi32, #tpu.memory_space<hbm>> -> memref<1x1x2x128xi32, #tpu.memory_space<hbm>>
        %dma_wait3A_138 = tpu.memref_squeeze %dma_wait3A_137 : memref<1x1x2x128xi32, #tpu.memory_space<hbm>> -> memref<2x128xi32, #tpu.memory_space<hbm>>
        %dma_wait3A_139 = arith.constant 0 : i32
        %dma_wait3A_140 = arith.constant 0 : i32
        %dma_wait3A_141 = tpu.memref_slice %arg2[%add3A, %rem3A_110, %dma_wait3A_139, %dma_wait3A_140] : memref<32x160x2x128xi32, #tpu.memory_space<hbm>> -> memref<1x1x2x128xi32, #tpu.memory_space<hbm>>
        %dma_wait3A_142 = tpu.memref_squeeze %dma_wait3A_141 : memref<1x1x2x128xi32, #tpu.memory_space<hbm>> -> memref<2x128xi32, #tpu.memory_space<hbm>>
        tpu.wait_dma2 semaphore(%run_scoped3A_126 : memref<!tpu.dma_semaphore, #tpu.memory_space<semaphore_mem>>) src(%dma_wait3A_142 : memref<2x128xi32, #tpu.memory_space<hbm>>) dst(%arg12 : memref<2x128xi32, #tpu.memory_space<vmem>>)
        tpu.yield
      }) : () -> ()
      %dma_wait3A_111 = arith.constant 0 : i32
      %dma_wait3A_112 = arith.constant 0 : i32
      %dma_wait3A_113 = tpu.memref_slice %arg13[%dma_wait3A_111, %dma_wait3A_112] : memref<2x128xi32, #tpu.memory_space<vmem>> -> memref<1x128xi32, #tpu.memory_space<vmem>>
      %dma_wait3A_114 = tpu.memref_squeeze %dma_wait3A_113 : memref<1x128xi32, #tpu.memory_space<vmem>> -> memref<128xi32, #tpu.memory_space<vmem>>
      %dma_wait3A_115 = arith.constant 0 : i32
      %dma_wait3A_116 = arith.constant 0 : i32
      %dma_wait3A_117 = tpu.memref_slice %arg4[%dma_wait3A_115, %dma_wait3A_116] : memref<10000x128xf32, #tpu.memory_space<hbm>> -> memref<10000x128xf32, #tpu.memory_space<hbm>>
      tpu.wait_indirect_dma semaphore(%arg18 : memref<!tpu.dma_semaphore, #tpu.memory_space<semaphore_mem>>) src(%dma_wait3A_117 : memref<10000x128xf32, #tpu.memory_space<hbm>>) dst(%arg15 : memref<128x128xf32, #tpu.memory_space<vmem>>)
      %dma_start3A_118 = arith.constant 0 : i32
      %dma_start3A_119 = arith.constant 0 : i32
      %dma_start3A_120 = tpu.memref_slice %arg12[%dma_start3A_118, %dma_start3A_119] : memref<2x128xi32, #tpu.memory_space<vmem>> -> memref<1x128xi32, #tpu.memory_space<vmem>>
      %dma_start3A_121 = tpu.memref_squeeze %dma_start3A_120 : memref<1x128xi32, #tpu.memory_space<vmem>> -> memref<128xi32, #tpu.memory_space<vmem>>
      %dma_start3A_122 = arith.constant 0 : i32
      %dma_start3A_123 = arith.constant 0 : i32
      %dma_start3A_124 = tpu.memref_slice %arg4[%dma_start3A_122, %dma_start3A_123] : memref<10000x128xf32, #tpu.memory_space<hbm>> -> memref<10000x128xf32, #tpu.memory_space<hbm>>
      tpu.enqueue_indirect_dma source(%dma_start3A_124 : memref<10000x128xf32, #tpu.memory_space<hbm>>) target(%arg14 : memref<128x128xf32, #tpu.memory_space<vmem>>) offsets(%dma_start3A_121 : memref<128xi32, #tpu.memory_space<vmem>>) semaphore(%arg17 : memref<!tpu.dma_semaphore, #tpu.memory_space<semaphore_mem>>)
      %run_scoped3A_125 = arith.constant 1 : i32
      "tpu.region"() ({
        %run_scoped3A_126 = tpu.sem_alloc : memref<!tpu.dma_semaphore, #tpu.memory_space<semaphore_mem>>
        %dma_start3A_127 = arith.constant 0 : i32
        %dma_start3A_128 = tpu.memref_slice %arg13[%run_scoped3A_125, %dma_start3A_127] : memref<2x128xi32, #tpu.memory_space<vmem>> -> memref<1x128xi32, #tpu.memory_space<vmem>>
        %dma_start3A_129 = tpu.memref_squeeze %dma_start3A_128 : memref<1x128xi32, #tpu.memory_space<vmem>> -> memref<128xi32, #tpu.memory_space<vmem>>
        %dma_start3A_130 = arith.constant 0 : i32
        %dma_start3A_131 = arith.constant 0 : i32
        %dma_start3A_132 = tpu.memref_slice %arg16[%dma_start3A_130, %dma_start3A_131] : memref<10240x128xf32, #tpu.memory_space<vmem_shared>> -> memref<10240x128xf32, #tpu.memory_space<vmem_shared>>
        tpu.enqueue_indirect_dma source(%arg15 : memref<128x128xf32, #tpu.memory_space<vmem>>) target(%dma_start3A_132 : memref<10240x128xf32, #tpu.memory_space<vmem_shared>>) offsets(%dma_start3A_129 : memref<128xi32, #tpu.memory_space<vmem>>) semaphore(%run_scoped3A_126 : memref<!tpu.dma_semaphore, #tpu.memory_space<semaphore_mem>>) {add = true}
        %dma_wait3A_133 = arith.constant 0 : i32
        %dma_wait3A_134 = tpu.memref_slice %arg13[%run_scoped3A_125, %dma_wait3A_133] : memref<2x128xi32, #tpu.memory_space<vmem>> -> memref<1x128xi32, #tpu.memory_space<vmem>>
        %dma_wait3A_135 = tpu.memref_squeeze %dma_wait3A_134 : memref<1x128xi32, #tpu.memory_space<vmem>> -> memref<128xi32, #tpu.memory_space<vmem>>
        %dma_wait3A_136 = arith.constant 0 : i32
        %dma_wait3A_137 = arith.constant 0 : i32
        %dma_wait3A_138 = tpu.memref_slice %arg16[%dma_wait3A_136, %dma_wait3A_137] : memref<10240x128xf32, #tpu.memory_space<vmem_shared>> -> memref<10240x128xf32, #tpu.memory_space<vmem_shared>>
        tpu.wait_indirect_dma semaphore(%run_scoped3A_126 : memref<!tpu.dma_semaphore, #tpu.memory_space<semaphore_mem>>) src(%arg15 : memref<128x128xf32, #tpu.memory_space<vmem>>) dst(%dma_wait3A_138 : memref<10240x128xf32, #tpu.memory_space<vmem_shared>>)
        tpu.yield
      }) : () -> ()
    }
    %scan3A_12 = arith.constant 80 : i32
    %dma_wait3A = arith.constant 0 : i32
    %dma_wait3A_13 = arith.constant 0 : i32
    %dma_wait3A_14 = tpu.memref_slice %arg12[%dma_wait3A, %dma_wait3A_13] : memref<2x128xi32, #tpu.memory_space<vmem>> -> memref<1x128xi32, #tpu.memory_space<vmem>>
    %dma_wait3A_15 = tpu.memref_squeeze %dma_wait3A_14 : memref<1x128xi32, #tpu.memory_space<vmem>> -> memref<128xi32, #tpu.memory_space<vmem>>
    %dma_wait3A_16 = arith.constant 0 : i32
    %dma_wait3A_17 = arith.constant 0 : i32
    %dma_wait3A_18 = tpu.memref_slice %arg4[%dma_wait3A_16, %dma_wait3A_17] : memref<10000x128xf32, #tpu.memory_space<hbm>> -> memref<10000x128xf32, #tpu.memory_space<hbm>>
    tpu.wait_indirect_dma semaphore(%arg17 : memref<!tpu.dma_semaphore, #tpu.memory_space<semaphore_mem>>) src(%dma_wait3A_18 : memref<10000x128xf32, #tpu.memory_space<hbm>>) dst(%arg14 : memref<128x128xf32, #tpu.memory_space<vmem>>)
    %barrier3A_19 = arith.constant 0 : index
    tpu.barrier barrier_id(%barrier3A_19)
    "tpu.region"() ({
      %run_scoped3A_86 = tpu.sem_alloc : memref<!tpu.dma_semaphore, #tpu.memory_space<semaphore_mem>>
      %dma_start3A_87 = arith.constant 0 : i32
      %dma_start3A_88 = tpu.memref_slice %arg8[%arg0, %mul3A_2, %dma_start3A_87] : memref<2x10240x128xf32, #tpu.memory_space<hbm>> -> memref<1x640x128xf32, #tpu.memory_space<hbm>>
      %dma_start3A_89 = tpu.memref_squeeze %dma_start3A_88 : memref<1x640x128xf32, #tpu.memory_space<hbm>> -> memref<640x128xf32, #tpu.memory_space<hbm>>
      %dma_start3A_90 = arith.constant 0 : i32
      %dma_start3A_91 = tpu.memref_slice %arg16[%mul3A_2, %dma_start3A_90] : memref<10240x128xf32, #tpu.memory_space<vmem_shared>> -> memref<640x128xf32, #tpu.memory_space<vmem_shared>>
      tpu.enqueue_dma source(%dma_start3A_91 : memref<640x128xf32, #tpu.memory_space<vmem_shared>>) target(%dma_start3A_89 : memref<640x128xf32, #tpu.memory_space<hbm>>) target_semaphore(%run_scoped3A_86 : memref<!tpu.dma_semaphore, #tpu.memory_space<semaphore_mem>>)
      %dma_wait3A_92 = arith.constant 0 : i32
      %dma_wait3A_93 = tpu.memref_slice %arg8[%arg0, %mul3A_2, %dma_wait3A_92] : memref<2x10240x128xf32, #tpu.memory_space<hbm>> -> memref<1x640x128xf32, #tpu.memory_space<hbm>>
      %dma_wait3A_94 = tpu.memref_squeeze %dma_wait3A_93 : memref<1x640x128xf32, #tpu.memory_space<hbm>> -> memref<640x128xf32, #tpu.memory_space<hbm>>
      %dma_wait3A_95 = arith.constant 0 : i32
      %dma_wait3A_96 = tpu.memref_slice %arg16[%mul3A_2, %dma_wait3A_95] : memref<10240x128xf32, #tpu.memory_space<vmem_shared>> -> memref<640x128xf32, #tpu.memory_space<vmem_shared>>
      tpu.wait_dma2 semaphore(%run_scoped3A_86 : memref<!tpu.dma_semaphore, #tpu.memory_space<semaphore_mem>>) src(%dma_wait3A_96 : memref<640x128xf32, #tpu.memory_space<vmem_shared>>) dst(%dma_wait3A_94 : memref<640x128xf32, #tpu.memory_space<hbm>>)
      tpu.yield
    }) : () -> ()
    "tpu.region"() ({
      %run_scoped3A_86 = tpu.sem_alloc : memref<!tpu.dma_semaphore, #tpu.memory_space<semaphore_mem>>
      %dma_start3A_87 = arith.constant 0 : i32
      %dma_start3A_88 = tpu.memref_slice %arg16[%mul3A_2, %dma_start3A_87] : memref<10240x128xf32, #tpu.memory_space<vmem_shared>> -> memref<640x128xf32, #tpu.memory_space<vmem_shared>>
      tpu.enqueue_dma source(%arg3 : memref<640x128xf32, #tpu.memory_space<hbm>>) target(%dma_start3A_88 : memref<640x128xf32, #tpu.memory_space<vmem_shared>>) target_semaphore(%run_scoped3A_86 : memref<!tpu.dma_semaphore, #tpu.memory_space<semaphore_mem>>)
      %dma_wait3A_89 = arith.constant 0 : i32
      %dma_wait3A_90 = tpu.memref_slice %arg16[%mul3A_2, %dma_wait3A_89] : memref<10240x128xf32, #tpu.memory_space<vmem_shared>> -> memref<640x128xf32, #tpu.memory_space<vmem_shared>>
      tpu.wait_dma2 semaphore(%run_scoped3A_86 : memref<!tpu.dma_semaphore, #tpu.memory_space<semaphore_mem>>) src(%arg3 : memref<640x128xf32, #tpu.memory_space<hbm>>) dst(%dma_wait3A_90 : memref<640x128xf32, #tpu.memory_space<vmem_shared>>)
      tpu.yield
    }) : () -> ()
    %barrier3A_20 = arith.constant 0 : index
    tpu.barrier barrier_id(%barrier3A_20)
    %run_scoped3A_21 = arith.constant 0 : i32
    "tpu.region"() ({
      %run_scoped3A_86 = tpu.sem_alloc : memref<!tpu.dma_semaphore, #tpu.memory_space<semaphore_mem>>
      %dma_start3A_87 = arith.constant 0 : i32
      %dma_start3A_88 = arith.constant 0 : i32
      %dma_start3A_89 = tpu.memref_slice %arg2[%add3A, %run_scoped3A_21, %dma_start3A_87, %dma_start3A_88] : memref<32x160x2x128xi32, #tpu.memory_space<hbm>> -> memref<1x1x2x128xi32, #tpu.memory_space<hbm>>
      %dma_start3A_90 = tpu.memref_squeeze %dma_start3A_89 : memref<1x1x2x128xi32, #tpu.memory_space<hbm>> -> memref<2x128xi32, #tpu.memory_space<hbm>>
      %dma_start3A_91 = arith.constant 0 : i32
      %dma_start3A_92 = arith.constant 0 : i32
      %dma_start3A_93 = tpu.memref_slice %arg2[%add3A, %run_scoped3A_21, %dma_start3A_91, %dma_start3A_92] : memref<32x160x2x128xi32, #tpu.memory_space<hbm>> -> memref<1x1x2x128xi32, #tpu.memory_space<hbm>>
      %dma_start3A_94 = tpu.memref_squeeze %dma_start3A_93 : memref<1x1x2x128xi32, #tpu.memory_space<hbm>> -> memref<2x128xi32, #tpu.memory_space<hbm>>
      tpu.enqueue_dma source(%dma_start3A_94 : memref<2x128xi32, #tpu.memory_space<hbm>>) target(%arg12 : memref<2x128xi32, #tpu.memory_space<vmem>>) target_semaphore(%run_scoped3A_86 : memref<!tpu.dma_semaphore, #tpu.memory_space<semaphore_mem>>)
      %dma_wait3A_95 = arith.constant 0 : i32
      %dma_wait3A_96 = arith.constant 0 : i32
      %dma_wait3A_97 = tpu.memref_slice %arg2[%add3A, %run_scoped3A_21, %dma_wait3A_95, %dma_wait3A_96] : memref<32x160x2x128xi32, #tpu.memory_space<hbm>> -> memref<1x1x2x128xi32, #tpu.memory_space<hbm>>
      %dma_wait3A_98 = tpu.memref_squeeze %dma_wait3A_97 : memref<1x1x2x128xi32, #tpu.memory_space<hbm>> -> memref<2x128xi32, #tpu.memory_space<hbm>>
      %dma_wait3A_99 = arith.constant 0 : i32
      %dma_wait3A_100 = arith.constant 0 : i32
      %dma_wait3A_101 = tpu.memref_slice %arg2[%add3A, %run_scoped3A_21, %dma_wait3A_99, %dma_wait3A_100] : memref<32x160x2x128xi32, #tpu.memory_space<hbm>> -> memref<1x1x2x128xi32, #tpu.memory_space<hbm>>
      %dma_wait3A_102 = tpu.memref_squeeze %dma_wait3A_101 : memref<1x1x2x128xi32, #tpu.memory_space<hbm>> -> memref<2x128xi32, #tpu.memory_space<hbm>>
      tpu.wait_dma2 semaphore(%run_scoped3A_86 : memref<!tpu.dma_semaphore, #tpu.memory_space<semaphore_mem>>) src(%dma_wait3A_102 : memref<2x128xi32, #tpu.memory_space<hbm>>) dst(%arg12 : memref<2x128xi32, #tpu.memory_space<vmem>>)
      tpu.yield
    }) : () -> ()
    %dma_start3A_22 = arith.constant 0 : i32
    %dma_start3A_23 = arith.constant 0 : i32
    %dma_start3A_24 = tpu.memref_slice %arg12[%dma_start3A_22, %dma_start3A_23] : memref<2x128xi32, #tpu.memory_space<vmem>> -> memref<1x128xi32, #tpu.memory_space<vmem>>
    %dma_start3A_25 = tpu.memref_squeeze %dma_start3A_24 : memref<1x128xi32, #tpu.memory_space<vmem>> -> memref<128xi32, #tpu.memory_space<vmem>>
    %dma_start3A_26 = arith.constant 0 : i32
    %dma_start3A_27 = arith.constant 0 : i32
    %dma_start3A_28 = tpu.memref_slice %arg5[%dma_start3A_26, %dma_start3A_27] : memref<10000x128xf32, #tpu.memory_space<hbm>> -> memref<10000x128xf32, #tpu.memory_space<hbm>>
    tpu.enqueue_indirect_dma source(%dma_start3A_28 : memref<10000x128xf32, #tpu.memory_space<hbm>>) target(%arg14 : memref<128x128xf32, #tpu.memory_space<vmem>>) offsets(%dma_start3A_25 : memref<128xi32, #tpu.memory_space<vmem>>) semaphore(%arg17 : memref<!tpu.dma_semaphore, #tpu.memory_space<semaphore_mem>>)
    %scan3A_29 = arith.constant 0 : i32
    %scan3A_30 = arith.constant 80 : i32
    %scan3A_31 = arith.addi %scan3A_29, %scan3A_30 : i32
    %scan3A_32 = arith.constant 1 : i32
    scf.for %scan3A_86 = %scan3A_29 to %scan3A_31 step %scan3A_32  : i32 {
      %mul3A_87 = arith.constant 2 : i32
      %mul3A_88 = arith.muli %scan3A_86, %mul3A_87 : i32
      %add3A_89 = arith.constant 0 : i32
      %add3A_90 = arith.addi %add3A_89, %mul3A_88 : i32
      %add3A_91 = arith.constant 1 : i32
      %add3A_92 = arith.addi %add3A_90, %add3A_91 : i32
      "tpu.region"() ({
        %run_scoped3A_126 = tpu.sem_alloc : memref<!tpu.dma_semaphore, #tpu.memory_space<semaphore_mem>>
        %dma_start3A_127 = arith.constant 0 : i32
        %dma_start3A_128 = arith.constant 0 : i32
        %dma_start3A_129 = tpu.memref_slice %arg2[%add3A, %add3A_92, %dma_start3A_127, %dma_start3A_128] : memref<32x160x2x128xi32, #tpu.memory_space<hbm>> -> memref<1x1x2x128xi32, #tpu.memory_space<hbm>>
        %dma_start3A_130 = tpu.memref_squeeze %dma_start3A_129 : memref<1x1x2x128xi32, #tpu.memory_space<hbm>> -> memref<2x128xi32, #tpu.memory_space<hbm>>
        %dma_start3A_131 = arith.constant 0 : i32
        %dma_start3A_132 = arith.constant 0 : i32
        %dma_start3A_133 = tpu.memref_slice %arg2[%add3A, %add3A_92, %dma_start3A_131, %dma_start3A_132] : memref<32x160x2x128xi32, #tpu.memory_space<hbm>> -> memref<1x1x2x128xi32, #tpu.memory_space<hbm>>
        %dma_start3A_134 = tpu.memref_squeeze %dma_start3A_133 : memref<1x1x2x128xi32, #tpu.memory_space<hbm>> -> memref<2x128xi32, #tpu.memory_space<hbm>>
        tpu.enqueue_dma source(%dma_start3A_134 : memref<2x128xi32, #tpu.memory_space<hbm>>) target(%arg13 : memref<2x128xi32, #tpu.memory_space<vmem>>) target_semaphore(%run_scoped3A_126 : memref<!tpu.dma_semaphore, #tpu.memory_space<semaphore_mem>>)
        %dma_wait3A_135 = arith.constant 0 : i32
        %dma_wait3A_136 = arith.constant 0 : i32
        %dma_wait3A_137 = tpu.memref_slice %arg2[%add3A, %add3A_92, %dma_wait3A_135, %dma_wait3A_136] : memref<32x160x2x128xi32, #tpu.memory_space<hbm>> -> memref<1x1x2x128xi32, #tpu.memory_space<hbm>>
        %dma_wait3A_138 = tpu.memref_squeeze %dma_wait3A_137 : memref<1x1x2x128xi32, #tpu.memory_space<hbm>> -> memref<2x128xi32, #tpu.memory_space<hbm>>
        %dma_wait3A_139 = arith.constant 0 : i32
        %dma_wait3A_140 = arith.constant 0 : i32
        %dma_wait3A_141 = tpu.memref_slice %arg2[%add3A, %add3A_92, %dma_wait3A_139, %dma_wait3A_140] : memref<32x160x2x128xi32, #tpu.memory_space<hbm>> -> memref<1x1x2x128xi32, #tpu.memory_space<hbm>>
        %dma_wait3A_142 = tpu.memref_squeeze %dma_wait3A_141 : memref<1x1x2x128xi32, #tpu.memory_space<hbm>> -> memref<2x128xi32, #tpu.memory_space<hbm>>
        tpu.wait_dma2 semaphore(%run_scoped3A_126 : memref<!tpu.dma_semaphore, #tpu.memory_space<semaphore_mem>>) src(%dma_wait3A_142 : memref<2x128xi32, #tpu.memory_space<hbm>>) dst(%arg13 : memref<2x128xi32, #tpu.memory_space<vmem>>)
        tpu.yield
      }) : () -> ()
      %dma_wait3A_93 = arith.constant 0 : i32
      %dma_wait3A_94 = arith.constant 0 : i32
      %dma_wait3A_95 = tpu.memref_slice %arg12[%dma_wait3A_93, %dma_wait3A_94] : memref<2x128xi32, #tpu.memory_space<vmem>> -> memref<1x128xi32, #tpu.memory_space<vmem>>
      %dma_wait3A_96 = tpu.memref_squeeze %dma_wait3A_95 : memref<1x128xi32, #tpu.memory_space<vmem>> -> memref<128xi32, #tpu.memory_space<vmem>>
      %dma_wait3A_97 = arith.constant 0 : i32
      %dma_wait3A_98 = arith.constant 0 : i32
      %dma_wait3A_99 = tpu.memref_slice %arg5[%dma_wait3A_97, %dma_wait3A_98] : memref<10000x128xf32, #tpu.memory_space<hbm>> -> memref<10000x128xf32, #tpu.memory_space<hbm>>
      tpu.wait_indirect_dma semaphore(%arg17 : memref<!tpu.dma_semaphore, #tpu.memory_space<semaphore_mem>>) src(%dma_wait3A_99 : memref<10000x128xf32, #tpu.memory_space<hbm>>) dst(%arg14 : memref<128x128xf32, #tpu.memory_space<vmem>>)
      %dma_start3A_100 = arith.constant 0 : i32
      %dma_start3A_101 = arith.constant 0 : i32
      %dma_start3A_102 = tpu.memref_slice %arg13[%dma_start3A_100, %dma_start3A_101] : memref<2x128xi32, #tpu.memory_space<vmem>> -> memref<1x128xi32, #tpu.memory_space<vmem>>
      %dma_start3A_103 = tpu.memref_squeeze %dma_start3A_102 : memref<1x128xi32, #tpu.memory_space<vmem>> -> memref<128xi32, #tpu.memory_space<vmem>>
      %dma_start3A_104 = arith.constant 0 : i32
      %dma_start3A_105 = arith.constant 0 : i32
      %dma_start3A_106 = tpu.memref_slice %arg5[%dma_start3A_104, %dma_start3A_105] : memref<10000x128xf32, #tpu.memory_space<hbm>> -> memref<10000x128xf32, #tpu.memory_space<hbm>>
      tpu.enqueue_indirect_dma source(%dma_start3A_106 : memref<10000x128xf32, #tpu.memory_space<hbm>>) target(%arg15 : memref<128x128xf32, #tpu.memory_space<vmem>>) offsets(%dma_start3A_103 : memref<128xi32, #tpu.memory_space<vmem>>) semaphore(%arg18 : memref<!tpu.dma_semaphore, #tpu.memory_space<semaphore_mem>>)
      %run_scoped3A_107 = arith.constant 1 : i32
      "tpu.region"() ({
        %run_scoped3A_126 = tpu.sem_alloc : memref<!tpu.dma_semaphore, #tpu.memory_space<semaphore_mem>>
        %dma_start3A_127 = arith.constant 0 : i32
        %dma_start3A_128 = tpu.memref_slice %arg12[%run_scoped3A_107, %dma_start3A_127] : memref<2x128xi32, #tpu.memory_space<vmem>> -> memref<1x128xi32, #tpu.memory_space<vmem>>
        %dma_start3A_129 = tpu.memref_squeeze %dma_start3A_128 : memref<1x128xi32, #tpu.memory_space<vmem>> -> memref<128xi32, #tpu.memory_space<vmem>>
        %dma_start3A_130 = arith.constant 0 : i32
        %dma_start3A_131 = arith.constant 0 : i32
        %dma_start3A_132 = tpu.memref_slice %arg16[%dma_start3A_130, %dma_start3A_131] : memref<10240x128xf32, #tpu.memory_space<vmem_shared>> -> memref<10240x128xf32, #tpu.memory_space<vmem_shared>>
        tpu.enqueue_indirect_dma source(%arg14 : memref<128x128xf32, #tpu.memory_space<vmem>>) target(%dma_start3A_132 : memref<10240x128xf32, #tpu.memory_space<vmem_shared>>) offsets(%dma_start3A_129 : memref<128xi32, #tpu.memory_space<vmem>>) semaphore(%run_scoped3A_126 : memref<!tpu.dma_semaphore, #tpu.memory_space<semaphore_mem>>) {add = true}
        %dma_wait3A_133 = arith.constant 0 : i32
        %dma_wait3A_134 = tpu.memref_slice %arg12[%run_scoped3A_107, %dma_wait3A_133] : memref<2x128xi32, #tpu.memory_space<vmem>> -> memref<1x128xi32, #tpu.memory_space<vmem>>
        %dma_wait3A_135 = tpu.memref_squeeze %dma_wait3A_134 : memref<1x128xi32, #tpu.memory_space<vmem>> -> memref<128xi32, #tpu.memory_space<vmem>>
        %dma_wait3A_136 = arith.constant 0 : i32
        %dma_wait3A_137 = arith.constant 0 : i32
        %dma_wait3A_138 = tpu.memref_slice %arg16[%dma_wait3A_136, %dma_wait3A_137] : memref<10240x128xf32, #tpu.memory_space<vmem_shared>> -> memref<10240x128xf32, #tpu.memory_space<vmem_shared>>
        tpu.wait_indirect_dma semaphore(%run_scoped3A_126 : memref<!tpu.dma_semaphore, #tpu.memory_space<semaphore_mem>>) src(%arg14 : memref<128x128xf32, #tpu.memory_space<vmem>>) dst(%dma_wait3A_138 : memref<10240x128xf32, #tpu.memory_space<vmem_shared>>)
        tpu.yield
      }) : () -> ()
      %add3A_108 = arith.constant 2 : i32
      %add3A_109 = arith.addi %add3A_90, %add3A_108 : i32
      %rem3A = arith.constant 160 : i32
      %rem3A_110 = arith.remsi %add3A_109, %rem3A : i32
      "tpu.region"() ({
        %run_scoped3A_126 = tpu.sem_alloc : memref<!tpu.dma_semaphore, #tpu.memory_space<semaphore_mem>>
        %dma_start3A_127 = arith.constant 0 : i32
        %dma_start3A_128 = arith.constant 0 : i32
        %dma_start3A_129 = tpu.memref_slice %arg2[%add3A, %rem3A_110, %dma_start3A_127, %dma_start3A_128] : memref<32x160x2x128xi32, #tpu.memory_space<hbm>> -> memref<1x1x2x128xi32, #tpu.memory_space<hbm>>
        %dma_start3A_130 = tpu.memref_squeeze %dma_start3A_129 : memref<1x1x2x128xi32, #tpu.memory_space<hbm>> -> memref<2x128xi32, #tpu.memory_space<hbm>>
        %dma_start3A_131 = arith.constant 0 : i32
        %dma_start3A_132 = arith.constant 0 : i32
        %dma_start3A_133 = tpu.memref_slice %arg2[%add3A, %rem3A_110, %dma_start3A_131, %dma_start3A_132] : memref<32x160x2x128xi32, #tpu.memory_space<hbm>> -> memref<1x1x2x128xi32, #tpu.memory_space<hbm>>
        %dma_start3A_134 = tpu.memref_squeeze %dma_start3A_133 : memref<1x1x2x128xi32, #tpu.memory_space<hbm>> -> memref<2x128xi32, #tpu.memory_space<hbm>>
        tpu.enqueue_dma source(%dma_start3A_134 : memref<2x128xi32, #tpu.memory_space<hbm>>) target(%arg12 : memref<2x128xi32, #tpu.memory_space<vmem>>) target_semaphore(%run_scoped3A_126 : memref<!tpu.dma_semaphore, #tpu.memory_space<semaphore_mem>>)
        %dma_wait3A_135 = arith.constant 0 : i32
        %dma_wait3A_136 = arith.constant 0 : i32
        %dma_wait3A_137 = tpu.memref_slice %arg2[%add3A, %rem3A_110, %dma_wait3A_135, %dma_wait3A_136] : memref<32x160x2x128xi32, #tpu.memory_space<hbm>> -> memref<1x1x2x128xi32, #tpu.memory_space<hbm>>
        %dma_wait3A_138 = tpu.memref_squeeze %dma_wait3A_137 : memref<1x1x2x128xi32, #tpu.memory_space<hbm>> -> memref<2x128xi32, #tpu.memory_space<hbm>>
        %dma_wait3A_139 = arith.constant 0 : i32
        %dma_wait3A_140 = arith.constant 0 : i32
        %dma_wait3A_141 = tpu.memref_slice %arg2[%add3A, %rem3A_110, %dma_wait3A_139, %dma_wait3A_140] : memref<32x160x2x128xi32, #tpu.memory_space<hbm>> -> memref<1x1x2x128xi32, #tpu.memory_space<hbm>>
        %dma_wait3A_142 = tpu.memref_squeeze %dma_wait3A_141 : memref<1x1x2x128xi32, #tpu.memory_space<hbm>> -> memref<2x128xi32, #tpu.memory_space<hbm>>
        tpu.wait_dma2 semaphore(%run_scoped3A_126 : memref<!tpu.dma_semaphore, #tpu.memory_space<semaphore_mem>>) src(%dma_wait3A_142 : memref<2x128xi32, #tpu.memory_space<hbm>>) dst(%arg12 : memref<2x128xi32, #tpu.memory_space<vmem>>)
        tpu.yield
      }) : () -> ()
      %dma_wait3A_111 = arith.constant 0 : i32
      %dma_wait3A_112 = arith.constant 0 : i32
      %dma_wait3A_113 = tpu.memref_slice %arg13[%dma_wait3A_111, %dma_wait3A_112] : memref<2x128xi32, #tpu.memory_space<vmem>> -> memref<1x128xi32, #tpu.memory_space<vmem>>
      %dma_wait3A_114 = tpu.memref_squeeze %dma_wait3A_113 : memref<1x128xi32, #tpu.memory_space<vmem>> -> memref<128xi32, #tpu.memory_space<vmem>>
      %dma_wait3A_115 = arith.constant 0 : i32
      %dma_wait3A_116 = arith.constant 0 : i32
      %dma_wait3A_117 = tpu.memref_slice %arg5[%dma_wait3A_115, %dma_wait3A_116] : memref<10000x128xf32, #tpu.memory_space<hbm>> -> memref<10000x128xf32, #tpu.memory_space<hbm>>
      tpu.wait_indirect_dma semaphore(%arg18 : memref<!tpu.dma_semaphore, #tpu.memory_space<semaphore_mem>>) src(%dma_wait3A_117 : memref<10000x128xf32, #tpu.memory_space<hbm>>) dst(%arg15 : memref<128x128xf32, #tpu.memory_space<vmem>>)
      %dma_start3A_118 = arith.constant 0 : i32
      %dma_start3A_119 = arith.constant 0 : i32
      %dma_start3A_120 = tpu.memref_slice %arg12[%dma_start3A_118, %dma_start3A_119] : memref<2x128xi32, #tpu.memory_space<vmem>> -> memref<1x128xi32, #tpu.memory_space<vmem>>
      %dma_start3A_121 = tpu.memref_squeeze %dma_start3A_120 : memref<1x128xi32, #tpu.memory_space<vmem>> -> memref<128xi32, #tpu.memory_space<vmem>>
      %dma_start3A_122 = arith.constant 0 : i32
      %dma_start3A_123 = arith.constant 0 : i32
      %dma_start3A_124 = tpu.memref_slice %arg5[%dma_start3A_122, %dma_start3A_123] : memref<10000x128xf32, #tpu.memory_space<hbm>> -> memref<10000x128xf32, #tpu.memory_space<hbm>>
      tpu.enqueue_indirect_dma source(%dma_start3A_124 : memref<10000x128xf32, #tpu.memory_space<hbm>>) target(%arg14 : memref<128x128xf32, #tpu.memory_space<vmem>>) offsets(%dma_start3A_121 : memref<128xi32, #tpu.memory_space<vmem>>) semaphore(%arg17 : memref<!tpu.dma_semaphore, #tpu.memory_space<semaphore_mem>>)
      %run_scoped3A_125 = arith.constant 1 : i32
      "tpu.region"() ({
        %run_scoped3A_126 = tpu.sem_alloc : memref<!tpu.dma_semaphore, #tpu.memory_space<semaphore_mem>>
        %dma_start3A_127 = arith.constant 0 : i32
        %dma_start3A_128 = tpu.memref_slice %arg13[%run_scoped3A_125, %dma_start3A_127] : memref<2x128xi32, #tpu.memory_space<vmem>> -> memref<1x128xi32, #tpu.memory_space<vmem>>
        %dma_start3A_129 = tpu.memref_squeeze %dma_start3A_128 : memref<1x128xi32, #tpu.memory_space<vmem>> -> memref<128xi32, #tpu.memory_space<vmem>>
        %dma_start3A_130 = arith.constant 0 : i32
        %dma_start3A_131 = arith.constant 0 : i32
        %dma_start3A_132 = tpu.memref_slice %arg16[%dma_start3A_130, %dma_start3A_131] : memref<10240x128xf32, #tpu.memory_space<vmem_shared>> -> memref<10240x128xf32, #tpu.memory_space<vmem_shared>>
        tpu.enqueue_indirect_dma source(%arg15 : memref<128x128xf32, #tpu.memory_space<vmem>>) target(%dma_start3A_132 : memref<10240x128xf32, #tpu.memory_space<vmem_shared>>) offsets(%dma_start3A_129 : memref<128xi32, #tpu.memory_space<vmem>>) semaphore(%run_scoped3A_126 : memref<!tpu.dma_semaphore, #tpu.memory_space<semaphore_mem>>) {add = true}
        %dma_wait3A_133 = arith.constant 0 : i32
        %dma_wait3A_134 = tpu.memref_slice %arg13[%run_scoped3A_125, %dma_wait3A_133] : memref<2x128xi32, #tpu.memory_space<vmem>> -> memref<1x128xi32, #tpu.memory_space<vmem>>
        %dma_wait3A_135 = tpu.memref_squeeze %dma_wait3A_134 : memref<1x128xi32, #tpu.memory_space<vmem>> -> memref<128xi32, #tpu.memory_space<vmem>>
        %dma_wait3A_136 = arith.constant 0 : i32
        %dma_wait3A_137 = arith.constant 0 : i32
        %dma_wait3A_138 = tpu.memref_slice %arg16[%dma_wait3A_136, %dma_wait3A_137] : memref<10240x128xf32, #tpu.memory_space<vmem_shared>> -> memref<10240x128xf32, #tpu.memory_space<vmem_shared>>
        tpu.wait_indirect_dma semaphore(%run_scoped3A_126 : memref<!tpu.dma_semaphore, #tpu.memory_space<semaphore_mem>>) src(%arg15 : memref<128x128xf32, #tpu.memory_space<vmem>>) dst(%dma_wait3A_138 : memref<10240x128xf32, #tpu.memory_space<vmem_shared>>)
        tpu.yield
      }) : () -> ()
    }
    %scan3A_33 = arith.constant 80 : i32
    %dma_wait3A_34 = arith.constant 0 : i32
    %dma_wait3A_35 = arith.constant 0 : i32
    %dma_wait3A_36 = tpu.memref_slice %arg12[%dma_wait3A_34, %dma_wait3A_35] : memref<2x128xi32, #tpu.memory_space<vmem>> -> memref<1x128xi32, #tpu.memory_space<vmem>>
    %dma_wait3A_37 = tpu.memref_squeeze %dma_wait3A_36 : memref<1x128xi32, #tpu.memory_space<vmem>> -> memref<128xi32, #tpu.memory_space<vmem>>
    %dma_wait3A_38 = arith.constant 0 : i32
    %dma_wait3A_39 = arith.constant 0 : i32
    %dma_wait3A_40 = tpu.memref_slice %arg5[%dma_wait3A_38, %dma_wait3A_39] : memref<10000x128xf32, #tpu.memory_space<hbm>> -> memref<10000x128xf32, #tpu.memory_space<hbm>>
    tpu.wait_indirect_dma semaphore(%arg17 : memref<!tpu.dma_semaphore, #tpu.memory_space<semaphore_mem>>) src(%dma_wait3A_40 : memref<10000x128xf32, #tpu.memory_space<hbm>>) dst(%arg14 : memref<128x128xf32, #tpu.memory_space<vmem>>)
    %barrier3A_41 = arith.constant 0 : index
    tpu.barrier barrier_id(%barrier3A_41)
    "tpu.region"() ({
      %run_scoped3A_86 = tpu.sem_alloc : memref<!tpu.dma_semaphore, #tpu.memory_space<semaphore_mem>>
      %dma_start3A_87 = arith.constant 0 : i32
      %dma_start3A_88 = tpu.memref_slice %arg9[%arg0, %mul3A_2, %dma_start3A_87] : memref<2x10240x128xf32, #tpu.memory_space<hbm>> -> memref<1x640x128xf32, #tpu.memory_space<hbm>>
      %dma_start3A_89 = tpu.memref_squeeze %dma_start3A_88 : memref<1x640x128xf32, #tpu.memory_space<hbm>> -> memref<640x128xf32, #tpu.memory_space<hbm>>
      %dma_start3A_90 = arith.constant 0 : i32
      %dma_start3A_91 = tpu.memref_slice %arg16[%mul3A_2, %dma_start3A_90] : memref<10240x128xf32, #tpu.memory_space<vmem_shared>> -> memref<640x128xf32, #tpu.memory_space<vmem_shared>>
      tpu.enqueue_dma source(%dma_start3A_91 : memref<640x128xf32, #tpu.memory_space<vmem_shared>>) target(%dma_start3A_89 : memref<640x128xf32, #tpu.memory_space<hbm>>) target_semaphore(%run_scoped3A_86 : memref<!tpu.dma_semaphore, #tpu.memory_space<semaphore_mem>>)
      %dma_wait3A_92 = arith.constant 0 : i32
      %dma_wait3A_93 = tpu.memref_slice %arg9[%arg0, %mul3A_2, %dma_wait3A_92] : memref<2x10240x128xf32, #tpu.memory_space<hbm>> -> memref<1x640x128xf32, #tpu.memory_space<hbm>>
      %dma_wait3A_94 = tpu.memref_squeeze %dma_wait3A_93 : memref<1x640x128xf32, #tpu.memory_space<hbm>> -> memref<640x128xf32, #tpu.memory_space<hbm>>
      %dma_wait3A_95 = arith.constant 0 : i32
      %dma_wait3A_96 = tpu.memref_slice %arg16[%mul3A_2, %dma_wait3A_95] : memref<10240x128xf32, #tpu.memory_space<vmem_shared>> -> memref<640x128xf32, #tpu.memory_space<vmem_shared>>
      tpu.wait_dma2 semaphore(%run_scoped3A_86 : memref<!tpu.dma_semaphore, #tpu.memory_space<semaphore_mem>>) src(%dma_wait3A_96 : memref<640x128xf32, #tpu.memory_space<vmem_shared>>) dst(%dma_wait3A_94 : memref<640x128xf32, #tpu.memory_space<hbm>>)
      tpu.yield
    }) : () -> ()
    "tpu.region"() ({
      %run_scoped3A_86 = tpu.sem_alloc : memref<!tpu.dma_semaphore, #tpu.memory_space<semaphore_mem>>
      %dma_start3A_87 = arith.constant 0 : i32
      %dma_start3A_88 = tpu.memref_slice %arg16[%mul3A_2, %dma_start3A_87] : memref<10240x128xf32, #tpu.memory_space<vmem_shared>> -> memref<640x128xf32, #tpu.memory_space<vmem_shared>>
      tpu.enqueue_dma source(%arg3 : memref<640x128xf32, #tpu.memory_space<hbm>>) target(%dma_start3A_88 : memref<640x128xf32, #tpu.memory_space<vmem_shared>>) target_semaphore(%run_scoped3A_86 : memref<!tpu.dma_semaphore, #tpu.memory_space<semaphore_mem>>)
      %dma_wait3A_89 = arith.constant 0 : i32
      %dma_wait3A_90 = tpu.memref_slice %arg16[%mul3A_2, %dma_wait3A_89] : memref<10240x128xf32, #tpu.memory_space<vmem_shared>> -> memref<640x128xf32, #tpu.memory_space<vmem_shared>>
      tpu.wait_dma2 semaphore(%run_scoped3A_86 : memref<!tpu.dma_semaphore, #tpu.memory_space<semaphore_mem>>) src(%arg3 : memref<640x128xf32, #tpu.memory_space<hbm>>) dst(%dma_wait3A_90 : memref<640x128xf32, #tpu.memory_space<vmem_shared>>)
      tpu.yield
    }) : () -> ()
    %barrier3A_42 = arith.constant 0 : index
    tpu.barrier barrier_id(%barrier3A_42)
    %run_scoped3A_43 = arith.constant 0 : i32
    "tpu.region"() ({
      %run_scoped3A_86 = tpu.sem_alloc : memref<!tpu.dma_semaphore, #tpu.memory_space<semaphore_mem>>
      %dma_start3A_87 = arith.constant 0 : i32
      %dma_start3A_88 = arith.constant 0 : i32
      %dma_start3A_89 = tpu.memref_slice %arg2[%add3A, %run_scoped3A_43, %dma_start3A_87, %dma_start3A_88] : memref<32x160x2x128xi32, #tpu.memory_space<hbm>> -> memref<1x1x2x128xi32, #tpu.memory_space<hbm>>
      %dma_start3A_90 = tpu.memref_squeeze %dma_start3A_89 : memref<1x1x2x128xi32, #tpu.memory_space<hbm>> -> memref<2x128xi32, #tpu.memory_space<hbm>>
      %dma_start3A_91 = arith.constant 0 : i32
      %dma_start3A_92 = arith.constant 0 : i32
      %dma_start3A_93 = tpu.memref_slice %arg2[%add3A, %run_scoped3A_43, %dma_start3A_91, %dma_start3A_92] : memref<32x160x2x128xi32, #tpu.memory_space<hbm>> -> memref<1x1x2x128xi32, #tpu.memory_space<hbm>>
      %dma_start3A_94 = tpu.memref_squeeze %dma_start3A_93 : memref<1x1x2x128xi32, #tpu.memory_space<hbm>> -> memref<2x128xi32, #tpu.memory_space<hbm>>
      tpu.enqueue_dma source(%dma_start3A_94 : memref<2x128xi32, #tpu.memory_space<hbm>>) target(%arg12 : memref<2x128xi32, #tpu.memory_space<vmem>>) target_semaphore(%run_scoped3A_86 : memref<!tpu.dma_semaphore, #tpu.memory_space<semaphore_mem>>)
      %dma_wait3A_95 = arith.constant 0 : i32
      %dma_wait3A_96 = arith.constant 0 : i32
      %dma_wait3A_97 = tpu.memref_slice %arg2[%add3A, %run_scoped3A_43, %dma_wait3A_95, %dma_wait3A_96] : memref<32x160x2x128xi32, #tpu.memory_space<hbm>> -> memref<1x1x2x128xi32, #tpu.memory_space<hbm>>
      %dma_wait3A_98 = tpu.memref_squeeze %dma_wait3A_97 : memref<1x1x2x128xi32, #tpu.memory_space<hbm>> -> memref<2x128xi32, #tpu.memory_space<hbm>>
      %dma_wait3A_99 = arith.constant 0 : i32
      %dma_wait3A_100 = arith.constant 0 : i32
      %dma_wait3A_101 = tpu.memref_slice %arg2[%add3A, %run_scoped3A_43, %dma_wait3A_99, %dma_wait3A_100] : memref<32x160x2x128xi32, #tpu.memory_space<hbm>> -> memref<1x1x2x128xi32, #tpu.memory_space<hbm>>
      %dma_wait3A_102 = tpu.memref_squeeze %dma_wait3A_101 : memref<1x1x2x128xi32, #tpu.memory_space<hbm>> -> memref<2x128xi32, #tpu.memory_space<hbm>>
      tpu.wait_dma2 semaphore(%run_scoped3A_86 : memref<!tpu.dma_semaphore, #tpu.memory_space<semaphore_mem>>) src(%dma_wait3A_102 : memref<2x128xi32, #tpu.memory_space<hbm>>) dst(%arg12 : memref<2x128xi32, #tpu.memory_space<vmem>>)
      tpu.yield
    }) : () -> ()
    %dma_start3A_44 = arith.constant 0 : i32
    %dma_start3A_45 = arith.constant 0 : i32
    %dma_start3A_46 = tpu.memref_slice %arg12[%dma_start3A_44, %dma_start3A_45] : memref<2x128xi32, #tpu.memory_space<vmem>> -> memref<1x128xi32, #tpu.memory_space<vmem>>
    %dma_start3A_47 = tpu.memref_squeeze %dma_start3A_46 : memref<1x128xi32, #tpu.memory_space<vmem>> -> memref<128xi32, #tpu.memory_space<vmem>>
    %dma_start3A_48 = arith.constant 0 : i32
    %dma_start3A_49 = arith.constant 0 : i32
    %dma_start3A_50 = tpu.memref_slice %arg6[%dma_start3A_48, %dma_start3A_49] : memref<10000x128xf32, #tpu.memory_space<hbm>> -> memref<10000x128xf32, #tpu.memory_space<hbm>>
    tpu.enqueue_indirect_dma source(%dma_start3A_50 : memref<10000x128xf32, #tpu.memory_space<hbm>>) target(%arg14 : memref<128x128xf32, #tpu.memory_space<vmem>>) offsets(%dma_start3A_47 : memref<128xi32, #tpu.memory_space<vmem>>) semaphore(%arg17 : memref<!tpu.dma_semaphore, #tpu.memory_space<semaphore_mem>>)
    %scan3A_51 = arith.constant 0 : i32
    %scan3A_52 = arith.constant 80 : i32
    %scan3A_53 = arith.addi %scan3A_51, %scan3A_52 : i32
    %scan3A_54 = arith.constant 1 : i32
    scf.for %scan3A_86 = %scan3A_51 to %scan3A_53 step %scan3A_54  : i32 {
      %mul3A_87 = arith.constant 2 : i32
      %mul3A_88 = arith.muli %scan3A_86, %mul3A_87 : i32
      %add3A_89 = arith.constant 0 : i32
      %add3A_90 = arith.addi %add3A_89, %mul3A_88 : i32
      %add3A_91 = arith.constant 1 : i32
      %add3A_92 = arith.addi %add3A_90, %add3A_91 : i32
      "tpu.region"() ({
        %run_scoped3A_126 = tpu.sem_alloc : memref<!tpu.dma_semaphore, #tpu.memory_space<semaphore_mem>>
        %dma_start3A_127 = arith.constant 0 : i32
        %dma_start3A_128 = arith.constant 0 : i32
        %dma_start3A_129 = tpu.memref_slice %arg2[%add3A, %add3A_92, %dma_start3A_127, %dma_start3A_128] : memref<32x160x2x128xi32, #tpu.memory_space<hbm>> -> memref<1x1x2x128xi32, #tpu.memory_space<hbm>>
        %dma_start3A_130 = tpu.memref_squeeze %dma_start3A_129 : memref<1x1x2x128xi32, #tpu.memory_space<hbm>> -> memref<2x128xi32, #tpu.memory_space<hbm>>
        %dma_start3A_131 = arith.constant 0 : i32
        %dma_start3A_132 = arith.constant 0 : i32
        %dma_start3A_133 = tpu.memref_slice %arg2[%add3A, %add3A_92, %dma_start3A_131, %dma_start3A_132] : memref<32x160x2x128xi32, #tpu.memory_space<hbm>> -> memref<1x1x2x128xi32, #tpu.memory_space<hbm>>
        %dma_start3A_134 = tpu.memref_squeeze %dma_start3A_133 : memref<1x1x2x128xi32, #tpu.memory_space<hbm>> -> memref<2x128xi32, #tpu.memory_space<hbm>>
        tpu.enqueue_dma source(%dma_start3A_134 : memref<2x128xi32, #tpu.memory_space<hbm>>) target(%arg13 : memref<2x128xi32, #tpu.memory_space<vmem>>) target_semaphore(%run_scoped3A_126 : memref<!tpu.dma_semaphore, #tpu.memory_space<semaphore_mem>>)
        %dma_wait3A_135 = arith.constant 0 : i32
        %dma_wait3A_136 = arith.constant 0 : i32
        %dma_wait3A_137 = tpu.memref_slice %arg2[%add3A, %add3A_92, %dma_wait3A_135, %dma_wait3A_136] : memref<32x160x2x128xi32, #tpu.memory_space<hbm>> -> memref<1x1x2x128xi32, #tpu.memory_space<hbm>>
        %dma_wait3A_138 = tpu.memref_squeeze %dma_wait3A_137 : memref<1x1x2x128xi32, #tpu.memory_space<hbm>> -> memref<2x128xi32, #tpu.memory_space<hbm>>
        %dma_wait3A_139 = arith.constant 0 : i32
        %dma_wait3A_140 = arith.constant 0 : i32
        %dma_wait3A_141 = tpu.memref_slice %arg2[%add3A, %add3A_92, %dma_wait3A_139, %dma_wait3A_140] : memref<32x160x2x128xi32, #tpu.memory_space<hbm>> -> memref<1x1x2x128xi32, #tpu.memory_space<hbm>>
        %dma_wait3A_142 = tpu.memref_squeeze %dma_wait3A_141 : memref<1x1x2x128xi32, #tpu.memory_space<hbm>> -> memref<2x128xi32, #tpu.memory_space<hbm>>
        tpu.wait_dma2 semaphore(%run_scoped3A_126 : memref<!tpu.dma_semaphore, #tpu.memory_space<semaphore_mem>>) src(%dma_wait3A_142 : memref<2x128xi32, #tpu.memory_space<hbm>>) dst(%arg13 : memref<2x128xi32, #tpu.memory_space<vmem>>)
        tpu.yield
      }) : () -> ()
      %dma_wait3A_93 = arith.constant 0 : i32
      %dma_wait3A_94 = arith.constant 0 : i32
      %dma_wait3A_95 = tpu.memref_slice %arg12[%dma_wait3A_93, %dma_wait3A_94] : memref<2x128xi32, #tpu.memory_space<vmem>> -> memref<1x128xi32, #tpu.memory_space<vmem>>
      %dma_wait3A_96 = tpu.memref_squeeze %dma_wait3A_95 : memref<1x128xi32, #tpu.memory_space<vmem>> -> memref<128xi32, #tpu.memory_space<vmem>>
      %dma_wait3A_97 = arith.constant 0 : i32
      %dma_wait3A_98 = arith.constant 0 : i32
      %dma_wait3A_99 = tpu.memref_slice %arg6[%dma_wait3A_97, %dma_wait3A_98] : memref<10000x128xf32, #tpu.memory_space<hbm>> -> memref<10000x128xf32, #tpu.memory_space<hbm>>
      tpu.wait_indirect_dma semaphore(%arg17 : memref<!tpu.dma_semaphore, #tpu.memory_space<semaphore_mem>>) src(%dma_wait3A_99 : memref<10000x128xf32, #tpu.memory_space<hbm>>) dst(%arg14 : memref<128x128xf32, #tpu.memory_space<vmem>>)
      %dma_start3A_100 = arith.constant 0 : i32
      %dma_start3A_101 = arith.constant 0 : i32
      %dma_start3A_102 = tpu.memref_slice %arg13[%dma_start3A_100, %dma_start3A_101] : memref<2x128xi32, #tpu.memory_space<vmem>> -> memref<1x128xi32, #tpu.memory_space<vmem>>
      %dma_start3A_103 = tpu.memref_squeeze %dma_start3A_102 : memref<1x128xi32, #tpu.memory_space<vmem>> -> memref<128xi32, #tpu.memory_space<vmem>>
      %dma_start3A_104 = arith.constant 0 : i32
      %dma_start3A_105 = arith.constant 0 : i32
      %dma_start3A_106 = tpu.memref_slice %arg6[%dma_start3A_104, %dma_start3A_105] : memref<10000x128xf32, #tpu.memory_space<hbm>> -> memref<10000x128xf32, #tpu.memory_space<hbm>>
      tpu.enqueue_indirect_dma source(%dma_start3A_106 : memref<10000x128xf32, #tpu.memory_space<hbm>>) target(%arg15 : memref<128x128xf32, #tpu.memory_space<vmem>>) offsets(%dma_start3A_103 : memref<128xi32, #tpu.memory_space<vmem>>) semaphore(%arg18 : memref<!tpu.dma_semaphore, #tpu.memory_space<semaphore_mem>>)
      %run_scoped3A_107 = arith.constant 1 : i32
      "tpu.region"() ({
        %run_scoped3A_126 = tpu.sem_alloc : memref<!tpu.dma_semaphore, #tpu.memory_space<semaphore_mem>>
        %dma_start3A_127 = arith.constant 0 : i32
        %dma_start3A_128 = tpu.memref_slice %arg12[%run_scoped3A_107, %dma_start3A_127] : memref<2x128xi32, #tpu.memory_space<vmem>> -> memref<1x128xi32, #tpu.memory_space<vmem>>
        %dma_start3A_129 = tpu.memref_squeeze %dma_start3A_128 : memref<1x128xi32, #tpu.memory_space<vmem>> -> memref<128xi32, #tpu.memory_space<vmem>>
        %dma_start3A_130 = arith.constant 0 : i32
        %dma_start3A_131 = arith.constant 0 : i32
        %dma_start3A_132 = tpu.memref_slice %arg16[%dma_start3A_130, %dma_start3A_131] : memref<10240x128xf32, #tpu.memory_space<vmem_shared>> -> memref<10240x128xf32, #tpu.memory_space<vmem_shared>>
        tpu.enqueue_indirect_dma source(%arg14 : memref<128x128xf32, #tpu.memory_space<vmem>>) target(%dma_start3A_132 : memref<10240x128xf32, #tpu.memory_space<vmem_shared>>) offsets(%dma_start3A_129 : memref<128xi32, #tpu.memory_space<vmem>>) semaphore(%run_scoped3A_126 : memref<!tpu.dma_semaphore, #tpu.memory_space<semaphore_mem>>) {add = true}
        %dma_wait3A_133 = arith.constant 0 : i32
        %dma_wait3A_134 = tpu.memref_slice %arg12[%run_scoped3A_107, %dma_wait3A_133] : memref<2x128xi32, #tpu.memory_space<vmem>> -> memref<1x128xi32, #tpu.memory_space<vmem>>
        %dma_wait3A_135 = tpu.memref_squeeze %dma_wait3A_134 : memref<1x128xi32, #tpu.memory_space<vmem>> -> memref<128xi32, #tpu.memory_space<vmem>>
        %dma_wait3A_136 = arith.constant 0 : i32
        %dma_wait3A_137 = arith.constant 0 : i32
        %dma_wait3A_138 = tpu.memref_slice %arg16[%dma_wait3A_136, %dma_wait3A_137] : memref<10240x128xf32, #tpu.memory_space<vmem_shared>> -> memref<10240x128xf32, #tpu.memory_space<vmem_shared>>
        tpu.wait_indirect_dma semaphore(%run_scoped3A_126 : memref<!tpu.dma_semaphore, #tpu.memory_space<semaphore_mem>>) src(%arg14 : memref<128x128xf32, #tpu.memory_space<vmem>>) dst(%dma_wait3A_138 : memref<10240x128xf32, #tpu.memory_space<vmem_shared>>)
        tpu.yield
      }) : () -> ()
      %add3A_108 = arith.constant 2 : i32
      %add3A_109 = arith.addi %add3A_90, %add3A_108 : i32
      %rem3A = arith.constant 160 : i32
      %rem3A_110 = arith.remsi %add3A_109, %rem3A : i32
      "tpu.region"() ({
        %run_scoped3A_126 = tpu.sem_alloc : memref<!tpu.dma_semaphore, #tpu.memory_space<semaphore_mem>>
        %dma_start3A_127 = arith.constant 0 : i32
        %dma_start3A_128 = arith.constant 0 : i32
        %dma_start3A_129 = tpu.memref_slice %arg2[%add3A, %rem3A_110, %dma_start3A_127, %dma_start3A_128] : memref<32x160x2x128xi32, #tpu.memory_space<hbm>> -> memref<1x1x2x128xi32, #tpu.memory_space<hbm>>
        %dma_start3A_130 = tpu.memref_squeeze %dma_start3A_129 : memref<1x1x2x128xi32, #tpu.memory_space<hbm>> -> memref<2x128xi32, #tpu.memory_space<hbm>>
        %dma_start3A_131 = arith.constant 0 : i32
        %dma_start3A_132 = arith.constant 0 : i32
        %dma_start3A_133 = tpu.memref_slice %arg2[%add3A, %rem3A_110, %dma_start3A_131, %dma_start3A_132] : memref<32x160x2x128xi32, #tpu.memory_space<hbm>> -> memref<1x1x2x128xi32, #tpu.memory_space<hbm>>
        %dma_start3A_134 = tpu.memref_squeeze %dma_start3A_133 : memref<1x1x2x128xi32, #tpu.memory_space<hbm>> -> memref<2x128xi32, #tpu.memory_space<hbm>>
        tpu.enqueue_dma source(%dma_start3A_134 : memref<2x128xi32, #tpu.memory_space<hbm>>) target(%arg12 : memref<2x128xi32, #tpu.memory_space<vmem>>) target_semaphore(%run_scoped3A_126 : memref<!tpu.dma_semaphore, #tpu.memory_space<semaphore_mem>>)
        %dma_wait3A_135 = arith.constant 0 : i32
        %dma_wait3A_136 = arith.constant 0 : i32
        %dma_wait3A_137 = tpu.memref_slice %arg2[%add3A, %rem3A_110, %dma_wait3A_135, %dma_wait3A_136] : memref<32x160x2x128xi32, #tpu.memory_space<hbm>> -> memref<1x1x2x128xi32, #tpu.memory_space<hbm>>
        %dma_wait3A_138 = tpu.memref_squeeze %dma_wait3A_137 : memref<1x1x2x128xi32, #tpu.memory_space<hbm>> -> memref<2x128xi32, #tpu.memory_space<hbm>>
        %dma_wait3A_139 = arith.constant 0 : i32
        %dma_wait3A_140 = arith.constant 0 : i32
        %dma_wait3A_141 = tpu.memref_slice %arg2[%add3A, %rem3A_110, %dma_wait3A_139, %dma_wait3A_140] : memref<32x160x2x128xi32, #tpu.memory_space<hbm>> -> memref<1x1x2x128xi32, #tpu.memory_space<hbm>>
        %dma_wait3A_142 = tpu.memref_squeeze %dma_wait3A_141 : memref<1x1x2x128xi32, #tpu.memory_space<hbm>> -> memref<2x128xi32, #tpu.memory_space<hbm>>
        tpu.wait_dma2 semaphore(%run_scoped3A_126 : memref<!tpu.dma_semaphore, #tpu.memory_space<semaphore_mem>>) src(%dma_wait3A_142 : memref<2x128xi32, #tpu.memory_space<hbm>>) dst(%arg12 : memref<2x128xi32, #tpu.memory_space<vmem>>)
        tpu.yield
      }) : () -> ()
      %dma_wait3A_111 = arith.constant 0 : i32
      %dma_wait3A_112 = arith.constant 0 : i32
      %dma_wait3A_113 = tpu.memref_slice %arg13[%dma_wait3A_111, %dma_wait3A_112] : memref<2x128xi32, #tpu.memory_space<vmem>> -> memref<1x128xi32, #tpu.memory_space<vmem>>
      %dma_wait3A_114 = tpu.memref_squeeze %dma_wait3A_113 : memref<1x128xi32, #tpu.memory_space<vmem>> -> memref<128xi32, #tpu.memory_space<vmem>>
      %dma_wait3A_115 = arith.constant 0 : i32
      %dma_wait3A_116 = arith.constant 0 : i32
      %dma_wait3A_117 = tpu.memref_slice %arg6[%dma_wait3A_115, %dma_wait3A_116] : memref<10000x128xf32, #tpu.memory_space<hbm>> -> memref<10000x128xf32, #tpu.memory_space<hbm>>
      tpu.wait_indirect_dma semaphore(%arg18 : memref<!tpu.dma_semaphore, #tpu.memory_space<semaphore_mem>>) src(%dma_wait3A_117 : memref<10000x128xf32, #tpu.memory_space<hbm>>) dst(%arg15 : memref<128x128xf32, #tpu.memory_space<vmem>>)
      %dma_start3A_118 = arith.constant 0 : i32
      %dma_start3A_119 = arith.constant 0 : i32
      %dma_start3A_120 = tpu.memref_slice %arg12[%dma_start3A_118, %dma_start3A_119] : memref<2x128xi32, #tpu.memory_space<vmem>> -> memref<1x128xi32, #tpu.memory_space<vmem>>
      %dma_start3A_121 = tpu.memref_squeeze %dma_start3A_120 : memref<1x128xi32, #tpu.memory_space<vmem>> -> memref<128xi32, #tpu.memory_space<vmem>>
      %dma_start3A_122 = arith.constant 0 : i32
      %dma_start3A_123 = arith.constant 0 : i32
      %dma_start3A_124 = tpu.memref_slice %arg6[%dma_start3A_122, %dma_start3A_123] : memref<10000x128xf32, #tpu.memory_space<hbm>> -> memref<10000x128xf32, #tpu.memory_space<hbm>>
      tpu.enqueue_indirect_dma source(%dma_start3A_124 : memref<10000x128xf32, #tpu.memory_space<hbm>>) target(%arg14 : memref<128x128xf32, #tpu.memory_space<vmem>>) offsets(%dma_start3A_121 : memref<128xi32, #tpu.memory_space<vmem>>) semaphore(%arg17 : memref<!tpu.dma_semaphore, #tpu.memory_space<semaphore_mem>>)
      %run_scoped3A_125 = arith.constant 1 : i32
      "tpu.region"() ({
        %run_scoped3A_126 = tpu.sem_alloc : memref<!tpu.dma_semaphore, #tpu.memory_space<semaphore_mem>>
        %dma_start3A_127 = arith.constant 0 : i32
        %dma_start3A_128 = tpu.memref_slice %arg13[%run_scoped3A_125, %dma_start3A_127] : memref<2x128xi32, #tpu.memory_space<vmem>> -> memref<1x128xi32, #tpu.memory_space<vmem>>
        %dma_start3A_129 = tpu.memref_squeeze %dma_start3A_128 : memref<1x128xi32, #tpu.memory_space<vmem>> -> memref<128xi32, #tpu.memory_space<vmem>>
        %dma_start3A_130 = arith.constant 0 : i32
        %dma_start3A_131 = arith.constant 0 : i32
        %dma_start3A_132 = tpu.memref_slice %arg16[%dma_start3A_130, %dma_start3A_131] : memref<10240x128xf32, #tpu.memory_space<vmem_shared>> -> memref<10240x128xf32, #tpu.memory_space<vmem_shared>>
        tpu.enqueue_indirect_dma source(%arg15 : memref<128x128xf32, #tpu.memory_space<vmem>>) target(%dma_start3A_132 : memref<10240x128xf32, #tpu.memory_space<vmem_shared>>) offsets(%dma_start3A_129 : memref<128xi32, #tpu.memory_space<vmem>>) semaphore(%run_scoped3A_126 : memref<!tpu.dma_semaphore, #tpu.memory_space<semaphore_mem>>) {add = true}
        %dma_wait3A_133 = arith.constant 0 : i32
        %dma_wait3A_134 = tpu.memref_slice %arg13[%run_scoped3A_125, %dma_wait3A_133] : memref<2x128xi32, #tpu.memory_space<vmem>> -> memref<1x128xi32, #tpu.memory_space<vmem>>
        %dma_wait3A_135 = tpu.memref_squeeze %dma_wait3A_134 : memref<1x128xi32, #tpu.memory_space<vmem>> -> memref<128xi32, #tpu.memory_space<vmem>>
        %dma_wait3A_136 = arith.constant 0 : i32
        %dma_wait3A_137 = arith.constant 0 : i32
        %dma_wait3A_138 = tpu.memref_slice %arg16[%dma_wait3A_136, %dma_wait3A_137] : memref<10240x128xf32, #tpu.memory_space<vmem_shared>> -> memref<10240x128xf32, #tpu.memory_space<vmem_shared>>
        tpu.wait_indirect_dma semaphore(%run_scoped3A_126 : memref<!tpu.dma_semaphore, #tpu.memory_space<semaphore_mem>>) src(%arg15 : memref<128x128xf32, #tpu.memory_space<vmem>>) dst(%dma_wait3A_138 : memref<10240x128xf32, #tpu.memory_space<vmem_shared>>)
        tpu.yield
      }) : () -> ()
    }
    %scan3A_55 = arith.constant 80 : i32
    %dma_wait3A_56 = arith.constant 0 : i32
    %dma_wait3A_57 = arith.constant 0 : i32
    %dma_wait3A_58 = tpu.memref_slice %arg12[%dma_wait3A_56, %dma_wait3A_57] : memref<2x128xi32, #tpu.memory_space<vmem>> -> memref<1x128xi32, #tpu.memory_space<vmem>>
    %dma_wait3A_59 = tpu.memref_squeeze %dma_wait3A_58 : memref<1x128xi32, #tpu.memory_space<vmem>> -> memref<128xi32, #tpu.memory_space<vmem>>
    %dma_wait3A_60 = arith.constant 0 : i32
    %dma_wait3A_61 = arith.constant 0 : i32
    %dma_wait3A_62 = tpu.memref_slice %arg6[%dma_wait3A_60, %dma_wait3A_61] : memref<10000x128xf32, #tpu.memory_space<hbm>> -> memref<10000x128xf32, #tpu.memory_space<hbm>>
    tpu.wait_indirect_dma semaphore(%arg17 : memref<!tpu.dma_semaphore, #tpu.memory_space<semaphore_mem>>) src(%dma_wait3A_62 : memref<10000x128xf32, #tpu.memory_space<hbm>>) dst(%arg14 : memref<128x128xf32, #tpu.memory_space<vmem>>)
    %barrier3A_63 = arith.constant 0 : index
    tpu.barrier barrier_id(%barrier3A_63)
    "tpu.region"() ({
      %run_scoped3A_86 = tpu.sem_alloc : memref<!tpu.dma_semaphore, #tpu.memory_space<semaphore_mem>>
      %dma_start3A_87 = arith.constant 0 : i32
      %dma_start3A_88 = tpu.memref_slice %arg10[%arg0, %mul3A_2, %dma_start3A_87] : memref<2x10240x128xf32, #tpu.memory_space<hbm>> -> memref<1x640x128xf32, #tpu.memory_space<hbm>>
      %dma_start3A_89 = tpu.memref_squeeze %dma_start3A_88 : memref<1x640x128xf32, #tpu.memory_space<hbm>> -> memref<640x128xf32, #tpu.memory_space<hbm>>
      %dma_start3A_90 = arith.constant 0 : i32
      %dma_start3A_91 = tpu.memref_slice %arg16[%mul3A_2, %dma_start3A_90] : memref<10240x128xf32, #tpu.memory_space<vmem_shared>> -> memref<640x128xf32, #tpu.memory_space<vmem_shared>>
      tpu.enqueue_dma source(%dma_start3A_91 : memref<640x128xf32, #tpu.memory_space<vmem_shared>>) target(%dma_start3A_89 : memref<640x128xf32, #tpu.memory_space<hbm>>) target_semaphore(%run_scoped3A_86 : memref<!tpu.dma_semaphore, #tpu.memory_space<semaphore_mem>>)
      %dma_wait3A_92 = arith.constant 0 : i32
      %dma_wait3A_93 = tpu.memref_slice %arg10[%arg0, %mul3A_2, %dma_wait3A_92] : memref<2x10240x128xf32, #tpu.memory_space<hbm>> -> memref<1x640x128xf32, #tpu.memory_space<hbm>>
      %dma_wait3A_94 = tpu.memref_squeeze %dma_wait3A_93 : memref<1x640x128xf32, #tpu.memory_space<hbm>> -> memref<640x128xf32, #tpu.memory_space<hbm>>
      %dma_wait3A_95 = arith.constant 0 : i32
      %dma_wait3A_96 = tpu.memref_slice %arg16[%mul3A_2, %dma_wait3A_95] : memref<10240x128xf32, #tpu.memory_space<vmem_shared>> -> memref<640x128xf32, #tpu.memory_space<vmem_shared>>
      tpu.wait_dma2 semaphore(%run_scoped3A_86 : memref<!tpu.dma_semaphore, #tpu.memory_space<semaphore_mem>>) src(%dma_wait3A_96 : memref<640x128xf32, #tpu.memory_space<vmem_shared>>) dst(%dma_wait3A_94 : memref<640x128xf32, #tpu.memory_space<hbm>>)
      tpu.yield
    }) : () -> ()
    "tpu.region"() ({
      %run_scoped3A_86 = tpu.sem_alloc : memref<!tpu.dma_semaphore, #tpu.memory_space<semaphore_mem>>
      %dma_start3A_87 = arith.constant 0 : i32
      %dma_start3A_88 = tpu.memref_slice %arg16[%mul3A_2, %dma_start3A_87] : memref<10240x128xf32, #tpu.memory_space<vmem_shared>> -> memref<640x128xf32, #tpu.memory_space<vmem_shared>>
      tpu.enqueue_dma source(%arg3 : memref<640x128xf32, #tpu.memory_space<hbm>>) target(%dma_start3A_88 : memref<640x128xf32, #tpu.memory_space<vmem_shared>>) target_semaphore(%run_scoped3A_86 : memref<!tpu.dma_semaphore, #tpu.memory_space<semaphore_mem>>)
      %dma_wait3A_89 = arith.constant 0 : i32
      %dma_wait3A_90 = tpu.memref_slice %arg16[%mul3A_2, %dma_wait3A_89] : memref<10240x128xf32, #tpu.memory_space<vmem_shared>> -> memref<640x128xf32, #tpu.memory_space<vmem_shared>>
      tpu.wait_dma2 semaphore(%run_scoped3A_86 : memref<!tpu.dma_semaphore, #tpu.memory_space<semaphore_mem>>) src(%arg3 : memref<640x128xf32, #tpu.memory_space<hbm>>) dst(%dma_wait3A_90 : memref<640x128xf32, #tpu.memory_space<vmem_shared>>)
      tpu.yield
    }) : () -> ()
    %barrier3A_64 = arith.constant 0 : index
    tpu.barrier barrier_id(%barrier3A_64)
    %run_scoped3A_65 = arith.constant 0 : i32
    "tpu.region"() ({
      %run_scoped3A_86 = tpu.sem_alloc : memref<!tpu.dma_semaphore, #tpu.memory_space<semaphore_mem>>
      %dma_start3A_87 = arith.constant 0 : i32
      %dma_start3A_88 = arith.constant 0 : i32
      %dma_start3A_89 = tpu.memref_slice %arg2[%add3A, %run_scoped3A_65, %dma_start3A_87, %dma_start3A_88] : memref<32x160x2x128xi32, #tpu.memory_space<hbm>> -> memref<1x1x2x128xi32, #tpu.memory_space<hbm>>
      %dma_start3A_90 = tpu.memref_squeeze %dma_start3A_89 : memref<1x1x2x128xi32, #tpu.memory_space<hbm>> -> memref<2x128xi32, #tpu.memory_space<hbm>>
      %dma_start3A_91 = arith.constant 0 : i32
      %dma_start3A_92 = arith.constant 0 : i32
      %dma_start3A_93 = tpu.memref_slice %arg2[%add3A, %run_scoped3A_65, %dma_start3A_91, %dma_start3A_92] : memref<32x160x2x128xi32, #tpu.memory_space<hbm>> -> memref<1x1x2x128xi32, #tpu.memory_space<hbm>>
      %dma_start3A_94 = tpu.memref_squeeze %dma_start3A_93 : memref<1x1x2x128xi32, #tpu.memory_space<hbm>> -> memref<2x128xi32, #tpu.memory_space<hbm>>
      tpu.enqueue_dma source(%dma_start3A_94 : memref<2x128xi32, #tpu.memory_space<hbm>>) target(%arg12 : memref<2x128xi32, #tpu.memory_space<vmem>>) target_semaphore(%run_scoped3A_86 : memref<!tpu.dma_semaphore, #tpu.memory_space<semaphore_mem>>)
      %dma_wait3A_95 = arith.constant 0 : i32
      %dma_wait3A_96 = arith.constant 0 : i32
      %dma_wait3A_97 = tpu.memref_slice %arg2[%add3A, %run_scoped3A_65, %dma_wait3A_95, %dma_wait3A_96] : memref<32x160x2x128xi32, #tpu.memory_space<hbm>> -> memref<1x1x2x128xi32, #tpu.memory_space<hbm>>
      %dma_wait3A_98 = tpu.memref_squeeze %dma_wait3A_97 : memref<1x1x2x128xi32, #tpu.memory_space<hbm>> -> memref<2x128xi32, #tpu.memory_space<hbm>>
      %dma_wait3A_99 = arith.constant 0 : i32
      %dma_wait3A_100 = arith.constant 0 : i32
      %dma_wait3A_101 = tpu.memref_slice %arg2[%add3A, %run_scoped3A_65, %dma_wait3A_99, %dma_wait3A_100] : memref<32x160x2x128xi32, #tpu.memory_space<hbm>> -> memref<1x1x2x128xi32, #tpu.memory_space<hbm>>
      %dma_wait3A_102 = tpu.memref_squeeze %dma_wait3A_101 : memref<1x1x2x128xi32, #tpu.memory_space<hbm>> -> memref<2x128xi32, #tpu.memory_space<hbm>>
      tpu.wait_dma2 semaphore(%run_scoped3A_86 : memref<!tpu.dma_semaphore, #tpu.memory_space<semaphore_mem>>) src(%dma_wait3A_102 : memref<2x128xi32, #tpu.memory_space<hbm>>) dst(%arg12 : memref<2x128xi32, #tpu.memory_space<vmem>>)
      tpu.yield
    }) : () -> ()
    %dma_start3A_66 = arith.constant 0 : i32
    %dma_start3A_67 = arith.constant 0 : i32
    %dma_start3A_68 = tpu.memref_slice %arg12[%dma_start3A_66, %dma_start3A_67] : memref<2x128xi32, #tpu.memory_space<vmem>> -> memref<1x128xi32, #tpu.memory_space<vmem>>
    %dma_start3A_69 = tpu.memref_squeeze %dma_start3A_68 : memref<1x128xi32, #tpu.memory_space<vmem>> -> memref<128xi32, #tpu.memory_space<vmem>>
    %dma_start3A_70 = arith.constant 0 : i32
    %dma_start3A_71 = arith.constant 0 : i32
    %dma_start3A_72 = tpu.memref_slice %arg7[%dma_start3A_70, %dma_start3A_71] : memref<10000x128xf32, #tpu.memory_space<hbm>> -> memref<10000x128xf32, #tpu.memory_space<hbm>>
    tpu.enqueue_indirect_dma source(%dma_start3A_72 : memref<10000x128xf32, #tpu.memory_space<hbm>>) target(%arg14 : memref<128x128xf32, #tpu.memory_space<vmem>>) offsets(%dma_start3A_69 : memref<128xi32, #tpu.memory_space<vmem>>) semaphore(%arg17 : memref<!tpu.dma_semaphore, #tpu.memory_space<semaphore_mem>>)
    %scan3A_73 = arith.constant 0 : i32
    %scan3A_74 = arith.constant 80 : i32
    %scan3A_75 = arith.addi %scan3A_73, %scan3A_74 : i32
    %scan3A_76 = arith.constant 1 : i32
    scf.for %scan3A_86 = %scan3A_73 to %scan3A_75 step %scan3A_76  : i32 {
      %mul3A_87 = arith.constant 2 : i32
      %mul3A_88 = arith.muli %scan3A_86, %mul3A_87 : i32
      %add3A_89 = arith.constant 0 : i32
      %add3A_90 = arith.addi %add3A_89, %mul3A_88 : i32
      %add3A_91 = arith.constant 1 : i32
      %add3A_92 = arith.addi %add3A_90, %add3A_91 : i32
      "tpu.region"() ({
        %run_scoped3A_126 = tpu.sem_alloc : memref<!tpu.dma_semaphore, #tpu.memory_space<semaphore_mem>>
        %dma_start3A_127 = arith.constant 0 : i32
        %dma_start3A_128 = arith.constant 0 : i32
        %dma_start3A_129 = tpu.memref_slice %arg2[%add3A, %add3A_92, %dma_start3A_127, %dma_start3A_128] : memref<32x160x2x128xi32, #tpu.memory_space<hbm>> -> memref<1x1x2x128xi32, #tpu.memory_space<hbm>>
        %dma_start3A_130 = tpu.memref_squeeze %dma_start3A_129 : memref<1x1x2x128xi32, #tpu.memory_space<hbm>> -> memref<2x128xi32, #tpu.memory_space<hbm>>
        %dma_start3A_131 = arith.constant 0 : i32
        %dma_start3A_132 = arith.constant 0 : i32
        %dma_start3A_133 = tpu.memref_slice %arg2[%add3A, %add3A_92, %dma_start3A_131, %dma_start3A_132] : memref<32x160x2x128xi32, #tpu.memory_space<hbm>> -> memref<1x1x2x128xi32, #tpu.memory_space<hbm>>
        %dma_start3A_134 = tpu.memref_squeeze %dma_start3A_133 : memref<1x1x2x128xi32, #tpu.memory_space<hbm>> -> memref<2x128xi32, #tpu.memory_space<hbm>>
        tpu.enqueue_dma source(%dma_start3A_134 : memref<2x128xi32, #tpu.memory_space<hbm>>) target(%arg13 : memref<2x128xi32, #tpu.memory_space<vmem>>) target_semaphore(%run_scoped3A_126 : memref<!tpu.dma_semaphore, #tpu.memory_space<semaphore_mem>>)
        %dma_wait3A_135 = arith.constant 0 : i32
        %dma_wait3A_136 = arith.constant 0 : i32
        %dma_wait3A_137 = tpu.memref_slice %arg2[%add3A, %add3A_92, %dma_wait3A_135, %dma_wait3A_136] : memref<32x160x2x128xi32, #tpu.memory_space<hbm>> -> memref<1x1x2x128xi32, #tpu.memory_space<hbm>>
        %dma_wait3A_138 = tpu.memref_squeeze %dma_wait3A_137 : memref<1x1x2x128xi32, #tpu.memory_space<hbm>> -> memref<2x128xi32, #tpu.memory_space<hbm>>
        %dma_wait3A_139 = arith.constant 0 : i32
        %dma_wait3A_140 = arith.constant 0 : i32
        %dma_wait3A_141 = tpu.memref_slice %arg2[%add3A, %add3A_92, %dma_wait3A_139, %dma_wait3A_140] : memref<32x160x2x128xi32, #tpu.memory_space<hbm>> -> memref<1x1x2x128xi32, #tpu.memory_space<hbm>>
        %dma_wait3A_142 = tpu.memref_squeeze %dma_wait3A_141 : memref<1x1x2x128xi32, #tpu.memory_space<hbm>> -> memref<2x128xi32, #tpu.memory_space<hbm>>
        tpu.wait_dma2 semaphore(%run_scoped3A_126 : memref<!tpu.dma_semaphore, #tpu.memory_space<semaphore_mem>>) src(%dma_wait3A_142 : memref<2x128xi32, #tpu.memory_space<hbm>>) dst(%arg13 : memref<2x128xi32, #tpu.memory_space<vmem>>)
        tpu.yield
      }) : () -> ()
      %dma_wait3A_93 = arith.constant 0 : i32
      %dma_wait3A_94 = arith.constant 0 : i32
      %dma_wait3A_95 = tpu.memref_slice %arg12[%dma_wait3A_93, %dma_wait3A_94] : memref<2x128xi32, #tpu.memory_space<vmem>> -> memref<1x128xi32, #tpu.memory_space<vmem>>
      %dma_wait3A_96 = tpu.memref_squeeze %dma_wait3A_95 : memref<1x128xi32, #tpu.memory_space<vmem>> -> memref<128xi32, #tpu.memory_space<vmem>>
      %dma_wait3A_97 = arith.constant 0 : i32
      %dma_wait3A_98 = arith.constant 0 : i32
      %dma_wait3A_99 = tpu.memref_slice %arg7[%dma_wait3A_97, %dma_wait3A_98] : memref<10000x128xf32, #tpu.memory_space<hbm>> -> memref<10000x128xf32, #tpu.memory_space<hbm>>
      tpu.wait_indirect_dma semaphore(%arg17 : memref<!tpu.dma_semaphore, #tpu.memory_space<semaphore_mem>>) src(%dma_wait3A_99 : memref<10000x128xf32, #tpu.memory_space<hbm>>) dst(%arg14 : memref<128x128xf32, #tpu.memory_space<vmem>>)
      %dma_start3A_100 = arith.constant 0 : i32
      %dma_start3A_101 = arith.constant 0 : i32
      %dma_start3A_102 = tpu.memref_slice %arg13[%dma_start3A_100, %dma_start3A_101] : memref<2x128xi32, #tpu.memory_space<vmem>> -> memref<1x128xi32, #tpu.memory_space<vmem>>
      %dma_start3A_103 = tpu.memref_squeeze %dma_start3A_102 : memref<1x128xi32, #tpu.memory_space<vmem>> -> memref<128xi32, #tpu.memory_space<vmem>>
      %dma_start3A_104 = arith.constant 0 : i32
      %dma_start3A_105 = arith.constant 0 : i32
      %dma_start3A_106 = tpu.memref_slice %arg7[%dma_start3A_104, %dma_start3A_105] : memref<10000x128xf32, #tpu.memory_space<hbm>> -> memref<10000x128xf32, #tpu.memory_space<hbm>>
      tpu.enqueue_indirect_dma source(%dma_start3A_106 : memref<10000x128xf32, #tpu.memory_space<hbm>>) target(%arg15 : memref<128x128xf32, #tpu.memory_space<vmem>>) offsets(%dma_start3A_103 : memref<128xi32, #tpu.memory_space<vmem>>) semaphore(%arg18 : memref<!tpu.dma_semaphore, #tpu.memory_space<semaphore_mem>>)
      %run_scoped3A_107 = arith.constant 1 : i32
      "tpu.region"() ({
        %run_scoped3A_126 = tpu.sem_alloc : memref<!tpu.dma_semaphore, #tpu.memory_space<semaphore_mem>>
        %dma_start3A_127 = arith.constant 0 : i32
        %dma_start3A_128 = tpu.memref_slice %arg12[%run_scoped3A_107, %dma_start3A_127] : memref<2x128xi32, #tpu.memory_space<vmem>> -> memref<1x128xi32, #tpu.memory_space<vmem>>
        %dma_start3A_129 = tpu.memref_squeeze %dma_start3A_128 : memref<1x128xi32, #tpu.memory_space<vmem>> -> memref<128xi32, #tpu.memory_space<vmem>>
        %dma_start3A_130 = arith.constant 0 : i32
        %dma_start3A_131 = arith.constant 0 : i32
        %dma_start3A_132 = tpu.memref_slice %arg16[%dma_start3A_130, %dma_start3A_131] : memref<10240x128xf32, #tpu.memory_space<vmem_shared>> -> memref<10240x128xf32, #tpu.memory_space<vmem_shared>>
        tpu.enqueue_indirect_dma source(%arg14 : memref<128x128xf32, #tpu.memory_space<vmem>>) target(%dma_start3A_132 : memref<10240x128xf32, #tpu.memory_space<vmem_shared>>) offsets(%dma_start3A_129 : memref<128xi32, #tpu.memory_space<vmem>>) semaphore(%run_scoped3A_126 : memref<!tpu.dma_semaphore, #tpu.memory_space<semaphore_mem>>) {add = true}
        %dma_wait3A_133 = arith.constant 0 : i32
        %dma_wait3A_134 = tpu.memref_slice %arg12[%run_scoped3A_107, %dma_wait3A_133] : memref<2x128xi32, #tpu.memory_space<vmem>> -> memref<1x128xi32, #tpu.memory_space<vmem>>
        %dma_wait3A_135 = tpu.memref_squeeze %dma_wait3A_134 : memref<1x128xi32, #tpu.memory_space<vmem>> -> memref<128xi32, #tpu.memory_space<vmem>>
        %dma_wait3A_136 = arith.constant 0 : i32
        %dma_wait3A_137 = arith.constant 0 : i32
        %dma_wait3A_138 = tpu.memref_slice %arg16[%dma_wait3A_136, %dma_wait3A_137] : memref<10240x128xf32, #tpu.memory_space<vmem_shared>> -> memref<10240x128xf32, #tpu.memory_space<vmem_shared>>
        tpu.wait_indirect_dma semaphore(%run_scoped3A_126 : memref<!tpu.dma_semaphore, #tpu.memory_space<semaphore_mem>>) src(%arg14 : memref<128x128xf32, #tpu.memory_space<vmem>>) dst(%dma_wait3A_138 : memref<10240x128xf32, #tpu.memory_space<vmem_shared>>)
        tpu.yield
      }) : () -> ()
      %add3A_108 = arith.constant 2 : i32
      %add3A_109 = arith.addi %add3A_90, %add3A_108 : i32
      %rem3A = arith.constant 160 : i32
      %rem3A_110 = arith.remsi %add3A_109, %rem3A : i32
      "tpu.region"() ({
        %run_scoped3A_126 = tpu.sem_alloc : memref<!tpu.dma_semaphore, #tpu.memory_space<semaphore_mem>>
        %dma_start3A_127 = arith.constant 0 : i32
        %dma_start3A_128 = arith.constant 0 : i32
        %dma_start3A_129 = tpu.memref_slice %arg2[%add3A, %rem3A_110, %dma_start3A_127, %dma_start3A_128] : memref<32x160x2x128xi32, #tpu.memory_space<hbm>> -> memref<1x1x2x128xi32, #tpu.memory_space<hbm>>
        %dma_start3A_130 = tpu.memref_squeeze %dma_start3A_129 : memref<1x1x2x128xi32, #tpu.memory_space<hbm>> -> memref<2x128xi32, #tpu.memory_space<hbm>>
        %dma_start3A_131 = arith.constant 0 : i32
        %dma_start3A_132 = arith.constant 0 : i32
        %dma_start3A_133 = tpu.memref_slice %arg2[%add3A, %rem3A_110, %dma_start3A_131, %dma_start3A_132] : memref<32x160x2x128xi32, #tpu.memory_space<hbm>> -> memref<1x1x2x128xi32, #tpu.memory_space<hbm>>
        %dma_start3A_134 = tpu.memref_squeeze %dma_start3A_133 : memref<1x1x2x128xi32, #tpu.memory_space<hbm>> -> memref<2x128xi32, #tpu.memory_space<hbm>>
        tpu.enqueue_dma source(%dma_start3A_134 : memref<2x128xi32, #tpu.memory_space<hbm>>) target(%arg12 : memref<2x128xi32, #tpu.memory_space<vmem>>) target_semaphore(%run_scoped3A_126 : memref<!tpu.dma_semaphore, #tpu.memory_space<semaphore_mem>>)
        %dma_wait3A_135 = arith.constant 0 : i32
        %dma_wait3A_136 = arith.constant 0 : i32
        %dma_wait3A_137 = tpu.memref_slice %arg2[%add3A, %rem3A_110, %dma_wait3A_135, %dma_wait3A_136] : memref<32x160x2x128xi32, #tpu.memory_space<hbm>> -> memref<1x1x2x128xi32, #tpu.memory_space<hbm>>
        %dma_wait3A_138 = tpu.memref_squeeze %dma_wait3A_137 : memref<1x1x2x128xi32, #tpu.memory_space<hbm>> -> memref<2x128xi32, #tpu.memory_space<hbm>>
        %dma_wait3A_139 = arith.constant 0 : i32
        %dma_wait3A_140 = arith.constant 0 : i32
        %dma_wait3A_141 = tpu.memref_slice %arg2[%add3A, %rem3A_110, %dma_wait3A_139, %dma_wait3A_140] : memref<32x160x2x128xi32, #tpu.memory_space<hbm>> -> memref<1x1x2x128xi32, #tpu.memory_space<hbm>>
        %dma_wait3A_142 = tpu.memref_squeeze %dma_wait3A_141 : memref<1x1x2x128xi32, #tpu.memory_space<hbm>> -> memref<2x128xi32, #tpu.memory_space<hbm>>
        tpu.wait_dma2 semaphore(%run_scoped3A_126 : memref<!tpu.dma_semaphore, #tpu.memory_space<semaphore_mem>>) src(%dma_wait3A_142 : memref<2x128xi32, #tpu.memory_space<hbm>>) dst(%arg12 : memref<2x128xi32, #tpu.memory_space<vmem>>)
        tpu.yield
      }) : () -> ()
      %dma_wait3A_111 = arith.constant 0 : i32
      %dma_wait3A_112 = arith.constant 0 : i32
      %dma_wait3A_113 = tpu.memref_slice %arg13[%dma_wait3A_111, %dma_wait3A_112] : memref<2x128xi32, #tpu.memory_space<vmem>> -> memref<1x128xi32, #tpu.memory_space<vmem>>
      %dma_wait3A_114 = tpu.memref_squeeze %dma_wait3A_113 : memref<1x128xi32, #tpu.memory_space<vmem>> -> memref<128xi32, #tpu.memory_space<vmem>>
      %dma_wait3A_115 = arith.constant 0 : i32
      %dma_wait3A_116 = arith.constant 0 : i32
      %dma_wait3A_117 = tpu.memref_slice %arg7[%dma_wait3A_115, %dma_wait3A_116] : memref<10000x128xf32, #tpu.memory_space<hbm>> -> memref<10000x128xf32, #tpu.memory_space<hbm>>
      tpu.wait_indirect_dma semaphore(%arg18 : memref<!tpu.dma_semaphore, #tpu.memory_space<semaphore_mem>>) src(%dma_wait3A_117 : memref<10000x128xf32, #tpu.memory_space<hbm>>) dst(%arg15 : memref<128x128xf32, #tpu.memory_space<vmem>>)
      %dma_start3A_118 = arith.constant 0 : i32
      %dma_start3A_119 = arith.constant 0 : i32
      %dma_start3A_120 = tpu.memref_slice %arg12[%dma_start3A_118, %dma_start3A_119] : memref<2x128xi32, #tpu.memory_space<vmem>> -> memref<1x128xi32, #tpu.memory_space<vmem>>
      %dma_start3A_121 = tpu.memref_squeeze %dma_start3A_120 : memref<1x128xi32, #tpu.memory_space<vmem>> -> memref<128xi32, #tpu.memory_space<vmem>>
      %dma_start3A_122 = arith.constant 0 : i32
      %dma_start3A_123 = arith.constant 0 : i32
      %dma_start3A_124 = tpu.memref_slice %arg7[%dma_start3A_122, %dma_start3A_123] : memref<10000x128xf32, #tpu.memory_space<hbm>> -> memref<10000x128xf32, #tpu.memory_space<hbm>>
      tpu.enqueue_indirect_dma source(%dma_start3A_124 : memref<10000x128xf32, #tpu.memory_space<hbm>>) target(%arg14 : memref<128x128xf32, #tpu.memory_space<vmem>>) offsets(%dma_start3A_121 : memref<128xi32, #tpu.memory_space<vmem>>) semaphore(%arg17 : memref<!tpu.dma_semaphore, #tpu.memory_space<semaphore_mem>>)
      %run_scoped3A_125 = arith.constant 1 : i32
      "tpu.region"() ({
        %run_scoped3A_126 = tpu.sem_alloc : memref<!tpu.dma_semaphore, #tpu.memory_space<semaphore_mem>>
        %dma_start3A_127 = arith.constant 0 : i32
        %dma_start3A_128 = tpu.memref_slice %arg13[%run_scoped3A_125, %dma_start3A_127] : memref<2x128xi32, #tpu.memory_space<vmem>> -> memref<1x128xi32, #tpu.memory_space<vmem>>
        %dma_start3A_129 = tpu.memref_squeeze %dma_start3A_128 : memref<1x128xi32, #tpu.memory_space<vmem>> -> memref<128xi32, #tpu.memory_space<vmem>>
        %dma_start3A_130 = arith.constant 0 : i32
        %dma_start3A_131 = arith.constant 0 : i32
        %dma_start3A_132 = tpu.memref_slice %arg16[%dma_start3A_130, %dma_start3A_131] : memref<10240x128xf32, #tpu.memory_space<vmem_shared>> -> memref<10240x128xf32, #tpu.memory_space<vmem_shared>>
        tpu.enqueue_indirect_dma source(%arg15 : memref<128x128xf32, #tpu.memory_space<vmem>>) target(%dma_start3A_132 : memref<10240x128xf32, #tpu.memory_space<vmem_shared>>) offsets(%dma_start3A_129 : memref<128xi32, #tpu.memory_space<vmem>>) semaphore(%run_scoped3A_126 : memref<!tpu.dma_semaphore, #tpu.memory_space<semaphore_mem>>) {add = true}
        %dma_wait3A_133 = arith.constant 0 : i32
        %dma_wait3A_134 = tpu.memref_slice %arg13[%run_scoped3A_125, %dma_wait3A_133] : memref<2x128xi32, #tpu.memory_space<vmem>> -> memref<1x128xi32, #tpu.memory_space<vmem>>
        %dma_wait3A_135 = tpu.memref_squeeze %dma_wait3A_134 : memref<1x128xi32, #tpu.memory_space<vmem>> -> memref<128xi32, #tpu.memory_space<vmem>>
        %dma_wait3A_136 = arith.constant 0 : i32
        %dma_wait3A_137 = arith.constant 0 : i32
        %dma_wait3A_138 = tpu.memref_slice %arg16[%dma_wait3A_136, %dma_wait3A_137] : memref<10240x128xf32, #tpu.memory_space<vmem_shared>> -> memref<10240x128xf32, #tpu.memory_space<vmem_shared>>
        tpu.wait_indirect_dma semaphore(%run_scoped3A_126 : memref<!tpu.dma_semaphore, #tpu.memory_space<semaphore_mem>>) src(%arg15 : memref<128x128xf32, #tpu.memory_space<vmem>>) dst(%dma_wait3A_138 : memref<10240x128xf32, #tpu.memory_space<vmem_shared>>)
        tpu.yield
      }) : () -> ()
    }
    %scan3A_77 = arith.constant 80 : i32
    %dma_wait3A_78 = arith.constant 0 : i32
    %dma_wait3A_79 = arith.constant 0 : i32
    %dma_wait3A_80 = tpu.memref_slice %arg12[%dma_wait3A_78, %dma_wait3A_79] : memref<2x128xi32, #tpu.memory_space<vmem>> -> memref<1x128xi32, #tpu.memory_space<vmem>>
    %dma_wait3A_81 = tpu.memref_squeeze %dma_wait3A_80 : memref<1x128xi32, #tpu.memory_space<vmem>> -> memref<128xi32, #tpu.memory_space<vmem>>
    %dma_wait3A_82 = arith.constant 0 : i32
    %dma_wait3A_83 = arith.constant 0 : i32
    %dma_wait3A_84 = tpu.memref_slice %arg7[%dma_wait3A_82, %dma_wait3A_83] : memref<10000x128xf32, #tpu.memory_space<hbm>> -> memref<10000x128xf32, #tpu.memory_space<hbm>>
    tpu.wait_indirect_dma semaphore(%arg17 : memref<!tpu.dma_semaphore, #tpu.memory_space<semaphore_mem>>) src(%dma_wait3A_84 : memref<10000x128xf32, #tpu.memory_space<hbm>>) dst(%arg14 : memref<128x128xf32, #tpu.memory_space<vmem>>)
    %barrier3A_85 = arith.constant 0 : index
    tpu.barrier barrier_id(%barrier3A_85)
    "tpu.region"() ({
      %run_scoped3A_86 = tpu.sem_alloc : memref<!tpu.dma_semaphore, #tpu.memory_space<semaphore_mem>>
      %dma_start3A_87 = arith.constant 0 : i32
      %dma_start3A_88 = tpu.memref_slice %arg11[%arg0, %mul3A_2, %dma_start3A_87] : memref<2x10240x128xf32, #tpu.memory_space<hbm>> -> memref<1x640x128xf32, #tpu.memory_space<hbm>>
      %dma_start3A_89 = tpu.memref_squeeze %dma_start3A_88 : memref<1x640x128xf32, #tpu.memory_space<hbm>> -> memref<640x128xf32, #tpu.memory_space<hbm>>
      %dma_start3A_90 = arith.constant 0 : i32
      %dma_start3A_91 = tpu.memref_slice %arg16[%mul3A_2, %dma_start3A_90] : memref<10240x128xf32, #tpu.memory_space<vmem_shared>> -> memref<640x128xf32, #tpu.memory_space<vmem_shared>>
      tpu.enqueue_dma source(%dma_start3A_91 : memref<640x128xf32, #tpu.memory_space<vmem_shared>>) target(%dma_start3A_89 : memref<640x128xf32, #tpu.memory_space<hbm>>) target_semaphore(%run_scoped3A_86 : memref<!tpu.dma_semaphore, #tpu.memory_space<semaphore_mem>>)
      %dma_wait3A_92 = arith.constant 0 : i32
      %dma_wait3A_93 = tpu.memref_slice %arg11[%arg0, %mul3A_2, %dma_wait3A_92] : memref<2x10240x128xf32, #tpu.memory_space<hbm>> -> memref<1x640x128xf32, #tpu.memory_space<hbm>>
      %dma_wait3A_94 = tpu.memref_squeeze %dma_wait3A_93 : memref<1x640x128xf32, #tpu.memory_space<hbm>> -> memref<640x128xf32, #tpu.memory_space<hbm>>
      %dma_wait3A_95 = arith.constant 0 : i32
      %dma_wait3A_96 = tpu.memref_slice %arg16[%mul3A_2, %dma_wait3A_95] : memref<10240x128xf32, #tpu.memory_space<vmem_shared>> -> memref<640x128xf32, #tpu.memory_space<vmem_shared>>
      tpu.wait_dma2 semaphore(%run_scoped3A_86 : memref<!tpu.dma_semaphore, #tpu.memory_space<semaphore_mem>>) src(%dma_wait3A_96 : memref<640x128xf32, #tpu.memory_space<vmem_shared>>) dst(%dma_wait3A_94 : memref<640x128xf32, #tpu.memory_space<hbm>>)
      tpu.yield
    }) : () -> ()
    return
  }
}

#map = affine_map<(d0, d1) -> (0, 0, 0, 0)>
#map1 = affine_map<(d0, d1) -> (0, 0)>
#map2 = affine_map<(d0, d1) -> (0, 0, 0)>
module attributes {stable_mosaic.version = 14 : i64} {
  func.func @sc_edge_agg(%arg0: i32, %arg1: i32, %arg2: memref<32x160x2x128xi32, #tpu.memory_space<hbm>>, %arg3: memref<640x128xf32, #tpu.memory_space<hbm>>, %arg4: memref<10000x128xf32, #tpu.memory_space<hbm>>, %arg5: memref<10000x128xf32, #tpu.memory_space<hbm>>, %arg6: memref<10000x128xf32, #tpu.memory_space<hbm>>, %arg7: memref<10000x128xf32, #tpu.memory_space<hbm>>, %arg8: memref<2x10240x128xf32, #tpu.memory_space<hbm>>, %arg9: memref<2x10240x128xf32, #tpu.memory_space<hbm>>, %arg10: memref<2x10240x128xf32, #tpu.memory_space<hbm>>, %arg11: memref<2x10240x128xf32, #tpu.memory_space<hbm>>, %arg12: memref<2x128xi32, #tpu.memory_space<vmem>>, %arg13: memref<2x128xi32, #tpu.memory_space<vmem>>, %arg14: memref<128x128xf32, #tpu.memory_space<vmem>>, %arg15: memref<128x128xf32, #tpu.memory_space<vmem>>, %arg16: memref<10240x128xf32, #tpu.memory_space<vmem_shared>>, %arg17: memref<!tpu.dma_semaphore, #tpu.memory_space<semaphore_mem>>, %arg18: memref<!tpu.dma_semaphore, #tpu.memory_space<semaphore_mem>>, %arg19: memref<!tpu.dma_semaphore, #tpu.memory_space<semaphore_mem>>, %arg20: memref<!tpu.dma_semaphore, #tpu.memory_space<semaphore_mem>>) attributes {dimension_semantics = [#tpu.dimension_semantics<core_parallel>, #tpu.dimension_semantics<subcore_parallel>], iteration_bounds = array<i64: 2, 16>, scalar_prefetch = 0 : i64, scratch_operands = 9 : i64, tpu.core_type = #tpu.core_type<sc_vector_subcore>, window_params = [{transform_indices = #map}, {transform_indices = #map1}, {transform_indices = #map1}, {transform_indices = #map1}, {transform_indices = #map1}, {transform_indices = #map1}, {transform_indices = #map2}, {transform_indices = #map2}, {transform_indices = #map2}, {transform_indices = #map2}]} {
    %mul3A = arith.constant 16 : i32
    %mul3A_0 = arith.muli %arg0, %mul3A : i32
    %add3A = arith.addi %mul3A_0, %arg1 : i32
    %mul3A_1 = arith.constant 640 : i32
    %mul3A_2 = arith.muli %arg1, %mul3A_1 : i32
    "tpu.region"() ({
      %run_scoped3A_86 = tpu.sem_alloc : memref<!tpu.dma_semaphore, #tpu.memory_space<semaphore_mem>>
      %dma_start3A_87 = arith.constant 0 : i32
      %dma_start3A_88 = tpu.memref_slice %arg16[%mul3A_2, %dma_start3A_87] : memref<10240x128xf32, #tpu.memory_space<vmem_shared>> -> memref<640x128xf32, #tpu.memory_space<vmem_shared>>
      tpu.enqueue_dma source(%arg3 : memref<640x128xf32, #tpu.memory_space<hbm>>) target(%dma_start3A_88 : memref<640x128xf32, #tpu.memory_space<vmem_shared>>) target_semaphore(%run_scoped3A_86 : memref<!tpu.dma_semaphore, #tpu.memory_space<semaphore_mem>>)
      %dma_wait3A_89 = arith.constant 0 : i32
      %dma_wait3A_90 = tpu.memref_slice %arg16[%mul3A_2, %dma_wait3A_89] : memref<10240x128xf32, #tpu.memory_space<vmem_shared>> -> memref<640x128xf32, #tpu.memory_space<vmem_shared>>
      tpu.wait_dma2 semaphore(%run_scoped3A_86 : memref<!tpu.dma_semaphore, #tpu.memory_space<semaphore_mem>>) src(%arg3 : memref<640x128xf32, #tpu.memory_space<hbm>>) dst(%dma_wait3A_90 : memref<640x128xf32, #tpu.memory_space<vmem_shared>>)
      tpu.yield
    }) : () -> ()
    %barrier3A = arith.constant 0 : index
    tpu.barrier barrier_id(%barrier3A)
    %run_scoped3A = arith.constant 0 : i32
    "tpu.region"() ({
      %run_scoped3A_86 = tpu.sem_alloc : memref<!tpu.dma_semaphore, #tpu.memory_space<semaphore_mem>>
      %dma_start3A_87 = arith.constant 0 : i32
      %dma_start3A_88 = arith.constant 0 : i32
      %dma_start3A_89 = tpu.memref_slice %arg2[%add3A, %run_scoped3A, %dma_start3A_87, %dma_start3A_88] : memref<32x160x2x128xi32, #tpu.memory_space<hbm>> -> memref<1x1x2x128xi32, #tpu.memory_space<hbm>>
      %dma_start3A_90 = tpu.memref_squeeze %dma_start3A_89 : memref<1x1x2x128xi32, #tpu.memory_space<hbm>> -> memref<2x128xi32, #tpu.memory_space<hbm>>
      %dma_start3A_91 = arith.constant 0 : i32
      %dma_start3A_92 = arith.constant 0 : i32
      %dma_start3A_93 = tpu.memref_slice %arg2[%add3A, %run_scoped3A, %dma_start3A_91, %dma_start3A_92] : memref<32x160x2x128xi32, #tpu.memory_space<hbm>> -> memref<1x1x2x128xi32, #tpu.memory_space<hbm>>
      %dma_start3A_94 = tpu.memref_squeeze %dma_start3A_93 : memref<1x1x2x128xi32, #tpu.memory_space<hbm>> -> memref<2x128xi32, #tpu.memory_space<hbm>>
      tpu.enqueue_dma source(%dma_start3A_94 : memref<2x128xi32, #tpu.memory_space<hbm>>) target(%arg12 : memref<2x128xi32, #tpu.memory_space<vmem>>) target_semaphore(%run_scoped3A_86 : memref<!tpu.dma_semaphore, #tpu.memory_space<semaphore_mem>>)
      %dma_wait3A_95 = arith.constant 0 : i32
      %dma_wait3A_96 = arith.constant 0 : i32
      %dma_wait3A_97 = tpu.memref_slice %arg2[%add3A, %run_scoped3A, %dma_wait3A_95, %dma_wait3A_96] : memref<32x160x2x128xi32, #tpu.memory_space<hbm>> -> memref<1x1x2x128xi32, #tpu.memory_space<hbm>>
      %dma_wait3A_98 = tpu.memref_squeeze %dma_wait3A_97 : memref<1x1x2x128xi32, #tpu.memory_space<hbm>> -> memref<2x128xi32, #tpu.memory_space<hbm>>
      %dma_wait3A_99 = arith.constant 0 : i32
      %dma_wait3A_100 = arith.constant 0 : i32
      %dma_wait3A_101 = tpu.memref_slice %arg2[%add3A, %run_scoped3A, %dma_wait3A_99, %dma_wait3A_100] : memref<32x160x2x128xi32, #tpu.memory_space<hbm>> -> memref<1x1x2x128xi32, #tpu.memory_space<hbm>>
      %dma_wait3A_102 = tpu.memref_squeeze %dma_wait3A_101 : memref<1x1x2x128xi32, #tpu.memory_space<hbm>> -> memref<2x128xi32, #tpu.memory_space<hbm>>
      tpu.wait_dma2 semaphore(%run_scoped3A_86 : memref<!tpu.dma_semaphore, #tpu.memory_space<semaphore_mem>>) src(%dma_wait3A_102 : memref<2x128xi32, #tpu.memory_space<hbm>>) dst(%arg12 : memref<2x128xi32, #tpu.memory_space<vmem>>)
      tpu.yield
    }) : () -> ()
    %dma_start3A = arith.constant 0 : i32
    %dma_start3A_3 = arith.constant 0 : i32
    %dma_start3A_4 = tpu.memref_slice %arg12[%dma_start3A, %dma_start3A_3] : memref<2x128xi32, #tpu.memory_space<vmem>> -> memref<1x128xi32, #tpu.memory_space<vmem>>
    %dma_start3A_5 = tpu.memref_squeeze %dma_start3A_4 : memref<1x128xi32, #tpu.memory_space<vmem>> -> memref<128xi32, #tpu.memory_space<vmem>>
    %dma_start3A_6 = arith.constant 0 : i32
    %dma_start3A_7 = arith.constant 0 : i32
    %dma_start3A_8 = tpu.memref_slice %arg4[%dma_start3A_6, %dma_start3A_7] : memref<10000x128xf32, #tpu.memory_space<hbm>> -> memref<10000x128xf32, #tpu.memory_space<hbm>>
    tpu.enqueue_indirect_dma source(%dma_start3A_8 : memref<10000x128xf32, #tpu.memory_space<hbm>>) target(%arg14 : memref<128x128xf32, #tpu.memory_space<vmem>>) offsets(%dma_start3A_5 : memref<128xi32, #tpu.memory_space<vmem>>) semaphore(%arg17 : memref<!tpu.dma_semaphore, #tpu.memory_space<semaphore_mem>>)
    %scan3A = arith.constant 0 : i32
    %scan3A_9 = arith.constant 80 : i32
    %scan3A_10 = arith.addi %scan3A, %scan3A_9 : i32
    %scan3A_11 = arith.constant 1 : i32
    scf.for %scan3A_86 = %scan3A to %scan3A_10 step %scan3A_11  : i32 {
      %mul3A_87 = arith.constant 2 : i32
      %mul3A_88 = arith.muli %scan3A_86, %mul3A_87 : i32
      %add3A_89 = arith.constant 0 : i32
      %add3A_90 = arith.addi %add3A_89, %mul3A_88 : i32
      %add3A_91 = arith.constant 1 : i32
      %add3A_92 = arith.addi %add3A_90, %add3A_91 : i32
      "tpu.region"() ({
        %run_scoped3A_126 = tpu.sem_alloc : memref<!tpu.dma_semaphore, #tpu.memory_space<semaphore_mem>>
        %dma_start3A_127 = arith.constant 0 : i32
        %dma_start3A_128 = arith.constant 0 : i32
        %dma_start3A_129 = tpu.memref_slice %arg2[%add3A, %add3A_92, %dma_start3A_127, %dma_start3A_128] : memref<32x160x2x128xi32, #tpu.memory_space<hbm>> -> memref<1x1x2x128xi32, #tpu.memory_space<hbm>>
        %dma_start3A_130 = tpu.memref_squeeze %dma_start3A_129 : memref<1x1x2x128xi32, #tpu.memory_space<hbm>> -> memref<2x128xi32, #tpu.memory_space<hbm>>
        %dma_start3A_131 = arith.constant 0 : i32
        %dma_start3A_132 = arith.constant 0 : i32
        %dma_start3A_133 = tpu.memref_slice %arg2[%add3A, %add3A_92, %dma_start3A_131, %dma_start3A_132] : memref<32x160x2x128xi32, #tpu.memory_space<hbm>> -> memref<1x1x2x128xi32, #tpu.memory_space<hbm>>
        %dma_start3A_134 = tpu.memref_squeeze %dma_start3A_133 : memref<1x1x2x128xi32, #tpu.memory_space<hbm>> -> memref<2x128xi32, #tpu.memory_space<hbm>>
        tpu.enqueue_dma source(%dma_start3A_134 : memref<2x128xi32, #tpu.memory_space<hbm>>) target(%arg13 : memref<2x128xi32, #tpu.memory_space<vmem>>) target_semaphore(%run_scoped3A_126 : memref<!tpu.dma_semaphore, #tpu.memory_space<semaphore_mem>>)
        %dma_wait3A_135 = arith.constant 0 : i32
        %dma_wait3A_136 = arith.constant 0 : i32
        %dma_wait3A_137 = tpu.memref_slice %arg2[%add3A, %add3A_92, %dma_wait3A_135, %dma_wait3A_136] : memref<32x160x2x128xi32, #tpu.memory_space<hbm>> -> memref<1x1x2x128xi32, #tpu.memory_space<hbm>>
        %dma_wait3A_138 = tpu.memref_squeeze %dma_wait3A_137 : memref<1x1x2x128xi32, #tpu.memory_space<hbm>> -> memref<2x128xi32, #tpu.memory_space<hbm>>
        %dma_wait3A_139 = arith.constant 0 : i32
        %dma_wait3A_140 = arith.constant 0 : i32
        %dma_wait3A_141 = tpu.memref_slice %arg2[%add3A, %add3A_92, %dma_wait3A_139, %dma_wait3A_140] : memref<32x160x2x128xi32, #tpu.memory_space<hbm>> -> memref<1x1x2x128xi32, #tpu.memory_space<hbm>>
        %dma_wait3A_142 = tpu.memref_squeeze %dma_wait3A_141 : memref<1x1x2x128xi32, #tpu.memory_space<hbm>> -> memref<2x128xi32, #tpu.memory_space<hbm>>
        tpu.wait_dma2 semaphore(%run_scoped3A_126 : memref<!tpu.dma_semaphore, #tpu.memory_space<semaphore_mem>>) src(%dma_wait3A_142 : memref<2x128xi32, #tpu.memory_space<hbm>>) dst(%arg13 : memref<2x128xi32, #tpu.memory_space<vmem>>)
        tpu.yield
      }) : () -> ()
      %dma_wait3A_93 = arith.constant 0 : i32
      %dma_wait3A_94 = arith.constant 0 : i32
      %dma_wait3A_95 = tpu.memref_slice %arg12[%dma_wait3A_93, %dma_wait3A_94] : memref<2x128xi32, #tpu.memory_space<vmem>> -> memref<1x128xi32, #tpu.memory_space<vmem>>
      %dma_wait3A_96 = tpu.memref_squeeze %dma_wait3A_95 : memref<1x128xi32, #tpu.memory_space<vmem>> -> memref<128xi32, #tpu.memory_space<vmem>>
      %dma_wait3A_97 = arith.constant 0 : i32
      %dma_wait3A_98 = arith.constant 0 : i32
      %dma_wait3A_99 = tpu.memref_slice %arg4[%dma_wait3A_97, %dma_wait3A_98] : memref<10000x128xf32, #tpu.memory_space<hbm>> -> memref<10000x128xf32, #tpu.memory_space<hbm>>
      tpu.wait_indirect_dma semaphore(%arg17 : memref<!tpu.dma_semaphore, #tpu.memory_space<semaphore_mem>>) src(%dma_wait3A_99 : memref<10000x128xf32, #tpu.memory_space<hbm>>) dst(%arg14 : memref<128x128xf32, #tpu.memory_space<vmem>>)
      %dma_start3A_100 = arith.constant 0 : i32
      %dma_start3A_101 = arith.constant 0 : i32
      %dma_start3A_102 = tpu.memref_slice %arg13[%dma_start3A_100, %dma_start3A_101] : memref<2x128xi32, #tpu.memory_space<vmem>> -> memref<1x128xi32, #tpu.memory_space<vmem>>
      %dma_start3A_103 = tpu.memref_squeeze %dma_start3A_102 : memref<1x128xi32, #tpu.memory_space<vmem>> -> memref<128xi32, #tpu.memory_space<vmem>>
      %dma_start3A_104 = arith.constant 0 : i32
      %dma_start3A_105 = arith.constant 0 : i32
      %dma_start3A_106 = tpu.memref_slice %arg4[%dma_start3A_104, %dma_start3A_105] : memref<10000x128xf32, #tpu.memory_space<hbm>> -> memref<10000x128xf32, #tpu.memory_space<hbm>>
      tpu.enqueue_indirect_dma source(%dma_start3A_106 : memref<10000x128xf32, #tpu.memory_space<hbm>>) target(%arg15 : memref<128x128xf32, #tpu.memory_space<vmem>>) offsets(%dma_start3A_103 : memref<128xi32, #tpu.memory_space<vmem>>) semaphore(%arg18 : memref<!tpu.dma_semaphore, #tpu.memory_space<semaphore_mem>>)
      %run_scoped3A_107 = arith.constant 1 : i32
      "tpu.region"() ({
        %run_scoped3A_126 = tpu.sem_alloc : memref<!tpu.dma_semaphore, #tpu.memory_space<semaphore_mem>>
        %dma_start3A_127 = arith.constant 0 : i32
        %dma_start3A_128 = tpu.memref_slice %arg12[%run_scoped3A_107, %dma_start3A_127] : memref<2x128xi32, #tpu.memory_space<vmem>> -> memref<1x128xi32, #tpu.memory_space<vmem>>
        %dma_start3A_129 = tpu.memref_squeeze %dma_start3A_128 : memref<1x128xi32, #tpu.memory_space<vmem>> -> memref<128xi32, #tpu.memory_space<vmem>>
        %dma_start3A_130 = arith.constant 0 : i32
        %dma_start3A_131 = arith.constant 0 : i32
        %dma_start3A_132 = tpu.memref_slice %arg16[%dma_start3A_130, %dma_start3A_131] : memref<10240x128xf32, #tpu.memory_space<vmem_shared>> -> memref<10240x128xf32, #tpu.memory_space<vmem_shared>>
        tpu.enqueue_indirect_dma source(%arg14 : memref<128x128xf32, #tpu.memory_space<vmem>>) target(%dma_start3A_132 : memref<10240x128xf32, #tpu.memory_space<vmem_shared>>) offsets(%dma_start3A_129 : memref<128xi32, #tpu.memory_space<vmem>>) semaphore(%run_scoped3A_126 : memref<!tpu.dma_semaphore, #tpu.memory_space<semaphore_mem>>) {add = true}
        %dma_wait3A_133 = arith.constant 0 : i32
        %dma_wait3A_134 = tpu.memref_slice %arg12[%run_scoped3A_107, %dma_wait3A_133] : memref<2x128xi32, #tpu.memory_space<vmem>> -> memref<1x128xi32, #tpu.memory_space<vmem>>
        %dma_wait3A_135 = tpu.memref_squeeze %dma_wait3A_134 : memref<1x128xi32, #tpu.memory_space<vmem>> -> memref<128xi32, #tpu.memory_space<vmem>>
        %dma_wait3A_136 = arith.constant 0 : i32
        %dma_wait3A_137 = arith.constant 0 : i32
        %dma_wait3A_138 = tpu.memref_slice %arg16[%dma_wait3A_136, %dma_wait3A_137] : memref<10240x128xf32, #tpu.memory_space<vmem_shared>> -> memref<10240x128xf32, #tpu.memory_space<vmem_shared>>
        tpu.wait_indirect_dma semaphore(%run_scoped3A_126 : memref<!tpu.dma_semaphore, #tpu.memory_space<semaphore_mem>>) src(%arg14 : memref<128x128xf32, #tpu.memory_space<vmem>>) dst(%dma_wait3A_138 : memref<10240x128xf32, #tpu.memory_space<vmem_shared>>)
        tpu.yield
      }) : () -> ()
      %add3A_108 = arith.constant 2 : i32
      %add3A_109 = arith.addi %add3A_90, %add3A_108 : i32
      %rem3A = arith.constant 160 : i32
      %rem3A_110 = arith.remsi %add3A_109, %rem3A : i32
      "tpu.region"() ({
        %run_scoped3A_126 = tpu.sem_alloc : memref<!tpu.dma_semaphore, #tpu.memory_space<semaphore_mem>>
        %dma_start3A_127 = arith.constant 0 : i32
        %dma_start3A_128 = arith.constant 0 : i32
        %dma_start3A_129 = tpu.memref_slice %arg2[%add3A, %rem3A_110, %dma_start3A_127, %dma_start3A_128] : memref<32x160x2x128xi32, #tpu.memory_space<hbm>> -> memref<1x1x2x128xi32, #tpu.memory_space<hbm>>
        %dma_start3A_130 = tpu.memref_squeeze %dma_start3A_129 : memref<1x1x2x128xi32, #tpu.memory_space<hbm>> -> memref<2x128xi32, #tpu.memory_space<hbm>>
        %dma_start3A_131 = arith.constant 0 : i32
        %dma_start3A_132 = arith.constant 0 : i32
        %dma_start3A_133 = tpu.memref_slice %arg2[%add3A, %rem3A_110, %dma_start3A_131, %dma_start3A_132] : memref<32x160x2x128xi32, #tpu.memory_space<hbm>> -> memref<1x1x2x128xi32, #tpu.memory_space<hbm>>
        %dma_start3A_134 = tpu.memref_squeeze %dma_start3A_133 : memref<1x1x2x128xi32, #tpu.memory_space<hbm>> -> memref<2x128xi32, #tpu.memory_space<hbm>>
        tpu.enqueue_dma source(%dma_start3A_134 : memref<2x128xi32, #tpu.memory_space<hbm>>) target(%arg12 : memref<2x128xi32, #tpu.memory_space<vmem>>) target_semaphore(%run_scoped3A_126 : memref<!tpu.dma_semaphore, #tpu.memory_space<semaphore_mem>>)
        %dma_wait3A_135 = arith.constant 0 : i32
        %dma_wait3A_136 = arith.constant 0 : i32
        %dma_wait3A_137 = tpu.memref_slice %arg2[%add3A, %rem3A_110, %dma_wait3A_135, %dma_wait3A_136] : memref<32x160x2x128xi32, #tpu.memory_space<hbm>> -> memref<1x1x2x128xi32, #tpu.memory_space<hbm>>
        %dma_wait3A_138 = tpu.memref_squeeze %dma_wait3A_137 : memref<1x1x2x128xi32, #tpu.memory_space<hbm>> -> memref<2x128xi32, #tpu.memory_space<hbm>>
        %dma_wait3A_139 = arith.constant 0 : i32
        %dma_wait3A_140 = arith.constant 0 : i32
        %dma_wait3A_141 = tpu.memref_slice %arg2[%add3A, %rem3A_110, %dma_wait3A_139, %dma_wait3A_140] : memref<32x160x2x128xi32, #tpu.memory_space<hbm>> -> memref<1x1x2x128xi32, #tpu.memory_space<hbm>>
        %dma_wait3A_142 = tpu.memref_squeeze %dma_wait3A_141 : memref<1x1x2x128xi32, #tpu.memory_space<hbm>> -> memref<2x128xi32, #tpu.memory_space<hbm>>
        tpu.wait_dma2 semaphore(%run_scoped3A_126 : memref<!tpu.dma_semaphore, #tpu.memory_space<semaphore_mem>>) src(%dma_wait3A_142 : memref<2x128xi32, #tpu.memory_space<hbm>>) dst(%arg12 : memref<2x128xi32, #tpu.memory_space<vmem>>)
        tpu.yield
      }) : () -> ()
      %dma_wait3A_111 = arith.constant 0 : i32
      %dma_wait3A_112 = arith.constant 0 : i32
      %dma_wait3A_113 = tpu.memref_slice %arg13[%dma_wait3A_111, %dma_wait3A_112] : memref<2x128xi32, #tpu.memory_space<vmem>> -> memref<1x128xi32, #tpu.memory_space<vmem>>
      %dma_wait3A_114 = tpu.memref_squeeze %dma_wait3A_113 : memref<1x128xi32, #tpu.memory_space<vmem>> -> memref<128xi32, #tpu.memory_space<vmem>>
      %dma_wait3A_115 = arith.constant 0 : i32
      %dma_wait3A_116 = arith.constant 0 : i32
      %dma_wait3A_117 = tpu.memref_slice %arg4[%dma_wait3A_115, %dma_wait3A_116] : memref<10000x128xf32, #tpu.memory_space<hbm>> -> memref<10000x128xf32, #tpu.memory_space<hbm>>
      tpu.wait_indirect_dma semaphore(%arg18 : memref<!tpu.dma_semaphore, #tpu.memory_space<semaphore_mem>>) src(%dma_wait3A_117 : memref<10000x128xf32, #tpu.memory_space<hbm>>) dst(%arg15 : memref<128x128xf32, #tpu.memory_space<vmem>>)
      %dma_start3A_118 = arith.constant 0 : i32
      %dma_start3A_119 = arith.constant 0 : i32
      %dma_start3A_120 = tpu.memref_slice %arg12[%dma_start3A_118, %dma_start3A_119] : memref<2x128xi32, #tpu.memory_space<vmem>> -> memref<1x128xi32, #tpu.memory_space<vmem>>
      %dma_start3A_121 = tpu.memref_squeeze %dma_start3A_120 : memref<1x128xi32, #tpu.memory_space<vmem>> -> memref<128xi32, #tpu.memory_space<vmem>>
      %dma_start3A_122 = arith.constant 0 : i32
      %dma_start3A_123 = arith.constant 0 : i32
      %dma_start3A_124 = tpu.memref_slice %arg4[%dma_start3A_122, %dma_start3A_123] : memref<10000x128xf32, #tpu.memory_space<hbm>> -> memref<10000x128xf32, #tpu.memory_space<hbm>>
      tpu.enqueue_indirect_dma source(%dma_start3A_124 : memref<10000x128xf32, #tpu.memory_space<hbm>>) target(%arg14 : memref<128x128xf32, #tpu.memory_space<vmem>>) offsets(%dma_start3A_121 : memref<128xi32, #tpu.memory_space<vmem>>) semaphore(%arg17 : memref<!tpu.dma_semaphore, #tpu.memory_space<semaphore_mem>>)
      %run_scoped3A_125 = arith.constant 1 : i32
      "tpu.region"() ({
        %run_scoped3A_126 = tpu.sem_alloc : memref<!tpu.dma_semaphore, #tpu.memory_space<semaphore_mem>>
        %dma_start3A_127 = arith.constant 0 : i32
        %dma_start3A_128 = tpu.memref_slice %arg13[%run_scoped3A_125, %dma_start3A_127] : memref<2x128xi32, #tpu.memory_space<vmem>> -> memref<1x128xi32, #tpu.memory_space<vmem>>
        %dma_start3A_129 = tpu.memref_squeeze %dma_start3A_128 : memref<1x128xi32, #tpu.memory_space<vmem>> -> memref<128xi32, #tpu.memory_space<vmem>>
        %dma_start3A_130 = arith.constant 0 : i32
        %dma_start3A_131 = arith.constant 0 : i32
        %dma_start3A_132 = tpu.memref_slice %arg16[%dma_start3A_130, %dma_start3A_131] : memref<10240x128xf32, #tpu.memory_space<vmem_shared>> -> memref<10240x128xf32, #tpu.memory_space<vmem_shared>>
        tpu.enqueue_indirect_dma source(%arg15 : memref<128x128xf32, #tpu.memory_space<vmem>>) target(%dma_start3A_132 : memref<10240x128xf32, #tpu.memory_space<vmem_shared>>) offsets(%dma_start3A_129 : memref<128xi32, #tpu.memory_space<vmem>>) semaphore(%run_scoped3A_126 : memref<!tpu.dma_semaphore, #tpu.memory_space<semaphore_mem>>) {add = true}
        %dma_wait3A_133 = arith.constant 0 : i32
        %dma_wait3A_134 = tpu.memref_slice %arg13[%run_scoped3A_125, %dma_wait3A_133] : memref<2x128xi32, #tpu.memory_space<vmem>> -> memref<1x128xi32, #tpu.memory_space<vmem>>
        %dma_wait3A_135 = tpu.memref_squeeze %dma_wait3A_134 : memref<1x128xi32, #tpu.memory_space<vmem>> -> memref<128xi32, #tpu.memory_space<vmem>>
        %dma_wait3A_136 = arith.constant 0 : i32
        %dma_wait3A_137 = arith.constant 0 : i32
        %dma_wait3A_138 = tpu.memref_slice %arg16[%dma_wait3A_136, %dma_wait3A_137] : memref<10240x128xf32, #tpu.memory_space<vmem_shared>> -> memref<10240x128xf32, #tpu.memory_space<vmem_shared>>
        tpu.wait_indirect_dma semaphore(%run_scoped3A_126 : memref<!tpu.dma_semaphore, #tpu.memory_space<semaphore_mem>>) src(%arg15 : memref<128x128xf32, #tpu.memory_space<vmem>>) dst(%dma_wait3A_138 : memref<10240x128xf32, #tpu.memory_space<vmem_shared>>)
        tpu.yield
      }) : () -> ()
    }
    %scan3A_12 = arith.constant 80 : i32
    %dma_wait3A = arith.constant 0 : i32
    %dma_wait3A_13 = arith.constant 0 : i32
    %dma_wait3A_14 = tpu.memref_slice %arg12[%dma_wait3A, %dma_wait3A_13] : memref<2x128xi32, #tpu.memory_space<vmem>> -> memref<1x128xi32, #tpu.memory_space<vmem>>
    %dma_wait3A_15 = tpu.memref_squeeze %dma_wait3A_14 : memref<1x128xi32, #tpu.memory_space<vmem>> -> memref<128xi32, #tpu.memory_space<vmem>>
    %dma_wait3A_16 = arith.constant 0 : i32
    %dma_wait3A_17 = arith.constant 0 : i32
    %dma_wait3A_18 = tpu.memref_slice %arg4[%dma_wait3A_16, %dma_wait3A_17] : memref<10000x128xf32, #tpu.memory_space<hbm>> -> memref<10000x128xf32, #tpu.memory_space<hbm>>
    tpu.wait_indirect_dma semaphore(%arg17 : memref<!tpu.dma_semaphore, #tpu.memory_space<semaphore_mem>>) src(%dma_wait3A_18 : memref<10000x128xf32, #tpu.memory_space<hbm>>) dst(%arg14 : memref<128x128xf32, #tpu.memory_space<vmem>>)
    %barrier3A_19 = arith.constant 0 : index
    tpu.barrier barrier_id(%barrier3A_19)
    "tpu.region"() ({
      %run_scoped3A_86 = tpu.sem_alloc : memref<!tpu.dma_semaphore, #tpu.memory_space<semaphore_mem>>
      %dma_start3A_87 = arith.constant 0 : i32
      %dma_start3A_88 = tpu.memref_slice %arg8[%arg0, %mul3A_2, %dma_start3A_87] : memref<2x10240x128xf32, #tpu.memory_space<hbm>> -> memref<1x640x128xf32, #tpu.memory_space<hbm>>
      %dma_start3A_89 = tpu.memref_squeeze %dma_start3A_88 : memref<1x640x128xf32, #tpu.memory_space<hbm>> -> memref<640x128xf32, #tpu.memory_space<hbm>>
      %dma_start3A_90 = arith.constant 0 : i32
      %dma_start3A_91 = tpu.memref_slice %arg16[%mul3A_2, %dma_start3A_90] : memref<10240x128xf32, #tpu.memory_space<vmem_shared>> -> memref<640x128xf32, #tpu.memory_space<vmem_shared>>
      tpu.enqueue_dma source(%dma_start3A_91 : memref<640x128xf32, #tpu.memory_space<vmem_shared>>) target(%dma_start3A_89 : memref<640x128xf32, #tpu.memory_space<hbm>>) target_semaphore(%run_scoped3A_86 : memref<!tpu.dma_semaphore, #tpu.memory_space<semaphore_mem>>)
      %dma_wait3A_92 = arith.constant 0 : i32
      %dma_wait3A_93 = tpu.memref_slice %arg8[%arg0, %mul3A_2, %dma_wait3A_92] : memref<2x10240x128xf32, #tpu.memory_space<hbm>> -> memref<1x640x128xf32, #tpu.memory_space<hbm>>
      %dma_wait3A_94 = tpu.memref_squeeze %dma_wait3A_93 : memref<1x640x128xf32, #tpu.memory_space<hbm>> -> memref<640x128xf32, #tpu.memory_space<hbm>>
      %dma_wait3A_95 = arith.constant 0 : i32
      %dma_wait3A_96 = tpu.memref_slice %arg16[%mul3A_2, %dma_wait3A_95] : memref<10240x128xf32, #tpu.memory_space<vmem_shared>> -> memref<640x128xf32, #tpu.memory_space<vmem_shared>>
      tpu.wait_dma2 semaphore(%run_scoped3A_86 : memref<!tpu.dma_semaphore, #tpu.memory_space<semaphore_mem>>) src(%dma_wait3A_96 : memref<640x128xf32, #tpu.memory_space<vmem_shared>>) dst(%dma_wait3A_94 : memref<640x128xf32, #tpu.memory_space<hbm>>)
      tpu.yield
    }) : () -> ()
    "tpu.region"() ({
      %run_scoped3A_86 = tpu.sem_alloc : memref<!tpu.dma_semaphore, #tpu.memory_space<semaphore_mem>>
      %dma_start3A_87 = arith.constant 0 : i32
      %dma_start3A_88 = tpu.memref_slice %arg16[%mul3A_2, %dma_start3A_87] : memref<10240x128xf32, #tpu.memory_space<vmem_shared>> -> memref<640x128xf32, #tpu.memory_space<vmem_shared>>
      tpu.enqueue_dma source(%arg3 : memref<640x128xf32, #tpu.memory_space<hbm>>) target(%dma_start3A_88 : memref<640x128xf32, #tpu.memory_space<vmem_shared>>) target_semaphore(%run_scoped3A_86 : memref<!tpu.dma_semaphore, #tpu.memory_space<semaphore_mem>>)
      %dma_wait3A_89 = arith.constant 0 : i32
      %dma_wait3A_90 = tpu.memref_slice %arg16[%mul3A_2, %dma_wait3A_89] : memref<10240x128xf32, #tpu.memory_space<vmem_shared>> -> memref<640x128xf32, #tpu.memory_space<vmem_shared>>
      tpu.wait_dma2 semaphore(%run_scoped3A_86 : memref<!tpu.dma_semaphore, #tpu.memory_space<semaphore_mem>>) src(%arg3 : memref<640x128xf32, #tpu.memory_space<hbm>>) dst(%dma_wait3A_90 : memref<640x128xf32, #tpu.memory_space<vmem_shared>>)
      tpu.yield
    }) : () -> ()
    %barrier3A_20 = arith.constant 0 : index
    tpu.barrier barrier_id(%barrier3A_20)
    %run_scoped3A_21 = arith.constant 0 : i32
    "tpu.region"() ({
      %run_scoped3A_86 = tpu.sem_alloc : memref<!tpu.dma_semaphore, #tpu.memory_space<semaphore_mem>>
      %dma_start3A_87 = arith.constant 0 : i32
      %dma_start3A_88 = arith.constant 0 : i32
      %dma_start3A_89 = tpu.memref_slice %arg2[%add3A, %run_scoped3A_21, %dma_start3A_87, %dma_start3A_88] : memref<32x160x2x128xi32, #tpu.memory_space<hbm>> -> memref<1x1x2x128xi32, #tpu.memory_space<hbm>>
      %dma_start3A_90 = tpu.memref_squeeze %dma_start3A_89 : memref<1x1x2x128xi32, #tpu.memory_space<hbm>> -> memref<2x128xi32, #tpu.memory_space<hbm>>
      %dma_start3A_91 = arith.constant 0 : i32
      %dma_start3A_92 = arith.constant 0 : i32
      %dma_start3A_93 = tpu.memref_slice %arg2[%add3A, %run_scoped3A_21, %dma_start3A_91, %dma_start3A_92] : memref<32x160x2x128xi32, #tpu.memory_space<hbm>> -> memref<1x1x2x128xi32, #tpu.memory_space<hbm>>
      %dma_start3A_94 = tpu.memref_squeeze %dma_start3A_93 : memref<1x1x2x128xi32, #tpu.memory_space<hbm>> -> memref<2x128xi32, #tpu.memory_space<hbm>>
      tpu.enqueue_dma source(%dma_start3A_94 : memref<2x128xi32, #tpu.memory_space<hbm>>) target(%arg12 : memref<2x128xi32, #tpu.memory_space<vmem>>) target_semaphore(%run_scoped3A_86 : memref<!tpu.dma_semaphore, #tpu.memory_space<semaphore_mem>>)
      %dma_wait3A_95 = arith.constant 0 : i32
      %dma_wait3A_96 = arith.constant 0 : i32
      %dma_wait3A_97 = tpu.memref_slice %arg2[%add3A, %run_scoped3A_21, %dma_wait3A_95, %dma_wait3A_96] : memref<32x160x2x128xi32, #tpu.memory_space<hbm>> -> memref<1x1x2x128xi32, #tpu.memory_space<hbm>>
      %dma_wait3A_98 = tpu.memref_squeeze %dma_wait3A_97 : memref<1x1x2x128xi32, #tpu.memory_space<hbm>> -> memref<2x128xi32, #tpu.memory_space<hbm>>
      %dma_wait3A_99 = arith.constant 0 : i32
      %dma_wait3A_100 = arith.constant 0 : i32
      %dma_wait3A_101 = tpu.memref_slice %arg2[%add3A, %run_scoped3A_21, %dma_wait3A_99, %dma_wait3A_100] : memref<32x160x2x128xi32, #tpu.memory_space<hbm>> -> memref<1x1x2x128xi32, #tpu.memory_space<hbm>>
      %dma_wait3A_102 = tpu.memref_squeeze %dma_wait3A_101 : memref<1x1x2x128xi32, #tpu.memory_space<hbm>> -> memref<2x128xi32, #tpu.memory_space<hbm>>
      tpu.wait_dma2 semaphore(%run_scoped3A_86 : memref<!tpu.dma_semaphore, #tpu.memory_space<semaphore_mem>>) src(%dma_wait3A_102 : memref<2x128xi32, #tpu.memory_space<hbm>>) dst(%arg12 : memref<2x128xi32, #tpu.memory_space<vmem>>)
      tpu.yield
    }) : () -> ()
    %dma_start3A_22 = arith.constant 0 : i32
    %dma_start3A_23 = arith.constant 0 : i32
    %dma_start3A_24 = tpu.memref_slice %arg12[%dma_start3A_22, %dma_start3A_23] : memref<2x128xi32, #tpu.memory_space<vmem>> -> memref<1x128xi32, #tpu.memory_space<vmem>>
    %dma_start3A_25 = tpu.memref_squeeze %dma_start3A_24 : memref<1x128xi32, #tpu.memory_space<vmem>> -> memref<128xi32, #tpu.memory_space<vmem>>
    %dma_start3A_26 = arith.constant 0 : i32
    %dma_start3A_27 = arith.constant 0 : i32
    %dma_start3A_28 = tpu.memref_slice %arg5[%dma_start3A_26, %dma_start3A_27] : memref<10000x128xf32, #tpu.memory_space<hbm>> -> memref<10000x128xf32, #tpu.memory_space<hbm>>
    tpu.enqueue_indirect_dma source(%dma_start3A_28 : memref<10000x128xf32, #tpu.memory_space<hbm>>) target(%arg14 : memref<128x128xf32, #tpu.memory_space<vmem>>) offsets(%dma_start3A_25 : memref<128xi32, #tpu.memory_space<vmem>>) semaphore(%arg17 : memref<!tpu.dma_semaphore, #tpu.memory_space<semaphore_mem>>)
    %scan3A_29 = arith.constant 0 : i32
    %scan3A_30 = arith.constant 80 : i32
    %scan3A_31 = arith.addi %scan3A_29, %scan3A_30 : i32
    %scan3A_32 = arith.constant 1 : i32
    scf.for %scan3A_86 = %scan3A_29 to %scan3A_31 step %scan3A_32  : i32 {
      %mul3A_87 = arith.constant 2 : i32
      %mul3A_88 = arith.muli %scan3A_86, %mul3A_87 : i32
      %add3A_89 = arith.constant 0 : i32
      %add3A_90 = arith.addi %add3A_89, %mul3A_88 : i32
      %add3A_91 = arith.constant 1 : i32
      %add3A_92 = arith.addi %add3A_90, %add3A_91 : i32
      "tpu.region"() ({
        %run_scoped3A_126 = tpu.sem_alloc : memref<!tpu.dma_semaphore, #tpu.memory_space<semaphore_mem>>
        %dma_start3A_127 = arith.constant 0 : i32
        %dma_start3A_128 = arith.constant 0 : i32
        %dma_start3A_129 = tpu.memref_slice %arg2[%add3A, %add3A_92, %dma_start3A_127, %dma_start3A_128] : memref<32x160x2x128xi32, #tpu.memory_space<hbm>> -> memref<1x1x2x128xi32, #tpu.memory_space<hbm>>
        %dma_start3A_130 = tpu.memref_squeeze %dma_start3A_129 : memref<1x1x2x128xi32, #tpu.memory_space<hbm>> -> memref<2x128xi32, #tpu.memory_space<hbm>>
        %dma_start3A_131 = arith.constant 0 : i32
        %dma_start3A_132 = arith.constant 0 : i32
        %dma_start3A_133 = tpu.memref_slice %arg2[%add3A, %add3A_92, %dma_start3A_131, %dma_start3A_132] : memref<32x160x2x128xi32, #tpu.memory_space<hbm>> -> memref<1x1x2x128xi32, #tpu.memory_space<hbm>>
        %dma_start3A_134 = tpu.memref_squeeze %dma_start3A_133 : memref<1x1x2x128xi32, #tpu.memory_space<hbm>> -> memref<2x128xi32, #tpu.memory_space<hbm>>
        tpu.enqueue_dma source(%dma_start3A_134 : memref<2x128xi32, #tpu.memory_space<hbm>>) target(%arg13 : memref<2x128xi32, #tpu.memory_space<vmem>>) target_semaphore(%run_scoped3A_126 : memref<!tpu.dma_semaphore, #tpu.memory_space<semaphore_mem>>)
        %dma_wait3A_135 = arith.constant 0 : i32
        %dma_wait3A_136 = arith.constant 0 : i32
        %dma_wait3A_137 = tpu.memref_slice %arg2[%add3A, %add3A_92, %dma_wait3A_135, %dma_wait3A_136] : memref<32x160x2x128xi32, #tpu.memory_space<hbm>> -> memref<1x1x2x128xi32, #tpu.memory_space<hbm>>
        %dma_wait3A_138 = tpu.memref_squeeze %dma_wait3A_137 : memref<1x1x2x128xi32, #tpu.memory_space<hbm>> -> memref<2x128xi32, #tpu.memory_space<hbm>>
        %dma_wait3A_139 = arith.constant 0 : i32
        %dma_wait3A_140 = arith.constant 0 : i32
        %dma_wait3A_141 = tpu.memref_slice %arg2[%add3A, %add3A_92, %dma_wait3A_139, %dma_wait3A_140] : memref<32x160x2x128xi32, #tpu.memory_space<hbm>> -> memref<1x1x2x128xi32, #tpu.memory_space<hbm>>
        %dma_wait3A_142 = tpu.memref_squeeze %dma_wait3A_141 : memref<1x1x2x128xi32, #tpu.memory_space<hbm>> -> memref<2x128xi32, #tpu.memory_space<hbm>>
        tpu.wait_dma2 semaphore(%run_scoped3A_126 : memref<!tpu.dma_semaphore, #tpu.memory_space<semaphore_mem>>) src(%dma_wait3A_142 : memref<2x128xi32, #tpu.memory_space<hbm>>) dst(%arg13 : memref<2x128xi32, #tpu.memory_space<vmem>>)
        tpu.yield
      }) : () -> ()
      %dma_wait3A_93 = arith.constant 0 : i32
      %dma_wait3A_94 = arith.constant 0 : i32
      %dma_wait3A_95 = tpu.memref_slice %arg12[%dma_wait3A_93, %dma_wait3A_94] : memref<2x128xi32, #tpu.memory_space<vmem>> -> memref<1x128xi32, #tpu.memory_space<vmem>>
      %dma_wait3A_96 = tpu.memref_squeeze %dma_wait3A_95 : memref<1x128xi32, #tpu.memory_space<vmem>> -> memref<128xi32, #tpu.memory_space<vmem>>
      %dma_wait3A_97 = arith.constant 0 : i32
      %dma_wait3A_98 = arith.constant 0 : i32
      %dma_wait3A_99 = tpu.memref_slice %arg5[%dma_wait3A_97, %dma_wait3A_98] : memref<10000x128xf32, #tpu.memory_space<hbm>> -> memref<10000x128xf32, #tpu.memory_space<hbm>>
      tpu.wait_indirect_dma semaphore(%arg17 : memref<!tpu.dma_semaphore, #tpu.memory_space<semaphore_mem>>) src(%dma_wait3A_99 : memref<10000x128xf32, #tpu.memory_space<hbm>>) dst(%arg14 : memref<128x128xf32, #tpu.memory_space<vmem>>)
      %dma_start3A_100 = arith.constant 0 : i32
      %dma_start3A_101 = arith.constant 0 : i32
      %dma_start3A_102 = tpu.memref_slice %arg13[%dma_start3A_100, %dma_start3A_101] : memref<2x128xi32, #tpu.memory_space<vmem>> -> memref<1x128xi32, #tpu.memory_space<vmem>>
      %dma_start3A_103 = tpu.memref_squeeze %dma_start3A_102 : memref<1x128xi32, #tpu.memory_space<vmem>> -> memref<128xi32, #tpu.memory_space<vmem>>
      %dma_start3A_104 = arith.constant 0 : i32
      %dma_start3A_105 = arith.constant 0 : i32
      %dma_start3A_106 = tpu.memref_slice %arg5[%dma_start3A_104, %dma_start3A_105] : memref<10000x128xf32, #tpu.memory_space<hbm>> -> memref<10000x128xf32, #tpu.memory_space<hbm>>
      tpu.enqueue_indirect_dma source(%dma_start3A_106 : memref<10000x128xf32, #tpu.memory_space<hbm>>) target(%arg15 : memref<128x128xf32, #tpu.memory_space<vmem>>) offsets(%dma_start3A_103 : memref<128xi32, #tpu.memory_space<vmem>>) semaphore(%arg18 : memref<!tpu.dma_semaphore, #tpu.memory_space<semaphore_mem>>)
      %run_scoped3A_107 = arith.constant 1 : i32
      "tpu.region"() ({
        %run_scoped3A_126 = tpu.sem_alloc : memref<!tpu.dma_semaphore, #tpu.memory_space<semaphore_mem>>
        %dma_start3A_127 = arith.constant 0 : i32
        %dma_start3A_128 = tpu.memref_slice %arg12[%run_scoped3A_107, %dma_start3A_127] : memref<2x128xi32, #tpu.memory_space<vmem>> -> memref<1x128xi32, #tpu.memory_space<vmem>>
        %dma_start3A_129 = tpu.memref_squeeze %dma_start3A_128 : memref<1x128xi32, #tpu.memory_space<vmem>> -> memref<128xi32, #tpu.memory_space<vmem>>
        %dma_start3A_130 = arith.constant 0 : i32
        %dma_start3A_131 = arith.constant 0 : i32
        %dma_start3A_132 = tpu.memref_slice %arg16[%dma_start3A_130, %dma_start3A_131] : memref<10240x128xf32, #tpu.memory_space<vmem_shared>> -> memref<10240x128xf32, #tpu.memory_space<vmem_shared>>
        tpu.enqueue_indirect_dma source(%arg14 : memref<128x128xf32, #tpu.memory_space<vmem>>) target(%dma_start3A_132 : memref<10240x128xf32, #tpu.memory_space<vmem_shared>>) offsets(%dma_start3A_129 : memref<128xi32, #tpu.memory_space<vmem>>) semaphore(%run_scoped3A_126 : memref<!tpu.dma_semaphore, #tpu.memory_space<semaphore_mem>>) {add = true}
        %dma_wait3A_133 = arith.constant 0 : i32
        %dma_wait3A_134 = tpu.memref_slice %arg12[%run_scoped3A_107, %dma_wait3A_133] : memref<2x128xi32, #tpu.memory_space<vmem>> -> memref<1x128xi32, #tpu.memory_space<vmem>>
        %dma_wait3A_135 = tpu.memref_squeeze %dma_wait3A_134 : memref<1x128xi32, #tpu.memory_space<vmem>> -> memref<128xi32, #tpu.memory_space<vmem>>
        %dma_wait3A_136 = arith.constant 0 : i32
        %dma_wait3A_137 = arith.constant 0 : i32
        %dma_wait3A_138 = tpu.memref_slice %arg16[%dma_wait3A_136, %dma_wait3A_137] : memref<10240x128xf32, #tpu.memory_space<vmem_shared>> -> memref<10240x128xf32, #tpu.memory_space<vmem_shared>>
        tpu.wait_indirect_dma semaphore(%run_scoped3A_126 : memref<!tpu.dma_semaphore, #tpu.memory_space<semaphore_mem>>) src(%arg14 : memref<128x128xf32, #tpu.memory_space<vmem>>) dst(%dma_wait3A_138 : memref<10240x128xf32, #tpu.memory_space<vmem_shared>>)
        tpu.yield
      }) : () -> ()
      %add3A_108 = arith.constant 2 : i32
      %add3A_109 = arith.addi %add3A_90, %add3A_108 : i32
      %rem3A = arith.constant 160 : i32
      %rem3A_110 = arith.remsi %add3A_109, %rem3A : i32
      "tpu.region"() ({
        %run_scoped3A_126 = tpu.sem_alloc : memref<!tpu.dma_semaphore, #tpu.memory_space<semaphore_mem>>
        %dma_start3A_127 = arith.constant 0 : i32
        %dma_start3A_128 = arith.constant 0 : i32
        %dma_start3A_129 = tpu.memref_slice %arg2[%add3A, %rem3A_110, %dma_start3A_127, %dma_start3A_128] : memref<32x160x2x128xi32, #tpu.memory_space<hbm>> -> memref<1x1x2x128xi32, #tpu.memory_space<hbm>>
        %dma_start3A_130 = tpu.memref_squeeze %dma_start3A_129 : memref<1x1x2x128xi32, #tpu.memory_space<hbm>> -> memref<2x128xi32, #tpu.memory_space<hbm>>
        %dma_start3A_131 = arith.constant 0 : i32
        %dma_start3A_132 = arith.constant 0 : i32
        %dma_start3A_133 = tpu.memref_slice %arg2[%add3A, %rem3A_110, %dma_start3A_131, %dma_start3A_132] : memref<32x160x2x128xi32, #tpu.memory_space<hbm>> -> memref<1x1x2x128xi32, #tpu.memory_space<hbm>>
        %dma_start3A_134 = tpu.memref_squeeze %dma_start3A_133 : memref<1x1x2x128xi32, #tpu.memory_space<hbm>> -> memref<2x128xi32, #tpu.memory_space<hbm>>
        tpu.enqueue_dma source(%dma_start3A_134 : memref<2x128xi32, #tpu.memory_space<hbm>>) target(%arg12 : memref<2x128xi32, #tpu.memory_space<vmem>>) target_semaphore(%run_scoped3A_126 : memref<!tpu.dma_semaphore, #tpu.memory_space<semaphore_mem>>)
        %dma_wait3A_135 = arith.constant 0 : i32
        %dma_wait3A_136 = arith.constant 0 : i32
        %dma_wait3A_137 = tpu.memref_slice %arg2[%add3A, %rem3A_110, %dma_wait3A_135, %dma_wait3A_136] : memref<32x160x2x128xi32, #tpu.memory_space<hbm>> -> memref<1x1x2x128xi32, #tpu.memory_space<hbm>>
        %dma_wait3A_138 = tpu.memref_squeeze %dma_wait3A_137 : memref<1x1x2x128xi32, #tpu.memory_space<hbm>> -> memref<2x128xi32, #tpu.memory_space<hbm>>
        %dma_wait3A_139 = arith.constant 0 : i32
        %dma_wait3A_140 = arith.constant 0 : i32
        %dma_wait3A_141 = tpu.memref_slice %arg2[%add3A, %rem3A_110, %dma_wait3A_139, %dma_wait3A_140] : memref<32x160x2x128xi32, #tpu.memory_space<hbm>> -> memref<1x1x2x128xi32, #tpu.memory_space<hbm>>
        %dma_wait3A_142 = tpu.memref_squeeze %dma_wait3A_141 : memref<1x1x2x128xi32, #tpu.memory_space<hbm>> -> memref<2x128xi32, #tpu.memory_space<hbm>>
        tpu.wait_dma2 semaphore(%run_scoped3A_126 : memref<!tpu.dma_semaphore, #tpu.memory_space<semaphore_mem>>) src(%dma_wait3A_142 : memref<2x128xi32, #tpu.memory_space<hbm>>) dst(%arg12 : memref<2x128xi32, #tpu.memory_space<vmem>>)
        tpu.yield
      }) : () -> ()
      %dma_wait3A_111 = arith.constant 0 : i32
      %dma_wait3A_112 = arith.constant 0 : i32
      %dma_wait3A_113 = tpu.memref_slice %arg13[%dma_wait3A_111, %dma_wait3A_112] : memref<2x128xi32, #tpu.memory_space<vmem>> -> memref<1x128xi32, #tpu.memory_space<vmem>>
      %dma_wait3A_114 = tpu.memref_squeeze %dma_wait3A_113 : memref<1x128xi32, #tpu.memory_space<vmem>> -> memref<128xi32, #tpu.memory_space<vmem>>
      %dma_wait3A_115 = arith.constant 0 : i32
      %dma_wait3A_116 = arith.constant 0 : i32
      %dma_wait3A_117 = tpu.memref_slice %arg5[%dma_wait3A_115, %dma_wait3A_116] : memref<10000x128xf32, #tpu.memory_space<hbm>> -> memref<10000x128xf32, #tpu.memory_space<hbm>>
      tpu.wait_indirect_dma semaphore(%arg18 : memref<!tpu.dma_semaphore, #tpu.memory_space<semaphore_mem>>) src(%dma_wait3A_117 : memref<10000x128xf32, #tpu.memory_space<hbm>>) dst(%arg15 : memref<128x128xf32, #tpu.memory_space<vmem>>)
      %dma_start3A_118 = arith.constant 0 : i32
      %dma_start3A_119 = arith.constant 0 : i32
      %dma_start3A_120 = tpu.memref_slice %arg12[%dma_start3A_118, %dma_start3A_119] : memref<2x128xi32, #tpu.memory_space<vmem>> -> memref<1x128xi32, #tpu.memory_space<vmem>>
      %dma_start3A_121 = tpu.memref_squeeze %dma_start3A_120 : memref<1x128xi32, #tpu.memory_space<vmem>> -> memref<128xi32, #tpu.memory_space<vmem>>
      %dma_start3A_122 = arith.constant 0 : i32
      %dma_start3A_123 = arith.constant 0 : i32
      %dma_start3A_124 = tpu.memref_slice %arg5[%dma_start3A_122, %dma_start3A_123] : memref<10000x128xf32, #tpu.memory_space<hbm>> -> memref<10000x128xf32, #tpu.memory_space<hbm>>
      tpu.enqueue_indirect_dma source(%dma_start3A_124 : memref<10000x128xf32, #tpu.memory_space<hbm>>) target(%arg14 : memref<128x128xf32, #tpu.memory_space<vmem>>) offsets(%dma_start3A_121 : memref<128xi32, #tpu.memory_space<vmem>>) semaphore(%arg17 : memref<!tpu.dma_semaphore, #tpu.memory_space<semaphore_mem>>)
      %run_scoped3A_125 = arith.constant 1 : i32
      "tpu.region"() ({
        %run_scoped3A_126 = tpu.sem_alloc : memref<!tpu.dma_semaphore, #tpu.memory_space<semaphore_mem>>
        %dma_start3A_127 = arith.constant 0 : i32
        %dma_start3A_128 = tpu.memref_slice %arg13[%run_scoped3A_125, %dma_start3A_127] : memref<2x128xi32, #tpu.memory_space<vmem>> -> memref<1x128xi32, #tpu.memory_space<vmem>>
        %dma_start3A_129 = tpu.memref_squeeze %dma_start3A_128 : memref<1x128xi32, #tpu.memory_space<vmem>> -> memref<128xi32, #tpu.memory_space<vmem>>
        %dma_start3A_130 = arith.constant 0 : i32
        %dma_start3A_131 = arith.constant 0 : i32
        %dma_start3A_132 = tpu.memref_slice %arg16[%dma_start3A_130, %dma_start3A_131] : memref<10240x128xf32, #tpu.memory_space<vmem_shared>> -> memref<10240x128xf32, #tpu.memory_space<vmem_shared>>
        tpu.enqueue_indirect_dma source(%arg15 : memref<128x128xf32, #tpu.memory_space<vmem>>) target(%dma_start3A_132 : memref<10240x128xf32, #tpu.memory_space<vmem_shared>>) offsets(%dma_start3A_129 : memref<128xi32, #tpu.memory_space<vmem>>) semaphore(%run_scoped3A_126 : memref<!tpu.dma_semaphore, #tpu.memory_space<semaphore_mem>>) {add = true}
        %dma_wait3A_133 = arith.constant 0 : i32
        %dma_wait3A_134 = tpu.memref_slice %arg13[%run_scoped3A_125, %dma_wait3A_133] : memref<2x128xi32, #tpu.memory_space<vmem>> -> memref<1x128xi32, #tpu.memory_space<vmem>>
        %dma_wait3A_135 = tpu.memref_squeeze %dma_wait3A_134 : memref<1x128xi32, #tpu.memory_space<vmem>> -> memref<128xi32, #tpu.memory_space<vmem>>
        %dma_wait3A_136 = arith.constant 0 : i32
        %dma_wait3A_137 = arith.constant 0 : i32
        %dma_wait3A_138 = tpu.memref_slice %arg16[%dma_wait3A_136, %dma_wait3A_137] : memref<10240x128xf32, #tpu.memory_space<vmem_shared>> -> memref<10240x128xf32, #tpu.memory_space<vmem_shared>>
        tpu.wait_indirect_dma semaphore(%run_scoped3A_126 : memref<!tpu.dma_semaphore, #tpu.memory_space<semaphore_mem>>) src(%arg15 : memref<128x128xf32, #tpu.memory_space<vmem>>) dst(%dma_wait3A_138 : memref<10240x128xf32, #tpu.memory_space<vmem_shared>>)
        tpu.yield
      }) : () -> ()
    }
    %scan3A_33 = arith.constant 80 : i32
    %dma_wait3A_34 = arith.constant 0 : i32
    %dma_wait3A_35 = arith.constant 0 : i32
    %dma_wait3A_36 = tpu.memref_slice %arg12[%dma_wait3A_34, %dma_wait3A_35] : memref<2x128xi32, #tpu.memory_space<vmem>> -> memref<1x128xi32, #tpu.memory_space<vmem>>
    %dma_wait3A_37 = tpu.memref_squeeze %dma_wait3A_36 : memref<1x128xi32, #tpu.memory_space<vmem>> -> memref<128xi32, #tpu.memory_space<vmem>>
    %dma_wait3A_38 = arith.constant 0 : i32
    %dma_wait3A_39 = arith.constant 0 : i32
    %dma_wait3A_40 = tpu.memref_slice %arg5[%dma_wait3A_38, %dma_wait3A_39] : memref<10000x128xf32, #tpu.memory_space<hbm>> -> memref<10000x128xf32, #tpu.memory_space<hbm>>
    tpu.wait_indirect_dma semaphore(%arg17 : memref<!tpu.dma_semaphore, #tpu.memory_space<semaphore_mem>>) src(%dma_wait3A_40 : memref<10000x128xf32, #tpu.memory_space<hbm>>) dst(%arg14 : memref<128x128xf32, #tpu.memory_space<vmem>>)
    %barrier3A_41 = arith.constant 0 : index
    tpu.barrier barrier_id(%barrier3A_41)
    "tpu.region"() ({
      %run_scoped3A_86 = tpu.sem_alloc : memref<!tpu.dma_semaphore, #tpu.memory_space<semaphore_mem>>
      %dma_start3A_87 = arith.constant 0 : i32
      %dma_start3A_88 = tpu.memref_slice %arg9[%arg0, %mul3A_2, %dma_start3A_87] : memref<2x10240x128xf32, #tpu.memory_space<hbm>> -> memref<1x640x128xf32, #tpu.memory_space<hbm>>
      %dma_start3A_89 = tpu.memref_squeeze %dma_start3A_88 : memref<1x640x128xf32, #tpu.memory_space<hbm>> -> memref<640x128xf32, #tpu.memory_space<hbm>>
      %dma_start3A_90 = arith.constant 0 : i32
      %dma_start3A_91 = tpu.memref_slice %arg16[%mul3A_2, %dma_start3A_90] : memref<10240x128xf32, #tpu.memory_space<vmem_shared>> -> memref<640x128xf32, #tpu.memory_space<vmem_shared>>
      tpu.enqueue_dma source(%dma_start3A_91 : memref<640x128xf32, #tpu.memory_space<vmem_shared>>) target(%dma_start3A_89 : memref<640x128xf32, #tpu.memory_space<hbm>>) target_semaphore(%run_scoped3A_86 : memref<!tpu.dma_semaphore, #tpu.memory_space<semaphore_mem>>)
      %dma_wait3A_92 = arith.constant 0 : i32
      %dma_wait3A_93 = tpu.memref_slice %arg9[%arg0, %mul3A_2, %dma_wait3A_92] : memref<2x10240x128xf32, #tpu.memory_space<hbm>> -> memref<1x640x128xf32, #tpu.memory_space<hbm>>
      %dma_wait3A_94 = tpu.memref_squeeze %dma_wait3A_93 : memref<1x640x128xf32, #tpu.memory_space<hbm>> -> memref<640x128xf32, #tpu.memory_space<hbm>>
      %dma_wait3A_95 = arith.constant 0 : i32
      %dma_wait3A_96 = tpu.memref_slice %arg16[%mul3A_2, %dma_wait3A_95] : memref<10240x128xf32, #tpu.memory_space<vmem_shared>> -> memref<640x128xf32, #tpu.memory_space<vmem_shared>>
      tpu.wait_dma2 semaphore(%run_scoped3A_86 : memref<!tpu.dma_semaphore, #tpu.memory_space<semaphore_mem>>) src(%dma_wait3A_96 : memref<640x128xf32, #tpu.memory_space<vmem_shared>>) dst(%dma_wait3A_94 : memref<640x128xf32, #tpu.memory_space<hbm>>)
      tpu.yield
    }) : () -> ()
    "tpu.region"() ({
      %run_scoped3A_86 = tpu.sem_alloc : memref<!tpu.dma_semaphore, #tpu.memory_space<semaphore_mem>>
      %dma_start3A_87 = arith.constant 0 : i32
      %dma_start3A_88 = tpu.memref_slice %arg16[%mul3A_2, %dma_start3A_87] : memref<10240x128xf32, #tpu.memory_space<vmem_shared>> -> memref<640x128xf32, #tpu.memory_space<vmem_shared>>
      tpu.enqueue_dma source(%arg3 : memref<640x128xf32, #tpu.memory_space<hbm>>) target(%dma_start3A_88 : memref<640x128xf32, #tpu.memory_space<vmem_shared>>) target_semaphore(%run_scoped3A_86 : memref<!tpu.dma_semaphore, #tpu.memory_space<semaphore_mem>>)
      %dma_wait3A_89 = arith.constant 0 : i32
      %dma_wait3A_90 = tpu.memref_slice %arg16[%mul3A_2, %dma_wait3A_89] : memref<10240x128xf32, #tpu.memory_space<vmem_shared>> -> memref<640x128xf32, #tpu.memory_space<vmem_shared>>
      tpu.wait_dma2 semaphore(%run_scoped3A_86 : memref<!tpu.dma_semaphore, #tpu.memory_space<semaphore_mem>>) src(%arg3 : memref<640x128xf32, #tpu.memory_space<hbm>>) dst(%dma_wait3A_90 : memref<640x128xf32, #tpu.memory_space<vmem_shared>>)
      tpu.yield
    }) : () -> ()
    %barrier3A_42 = arith.constant 0 : index
    tpu.barrier barrier_id(%barrier3A_42)
    %run_scoped3A_43 = arith.constant 0 : i32
    "tpu.region"() ({
      %run_scoped3A_86 = tpu.sem_alloc : memref<!tpu.dma_semaphore, #tpu.memory_space<semaphore_mem>>
      %dma_start3A_87 = arith.constant 0 : i32
      %dma_start3A_88 = arith.constant 0 : i32
      %dma_start3A_89 = tpu.memref_slice %arg2[%add3A, %run_scoped3A_43, %dma_start3A_87, %dma_start3A_88] : memref<32x160x2x128xi32, #tpu.memory_space<hbm>> -> memref<1x1x2x128xi32, #tpu.memory_space<hbm>>
      %dma_start3A_90 = tpu.memref_squeeze %dma_start3A_89 : memref<1x1x2x128xi32, #tpu.memory_space<hbm>> -> memref<2x128xi32, #tpu.memory_space<hbm>>
      %dma_start3A_91 = arith.constant 0 : i32
      %dma_start3A_92 = arith.constant 0 : i32
      %dma_start3A_93 = tpu.memref_slice %arg2[%add3A, %run_scoped3A_43, %dma_start3A_91, %dma_start3A_92] : memref<32x160x2x128xi32, #tpu.memory_space<hbm>> -> memref<1x1x2x128xi32, #tpu.memory_space<hbm>>
      %dma_start3A_94 = tpu.memref_squeeze %dma_start3A_93 : memref<1x1x2x128xi32, #tpu.memory_space<hbm>> -> memref<2x128xi32, #tpu.memory_space<hbm>>
      tpu.enqueue_dma source(%dma_start3A_94 : memref<2x128xi32, #tpu.memory_space<hbm>>) target(%arg12 : memref<2x128xi32, #tpu.memory_space<vmem>>) target_semaphore(%run_scoped3A_86 : memref<!tpu.dma_semaphore, #tpu.memory_space<semaphore_mem>>)
      %dma_wait3A_95 = arith.constant 0 : i32
      %dma_wait3A_96 = arith.constant 0 : i32
      %dma_wait3A_97 = tpu.memref_slice %arg2[%add3A, %run_scoped3A_43, %dma_wait3A_95, %dma_wait3A_96] : memref<32x160x2x128xi32, #tpu.memory_space<hbm>> -> memref<1x1x2x128xi32, #tpu.memory_space<hbm>>
      %dma_wait3A_98 = tpu.memref_squeeze %dma_wait3A_97 : memref<1x1x2x128xi32, #tpu.memory_space<hbm>> -> memref<2x128xi32, #tpu.memory_space<hbm>>
      %dma_wait3A_99 = arith.constant 0 : i32
      %dma_wait3A_100 = arith.constant 0 : i32
      %dma_wait3A_101 = tpu.memref_slice %arg2[%add3A, %run_scoped3A_43, %dma_wait3A_99, %dma_wait3A_100] : memref<32x160x2x128xi32, #tpu.memory_space<hbm>> -> memref<1x1x2x128xi32, #tpu.memory_space<hbm>>
      %dma_wait3A_102 = tpu.memref_squeeze %dma_wait3A_101 : memref<1x1x2x128xi32, #tpu.memory_space<hbm>> -> memref<2x128xi32, #tpu.memory_space<hbm>>
      tpu.wait_dma2 semaphore(%run_scoped3A_86 : memref<!tpu.dma_semaphore, #tpu.memory_space<semaphore_mem>>) src(%dma_wait3A_102 : memref<2x128xi32, #tpu.memory_space<hbm>>) dst(%arg12 : memref<2x128xi32, #tpu.memory_space<vmem>>)
      tpu.yield
    }) : () -> ()
    %dma_start3A_44 = arith.constant 0 : i32
    %dma_start3A_45 = arith.constant 0 : i32
    %dma_start3A_46 = tpu.memref_slice %arg12[%dma_start3A_44, %dma_start3A_45] : memref<2x128xi32, #tpu.memory_space<vmem>> -> memref<1x128xi32, #tpu.memory_space<vmem>>
    %dma_start3A_47 = tpu.memref_squeeze %dma_start3A_46 : memref<1x128xi32, #tpu.memory_space<vmem>> -> memref<128xi32, #tpu.memory_space<vmem>>
    %dma_start3A_48 = arith.constant 0 : i32
    %dma_start3A_49 = arith.constant 0 : i32
    %dma_start3A_50 = tpu.memref_slice %arg6[%dma_start3A_48, %dma_start3A_49] : memref<10000x128xf32, #tpu.memory_space<hbm>> -> memref<10000x128xf32, #tpu.memory_space<hbm>>
    tpu.enqueue_indirect_dma source(%dma_start3A_50 : memref<10000x128xf32, #tpu.memory_space<hbm>>) target(%arg14 : memref<128x128xf32, #tpu.memory_space<vmem>>) offsets(%dma_start3A_47 : memref<128xi32, #tpu.memory_space<vmem>>) semaphore(%arg17 : memref<!tpu.dma_semaphore, #tpu.memory_space<semaphore_mem>>)
    %scan3A_51 = arith.constant 0 : i32
    %scan3A_52 = arith.constant 80 : i32
    %scan3A_53 = arith.addi %scan3A_51, %scan3A_52 : i32
    %scan3A_54 = arith.constant 1 : i32
    scf.for %scan3A_86 = %scan3A_51 to %scan3A_53 step %scan3A_54  : i32 {
      %mul3A_87 = arith.constant 2 : i32
      %mul3A_88 = arith.muli %scan3A_86, %mul3A_87 : i32
      %add3A_89 = arith.constant 0 : i32
      %add3A_90 = arith.addi %add3A_89, %mul3A_88 : i32
      %add3A_91 = arith.constant 1 : i32
      %add3A_92 = arith.addi %add3A_90, %add3A_91 : i32
      "tpu.region"() ({
        %run_scoped3A_126 = tpu.sem_alloc : memref<!tpu.dma_semaphore, #tpu.memory_space<semaphore_mem>>
        %dma_start3A_127 = arith.constant 0 : i32
        %dma_start3A_128 = arith.constant 0 : i32
        %dma_start3A_129 = tpu.memref_slice %arg2[%add3A, %add3A_92, %dma_start3A_127, %dma_start3A_128] : memref<32x160x2x128xi32, #tpu.memory_space<hbm>> -> memref<1x1x2x128xi32, #tpu.memory_space<hbm>>
        %dma_start3A_130 = tpu.memref_squeeze %dma_start3A_129 : memref<1x1x2x128xi32, #tpu.memory_space<hbm>> -> memref<2x128xi32, #tpu.memory_space<hbm>>
        %dma_start3A_131 = arith.constant 0 : i32
        %dma_start3A_132 = arith.constant 0 : i32
        %dma_start3A_133 = tpu.memref_slice %arg2[%add3A, %add3A_92, %dma_start3A_131, %dma_start3A_132] : memref<32x160x2x128xi32, #tpu.memory_space<hbm>> -> memref<1x1x2x128xi32, #tpu.memory_space<hbm>>
        %dma_start3A_134 = tpu.memref_squeeze %dma_start3A_133 : memref<1x1x2x128xi32, #tpu.memory_space<hbm>> -> memref<2x128xi32, #tpu.memory_space<hbm>>
        tpu.enqueue_dma source(%dma_start3A_134 : memref<2x128xi32, #tpu.memory_space<hbm>>) target(%arg13 : memref<2x128xi32, #tpu.memory_space<vmem>>) target_semaphore(%run_scoped3A_126 : memref<!tpu.dma_semaphore, #tpu.memory_space<semaphore_mem>>)
        %dma_wait3A_135 = arith.constant 0 : i32
        %dma_wait3A_136 = arith.constant 0 : i32
        %dma_wait3A_137 = tpu.memref_slice %arg2[%add3A, %add3A_92, %dma_wait3A_135, %dma_wait3A_136] : memref<32x160x2x128xi32, #tpu.memory_space<hbm>> -> memref<1x1x2x128xi32, #tpu.memory_space<hbm>>
        %dma_wait3A_138 = tpu.memref_squeeze %dma_wait3A_137 : memref<1x1x2x128xi32, #tpu.memory_space<hbm>> -> memref<2x128xi32, #tpu.memory_space<hbm>>
        %dma_wait3A_139 = arith.constant 0 : i32
        %dma_wait3A_140 = arith.constant 0 : i32
        %dma_wait3A_141 = tpu.memref_slice %arg2[%add3A, %add3A_92, %dma_wait3A_139, %dma_wait3A_140] : memref<32x160x2x128xi32, #tpu.memory_space<hbm>> -> memref<1x1x2x128xi32, #tpu.memory_space<hbm>>
        %dma_wait3A_142 = tpu.memref_squeeze %dma_wait3A_141 : memref<1x1x2x128xi32, #tpu.memory_space<hbm>> -> memref<2x128xi32, #tpu.memory_space<hbm>>
        tpu.wait_dma2 semaphore(%run_scoped3A_126 : memref<!tpu.dma_semaphore, #tpu.memory_space<semaphore_mem>>) src(%dma_wait3A_142 : memref<2x128xi32, #tpu.memory_space<hbm>>) dst(%arg13 : memref<2x128xi32, #tpu.memory_space<vmem>>)
        tpu.yield
      }) : () -> ()
      %dma_wait3A_93 = arith.constant 0 : i32
      %dma_wait3A_94 = arith.constant 0 : i32
      %dma_wait3A_95 = tpu.memref_slice %arg12[%dma_wait3A_93, %dma_wait3A_94] : memref<2x128xi32, #tpu.memory_space<vmem>> -> memref<1x128xi32, #tpu.memory_space<vmem>>
      %dma_wait3A_96 = tpu.memref_squeeze %dma_wait3A_95 : memref<1x128xi32, #tpu.memory_space<vmem>> -> memref<128xi32, #tpu.memory_space<vmem>>
      %dma_wait3A_97 = arith.constant 0 : i32
      %dma_wait3A_98 = arith.constant 0 : i32
      %dma_wait3A_99 = tpu.memref_slice %arg6[%dma_wait3A_97, %dma_wait3A_98] : memref<10000x128xf32, #tpu.memory_space<hbm>> -> memref<10000x128xf32, #tpu.memory_space<hbm>>
      tpu.wait_indirect_dma semaphore(%arg17 : memref<!tpu.dma_semaphore, #tpu.memory_space<semaphore_mem>>) src(%dma_wait3A_99 : memref<10000x128xf32, #tpu.memory_space<hbm>>) dst(%arg14 : memref<128x128xf32, #tpu.memory_space<vmem>>)
      %dma_start3A_100 = arith.constant 0 : i32
      %dma_start3A_101 = arith.constant 0 : i32
      %dma_start3A_102 = tpu.memref_slice %arg13[%dma_start3A_100, %dma_start3A_101] : memref<2x128xi32, #tpu.memory_space<vmem>> -> memref<1x128xi32, #tpu.memory_space<vmem>>
      %dma_start3A_103 = tpu.memref_squeeze %dma_start3A_102 : memref<1x128xi32, #tpu.memory_space<vmem>> -> memref<128xi32, #tpu.memory_space<vmem>>
      %dma_start3A_104 = arith.constant 0 : i32
      %dma_start3A_105 = arith.constant 0 : i32
      %dma_start3A_106 = tpu.memref_slice %arg6[%dma_start3A_104, %dma_start3A_105] : memref<10000x128xf32, #tpu.memory_space<hbm>> -> memref<10000x128xf32, #tpu.memory_space<hbm>>
      tpu.enqueue_indirect_dma source(%dma_start3A_106 : memref<10000x128xf32, #tpu.memory_space<hbm>>) target(%arg15 : memref<128x128xf32, #tpu.memory_space<vmem>>) offsets(%dma_start3A_103 : memref<128xi32, #tpu.memory_space<vmem>>) semaphore(%arg18 : memref<!tpu.dma_semaphore, #tpu.memory_space<semaphore_mem>>)
      %run_scoped3A_107 = arith.constant 1 : i32
      "tpu.region"() ({
        %run_scoped3A_126 = tpu.sem_alloc : memref<!tpu.dma_semaphore, #tpu.memory_space<semaphore_mem>>
        %dma_start3A_127 = arith.constant 0 : i32
        %dma_start3A_128 = tpu.memref_slice %arg12[%run_scoped3A_107, %dma_start3A_127] : memref<2x128xi32, #tpu.memory_space<vmem>> -> memref<1x128xi32, #tpu.memory_space<vmem>>
        %dma_start3A_129 = tpu.memref_squeeze %dma_start3A_128 : memref<1x128xi32, #tpu.memory_space<vmem>> -> memref<128xi32, #tpu.memory_space<vmem>>
        %dma_start3A_130 = arith.constant 0 : i32
        %dma_start3A_131 = arith.constant 0 : i32
        %dma_start3A_132 = tpu.memref_slice %arg16[%dma_start3A_130, %dma_start3A_131] : memref<10240x128xf32, #tpu.memory_space<vmem_shared>> -> memref<10240x128xf32, #tpu.memory_space<vmem_shared>>
        tpu.enqueue_indirect_dma source(%arg14 : memref<128x128xf32, #tpu.memory_space<vmem>>) target(%dma_start3A_132 : memref<10240x128xf32, #tpu.memory_space<vmem_shared>>) offsets(%dma_start3A_129 : memref<128xi32, #tpu.memory_space<vmem>>) semaphore(%run_scoped3A_126 : memref<!tpu.dma_semaphore, #tpu.memory_space<semaphore_mem>>) {add = true}
        %dma_wait3A_133 = arith.constant 0 : i32
        %dma_wait3A_134 = tpu.memref_slice %arg12[%run_scoped3A_107, %dma_wait3A_133] : memref<2x128xi32, #tpu.memory_space<vmem>> -> memref<1x128xi32, #tpu.memory_space<vmem>>
        %dma_wait3A_135 = tpu.memref_squeeze %dma_wait3A_134 : memref<1x128xi32, #tpu.memory_space<vmem>> -> memref<128xi32, #tpu.memory_space<vmem>>
        %dma_wait3A_136 = arith.constant 0 : i32
        %dma_wait3A_137 = arith.constant 0 : i32
        %dma_wait3A_138 = tpu.memref_slice %arg16[%dma_wait3A_136, %dma_wait3A_137] : memref<10240x128xf32, #tpu.memory_space<vmem_shared>> -> memref<10240x128xf32, #tpu.memory_space<vmem_shared>>
        tpu.wait_indirect_dma semaphore(%run_scoped3A_126 : memref<!tpu.dma_semaphore, #tpu.memory_space<semaphore_mem>>) src(%arg14 : memref<128x128xf32, #tpu.memory_space<vmem>>) dst(%dma_wait3A_138 : memref<10240x128xf32, #tpu.memory_space<vmem_shared>>)
        tpu.yield
      }) : () -> ()
      %add3A_108 = arith.constant 2 : i32
      %add3A_109 = arith.addi %add3A_90, %add3A_108 : i32
      %rem3A = arith.constant 160 : i32
      %rem3A_110 = arith.remsi %add3A_109, %rem3A : i32
      "tpu.region"() ({
        %run_scoped3A_126 = tpu.sem_alloc : memref<!tpu.dma_semaphore, #tpu.memory_space<semaphore_mem>>
        %dma_start3A_127 = arith.constant 0 : i32
        %dma_start3A_128 = arith.constant 0 : i32
        %dma_start3A_129 = tpu.memref_slice %arg2[%add3A, %rem3A_110, %dma_start3A_127, %dma_start3A_128] : memref<32x160x2x128xi32, #tpu.memory_space<hbm>> -> memref<1x1x2x128xi32, #tpu.memory_space<hbm>>
        %dma_start3A_130 = tpu.memref_squeeze %dma_start3A_129 : memref<1x1x2x128xi32, #tpu.memory_space<hbm>> -> memref<2x128xi32, #tpu.memory_space<hbm>>
        %dma_start3A_131 = arith.constant 0 : i32
        %dma_start3A_132 = arith.constant 0 : i32
        %dma_start3A_133 = tpu.memref_slice %arg2[%add3A, %rem3A_110, %dma_start3A_131, %dma_start3A_132] : memref<32x160x2x128xi32, #tpu.memory_space<hbm>> -> memref<1x1x2x128xi32, #tpu.memory_space<hbm>>
        %dma_start3A_134 = tpu.memref_squeeze %dma_start3A_133 : memref<1x1x2x128xi32, #tpu.memory_space<hbm>> -> memref<2x128xi32, #tpu.memory_space<hbm>>
        tpu.enqueue_dma source(%dma_start3A_134 : memref<2x128xi32, #tpu.memory_space<hbm>>) target(%arg12 : memref<2x128xi32, #tpu.memory_space<vmem>>) target_semaphore(%run_scoped3A_126 : memref<!tpu.dma_semaphore, #tpu.memory_space<semaphore_mem>>)
        %dma_wait3A_135 = arith.constant 0 : i32
        %dma_wait3A_136 = arith.constant 0 : i32
        %dma_wait3A_137 = tpu.memref_slice %arg2[%add3A, %rem3A_110, %dma_wait3A_135, %dma_wait3A_136] : memref<32x160x2x128xi32, #tpu.memory_space<hbm>> -> memref<1x1x2x128xi32, #tpu.memory_space<hbm>>
        %dma_wait3A_138 = tpu.memref_squeeze %dma_wait3A_137 : memref<1x1x2x128xi32, #tpu.memory_space<hbm>> -> memref<2x128xi32, #tpu.memory_space<hbm>>
        %dma_wait3A_139 = arith.constant 0 : i32
        %dma_wait3A_140 = arith.constant 0 : i32
        %dma_wait3A_141 = tpu.memref_slice %arg2[%add3A, %rem3A_110, %dma_wait3A_139, %dma_wait3A_140] : memref<32x160x2x128xi32, #tpu.memory_space<hbm>> -> memref<1x1x2x128xi32, #tpu.memory_space<hbm>>
        %dma_wait3A_142 = tpu.memref_squeeze %dma_wait3A_141 : memref<1x1x2x128xi32, #tpu.memory_space<hbm>> -> memref<2x128xi32, #tpu.memory_space<hbm>>
        tpu.wait_dma2 semaphore(%run_scoped3A_126 : memref<!tpu.dma_semaphore, #tpu.memory_space<semaphore_mem>>) src(%dma_wait3A_142 : memref<2x128xi32, #tpu.memory_space<hbm>>) dst(%arg12 : memref<2x128xi32, #tpu.memory_space<vmem>>)
        tpu.yield
      }) : () -> ()
      %dma_wait3A_111 = arith.constant 0 : i32
      %dma_wait3A_112 = arith.constant 0 : i32
      %dma_wait3A_113 = tpu.memref_slice %arg13[%dma_wait3A_111, %dma_wait3A_112] : memref<2x128xi32, #tpu.memory_space<vmem>> -> memref<1x128xi32, #tpu.memory_space<vmem>>
      %dma_wait3A_114 = tpu.memref_squeeze %dma_wait3A_113 : memref<1x128xi32, #tpu.memory_space<vmem>> -> memref<128xi32, #tpu.memory_space<vmem>>
      %dma_wait3A_115 = arith.constant 0 : i32
      %dma_wait3A_116 = arith.constant 0 : i32
      %dma_wait3A_117 = tpu.memref_slice %arg6[%dma_wait3A_115, %dma_wait3A_116] : memref<10000x128xf32, #tpu.memory_space<hbm>> -> memref<10000x128xf32, #tpu.memory_space<hbm>>
      tpu.wait_indirect_dma semaphore(%arg18 : memref<!tpu.dma_semaphore, #tpu.memory_space<semaphore_mem>>) src(%dma_wait3A_117 : memref<10000x128xf32, #tpu.memory_space<hbm>>) dst(%arg15 : memref<128x128xf32, #tpu.memory_space<vmem>>)
      %dma_start3A_118 = arith.constant 0 : i32
      %dma_start3A_119 = arith.constant 0 : i32
      %dma_start3A_120 = tpu.memref_slice %arg12[%dma_start3A_118, %dma_start3A_119] : memref<2x128xi32, #tpu.memory_space<vmem>> -> memref<1x128xi32, #tpu.memory_space<vmem>>
      %dma_start3A_121 = tpu.memref_squeeze %dma_start3A_120 : memref<1x128xi32, #tpu.memory_space<vmem>> -> memref<128xi32, #tpu.memory_space<vmem>>
      %dma_start3A_122 = arith.constant 0 : i32
      %dma_start3A_123 = arith.constant 0 : i32
      %dma_start3A_124 = tpu.memref_slice %arg6[%dma_start3A_122, %dma_start3A_123] : memref<10000x128xf32, #tpu.memory_space<hbm>> -> memref<10000x128xf32, #tpu.memory_space<hbm>>
      tpu.enqueue_indirect_dma source(%dma_start3A_124 : memref<10000x128xf32, #tpu.memory_space<hbm>>) target(%arg14 : memref<128x128xf32, #tpu.memory_space<vmem>>) offsets(%dma_start3A_121 : memref<128xi32, #tpu.memory_space<vmem>>) semaphore(%arg17 : memref<!tpu.dma_semaphore, #tpu.memory_space<semaphore_mem>>)
      %run_scoped3A_125 = arith.constant 1 : i32
      "tpu.region"() ({
        %run_scoped3A_126 = tpu.sem_alloc : memref<!tpu.dma_semaphore, #tpu.memory_space<semaphore_mem>>
        %dma_start3A_127 = arith.constant 0 : i32
        %dma_start3A_128 = tpu.memref_slice %arg13[%run_scoped3A_125, %dma_start3A_127] : memref<2x128xi32, #tpu.memory_space<vmem>> -> memref<1x128xi32, #tpu.memory_space<vmem>>
        %dma_start3A_129 = tpu.memref_squeeze %dma_start3A_128 : memref<1x128xi32, #tpu.memory_space<vmem>> -> memref<128xi32, #tpu.memory_space<vmem>>
        %dma_start3A_130 = arith.constant 0 : i32
        %dma_start3A_131 = arith.constant 0 : i32
        %dma_start3A_132 = tpu.memref_slice %arg16[%dma_start3A_130, %dma_start3A_131] : memref<10240x128xf32, #tpu.memory_space<vmem_shared>> -> memref<10240x128xf32, #tpu.memory_space<vmem_shared>>
        tpu.enqueue_indirect_dma source(%arg15 : memref<128x128xf32, #tpu.memory_space<vmem>>) target(%dma_start3A_132 : memref<10240x128xf32, #tpu.memory_space<vmem_shared>>) offsets(%dma_start3A_129 : memref<128xi32, #tpu.memory_space<vmem>>) semaphore(%run_scoped3A_126 : memref<!tpu.dma_semaphore, #tpu.memory_space<semaphore_mem>>) {add = true}
        %dma_wait3A_133 = arith.constant 0 : i32
        %dma_wait3A_134 = tpu.memref_slice %arg13[%run_scoped3A_125, %dma_wait3A_133] : memref<2x128xi32, #tpu.memory_space<vmem>> -> memref<1x128xi32, #tpu.memory_space<vmem>>
        %dma_wait3A_135 = tpu.memref_squeeze %dma_wait3A_134 : memref<1x128xi32, #tpu.memory_space<vmem>> -> memref<128xi32, #tpu.memory_space<vmem>>
        %dma_wait3A_136 = arith.constant 0 : i32
        %dma_wait3A_137 = arith.constant 0 : i32
        %dma_wait3A_138 = tpu.memref_slice %arg16[%dma_wait3A_136, %dma_wait3A_137] : memref<10240x128xf32, #tpu.memory_space<vmem_shared>> -> memref<10240x128xf32, #tpu.memory_space<vmem_shared>>
        tpu.wait_indirect_dma semaphore(%run_scoped3A_126 : memref<!tpu.dma_semaphore, #tpu.memory_space<semaphore_mem>>) src(%arg15 : memref<128x128xf32, #tpu.memory_space<vmem>>) dst(%dma_wait3A_138 : memref<10240x128xf32, #tpu.memory_space<vmem_shared>>)
        tpu.yield
      }) : () -> ()
    }
    %scan3A_55 = arith.constant 80 : i32
    %dma_wait3A_56 = arith.constant 0 : i32
    %dma_wait3A_57 = arith.constant 0 : i32
    %dma_wait3A_58 = tpu.memref_slice %arg12[%dma_wait3A_56, %dma_wait3A_57] : memref<2x128xi32, #tpu.memory_space<vmem>> -> memref<1x128xi32, #tpu.memory_space<vmem>>
    %dma_wait3A_59 = tpu.memref_squeeze %dma_wait3A_58 : memref<1x128xi32, #tpu.memory_space<vmem>> -> memref<128xi32, #tpu.memory_space<vmem>>
    %dma_wait3A_60 = arith.constant 0 : i32
    %dma_wait3A_61 = arith.constant 0 : i32
    %dma_wait3A_62 = tpu.memref_slice %arg6[%dma_wait3A_60, %dma_wait3A_61] : memref<10000x128xf32, #tpu.memory_space<hbm>> -> memref<10000x128xf32, #tpu.memory_space<hbm>>
    tpu.wait_indirect_dma semaphore(%arg17 : memref<!tpu.dma_semaphore, #tpu.memory_space<semaphore_mem>>) src(%dma_wait3A_62 : memref<10000x128xf32, #tpu.memory_space<hbm>>) dst(%arg14 : memref<128x128xf32, #tpu.memory_space<vmem>>)
    %barrier3A_63 = arith.constant 0 : index
    tpu.barrier barrier_id(%barrier3A_63)
    "tpu.region"() ({
      %run_scoped3A_86 = tpu.sem_alloc : memref<!tpu.dma_semaphore, #tpu.memory_space<semaphore_mem>>
      %dma_start3A_87 = arith.constant 0 : i32
      %dma_start3A_88 = tpu.memref_slice %arg10[%arg0, %mul3A_2, %dma_start3A_87] : memref<2x10240x128xf32, #tpu.memory_space<hbm>> -> memref<1x640x128xf32, #tpu.memory_space<hbm>>
      %dma_start3A_89 = tpu.memref_squeeze %dma_start3A_88 : memref<1x640x128xf32, #tpu.memory_space<hbm>> -> memref<640x128xf32, #tpu.memory_space<hbm>>
      %dma_start3A_90 = arith.constant 0 : i32
      %dma_start3A_91 = tpu.memref_slice %arg16[%mul3A_2, %dma_start3A_90] : memref<10240x128xf32, #tpu.memory_space<vmem_shared>> -> memref<640x128xf32, #tpu.memory_space<vmem_shared>>
      tpu.enqueue_dma source(%dma_start3A_91 : memref<640x128xf32, #tpu.memory_space<vmem_shared>>) target(%dma_start3A_89 : memref<640x128xf32, #tpu.memory_space<hbm>>) target_semaphore(%run_scoped3A_86 : memref<!tpu.dma_semaphore, #tpu.memory_space<semaphore_mem>>)
      %dma_wait3A_92 = arith.constant 0 : i32
      %dma_wait3A_93 = tpu.memref_slice %arg10[%arg0, %mul3A_2, %dma_wait3A_92] : memref<2x10240x128xf32, #tpu.memory_space<hbm>> -> memref<1x640x128xf32, #tpu.memory_space<hbm>>
      %dma_wait3A_94 = tpu.memref_squeeze %dma_wait3A_93 : memref<1x640x128xf32, #tpu.memory_space<hbm>> -> memref<640x128xf32, #tpu.memory_space<hbm>>
      %dma_wait3A_95 = arith.constant 0 : i32
      %dma_wait3A_96 = tpu.memref_slice %arg16[%mul3A_2, %dma_wait3A_95] : memref<10240x128xf32, #tpu.memory_space<vmem_shared>> -> memref<640x128xf32, #tpu.memory_space<vmem_shared>>
      tpu.wait_dma2 semaphore(%run_scoped3A_86 : memref<!tpu.dma_semaphore, #tpu.memory_space<semaphore_mem>>) src(%dma_wait3A_96 : memref<640x128xf32, #tpu.memory_space<vmem_shared>>) dst(%dma_wait3A_94 : memref<640x128xf32, #tpu.memory_space<hbm>>)
      tpu.yield
    }) : () -> ()
    "tpu.region"() ({
      %run_scoped3A_86 = tpu.sem_alloc : memref<!tpu.dma_semaphore, #tpu.memory_space<semaphore_mem>>
      %dma_start3A_87 = arith.constant 0 : i32
      %dma_start3A_88 = tpu.memref_slice %arg16[%mul3A_2, %dma_start3A_87] : memref<10240x128xf32, #tpu.memory_space<vmem_shared>> -> memref<640x128xf32, #tpu.memory_space<vmem_shared>>
      tpu.enqueue_dma source(%arg3 : memref<640x128xf32, #tpu.memory_space<hbm>>) target(%dma_start3A_88 : memref<640x128xf32, #tpu.memory_space<vmem_shared>>) target_semaphore(%run_scoped3A_86 : memref<!tpu.dma_semaphore, #tpu.memory_space<semaphore_mem>>)
      %dma_wait3A_89 = arith.constant 0 : i32
      %dma_wait3A_90 = tpu.memref_slice %arg16[%mul3A_2, %dma_wait3A_89] : memref<10240x128xf32, #tpu.memory_space<vmem_shared>> -> memref<640x128xf32, #tpu.memory_space<vmem_shared>>
      tpu.wait_dma2 semaphore(%run_scoped3A_86 : memref<!tpu.dma_semaphore, #tpu.memory_space<semaphore_mem>>) src(%arg3 : memref<640x128xf32, #tpu.memory_space<hbm>>) dst(%dma_wait3A_90 : memref<640x128xf32, #tpu.memory_space<vmem_shared>>)
      tpu.yield
    }) : () -> ()
    %barrier3A_64 = arith.constant 0 : index
    tpu.barrier barrier_id(%barrier3A_64)
    %run_scoped3A_65 = arith.constant 0 : i32
    "tpu.region"() ({
      %run_scoped3A_86 = tpu.sem_alloc : memref<!tpu.dma_semaphore, #tpu.memory_space<semaphore_mem>>
      %dma_start3A_87 = arith.constant 0 : i32
      %dma_start3A_88 = arith.constant 0 : i32
      %dma_start3A_89 = tpu.memref_slice %arg2[%add3A, %run_scoped3A_65, %dma_start3A_87, %dma_start3A_88] : memref<32x160x2x128xi32, #tpu.memory_space<hbm>> -> memref<1x1x2x128xi32, #tpu.memory_space<hbm>>
      %dma_start3A_90 = tpu.memref_squeeze %dma_start3A_89 : memref<1x1x2x128xi32, #tpu.memory_space<hbm>> -> memref<2x128xi32, #tpu.memory_space<hbm>>
      %dma_start3A_91 = arith.constant 0 : i32
      %dma_start3A_92 = arith.constant 0 : i32
      %dma_start3A_93 = tpu.memref_slice %arg2[%add3A, %run_scoped3A_65, %dma_start3A_91, %dma_start3A_92] : memref<32x160x2x128xi32, #tpu.memory_space<hbm>> -> memref<1x1x2x128xi32, #tpu.memory_space<hbm>>
      %dma_start3A_94 = tpu.memref_squeeze %dma_start3A_93 : memref<1x1x2x128xi32, #tpu.memory_space<hbm>> -> memref<2x128xi32, #tpu.memory_space<hbm>>
      tpu.enqueue_dma source(%dma_start3A_94 : memref<2x128xi32, #tpu.memory_space<hbm>>) target(%arg12 : memref<2x128xi32, #tpu.memory_space<vmem>>) target_semaphore(%run_scoped3A_86 : memref<!tpu.dma_semaphore, #tpu.memory_space<semaphore_mem>>)
      %dma_wait3A_95 = arith.constant 0 : i32
      %dma_wait3A_96 = arith.constant 0 : i32
      %dma_wait3A_97 = tpu.memref_slice %arg2[%add3A, %run_scoped3A_65, %dma_wait3A_95, %dma_wait3A_96] : memref<32x160x2x128xi32, #tpu.memory_space<hbm>> -> memref<1x1x2x128xi32, #tpu.memory_space<hbm>>
      %dma_wait3A_98 = tpu.memref_squeeze %dma_wait3A_97 : memref<1x1x2x128xi32, #tpu.memory_space<hbm>> -> memref<2x128xi32, #tpu.memory_space<hbm>>
      %dma_wait3A_99 = arith.constant 0 : i32
      %dma_wait3A_100 = arith.constant 0 : i32
      %dma_wait3A_101 = tpu.memref_slice %arg2[%add3A, %run_scoped3A_65, %dma_wait3A_99, %dma_wait3A_100] : memref<32x160x2x128xi32, #tpu.memory_space<hbm>> -> memref<1x1x2x128xi32, #tpu.memory_space<hbm>>
      %dma_wait3A_102 = tpu.memref_squeeze %dma_wait3A_101 : memref<1x1x2x128xi32, #tpu.memory_space<hbm>> -> memref<2x128xi32, #tpu.memory_space<hbm>>
      tpu.wait_dma2 semaphore(%run_scoped3A_86 : memref<!tpu.dma_semaphore, #tpu.memory_space<semaphore_mem>>) src(%dma_wait3A_102 : memref<2x128xi32, #tpu.memory_space<hbm>>) dst(%arg12 : memref<2x128xi32, #tpu.memory_space<vmem>>)
      tpu.yield
    }) : () -> ()
    %dma_start3A_66 = arith.constant 0 : i32
    %dma_start3A_67 = arith.constant 0 : i32
    %dma_start3A_68 = tpu.memref_slice %arg12[%dma_start3A_66, %dma_start3A_67] : memref<2x128xi32, #tpu.memory_space<vmem>> -> memref<1x128xi32, #tpu.memory_space<vmem>>
    %dma_start3A_69 = tpu.memref_squeeze %dma_start3A_68 : memref<1x128xi32, #tpu.memory_space<vmem>> -> memref<128xi32, #tpu.memory_space<vmem>>
    %dma_start3A_70 = arith.constant 0 : i32
    %dma_start3A_71 = arith.constant 0 : i32
    %dma_start3A_72 = tpu.memref_slice %arg7[%dma_start3A_70, %dma_start3A_71] : memref<10000x128xf32, #tpu.memory_space<hbm>> -> memref<10000x128xf32, #tpu.memory_space<hbm>>
    tpu.enqueue_indirect_dma source(%dma_start3A_72 : memref<10000x128xf32, #tpu.memory_space<hbm>>) target(%arg14 : memref<128x128xf32, #tpu.memory_space<vmem>>) offsets(%dma_start3A_69 : memref<128xi32, #tpu.memory_space<vmem>>) semaphore(%arg17 : memref<!tpu.dma_semaphore, #tpu.memory_space<semaphore_mem>>)
    %scan3A_73 = arith.constant 0 : i32
    %scan3A_74 = arith.constant 80 : i32
    %scan3A_75 = arith.addi %scan3A_73, %scan3A_74 : i32
    %scan3A_76 = arith.constant 1 : i32
    scf.for %scan3A_86 = %scan3A_73 to %scan3A_75 step %scan3A_76  : i32 {
      %mul3A_87 = arith.constant 2 : i32
      %mul3A_88 = arith.muli %scan3A_86, %mul3A_87 : i32
      %add3A_89 = arith.constant 0 : i32
      %add3A_90 = arith.addi %add3A_89, %mul3A_88 : i32
      %add3A_91 = arith.constant 1 : i32
      %add3A_92 = arith.addi %add3A_90, %add3A_91 : i32
      "tpu.region"() ({
        %run_scoped3A_126 = tpu.sem_alloc : memref<!tpu.dma_semaphore, #tpu.memory_space<semaphore_mem>>
        %dma_start3A_127 = arith.constant 0 : i32
        %dma_start3A_128 = arith.constant 0 : i32
        %dma_start3A_129 = tpu.memref_slice %arg2[%add3A, %add3A_92, %dma_start3A_127, %dma_start3A_128] : memref<32x160x2x128xi32, #tpu.memory_space<hbm>> -> memref<1x1x2x128xi32, #tpu.memory_space<hbm>>
        %dma_start3A_130 = tpu.memref_squeeze %dma_start3A_129 : memref<1x1x2x128xi32, #tpu.memory_space<hbm>> -> memref<2x128xi32, #tpu.memory_space<hbm>>
        %dma_start3A_131 = arith.constant 0 : i32
        %dma_start3A_132 = arith.constant 0 : i32
        %dma_start3A_133 = tpu.memref_slice %arg2[%add3A, %add3A_92, %dma_start3A_131, %dma_start3A_132] : memref<32x160x2x128xi32, #tpu.memory_space<hbm>> -> memref<1x1x2x128xi32, #tpu.memory_space<hbm>>
        %dma_start3A_134 = tpu.memref_squeeze %dma_start3A_133 : memref<1x1x2x128xi32, #tpu.memory_space<hbm>> -> memref<2x128xi32, #tpu.memory_space<hbm>>
        tpu.enqueue_dma source(%dma_start3A_134 : memref<2x128xi32, #tpu.memory_space<hbm>>) target(%arg13 : memref<2x128xi32, #tpu.memory_space<vmem>>) target_semaphore(%run_scoped3A_126 : memref<!tpu.dma_semaphore, #tpu.memory_space<semaphore_mem>>)
        %dma_wait3A_135 = arith.constant 0 : i32
        %dma_wait3A_136 = arith.constant 0 : i32
        %dma_wait3A_137 = tpu.memref_slice %arg2[%add3A, %add3A_92, %dma_wait3A_135, %dma_wait3A_136] : memref<32x160x2x128xi32, #tpu.memory_space<hbm>> -> memref<1x1x2x128xi32, #tpu.memory_space<hbm>>
        %dma_wait3A_138 = tpu.memref_squeeze %dma_wait3A_137 : memref<1x1x2x128xi32, #tpu.memory_space<hbm>> -> memref<2x128xi32, #tpu.memory_space<hbm>>
        %dma_wait3A_139 = arith.constant 0 : i32
        %dma_wait3A_140 = arith.constant 0 : i32
        %dma_wait3A_141 = tpu.memref_slice %arg2[%add3A, %add3A_92, %dma_wait3A_139, %dma_wait3A_140] : memref<32x160x2x128xi32, #tpu.memory_space<hbm>> -> memref<1x1x2x128xi32, #tpu.memory_space<hbm>>
        %dma_wait3A_142 = tpu.memref_squeeze %dma_wait3A_141 : memref<1x1x2x128xi32, #tpu.memory_space<hbm>> -> memref<2x128xi32, #tpu.memory_space<hbm>>
        tpu.wait_dma2 semaphore(%run_scoped3A_126 : memref<!tpu.dma_semaphore, #tpu.memory_space<semaphore_mem>>) src(%dma_wait3A_142 : memref<2x128xi32, #tpu.memory_space<hbm>>) dst(%arg13 : memref<2x128xi32, #tpu.memory_space<vmem>>)
        tpu.yield
      }) : () -> ()
      %dma_wait3A_93 = arith.constant 0 : i32
      %dma_wait3A_94 = arith.constant 0 : i32
      %dma_wait3A_95 = tpu.memref_slice %arg12[%dma_wait3A_93, %dma_wait3A_94] : memref<2x128xi32, #tpu.memory_space<vmem>> -> memref<1x128xi32, #tpu.memory_space<vmem>>
      %dma_wait3A_96 = tpu.memref_squeeze %dma_wait3A_95 : memref<1x128xi32, #tpu.memory_space<vmem>> -> memref<128xi32, #tpu.memory_space<vmem>>
      %dma_wait3A_97 = arith.constant 0 : i32
      %dma_wait3A_98 = arith.constant 0 : i32
      %dma_wait3A_99 = tpu.memref_slice %arg7[%dma_wait3A_97, %dma_wait3A_98] : memref<10000x128xf32, #tpu.memory_space<hbm>> -> memref<10000x128xf32, #tpu.memory_space<hbm>>
      tpu.wait_indirect_dma semaphore(%arg17 : memref<!tpu.dma_semaphore, #tpu.memory_space<semaphore_mem>>) src(%dma_wait3A_99 : memref<10000x128xf32, #tpu.memory_space<hbm>>) dst(%arg14 : memref<128x128xf32, #tpu.memory_space<vmem>>)
      %dma_start3A_100 = arith.constant 0 : i32
      %dma_start3A_101 = arith.constant 0 : i32
      %dma_start3A_102 = tpu.memref_slice %arg13[%dma_start3A_100, %dma_start3A_101] : memref<2x128xi32, #tpu.memory_space<vmem>> -> memref<1x128xi32, #tpu.memory_space<vmem>>
      %dma_start3A_103 = tpu.memref_squeeze %dma_start3A_102 : memref<1x128xi32, #tpu.memory_space<vmem>> -> memref<128xi32, #tpu.memory_space<vmem>>
      %dma_start3A_104 = arith.constant 0 : i32
      %dma_start3A_105 = arith.constant 0 : i32
      %dma_start3A_106 = tpu.memref_slice %arg7[%dma_start3A_104, %dma_start3A_105] : memref<10000x128xf32, #tpu.memory_space<hbm>> -> memref<10000x128xf32, #tpu.memory_space<hbm>>
      tpu.enqueue_indirect_dma source(%dma_start3A_106 : memref<10000x128xf32, #tpu.memory_space<hbm>>) target(%arg15 : memref<128x128xf32, #tpu.memory_space<vmem>>) offsets(%dma_start3A_103 : memref<128xi32, #tpu.memory_space<vmem>>) semaphore(%arg18 : memref<!tpu.dma_semaphore, #tpu.memory_space<semaphore_mem>>)
      %run_scoped3A_107 = arith.constant 1 : i32
      "tpu.region"() ({
        %run_scoped3A_126 = tpu.sem_alloc : memref<!tpu.dma_semaphore, #tpu.memory_space<semaphore_mem>>
        %dma_start3A_127 = arith.constant 0 : i32
        %dma_start3A_128 = tpu.memref_slice %arg12[%run_scoped3A_107, %dma_start3A_127] : memref<2x128xi32, #tpu.memory_space<vmem>> -> memref<1x128xi32, #tpu.memory_space<vmem>>
        %dma_start3A_129 = tpu.memref_squeeze %dma_start3A_128 : memref<1x128xi32, #tpu.memory_space<vmem>> -> memref<128xi32, #tpu.memory_space<vmem>>
        %dma_start3A_130 = arith.constant 0 : i32
        %dma_start3A_131 = arith.constant 0 : i32
        %dma_start3A_132 = tpu.memref_slice %arg16[%dma_start3A_130, %dma_start3A_131] : memref<10240x128xf32, #tpu.memory_space<vmem_shared>> -> memref<10240x128xf32, #tpu.memory_space<vmem_shared>>
        tpu.enqueue_indirect_dma source(%arg14 : memref<128x128xf32, #tpu.memory_space<vmem>>) target(%dma_start3A_132 : memref<10240x128xf32, #tpu.memory_space<vmem_shared>>) offsets(%dma_start3A_129 : memref<128xi32, #tpu.memory_space<vmem>>) semaphore(%run_scoped3A_126 : memref<!tpu.dma_semaphore, #tpu.memory_space<semaphore_mem>>) {add = true}
        %dma_wait3A_133 = arith.constant 0 : i32
        %dma_wait3A_134 = tpu.memref_slice %arg12[%run_scoped3A_107, %dma_wait3A_133] : memref<2x128xi32, #tpu.memory_space<vmem>> -> memref<1x128xi32, #tpu.memory_space<vmem>>
        %dma_wait3A_135 = tpu.memref_squeeze %dma_wait3A_134 : memref<1x128xi32, #tpu.memory_space<vmem>> -> memref<128xi32, #tpu.memory_space<vmem>>
        %dma_wait3A_136 = arith.constant 0 : i32
        %dma_wait3A_137 = arith.constant 0 : i32
        %dma_wait3A_138 = tpu.memref_slice %arg16[%dma_wait3A_136, %dma_wait3A_137] : memref<10240x128xf32, #tpu.memory_space<vmem_shared>> -> memref<10240x128xf32, #tpu.memory_space<vmem_shared>>
        tpu.wait_indirect_dma semaphore(%run_scoped3A_126 : memref<!tpu.dma_semaphore, #tpu.memory_space<semaphore_mem>>) src(%arg14 : memref<128x128xf32, #tpu.memory_space<vmem>>) dst(%dma_wait3A_138 : memref<10240x128xf32, #tpu.memory_space<vmem_shared>>)
        tpu.yield
      }) : () -> ()
      %add3A_108 = arith.constant 2 : i32
      %add3A_109 = arith.addi %add3A_90, %add3A_108 : i32
      %rem3A = arith.constant 160 : i32
      %rem3A_110 = arith.remsi %add3A_109, %rem3A : i32
      "tpu.region"() ({
        %run_scoped3A_126 = tpu.sem_alloc : memref<!tpu.dma_semaphore, #tpu.memory_space<semaphore_mem>>
        %dma_start3A_127 = arith.constant 0 : i32
        %dma_start3A_128 = arith.constant 0 : i32
        %dma_start3A_129 = tpu.memref_slice %arg2[%add3A, %rem3A_110, %dma_start3A_127, %dma_start3A_128] : memref<32x160x2x128xi32, #tpu.memory_space<hbm>> -> memref<1x1x2x128xi32, #tpu.memory_space<hbm>>
        %dma_start3A_130 = tpu.memref_squeeze %dma_start3A_129 : memref<1x1x2x128xi32, #tpu.memory_space<hbm>> -> memref<2x128xi32, #tpu.memory_space<hbm>>
        %dma_start3A_131 = arith.constant 0 : i32
        %dma_start3A_132 = arith.constant 0 : i32
        %dma_start3A_133 = tpu.memref_slice %arg2[%add3A, %rem3A_110, %dma_start3A_131, %dma_start3A_132] : memref<32x160x2x128xi32, #tpu.memory_space<hbm>> -> memref<1x1x2x128xi32, #tpu.memory_space<hbm>>
        %dma_start3A_134 = tpu.memref_squeeze %dma_start3A_133 : memref<1x1x2x128xi32, #tpu.memory_space<hbm>> -> memref<2x128xi32, #tpu.memory_space<hbm>>
        tpu.enqueue_dma source(%dma_start3A_134 : memref<2x128xi32, #tpu.memory_space<hbm>>) target(%arg12 : memref<2x128xi32, #tpu.memory_space<vmem>>) target_semaphore(%run_scoped3A_126 : memref<!tpu.dma_semaphore, #tpu.memory_space<semaphore_mem>>)
        %dma_wait3A_135 = arith.constant 0 : i32
        %dma_wait3A_136 = arith.constant 0 : i32
        %dma_wait3A_137 = tpu.memref_slice %arg2[%add3A, %rem3A_110, %dma_wait3A_135, %dma_wait3A_136] : memref<32x160x2x128xi32, #tpu.memory_space<hbm>> -> memref<1x1x2x128xi32, #tpu.memory_space<hbm>>
        %dma_wait3A_138 = tpu.memref_squeeze %dma_wait3A_137 : memref<1x1x2x128xi32, #tpu.memory_space<hbm>> -> memref<2x128xi32, #tpu.memory_space<hbm>>
        %dma_wait3A_139 = arith.constant 0 : i32
        %dma_wait3A_140 = arith.constant 0 : i32
        %dma_wait3A_141 = tpu.memref_slice %arg2[%add3A, %rem3A_110, %dma_wait3A_139, %dma_wait3A_140] : memref<32x160x2x128xi32, #tpu.memory_space<hbm>> -> memref<1x1x2x128xi32, #tpu.memory_space<hbm>>
        %dma_wait3A_142 = tpu.memref_squeeze %dma_wait3A_141 : memref<1x1x2x128xi32, #tpu.memory_space<hbm>> -> memref<2x128xi32, #tpu.memory_space<hbm>>
        tpu.wait_dma2 semaphore(%run_scoped3A_126 : memref<!tpu.dma_semaphore, #tpu.memory_space<semaphore_mem>>) src(%dma_wait3A_142 : memref<2x128xi32, #tpu.memory_space<hbm>>) dst(%arg12 : memref<2x128xi32, #tpu.memory_space<vmem>>)
        tpu.yield
      }) : () -> ()
      %dma_wait3A_111 = arith.constant 0 : i32
      %dma_wait3A_112 = arith.constant 0 : i32
      %dma_wait3A_113 = tpu.memref_slice %arg13[%dma_wait3A_111, %dma_wait3A_112] : memref<2x128xi32, #tpu.memory_space<vmem>> -> memref<1x128xi32, #tpu.memory_space<vmem>>
      %dma_wait3A_114 = tpu.memref_squeeze %dma_wait3A_113 : memref<1x128xi32, #tpu.memory_space<vmem>> -> memref<128xi32, #tpu.memory_space<vmem>>
      %dma_wait3A_115 = arith.constant 0 : i32
      %dma_wait3A_116 = arith.constant 0 : i32
      %dma_wait3A_117 = tpu.memref_slice %arg7[%dma_wait3A_115, %dma_wait3A_116] : memref<10000x128xf32, #tpu.memory_space<hbm>> -> memref<10000x128xf32, #tpu.memory_space<hbm>>
      tpu.wait_indirect_dma semaphore(%arg18 : memref<!tpu.dma_semaphore, #tpu.memory_space<semaphore_mem>>) src(%dma_wait3A_117 : memref<10000x128xf32, #tpu.memory_space<hbm>>) dst(%arg15 : memref<128x128xf32, #tpu.memory_space<vmem>>)
      %dma_start3A_118 = arith.constant 0 : i32
      %dma_start3A_119 = arith.constant 0 : i32
      %dma_start3A_120 = tpu.memref_slice %arg12[%dma_start3A_118, %dma_start3A_119] : memref<2x128xi32, #tpu.memory_space<vmem>> -> memref<1x128xi32, #tpu.memory_space<vmem>>
      %dma_start3A_121 = tpu.memref_squeeze %dma_start3A_120 : memref<1x128xi32, #tpu.memory_space<vmem>> -> memref<128xi32, #tpu.memory_space<vmem>>
      %dma_start3A_122 = arith.constant 0 : i32
      %dma_start3A_123 = arith.constant 0 : i32
      %dma_start3A_124 = tpu.memref_slice %arg7[%dma_start3A_122, %dma_start3A_123] : memref<10000x128xf32, #tpu.memory_space<hbm>> -> memref<10000x128xf32, #tpu.memory_space<hbm>>
      tpu.enqueue_indirect_dma source(%dma_start3A_124 : memref<10000x128xf32, #tpu.memory_space<hbm>>) target(%arg14 : memref<128x128xf32, #tpu.memory_space<vmem>>) offsets(%dma_start3A_121 : memref<128xi32, #tpu.memory_space<vmem>>) semaphore(%arg17 : memref<!tpu.dma_semaphore, #tpu.memory_space<semaphore_mem>>)
      %run_scoped3A_125 = arith.constant 1 : i32
      "tpu.region"() ({
        %run_scoped3A_126 = tpu.sem_alloc : memref<!tpu.dma_semaphore, #tpu.memory_space<semaphore_mem>>
        %dma_start3A_127 = arith.constant 0 : i32
        %dma_start3A_128 = tpu.memref_slice %arg13[%run_scoped3A_125, %dma_start3A_127] : memref<2x128xi32, #tpu.memory_space<vmem>> -> memref<1x128xi32, #tpu.memory_space<vmem>>
        %dma_start3A_129 = tpu.memref_squeeze %dma_start3A_128 : memref<1x128xi32, #tpu.memory_space<vmem>> -> memref<128xi32, #tpu.memory_space<vmem>>
        %dma_start3A_130 = arith.constant 0 : i32
        %dma_start3A_131 = arith.constant 0 : i32
        %dma_start3A_132 = tpu.memref_slice %arg16[%dma_start3A_130, %dma_start3A_131] : memref<10240x128xf32, #tpu.memory_space<vmem_shared>> -> memref<10240x128xf32, #tpu.memory_space<vmem_shared>>
        tpu.enqueue_indirect_dma source(%arg15 : memref<128x128xf32, #tpu.memory_space<vmem>>) target(%dma_start3A_132 : memref<10240x128xf32, #tpu.memory_space<vmem_shared>>) offsets(%dma_start3A_129 : memref<128xi32, #tpu.memory_space<vmem>>) semaphore(%run_scoped3A_126 : memref<!tpu.dma_semaphore, #tpu.memory_space<semaphore_mem>>) {add = true}
        %dma_wait3A_133 = arith.constant 0 : i32
        %dma_wait3A_134 = tpu.memref_slice %arg13[%run_scoped3A_125, %dma_wait3A_133] : memref<2x128xi32, #tpu.memory_space<vmem>> -> memref<1x128xi32, #tpu.memory_space<vmem>>
        %dma_wait3A_135 = tpu.memref_squeeze %dma_wait3A_134 : memref<1x128xi32, #tpu.memory_space<vmem>> -> memref<128xi32, #tpu.memory_space<vmem>>
        %dma_wait3A_136 = arith.constant 0 : i32
        %dma_wait3A_137 = arith.constant 0 : i32
        %dma_wait3A_138 = tpu.memref_slice %arg16[%dma_wait3A_136, %dma_wait3A_137] : memref<10240x128xf32, #tpu.memory_space<vmem_shared>> -> memref<10240x128xf32, #tpu.memory_space<vmem_shared>>
        tpu.wait_indirect_dma semaphore(%run_scoped3A_126 : memref<!tpu.dma_semaphore, #tpu.memory_space<semaphore_mem>>) src(%arg15 : memref<128x128xf32, #tpu.memory_space<vmem>>) dst(%dma_wait3A_138 : memref<10240x128xf32, #tpu.memory_space<vmem_shared>>)
        tpu.yield
      }) : () -> ()
    }
    %scan3A_77 = arith.constant 80 : i32
    %dma_wait3A_78 = arith.constant 0 : i32
    %dma_wait3A_79 = arith.constant 0 : i32
    %dma_wait3A_80 = tpu.memref_slice %arg12[%dma_wait3A_78, %dma_wait3A_79] : memref<2x128xi32, #tpu.memory_space<vmem>> -> memref<1x128xi32, #tpu.memory_space<vmem>>
    %dma_wait3A_81 = tpu.memref_squeeze %dma_wait3A_80 : memref<1x128xi32, #tpu.memory_space<vmem>> -> memref<128xi32, #tpu.memory_space<vmem>>
    %dma_wait3A_82 = arith.constant 0 : i32
    %dma_wait3A_83 = arith.constant 0 : i32
    %dma_wait3A_84 = tpu.memref_slice %arg7[%dma_wait3A_82, %dma_wait3A_83] : memref<10000x128xf32, #tpu.memory_space<hbm>> -> memref<10000x128xf32, #tpu.memory_space<hbm>>
    tpu.wait_indirect_dma semaphore(%arg17 : memref<!tpu.dma_semaphore, #tpu.memory_space<semaphore_mem>>) src(%dma_wait3A_84 : memref<10000x128xf32, #tpu.memory_space<hbm>>) dst(%arg14 : memref<128x128xf32, #tpu.memory_space<vmem>>)
    %barrier3A_85 = arith.constant 0 : index
    tpu.barrier barrier_id(%barrier3A_85)
    "tpu.region"() ({
      %run_scoped3A_86 = tpu.sem_alloc : memref<!tpu.dma_semaphore, #tpu.memory_space<semaphore_mem>>
      %dma_start3A_87 = arith.constant 0 : i32
      %dma_start3A_88 = tpu.memref_slice %arg11[%arg0, %mul3A_2, %dma_start3A_87] : memref<2x10240x128xf32, #tpu.memory_space<hbm>> -> memref<1x640x128xf32, #tpu.memory_space<hbm>>
      %dma_start3A_89 = tpu.memref_squeeze %dma_start3A_88 : memref<1x640x128xf32, #tpu.memory_space<hbm>> -> memref<640x128xf32, #tpu.memory_space<hbm>>
      %dma_start3A_90 = arith.constant 0 : i32
      %dma_start3A_91 = tpu.memref_slice %arg16[%mul3A_2, %dma_start3A_90] : memref<10240x128xf32, #tpu.memory_space<vmem_shared>> -> memref<640x128xf32, #tpu.memory_space<vmem_shared>>
      tpu.enqueue_dma source(%dma_start3A_91 : memref<640x128xf32, #tpu.memory_space<vmem_shared>>) target(%dma_start3A_89 : memref<640x128xf32, #tpu.memory_space<hbm>>) target_semaphore(%run_scoped3A_86 : memref<!tpu.dma_semaphore, #tpu.memory_space<semaphore_mem>>)
      %dma_wait3A_92 = arith.constant 0 : i32
      %dma_wait3A_93 = tpu.memref_slice %arg11[%arg0, %mul3A_2, %dma_wait3A_92] : memref<2x10240x128xf32, #tpu.memory_space<hbm>> -> memref<1x640x128xf32, #tpu.memory_space<hbm>>
      %dma_wait3A_94 = tpu.memref_squeeze %dma_wait3A_93 : memref<1x640x128xf32, #tpu.memory_space<hbm>> -> memref<640x128xf32, #tpu.memory_space<hbm>>
      %dma_wait3A_95 = arith.constant 0 : i32
      %dma_wait3A_96 = tpu.memref_slice %arg16[%mul3A_2, %dma_wait3A_95] : memref<10240x128xf32, #tpu.memory_space<vmem_shared>> -> memref<640x128xf32, #tpu.memory_space<vmem_shared>>
      tpu.wait_dma2 semaphore(%run_scoped3A_86 : memref<!tpu.dma_semaphore, #tpu.memory_space<semaphore_mem>>) src(%dma_wait3A_96 : memref<640x128xf32, #tpu.memory_space<vmem_shared>>) dst(%dma_wait3A_94 : memref<640x128xf32, #tpu.memory_space<hbm>>)
      tpu.yield
    }) : () -> ()
    return
  }
}

module attributes {stable_mosaic.version = 14 : i64} {
  func.func @_k1_body(%arg0: i32, %arg1: memref<1000x84xf32, #tpu.memory_space<vmem>>, %arg2: memref<84x512xf32, #tpu.memory_space<vmem>>, %arg3: memref<84x512xf32, #tpu.memory_space<vmem>>, %arg4: memref<1x512xf32, #tpu.memory_space<vmem>>, %arg5: memref<1000x128xf32, #tpu.memory_space<vmem>>, %arg6: memref<1000x128xf32, #tpu.memory_space<vmem>>, %arg7: memref<1000x128xf32, #tpu.memory_space<vmem>>, %arg8: memref<1000x128xf32, #tpu.memory_space<vmem>>, %arg9: memref<1000x512xf32, #tpu.memory_space<vmem>>) attributes {dimension_semantics = [#tpu.dimension_semantics<arbitrary>], iteration_bounds = array<i64: 10>, scalar_prefetch = 0 : i64, scratch_operands = 0 : i64, tpu.core_type = #tpu.core_type<tc>, window_params = [{transform_indices = @transform_0, window_bounds = array<i64: 1000, 84>}, {pipeline_mode = #tpu.pipeline_mode<synchronous>, transform_indices = @transform_1, window_bounds = array<i64: 84, 512>}, {pipeline_mode = #tpu.pipeline_mode<synchronous>, transform_indices = @transform_2, window_bounds = array<i64: 84, 512>}, {pipeline_mode = #tpu.pipeline_mode<synchronous>, transform_indices = @transform_3, window_bounds = array<i64: 1, 512>}, {transform_indices = @transform_4, window_bounds = array<i64: 1000, 128>}, {transform_indices = @transform_5, window_bounds = array<i64: 1000, 128>}, {transform_indices = @transform_6, window_bounds = array<i64: 1000, 128>}, {transform_indices = @transform_7, window_bounds = array<i64: 1000, 128>}, {transform_indices = @transform_8, window_bounds = array<i64: 1000, 512>}]} {
    %get3A = arith.constant 0 : index
    %get3A_0 = arith.constant 0 : index
    %get3A_1 = vector.load %arg1[%get3A, %get3A_0] : memref<1000x84xf32, #tpu.memory_space<vmem>>, vector<1000x84xf32>
    %get3A_2 = arith.constant 0 : index
    %get3A_3 = arith.constant 0 : index
    %get3A_4 = vector.load %arg2[%get3A_2, %get3A_3] : memref<84x512xf32, #tpu.memory_space<vmem>>, vector<84x512xf32>
    %dot_general3A = arith.constant dense<0.000000e+00> : vector<1000x512xf32>
    %dot_general3A_5 = tpu.matmul %get3A_1, %get3A_4, %dot_general3A {dimension_numbers = #tpu.dot_dimension_numbers<[1], [0], [0], [1], [0, 0, 1, 1], [], []>, transpose_lhs_hint = false} : vector<1000x84xf32>, vector<84x512xf32>, vector<1000x512xf32> -> vector<1000x512xf32>
    %slice3A = vector.extract_strided_slice %dot_general3A_5 {offsets = [0, 0], sizes = [1000, 128], strides = [1, 1]} : vector<1000x512xf32> to vector<1000x128xf32>
    %swap3A = arith.constant 0 : index
    %swap3A_6 = arith.constant 0 : index
    %swap3A_7 = vector.load %arg5[%swap3A, %swap3A_6] : memref<1000x128xf32, #tpu.memory_space<vmem>>, vector<1000x128xf32>
    tpu.vector_store %arg5[%swap3A, %swap3A_6], %slice3A {strides = array<i32>} : memref<1000x128xf32, #tpu.memory_space<vmem>>, vector<1000x128xf32>,
    %slice3A_8 = vector.extract_strided_slice %dot_general3A_5 {offsets = [0, 128], sizes = [1000, 128], strides = [1, 1]} : vector<1000x512xf32> to vector<1000x128xf32>
    %swap3A_9 = arith.constant 0 : index
    %swap3A_10 = arith.constant 0 : index
    %swap3A_11 = vector.load %arg6[%swap3A_9, %swap3A_10] : memref<1000x128xf32, #tpu.memory_space<vmem>>, vector<1000x128xf32>
    tpu.vector_store %arg6[%swap3A_9, %swap3A_10], %slice3A_8 {strides = array<i32>} : memref<1000x128xf32, #tpu.memory_space<vmem>>, vector<1000x128xf32>,
    %slice3A_12 = vector.extract_strided_slice %dot_general3A_5 {offsets = [0, 256], sizes = [1000, 128], strides = [1, 1]} : vector<1000x512xf32> to vector<1000x128xf32>
    %swap3A_13 = arith.constant 0 : index
    %swap3A_14 = arith.constant 0 : index
    %swap3A_15 = vector.load %arg7[%swap3A_13, %swap3A_14] : memref<1000x128xf32, #tpu.memory_space<vmem>>, vector<1000x128xf32>
    tpu.vector_store %arg7[%swap3A_13, %swap3A_14], %slice3A_12 {strides = array<i32>} : memref<1000x128xf32, #tpu.memory_space<vmem>>, vector<1000x128xf32>,
    %slice3A_16 = vector.extract_strided_slice %dot_general3A_5 {offsets = [0, 384], sizes = [1000, 128], strides = [1, 1]} : vector<1000x512xf32> to vector<1000x128xf32>
    %swap3A_17 = arith.constant 0 : index
    %swap3A_18 = arith.constant 0 : index
    %swap3A_19 = vector.load %arg8[%swap3A_17, %swap3A_18] : memref<1000x128xf32, #tpu.memory_space<vmem>>, vector<1000x128xf32>
    tpu.vector_store %arg8[%swap3A_17, %swap3A_18], %slice3A_16 {strides = array<i32>} : memref<1000x128xf32, #tpu.memory_space<vmem>>, vector<1000x128xf32>,
    %get3A_20 = arith.constant 0 : index
    %get3A_21 = arith.constant 0 : index
    %get3A_22 = vector.load %arg3[%get3A_20, %get3A_21] : memref<84x512xf32, #tpu.memory_space<vmem>>, vector<84x512xf32>
    %dot_general3A_23 = arith.constant dense<0.000000e+00> : vector<1000x512xf32>
    %dot_general3A_24 = tpu.matmul %get3A_1, %get3A_22, %dot_general3A_23 {dimension_numbers = #tpu.dot_dimension_numbers<[1], [0], [0], [1], [0, 0, 1, 1], [], []>, transpose_lhs_hint = false} : vector<1000x84xf32>, vector<84x512xf32>, vector<1000x512xf32> -> vector<1000x512xf32>
    %get3A_25 = arith.constant 0 : index
    %get3A_26 = arith.constant 0 : index
    %get3A_27 = vector.load %arg4[%get3A_25, %get3A_26] : memref<1x512xf32, #tpu.memory_space<vmem>>, vector<1x512xf32>
    %add3A = vector.broadcast %get3A_27 : vector<1x512xf32> to vector<1000x512xf32>
    %add3A_28 = arith.addf %dot_general3A_24, %add3A : vector<1000x512xf32>
    %swap3A_29 = arith.constant 0 : index
    %swap3A_30 = arith.constant 0 : index
    %swap3A_31 = vector.load %arg9[%swap3A_29, %swap3A_30] : memref<1000x512xf32, #tpu.memory_space<vmem>>, vector<1000x512xf32>
    tpu.vector_store %arg9[%swap3A_29, %swap3A_30], %add3A_28 {strides = array<i32>} : memref<1000x512xf32, #tpu.memory_space<vmem>>, vector<1000x512xf32>,
    return
  }
  func.func @transform_0(%arg0: i32) -> (i32, i32) {
    %c0_i32 = arith.constant 0 : i32
    %c0_i32_0 = arith.constant 0 : i32
    return %arg0, %c0_i32 : i32, i32
  }
  func.func @transform_1(%arg0: i32) -> (i32, i32) {
    %c0_i32 = arith.constant 0 : i32
    %c0_i32_0 = arith.constant 0 : i32
    %c0_i32_1 = arith.constant 0 : i32
    return %c0_i32, %c0_i32_0 : i32, i32
  }
  func.func @transform_2(%arg0: i32) -> (i32, i32) {
    %c0_i32 = arith.constant 0 : i32
    %c0_i32_0 = arith.constant 0 : i32
    %c0_i32_1 = arith.constant 0 : i32
    return %c0_i32, %c0_i32_0 : i32, i32
  }
  func.func @transform_3(%arg0: i32) -> (i32, i32) {
    %c0_i32 = arith.constant 0 : i32
    %c0_i32_0 = arith.constant 0 : i32
    %c0_i32_1 = arith.constant 0 : i32
    return %c0_i32, %c0_i32_0 : i32, i32
  }
  func.func @transform_4(%arg0: i32) -> (i32, i32) {
    %c0_i32 = arith.constant 0 : i32
    %c0_i32_0 = arith.constant 0 : i32
    return %arg0, %c0_i32 : i32, i32
  }
  func.func @transform_5(%arg0: i32) -> (i32, i32) {
    %c0_i32 = arith.constant 0 : i32
    %c0_i32_0 = arith.constant 0 : i32
    return %arg0, %c0_i32 : i32, i32
  }
  func.func @transform_6(%arg0: i32) -> (i32, i32) {
    %c0_i32 = arith.constant 0 : i32
    %c0_i32_0 = arith.constant 0 : i32
    return %arg0, %c0_i32 : i32, i32
  }
  func.func @transform_7(%arg0: i32) -> (i32, i32) {
    %c0_i32 = arith.constant 0 : i32
    %c0_i32_0 = arith.constant 0 : i32
    return %arg0, %c0_i32 : i32, i32
  }
  func.func @transform_8(%arg0: i32) -> (i32, i32) {
    %c0_i32 = arith.constant 0 : i32
    %c0_i32_0 = arith.constant 0 : i32
    return %arg0, %c0_i32 : i32, i32
  }
}

module attributes {stable_mosaic.version = 14 : i64} {
  func.func @_mid_body(%arg0: i32, %arg1: memref<2x1000x128xf32, #tpu.memory_space<vmem>>, %arg2: memref<2x1000x128xf32, #tpu.memory_space<vmem>>, %arg3: memref<2x1000x128xf32, #tpu.memory_space<vmem>>, %arg4: memref<2x1000x128xf32, #tpu.memory_space<vmem>>, %arg5: memref<2x1000x128xf32, #tpu.memory_space<vmem>>, %arg6: memref<1000x512xf32, #tpu.memory_space<vmem>>, %arg7: memref<6x512xf32, #tpu.memory_space<vmem>>, %arg8: memref<1x512xf32, #tpu.memory_space<vmem>>, %arg9: memref<512x512xf32, #tpu.memory_space<vmem>>, %arg10: memref<1000x512xf32, #tpu.memory_space<vmem>>, %arg11: memref<1000x128xf32, #tpu.memory_space<vmem>>, %arg12: memref<1000x128xf32, #tpu.memory_space<vmem>>, %arg13: memref<1000x128xf32, #tpu.memory_space<vmem>>, %arg14: memref<1000x128xf32, #tpu.memory_space<vmem>>) attributes {dimension_semantics = [#tpu.dimension_semantics<arbitrary>], iteration_bounds = array<i64: 10>, scalar_prefetch = 0 : i64, scratch_operands = 0 : i64, tpu.core_type = #tpu.core_type<tc>, window_params = [{transform_indices = @transform_0, window_bounds = array<i64: 2, 1000, 128>}, {transform_indices = @transform_1, window_bounds = array<i64: 2, 1000, 128>}, {transform_indices = @transform_2, window_bounds = array<i64: 2, 1000, 128>}, {transform_indices = @transform_3, window_bounds = array<i64: 2, 1000, 128>}, {transform_indices = @transform_4, window_bounds = array<i64: 2, 1000, 128>}, {transform_indices = @transform_5, window_bounds = array<i64: 1000, 512>}, {pipeline_mode = #tpu.pipeline_mode<synchronous>, transform_indices = @transform_6, window_bounds = array<i64: 6, 512>}, {pipeline_mode = #tpu.pipeline_mode<synchronous>, transform_indices = @transform_7, window_bounds = array<i64: 1, 512>}, {pipeline_mode = #tpu.pipeline_mode<synchronous>, transform_indices = @transform_8, window_bounds = array<i64: 512, 512>}, {transform_indices = @transform_9, window_bounds = array<i64: 1000, 512>}, {transform_indices = @transform_10, window_bounds = array<i64: 1000, 128>}, {transform_indices = @transform_11, window_bounds = array<i64: 1000, 128>}, {transform_indices = @transform_12, window_bounds = array<i64: 1000, 128>}, {transform_indices = @transform_13, window_bounds = array<i64: 1000, 128>}]} {
    %get3A = arith.constant 0 : index
    %get3A_0 = arith.constant 0 : index
    %get3A_1 = arith.constant 0 : index
    %get3A_2 = vector.load %arg1[%get3A, %get3A_0, %get3A_1] : memref<2x1000x128xf32, #tpu.memory_space<vmem>>, vector<2x1000x128xf32>
    %slice3A = vector.extract_strided_slice %get3A_2 {offsets = [0, 0, 0], sizes = [1, 1000, 128], strides = [1, 1, 1]} : vector<2x1000x128xf32> to vector<1x1000x128xf32>
    %squeeze3A = vector.shape_cast %slice3A : vector<1x1000x128xf32> to vector<1000x128xf32>
    %slice3A_3 = vector.extract_strided_slice %get3A_2 {offsets = [1, 0, 0], sizes = [1, 1000, 128], strides = [1, 1, 1]} : vector<2x1000x128xf32> to vector<1x1000x128xf32>
    %squeeze3A_4 = vector.shape_cast %slice3A_3 : vector<1x1000x128xf32> to vector<1000x128xf32>
    %add3A = arith.addf %squeeze3A, %squeeze3A_4 : vector<1000x128xf32>
    %get3A_5 = arith.constant 0 : index
    %get3A_6 = arith.constant 0 : index
    %get3A_7 = arith.constant 0 : index
    %get3A_8 = vector.load %arg2[%get3A_5, %get3A_6, %get3A_7] : memref<2x1000x128xf32, #tpu.memory_space<vmem>>, vector<2x1000x128xf32>
    %slice3A_9 = vector.extract_strided_slice %get3A_8 {offsets = [0, 0, 0], sizes = [1, 1000, 128], strides = [1, 1, 1]} : vector<2x1000x128xf32> to vector<1x1000x128xf32>
    %squeeze3A_10 = vector.shape_cast %slice3A_9 : vector<1x1000x128xf32> to vector<1000x128xf32>
    %slice3A_11 = vector.extract_strided_slice %get3A_8 {offsets = [1, 0, 0], sizes = [1, 1000, 128], strides = [1, 1, 1]} : vector<2x1000x128xf32> to vector<1x1000x128xf32>
    %squeeze3A_12 = vector.shape_cast %slice3A_11 : vector<1x1000x128xf32> to vector<1000x128xf32>
    %add3A_13 = arith.addf %squeeze3A_10, %squeeze3A_12 : vector<1000x128xf32>
    %get3A_14 = arith.constant 0 : index
    %get3A_15 = arith.constant 0 : index
    %get3A_16 = arith.constant 0 : index
    %get3A_17 = vector.load %arg3[%get3A_14, %get3A_15, %get3A_16] : memref<2x1000x128xf32, #tpu.memory_space<vmem>>, vector<2x1000x128xf32>
    %slice3A_18 = vector.extract_strided_slice %get3A_17 {offsets = [0, 0, 0], sizes = [1, 1000, 128], strides = [1, 1, 1]} : vector<2x1000x128xf32> to vector<1x1000x128xf32>
    %squeeze3A_19 = vector.shape_cast %slice3A_18 : vector<1x1000x128xf32> to vector<1000x128xf32>
    %slice3A_20 = vector.extract_strided_slice %get3A_17 {offsets = [1, 0, 0], sizes = [1, 1000, 128], strides = [1, 1, 1]} : vector<2x1000x128xf32> to vector<1x1000x128xf32>
    %squeeze3A_21 = vector.shape_cast %slice3A_20 : vector<1x1000x128xf32> to vector<1000x128xf32>
    %add3A_22 = arith.addf %squeeze3A_19, %squeeze3A_21 : vector<1000x128xf32>
    %get3A_23 = arith.constant 0 : index
    %get3A_24 = arith.constant 0 : index
    %get3A_25 = arith.constant 0 : index
    %get3A_26 = vector.load %arg4[%get3A_23, %get3A_24, %get3A_25] : memref<2x1000x128xf32, #tpu.memory_space<vmem>>, vector<2x1000x128xf32>
    %slice3A_27 = vector.extract_strided_slice %get3A_26 {offsets = [0, 0, 0], sizes = [1, 1000, 128], strides = [1, 1, 1]} : vector<2x1000x128xf32> to vector<1x1000x128xf32>
    %squeeze3A_28 = vector.shape_cast %slice3A_27 : vector<1x1000x128xf32> to vector<1000x128xf32>
    %slice3A_29 = vector.extract_strided_slice %get3A_26 {offsets = [1, 0, 0], sizes = [1, 1000, 128], strides = [1, 1, 1]} : vector<2x1000x128xf32> to vector<1x1000x128xf32>
    %squeeze3A_30 = vector.shape_cast %slice3A_29 : vector<1x1000x128xf32> to vector<1000x128xf32>
    %add3A_31 = arith.addf %squeeze3A_28, %squeeze3A_30 : vector<1000x128xf32>
    %concatenate3A = tpu.concatenate %add3A, %add3A_13, %add3A_22, %add3A_31 in 1 : vector<1000x128xf32>, vector<1000x128xf32>, vector<1000x128xf32>, vector<1000x128xf32> -> vector<1000x512xf32>
    %get3A_32 = arith.constant 0 : index
    %get3A_33 = arith.constant 0 : index
    %get3A_34 = arith.constant 0 : index
    %get3A_35 = vector.load %arg5[%get3A_32, %get3A_33, %get3A_34] : memref<2x1000x128xf32, #tpu.memory_space<vmem>>, vector<2x1000x128xf32>
    %slice3A_36 = vector.extract_strided_slice %get3A_35 {offsets = [0, 0, 0], sizes = [1, 1000, 128], strides = [1, 1, 1]} : vector<2x1000x128xf32> to vector<1x1000x128xf32>
    %squeeze3A_37 = vector.shape_cast %slice3A_36 : vector<1x1000x128xf32> to vector<1000x128xf32>
    %slice3A_38 = vector.extract_strided_slice %get3A_35 {offsets = [1, 0, 0], sizes = [1, 1000, 128], strides = [1, 1, 1]} : vector<2x1000x128xf32> to vector<1x1000x128xf32>
    %squeeze3A_39 = vector.shape_cast %slice3A_38 : vector<1x1000x128xf32> to vector<1000x128xf32>
    %add3A_40 = arith.addf %squeeze3A_37, %squeeze3A_39 : vector<1000x128xf32>
    %slice3A_41 = vector.extract_strided_slice %add3A_40 {offsets = [0, 0], sizes = [1000, 6], strides = [1, 1]} : vector<1000x128xf32> to vector<1000x6xf32>
    %get3A_42 = arith.constant 0 : index
    %get3A_43 = arith.constant 0 : index
    %get3A_44 = vector.load %arg7[%get3A_42, %get3A_43] : memref<6x512xf32, #tpu.memory_space<vmem>>, vector<6x512xf32>
    %dot_general3A = arith.constant dense<0.000000e+00> : vector<1000x512xf32>
    %dot_general3A_45 = tpu.matmul %slice3A_41, %get3A_44, %dot_general3A {dimension_numbers = #tpu.dot_dimension_numbers<[1], [0], [0], [1], [0, 0, 1, 1], [], []>, transpose_lhs_hint = false} : vector<1000x6xf32>, vector<6x512xf32>, vector<1000x512xf32> -> vector<1000x512xf32>
    %slice3A_46 = vector.extract_strided_slice %add3A_40 {offsets = [0, 6], sizes = [1000, 1], strides = [1, 1]} : vector<1000x128xf32> to vector<1000x1xf32>
    %get3A_47 = arith.constant 0 : index
    %get3A_48 = arith.constant 0 : index
    %get3A_49 = vector.load %arg8[%get3A_47, %get3A_48] : memref<1x512xf32, #tpu.memory_space<vmem>>, vector<1x512xf32>
    %mul3A = vector.broadcast %slice3A_46 : vector<1000x1xf32> to vector<1000x512xf32>
    %mul3A_50 = vector.broadcast %get3A_49 : vector<1x512xf32> to vector<1000x512xf32>
    %mul3A_51 = arith.mulf %mul3A, %mul3A_50 : vector<1000x512xf32>
    %add3A_52 = arith.addf %dot_general3A_45, %mul3A_51 : vector<1000x512xf32>
    %get3A_53 = arith.constant 0 : index
    %get3A_54 = arith.constant 0 : index
    %get3A_55 = vector.load %arg6[%get3A_53, %get3A_54] : memref<1000x512xf32, #tpu.memory_space<vmem>>, vector<1000x512xf32>
    %add3A_56 = arith.addf %concatenate3A, %add3A_52 : vector<1000x512xf32>
    %add3A_57 = arith.addf %add3A_56, %get3A_55 : vector<1000x512xf32>
    %max3A = arith.constant 0.000000e+00 : f32
    %max3A_58 = vector.broadcast %max3A : f32 to vector<1000x512xf32>
    %max3A_59 = arith.maximumf %add3A_57, %max3A_58 : vector<1000x512xf32>
    %swap3A = arith.constant 0 : index
    %swap3A_60 = arith.constant 0 : index
    %swap3A_61 = vector.load %arg10[%swap3A, %swap3A_60] : memref<1000x512xf32, #tpu.memory_space<vmem>>, vector<1000x512xf32>
    tpu.vector_store %arg10[%swap3A, %swap3A_60], %max3A_59 {strides = array<i32>} : memref<1000x512xf32, #tpu.memory_space<vmem>>, vector<1000x512xf32>,
    %get3A_62 = arith.constant 0 : index
    %get3A_63 = arith.constant 0 : index
    %get3A_64 = vector.load %arg9[%get3A_62, %get3A_63] : memref<512x512xf32, #tpu.memory_space<vmem>>, vector<512x512xf32>
    %dot_general3A_65 = arith.constant dense<0.000000e+00> : vector<1000x512xf32>
    %dot_general3A_66 = tpu.matmul %max3A_59, %get3A_64, %dot_general3A_65 {dimension_numbers = #tpu.dot_dimension_numbers<[1], [0], [0], [1], [0, 0, 1, 1], [], []>, transpose_lhs_hint = false} : vector<1000x512xf32>, vector<512x512xf32>, vector<1000x512xf32> -> vector<1000x512xf32>
    %slice3A_67 = vector.extract_strided_slice %dot_general3A_66 {offsets = [0, 0], sizes = [1000, 128], strides = [1, 1]} : vector<1000x512xf32> to vector<1000x128xf32>
    %swap3A_68 = arith.constant 0 : index
    %swap3A_69 = arith.constant 0 : index
    %swap3A_70 = vector.load %arg11[%swap3A_68, %swap3A_69] : memref<1000x128xf32, #tpu.memory_space<vmem>>, vector<1000x128xf32>
    tpu.vector_store %arg11[%swap3A_68, %swap3A_69], %slice3A_67 {strides = array<i32>} : memref<1000x128xf32, #tpu.memory_space<vmem>>, vector<1000x128xf32>,
    %slice3A_71 = vector.extract_strided_slice %dot_general3A_66 {offsets = [0, 128], sizes = [1000, 128], strides = [1, 1]} : vector<1000x512xf32> to vector<1000x128xf32>
    %swap3A_72 = arith.constant 0 : index
    %swap3A_73 = arith.constant 0 : index
    %swap3A_74 = vector.load %arg12[%swap3A_72, %swap3A_73] : memref<1000x128xf32, #tpu.memory_space<vmem>>, vector<1000x128xf32>
    tpu.vector_store %arg12[%swap3A_72, %swap3A_73], %slice3A_71 {strides = array<i32>} : memref<1000x128xf32, #tpu.memory_space<vmem>>, vector<1000x128xf32>,
    %slice3A_75 = vector.extract_strided_slice %dot_general3A_66 {offsets = [0, 256], sizes = [1000, 128], strides = [1, 1]} : vector<1000x512xf32> to vector<1000x128xf32>
    %swap3A_76 = arith.constant 0 : index
    %swap3A_77 = arith.constant 0 : index
    %swap3A_78 = vector.load %arg13[%swap3A_76, %swap3A_77] : memref<1000x128xf32, #tpu.memory_space<vmem>>, vector<1000x128xf32>
    tpu.vector_store %arg13[%swap3A_76, %swap3A_77], %slice3A_75 {strides = array<i32>} : memref<1000x128xf32, #tpu.memory_space<vmem>>, vector<1000x128xf32>,
    %slice3A_79 = vector.extract_strided_slice %dot_general3A_66 {offsets = [0, 384], sizes = [1000, 128], strides = [1, 1]} : vector<1000x512xf32> to vector<1000x128xf32>
    %swap3A_80 = arith.constant 0 : index
    %swap3A_81 = arith.constant 0 : index
    %swap3A_82 = vector.load %arg14[%swap3A_80, %swap3A_81] : memref<1000x128xf32, #tpu.memory_space<vmem>>, vector<1000x128xf32>
    tpu.vector_store %arg14[%swap3A_80, %swap3A_81], %slice3A_79 {strides = array<i32>} : memref<1000x128xf32, #tpu.memory_space<vmem>>, vector<1000x128xf32>,
    return
  }
  func.func @transform_0(%arg0: i32) -> (i32, i32, i32) {
    %c0_i32 = arith.constant 0 : i32
    %c0_i32_0 = arith.constant 0 : i32
    %c0_i32_1 = arith.constant 0 : i32
    return %c0_i32, %arg0, %c0_i32_0 : i32, i32, i32
  }
  func.func @transform_1(%arg0: i32) -> (i32, i32, i32) {
    %c0_i32 = arith.constant 0 : i32
    %c0_i32_0 = arith.constant 0 : i32
    %c0_i32_1 = arith.constant 0 : i32
    return %c0_i32, %arg0, %c0_i32_0 : i32, i32, i32
  }
  func.func @transform_2(%arg0: i32) -> (i32, i32, i32) {
    %c0_i32 = arith.constant 0 : i32
    %c0_i32_0 = arith.constant 0 : i32
    %c0_i32_1 = arith.constant 0 : i32
    return %c0_i32, %arg0, %c0_i32_0 : i32, i32, i32
  }
  func.func @transform_3(%arg0: i32) -> (i32, i32, i32) {
    %c0_i32 = arith.constant 0 : i32
    %c0_i32_0 = arith.constant 0 : i32
    %c0_i32_1 = arith.constant 0 : i32
    return %c0_i32, %arg0, %c0_i32_0 : i32, i32, i32
  }
  func.func @transform_4(%arg0: i32) -> (i32, i32, i32) {
    %c0_i32 = arith.constant 0 : i32
    %c0_i32_0 = arith.constant 0 : i32
    %c0_i32_1 = arith.constant 0 : i32
    return %c0_i32, %arg0, %c0_i32_0 : i32, i32, i32
  }
  func.func @transform_5(%arg0: i32) -> (i32, i32) {
    %c0_i32 = arith.constant 0 : i32
    %c0_i32_0 = arith.constant 0 : i32
    return %arg0, %c0_i32 : i32, i32
  }
  func.func @transform_6(%arg0: i32) -> (i32, i32) {
    %c0_i32 = arith.constant 0 : i32
    %c0_i32_0 = arith.constant 0 : i32
    %c0_i32_1 = arith.constant 0 : i32
    return %c0_i32, %c0_i32_0 : i32, i32
  }
  func.func @transform_7(%arg0: i32) -> (i32, i32) {
    %c0_i32 = arith.constant 0 : i32
    %c0_i32_0 = arith.constant 0 : i32
    %c0_i32_1 = arith.constant 0 : i32
    return %c0_i32, %c0_i32_0 : i32, i32
  }
  func.func @transform_8(%arg0: i32) -> (i32, i32) {
    %c0_i32 = arith.constant 0 : i32
    %c0_i32_0 = arith.constant 0 : i32
    %c0_i32_1 = arith.constant 0 : i32
    return %c0_i32, %c0_i32_0 : i32, i32
  }
  func.func @transform_9(%arg0: i32) -> (i32, i32) {
    %c0_i32 = arith.constant 0 : i32
    %c0_i32_0 = arith.constant 0 : i32
    return %arg0, %c0_i32 : i32, i32
  }
  func.func @transform_10(%arg0: i32) -> (i32, i32) {
    %c0_i32 = arith.constant 0 : i32
    %c0_i32_0 = arith.constant 0 : i32
    return %arg0, %c0_i32 : i32, i32
  }
  func.func @transform_11(%arg0: i32) -> (i32, i32) {
    %c0_i32 = arith.constant 0 : i32
    %c0_i32_0 = arith.constant 0 : i32
    return %arg0, %c0_i32 : i32, i32
  }
  func.func @transform_12(%arg0: i32) -> (i32, i32) {
    %c0_i32 = arith.constant 0 : i32
    %c0_i32_0 = arith.constant 0 : i32
    return %arg0, %c0_i32 : i32, i32
  }
  func.func @transform_13(%arg0: i32) -> (i32, i32) {
    %c0_i32 = arith.constant 0 : i32
    %c0_i32_0 = arith.constant 0 : i32
    return %arg0, %c0_i32 : i32, i32
  }
}

module attributes {stable_mosaic.version = 14 : i64} {
  func.func @_mid_body(%arg0: i32, %arg1: memref<2x1000x128xf32, #tpu.memory_space<vmem>>, %arg2: memref<2x1000x128xf32, #tpu.memory_space<vmem>>, %arg3: memref<2x1000x128xf32, #tpu.memory_space<vmem>>, %arg4: memref<2x1000x128xf32, #tpu.memory_space<vmem>>, %arg5: memref<2x1000x128xf32, #tpu.memory_space<vmem>>, %arg6: memref<1000x512xf32, #tpu.memory_space<vmem>>, %arg7: memref<6x512xf32, #tpu.memory_space<vmem>>, %arg8: memref<1x512xf32, #tpu.memory_space<vmem>>, %arg9: memref<512x512xf32, #tpu.memory_space<vmem>>, %arg10: memref<1000x512xf32, #tpu.memory_space<vmem>>, %arg11: memref<1000x128xf32, #tpu.memory_space<vmem>>, %arg12: memref<1000x128xf32, #tpu.memory_space<vmem>>, %arg13: memref<1000x128xf32, #tpu.memory_space<vmem>>, %arg14: memref<1000x128xf32, #tpu.memory_space<vmem>>) attributes {dimension_semantics = [#tpu.dimension_semantics<arbitrary>], iteration_bounds = array<i64: 10>, scalar_prefetch = 0 : i64, scratch_operands = 0 : i64, tpu.core_type = #tpu.core_type<tc>, window_params = [{transform_indices = @transform_0, window_bounds = array<i64: 2, 1000, 128>}, {transform_indices = @transform_1, window_bounds = array<i64: 2, 1000, 128>}, {transform_indices = @transform_2, window_bounds = array<i64: 2, 1000, 128>}, {transform_indices = @transform_3, window_bounds = array<i64: 2, 1000, 128>}, {transform_indices = @transform_4, window_bounds = array<i64: 2, 1000, 128>}, {transform_indices = @transform_5, window_bounds = array<i64: 1000, 512>}, {pipeline_mode = #tpu.pipeline_mode<synchronous>, transform_indices = @transform_6, window_bounds = array<i64: 6, 512>}, {pipeline_mode = #tpu.pipeline_mode<synchronous>, transform_indices = @transform_7, window_bounds = array<i64: 1, 512>}, {pipeline_mode = #tpu.pipeline_mode<synchronous>, transform_indices = @transform_8, window_bounds = array<i64: 512, 512>}, {transform_indices = @transform_9, window_bounds = array<i64: 1000, 512>}, {transform_indices = @transform_10, window_bounds = array<i64: 1000, 128>}, {transform_indices = @transform_11, window_bounds = array<i64: 1000, 128>}, {transform_indices = @transform_12, window_bounds = array<i64: 1000, 128>}, {transform_indices = @transform_13, window_bounds = array<i64: 1000, 128>}]} {
    %get3A = arith.constant 0 : index
    %get3A_0 = arith.constant 0 : index
    %get3A_1 = arith.constant 0 : index
    %get3A_2 = vector.load %arg1[%get3A, %get3A_0, %get3A_1] : memref<2x1000x128xf32, #tpu.memory_space<vmem>>, vector<2x1000x128xf32>
    %slice3A = vector.extract_strided_slice %get3A_2 {offsets = [0, 0, 0], sizes = [1, 1000, 128], strides = [1, 1, 1]} : vector<2x1000x128xf32> to vector<1x1000x128xf32>
    %squeeze3A = vector.shape_cast %slice3A : vector<1x1000x128xf32> to vector<1000x128xf32>
    %slice3A_3 = vector.extract_strided_slice %get3A_2 {offsets = [1, 0, 0], sizes = [1, 1000, 128], strides = [1, 1, 1]} : vector<2x1000x128xf32> to vector<1x1000x128xf32>
    %squeeze3A_4 = vector.shape_cast %slice3A_3 : vector<1x1000x128xf32> to vector<1000x128xf32>
    %add3A = arith.addf %squeeze3A, %squeeze3A_4 : vector<1000x128xf32>
    %get3A_5 = arith.constant 0 : index
    %get3A_6 = arith.constant 0 : index
    %get3A_7 = arith.constant 0 : index
    %get3A_8 = vector.load %arg2[%get3A_5, %get3A_6, %get3A_7] : memref<2x1000x128xf32, #tpu.memory_space<vmem>>, vector<2x1000x128xf32>
    %slice3A_9 = vector.extract_strided_slice %get3A_8 {offsets = [0, 0, 0], sizes = [1, 1000, 128], strides = [1, 1, 1]} : vector<2x1000x128xf32> to vector<1x1000x128xf32>
    %squeeze3A_10 = vector.shape_cast %slice3A_9 : vector<1x1000x128xf32> to vector<1000x128xf32>
    %slice3A_11 = vector.extract_strided_slice %get3A_8 {offsets = [1, 0, 0], sizes = [1, 1000, 128], strides = [1, 1, 1]} : vector<2x1000x128xf32> to vector<1x1000x128xf32>
    %squeeze3A_12 = vector.shape_cast %slice3A_11 : vector<1x1000x128xf32> to vector<1000x128xf32>
    %add3A_13 = arith.addf %squeeze3A_10, %squeeze3A_12 : vector<1000x128xf32>
    %get3A_14 = arith.constant 0 : index
    %get3A_15 = arith.constant 0 : index
    %get3A_16 = arith.constant 0 : index
    %get3A_17 = vector.load %arg3[%get3A_14, %get3A_15, %get3A_16] : memref<2x1000x128xf32, #tpu.memory_space<vmem>>, vector<2x1000x128xf32>
    %slice3A_18 = vector.extract_strided_slice %get3A_17 {offsets = [0, 0, 0], sizes = [1, 1000, 128], strides = [1, 1, 1]} : vector<2x1000x128xf32> to vector<1x1000x128xf32>
    %squeeze3A_19 = vector.shape_cast %slice3A_18 : vector<1x1000x128xf32> to vector<1000x128xf32>
    %slice3A_20 = vector.extract_strided_slice %get3A_17 {offsets = [1, 0, 0], sizes = [1, 1000, 128], strides = [1, 1, 1]} : vector<2x1000x128xf32> to vector<1x1000x128xf32>
    %squeeze3A_21 = vector.shape_cast %slice3A_20 : vector<1x1000x128xf32> to vector<1000x128xf32>
    %add3A_22 = arith.addf %squeeze3A_19, %squeeze3A_21 : vector<1000x128xf32>
    %get3A_23 = arith.constant 0 : index
    %get3A_24 = arith.constant 0 : index
    %get3A_25 = arith.constant 0 : index
    %get3A_26 = vector.load %arg4[%get3A_23, %get3A_24, %get3A_25] : memref<2x1000x128xf32, #tpu.memory_space<vmem>>, vector<2x1000x128xf32>
    %slice3A_27 = vector.extract_strided_slice %get3A_26 {offsets = [0, 0, 0], sizes = [1, 1000, 128], strides = [1, 1, 1]} : vector<2x1000x128xf32> to vector<1x1000x128xf32>
    %squeeze3A_28 = vector.shape_cast %slice3A_27 : vector<1x1000x128xf32> to vector<1000x128xf32>
    %slice3A_29 = vector.extract_strided_slice %get3A_26 {offsets = [1, 0, 0], sizes = [1, 1000, 128], strides = [1, 1, 1]} : vector<2x1000x128xf32> to vector<1x1000x128xf32>
    %squeeze3A_30 = vector.shape_cast %slice3A_29 : vector<1x1000x128xf32> to vector<1000x128xf32>
    %add3A_31 = arith.addf %squeeze3A_28, %squeeze3A_30 : vector<1000x128xf32>
    %concatenate3A = tpu.concatenate %add3A, %add3A_13, %add3A_22, %add3A_31 in 1 : vector<1000x128xf32>, vector<1000x128xf32>, vector<1000x128xf32>, vector<1000x128xf32> -> vector<1000x512xf32>
    %get3A_32 = arith.constant 0 : index
    %get3A_33 = arith.constant 0 : index
    %get3A_34 = arith.constant 0 : index
    %get3A_35 = vector.load %arg5[%get3A_32, %get3A_33, %get3A_34] : memref<2x1000x128xf32, #tpu.memory_space<vmem>>, vector<2x1000x128xf32>
    %slice3A_36 = vector.extract_strided_slice %get3A_35 {offsets = [0, 0, 0], sizes = [1, 1000, 128], strides = [1, 1, 1]} : vector<2x1000x128xf32> to vector<1x1000x128xf32>
    %squeeze3A_37 = vector.shape_cast %slice3A_36 : vector<1x1000x128xf32> to vector<1000x128xf32>
    %slice3A_38 = vector.extract_strided_slice %get3A_35 {offsets = [1, 0, 0], sizes = [1, 1000, 128], strides = [1, 1, 1]} : vector<2x1000x128xf32> to vector<1x1000x128xf32>
    %squeeze3A_39 = vector.shape_cast %slice3A_38 : vector<1x1000x128xf32> to vector<1000x128xf32>
    %add3A_40 = arith.addf %squeeze3A_37, %squeeze3A_39 : vector<1000x128xf32>
    %slice3A_41 = vector.extract_strided_slice %add3A_40 {offsets = [0, 0], sizes = [1000, 6], strides = [1, 1]} : vector<1000x128xf32> to vector<1000x6xf32>
    %get3A_42 = arith.constant 0 : index
    %get3A_43 = arith.constant 0 : index
    %get3A_44 = vector.load %arg7[%get3A_42, %get3A_43] : memref<6x512xf32, #tpu.memory_space<vmem>>, vector<6x512xf32>
    %dot_general3A = arith.constant dense<0.000000e+00> : vector<1000x512xf32>
    %dot_general3A_45 = tpu.matmul %slice3A_41, %get3A_44, %dot_general3A {dimension_numbers = #tpu.dot_dimension_numbers<[1], [0], [0], [1], [0, 0, 1, 1], [], []>, transpose_lhs_hint = false} : vector<1000x6xf32>, vector<6x512xf32>, vector<1000x512xf32> -> vector<1000x512xf32>
    %slice3A_46 = vector.extract_strided_slice %add3A_40 {offsets = [0, 6], sizes = [1000, 1], strides = [1, 1]} : vector<1000x128xf32> to vector<1000x1xf32>
    %get3A_47 = arith.constant 0 : index
    %get3A_48 = arith.constant 0 : index
    %get3A_49 = vector.load %arg8[%get3A_47, %get3A_48] : memref<1x512xf32, #tpu.memory_space<vmem>>, vector<1x512xf32>
    %mul3A = vector.broadcast %slice3A_46 : vector<1000x1xf32> to vector<1000x512xf32>
    %mul3A_50 = vector.broadcast %get3A_49 : vector<1x512xf32> to vector<1000x512xf32>
    %mul3A_51 = arith.mulf %mul3A, %mul3A_50 : vector<1000x512xf32>
    %add3A_52 = arith.addf %dot_general3A_45, %mul3A_51 : vector<1000x512xf32>
    %get3A_53 = arith.constant 0 : index
    %get3A_54 = arith.constant 0 : index
    %get3A_55 = vector.load %arg6[%get3A_53, %get3A_54] : memref<1000x512xf32, #tpu.memory_space<vmem>>, vector<1000x512xf32>
    %add3A_56 = arith.addf %concatenate3A, %add3A_52 : vector<1000x512xf32>
    %add3A_57 = arith.addf %add3A_56, %get3A_55 : vector<1000x512xf32>
    %max3A = arith.constant 0.000000e+00 : f32
    %max3A_58 = vector.broadcast %max3A : f32 to vector<1000x512xf32>
    %max3A_59 = arith.maximumf %add3A_57, %max3A_58 : vector<1000x512xf32>
    %add3A_60 = arith.addf %max3A_59, %get3A_55 : vector<1000x512xf32>
    %swap3A = arith.constant 0 : index
    %swap3A_61 = arith.constant 0 : index
    %swap3A_62 = vector.load %arg10[%swap3A, %swap3A_61] : memref<1000x512xf32, #tpu.memory_space<vmem>>, vector<1000x512xf32>
    tpu.vector_store %arg10[%swap3A, %swap3A_61], %add3A_60 {strides = array<i32>} : memref<1000x512xf32, #tpu.memory_space<vmem>>, vector<1000x512xf32>,
    %get3A_63 = arith.constant 0 : index
    %get3A_64 = arith.constant 0 : index
    %get3A_65 = vector.load %arg9[%get3A_63, %get3A_64] : memref<512x512xf32, #tpu.memory_space<vmem>>, vector<512x512xf32>
    %dot_general3A_66 = arith.constant dense<0.000000e+00> : vector<1000x512xf32>
    %dot_general3A_67 = tpu.matmul %add3A_60, %get3A_65, %dot_general3A_66 {dimension_numbers = #tpu.dot_dimension_numbers<[1], [0], [0], [1], [0, 0, 1, 1], [], []>, transpose_lhs_hint = false} : vector<1000x512xf32>, vector<512x512xf32>, vector<1000x512xf32> -> vector<1000x512xf32>
    %slice3A_68 = vector.extract_strided_slice %dot_general3A_67 {offsets = [0, 0], sizes = [1000, 128], strides = [1, 1]} : vector<1000x512xf32> to vector<1000x128xf32>
    %swap3A_69 = arith.constant 0 : index
    %swap3A_70 = arith.constant 0 : index
    %swap3A_71 = vector.load %arg11[%swap3A_69, %swap3A_70] : memref<1000x128xf32, #tpu.memory_space<vmem>>, vector<1000x128xf32>
    tpu.vector_store %arg11[%swap3A_69, %swap3A_70], %slice3A_68 {strides = array<i32>} : memref<1000x128xf32, #tpu.memory_space<vmem>>, vector<1000x128xf32>,
    %slice3A_72 = vector.extract_strided_slice %dot_general3A_67 {offsets = [0, 128], sizes = [1000, 128], strides = [1, 1]} : vector<1000x512xf32> to vector<1000x128xf32>
    %swap3A_73 = arith.constant 0 : index
    %swap3A_74 = arith.constant 0 : index
    %swap3A_75 = vector.load %arg12[%swap3A_73, %swap3A_74] : memref<1000x128xf32, #tpu.memory_space<vmem>>, vector<1000x128xf32>
    tpu.vector_store %arg12[%swap3A_73, %swap3A_74], %slice3A_72 {strides = array<i32>} : memref<1000x128xf32, #tpu.memory_space<vmem>>, vector<1000x128xf32>,
    %slice3A_76 = vector.extract_strided_slice %dot_general3A_67 {offsets = [0, 256], sizes = [1000, 128], strides = [1, 1]} : vector<1000x512xf32> to vector<1000x128xf32>
    %swap3A_77 = arith.constant 0 : index
    %swap3A_78 = arith.constant 0 : index
    %swap3A_79 = vector.load %arg13[%swap3A_77, %swap3A_78] : memref<1000x128xf32, #tpu.memory_space<vmem>>, vector<1000x128xf32>
    tpu.vector_store %arg13[%swap3A_77, %swap3A_78], %slice3A_76 {strides = array<i32>} : memref<1000x128xf32, #tpu.memory_space<vmem>>, vector<1000x128xf32>,
    %slice3A_80 = vector.extract_strided_slice %dot_general3A_67 {offsets = [0, 384], sizes = [1000, 128], strides = [1, 1]} : vector<1000x512xf32> to vector<1000x128xf32>
    %swap3A_81 = arith.constant 0 : index
    %swap3A_82 = arith.constant 0 : index
    %swap3A_83 = vector.load %arg14[%swap3A_81, %swap3A_82] : memref<1000x128xf32, #tpu.memory_space<vmem>>, vector<1000x128xf32>
    tpu.vector_store %arg14[%swap3A_81, %swap3A_82], %slice3A_80 {strides = array<i32>} : memref<1000x128xf32, #tpu.memory_space<vmem>>, vector<1000x128xf32>,
    return
  }
  func.func @transform_0(%arg0: i32) -> (i32, i32, i32) {
    %c0_i32 = arith.constant 0 : i32
    %c0_i32_0 = arith.constant 0 : i32
    %c0_i32_1 = arith.constant 0 : i32
    return %c0_i32, %arg0, %c0_i32_0 : i32, i32, i32
  }
  func.func @transform_1(%arg0: i32) -> (i32, i32, i32) {
    %c0_i32 = arith.constant 0 : i32
    %c0_i32_0 = arith.constant 0 : i32
    %c0_i32_1 = arith.constant 0 : i32
    return %c0_i32, %arg0, %c0_i32_0 : i32, i32, i32
  }
  func.func @transform_2(%arg0: i32) -> (i32, i32, i32) {
    %c0_i32 = arith.constant 0 : i32
    %c0_i32_0 = arith.constant 0 : i32
    %c0_i32_1 = arith.constant 0 : i32
    return %c0_i32, %arg0, %c0_i32_0 : i32, i32, i32
  }
  func.func @transform_3(%arg0: i32) -> (i32, i32, i32) {
    %c0_i32 = arith.constant 0 : i32
    %c0_i32_0 = arith.constant 0 : i32
    %c0_i32_1 = arith.constant 0 : i32
    return %c0_i32, %arg0, %c0_i32_0 : i32, i32, i32
  }
  func.func @transform_4(%arg0: i32) -> (i32, i32, i32) {
    %c0_i32 = arith.constant 0 : i32
    %c0_i32_0 = arith.constant 0 : i32
    %c0_i32_1 = arith.constant 0 : i32
    return %c0_i32, %arg0, %c0_i32_0 : i32, i32, i32
  }
  func.func @transform_5(%arg0: i32) -> (i32, i32) {
    %c0_i32 = arith.constant 0 : i32
    %c0_i32_0 = arith.constant 0 : i32
    return %arg0, %c0_i32 : i32, i32
  }
  func.func @transform_6(%arg0: i32) -> (i32, i32) {
    %c0_i32 = arith.constant 0 : i32
    %c0_i32_0 = arith.constant 0 : i32
    %c0_i32_1 = arith.constant 0 : i32
    return %c0_i32, %c0_i32_0 : i32, i32
  }
  func.func @transform_7(%arg0: i32) -> (i32, i32) {
    %c0_i32 = arith.constant 0 : i32
    %c0_i32_0 = arith.constant 0 : i32
    %c0_i32_1 = arith.constant 0 : i32
    return %c0_i32, %c0_i32_0 : i32, i32
  }
  func.func @transform_8(%arg0: i32) -> (i32, i32) {
    %c0_i32 = arith.constant 0 : i32
    %c0_i32_0 = arith.constant 0 : i32
    %c0_i32_1 = arith.constant 0 : i32
    return %c0_i32, %c0_i32_0 : i32, i32
  }
  func.func @transform_9(%arg0: i32) -> (i32, i32) {
    %c0_i32 = arith.constant 0 : i32
    %c0_i32_0 = arith.constant 0 : i32
    return %arg0, %c0_i32 : i32, i32
  }
  func.func @transform_10(%arg0: i32) -> (i32, i32) {
    %c0_i32 = arith.constant 0 : i32
    %c0_i32_0 = arith.constant 0 : i32
    return %arg0, %c0_i32 : i32, i32
  }
  func.func @transform_11(%arg0: i32) -> (i32, i32) {
    %c0_i32 = arith.constant 0 : i32
    %c0_i32_0 = arith.constant 0 : i32
    return %arg0, %c0_i32 : i32, i32
  }
  func.func @transform_12(%arg0: i32) -> (i32, i32) {
    %c0_i32 = arith.constant 0 : i32
    %c0_i32_0 = arith.constant 0 : i32
    return %arg0, %c0_i32 : i32, i32
  }
  func.func @transform_13(%arg0: i32) -> (i32, i32) {
    %c0_i32 = arith.constant 0 : i32
    %c0_i32_0 = arith.constant 0 : i32
    return %arg0, %c0_i32 : i32, i32
  }
}

module attributes {stable_mosaic.version = 14 : i64} {
  func.func @_e3_body(%arg0: i32, %arg1: memref<2x1000x128xf32, #tpu.memory_space<vmem>>, %arg2: memref<2x1000x128xf32, #tpu.memory_space<vmem>>, %arg3: memref<2x1000x128xf32, #tpu.memory_space<vmem>>, %arg4: memref<2x1000x128xf32, #tpu.memory_space<vmem>>, %arg5: memref<2x1000x128xf32, #tpu.memory_space<vmem>>, %arg6: memref<1000x512xf32, #tpu.memory_space<vmem>>, %arg7: memref<6x512xf32, #tpu.memory_space<vmem>>, %arg8: memref<1x512xf32, #tpu.memory_space<vmem>>, %arg9: memref<1x1x1000xi32, #tpu.memory_space<vmem>>, %arg10: memref<128x512xf32, #tpu.memory_space<vmem>>, %arg11: memref<128x1xf32, #tpu.memory_space<vmem>>) attributes {dimension_semantics = [#tpu.dimension_semantics<arbitrary>], iteration_bounds = array<i64: 10>, scalar_prefetch = 0 : i64, scratch_operands = 0 : i64, tpu.core_type = #tpu.core_type<tc>, window_params = [{transform_indices = @transform_0, window_bounds = array<i64: 2, 1000, 128>}, {transform_indices = @transform_1, window_bounds = array<i64: 2, 1000, 128>}, {transform_indices = @transform_2, window_bounds = array<i64: 2, 1000, 128>}, {transform_indices = @transform_3, window_bounds = array<i64: 2, 1000, 128>}, {transform_indices = @transform_4, window_bounds = array<i64: 2, 1000, 128>}, {transform_indices = @transform_5, window_bounds = array<i64: 1000, 512>}, {pipeline_mode = #tpu.pipeline_mode<synchronous>, transform_indices = @transform_6, window_bounds = array<i64: 6, 512>}, {pipeline_mode = #tpu.pipeline_mode<synchronous>, transform_indices = @transform_7, window_bounds = array<i64: 1, 512>}, {transform_indices = @transform_8, window_bounds = array<i64: 1, 1, 1000>}, {pipeline_mode = #tpu.pipeline_mode<synchronous>, transform_indices = @transform_9, window_bounds = array<i64: 128, 512>}, {pipeline_mode = #tpu.pipeline_mode<synchronous>, transform_indices = @transform_10, window_bounds = array<i64: 128, 1>}]} {
    %get3A = arith.constant 0 : index
    %get3A_0 = arith.constant 0 : index
    %get3A_1 = arith.constant 0 : index
    %get3A_2 = vector.load %arg1[%get3A, %get3A_0, %get3A_1] : memref<2x1000x128xf32, #tpu.memory_space<vmem>>, vector<2x1000x128xf32>
    %slice3A = vector.extract_strided_slice %get3A_2 {offsets = [0, 0, 0], sizes = [1, 1000, 128], strides = [1, 1, 1]} : vector<2x1000x128xf32> to vector<1x1000x128xf32>
    %squeeze3A = vector.shape_cast %slice3A : vector<1x1000x128xf32> to vector<1000x128xf32>
    %slice3A_3 = vector.extract_strided_slice %get3A_2 {offsets = [1, 0, 0], sizes = [1, 1000, 128], strides = [1, 1, 1]} : vector<2x1000x128xf32> to vector<1x1000x128xf32>
    %squeeze3A_4 = vector.shape_cast %slice3A_3 : vector<1x1000x128xf32> to vector<1000x128xf32>
    %add3A = arith.addf %squeeze3A, %squeeze3A_4 : vector<1000x128xf32>
    %get3A_5 = arith.constant 0 : index
    %get3A_6 = arith.constant 0 : index
    %get3A_7 = arith.constant 0 : index
    %get3A_8 = vector.load %arg2[%get3A_5, %get3A_6, %get3A_7] : memref<2x1000x128xf32, #tpu.memory_space<vmem>>, vector<2x1000x128xf32>
    %slice3A_9 = vector.extract_strided_slice %get3A_8 {offsets = [0, 0, 0], sizes = [1, 1000, 128], strides = [1, 1, 1]} : vector<2x1000x128xf32> to vector<1x1000x128xf32>
    %squeeze3A_10 = vector.shape_cast %slice3A_9 : vector<1x1000x128xf32> to vector<1000x128xf32>
    %slice3A_11 = vector.extract_strided_slice %get3A_8 {offsets = [1, 0, 0], sizes = [1, 1000, 128], strides = [1, 1, 1]} : vector<2x1000x128xf32> to vector<1x1000x128xf32>
    %squeeze3A_12 = vector.shape_cast %slice3A_11 : vector<1x1000x128xf32> to vector<1000x128xf32>
    %add3A_13 = arith.addf %squeeze3A_10, %squeeze3A_12 : vector<1000x128xf32>
    %get3A_14 = arith.constant 0 : index
    %get3A_15 = arith.constant 0 : index
    %get3A_16 = arith.constant 0 : index
    %get3A_17 = vector.load %arg3[%get3A_14, %get3A_15, %get3A_16] : memref<2x1000x128xf32, #tpu.memory_space<vmem>>, vector<2x1000x128xf32>
    %slice3A_18 = vector.extract_strided_slice %get3A_17 {offsets = [0, 0, 0], sizes = [1, 1000, 128], strides = [1, 1, 1]} : vector<2x1000x128xf32> to vector<1x1000x128xf32>
    %squeeze3A_19 = vector.shape_cast %slice3A_18 : vector<1x1000x128xf32> to vector<1000x128xf32>
    %slice3A_20 = vector.extract_strided_slice %get3A_17 {offsets = [1, 0, 0], sizes = [1, 1000, 128], strides = [1, 1, 1]} : vector<2x1000x128xf32> to vector<1x1000x128xf32>
    %squeeze3A_21 = vector.shape_cast %slice3A_20 : vector<1x1000x128xf32> to vector<1000x128xf32>
    %add3A_22 = arith.addf %squeeze3A_19, %squeeze3A_21 : vector<1000x128xf32>
    %get3A_23 = arith.constant 0 : index
    %get3A_24 = arith.constant 0 : index
    %get3A_25 = arith.constant 0 : index
    %get3A_26 = vector.load %arg4[%get3A_23, %get3A_24, %get3A_25] : memref<2x1000x128xf32, #tpu.memory_space<vmem>>, vector<2x1000x128xf32>
    %slice3A_27 = vector.extract_strided_slice %get3A_26 {offsets = [0, 0, 0], sizes = [1, 1000, 128], strides = [1, 1, 1]} : vector<2x1000x128xf32> to vector<1x1000x128xf32>
    %squeeze3A_28 = vector.shape_cast %slice3A_27 : vector<1x1000x128xf32> to vector<1000x128xf32>
    %slice3A_29 = vector.extract_strided_slice %get3A_26 {offsets = [1, 0, 0], sizes = [1, 1000, 128], strides = [1, 1, 1]} : vector<2x1000x128xf32> to vector<1x1000x128xf32>
    %squeeze3A_30 = vector.shape_cast %slice3A_29 : vector<1x1000x128xf32> to vector<1000x128xf32>
    %add3A_31 = arith.addf %squeeze3A_28, %squeeze3A_30 : vector<1000x128xf32>
    %concatenate3A = tpu.concatenate %add3A, %add3A_13, %add3A_22, %add3A_31 in 1 : vector<1000x128xf32>, vector<1000x128xf32>, vector<1000x128xf32>, vector<1000x128xf32> -> vector<1000x512xf32>
    %get3A_32 = arith.constant 0 : index
    %get3A_33 = arith.constant 0 : index
    %get3A_34 = arith.constant 0 : index
    %get3A_35 = vector.load %arg5[%get3A_32, %get3A_33, %get3A_34] : memref<2x1000x128xf32, #tpu.memory_space<vmem>>, vector<2x1000x128xf32>
    %slice3A_36 = vector.extract_strided_slice %get3A_35 {offsets = [0, 0, 0], sizes = [1, 1000, 128], strides = [1, 1, 1]} : vector<2x1000x128xf32> to vector<1x1000x128xf32>
    %squeeze3A_37 = vector.shape_cast %slice3A_36 : vector<1x1000x128xf32> to vector<1000x128xf32>
    %slice3A_38 = vector.extract_strided_slice %get3A_35 {offsets = [1, 0, 0], sizes = [1, 1000, 128], strides = [1, 1, 1]} : vector<2x1000x128xf32> to vector<1x1000x128xf32>
    %squeeze3A_39 = vector.shape_cast %slice3A_38 : vector<1x1000x128xf32> to vector<1000x128xf32>
    %add3A_40 = arith.addf %squeeze3A_37, %squeeze3A_39 : vector<1000x128xf32>
    %slice3A_41 = vector.extract_strided_slice %add3A_40 {offsets = [0, 0], sizes = [1000, 6], strides = [1, 1]} : vector<1000x128xf32> to vector<1000x6xf32>
    %get3A_42 = arith.constant 0 : index
    %get3A_43 = arith.constant 0 : index
    %get3A_44 = vector.load %arg7[%get3A_42, %get3A_43] : memref<6x512xf32, #tpu.memory_space<vmem>>, vector<6x512xf32>
    %dot_general3A = arith.constant dense<0.000000e+00> : vector<1000x512xf32>
    %dot_general3A_45 = tpu.matmul %slice3A_41, %get3A_44, %dot_general3A {dimension_numbers = #tpu.dot_dimension_numbers<[1], [0], [0], [1], [0, 0, 1, 1], [], []>, transpose_lhs_hint = false} : vector<1000x6xf32>, vector<6x512xf32>, vector<1000x512xf32> -> vector<1000x512xf32>
    %slice3A_46 = vector.extract_strided_slice %add3A_40 {offsets = [0, 6], sizes = [1000, 1], strides = [1, 1]} : vector<1000x128xf32> to vector<1000x1xf32>
    %get3A_47 = arith.constant 0 : index
    %get3A_48 = arith.constant 0 : index
    %get3A_49 = vector.load %arg8[%get3A_47, %get3A_48] : memref<1x512xf32, #tpu.memory_space<vmem>>, vector<1x512xf32>
    %mul3A = vector.broadcast %slice3A_46 : vector<1000x1xf32> to vector<1000x512xf32>
    %mul3A_50 = vector.broadcast %get3A_49 : vector<1x512xf32> to vector<1000x512xf32>
    %mul3A_51 = arith.mulf %mul3A, %mul3A_50 : vector<1000x512xf32>
    %add3A_52 = arith.addf %dot_general3A_45, %mul3A_51 : vector<1000x512xf32>
    %get3A_53 = arith.constant 0 : index
    %get3A_54 = arith.constant 0 : index
    %get3A_55 = vector.load %arg6[%get3A_53, %get3A_54] : memref<1000x512xf32, #tpu.memory_space<vmem>>, vector<1000x512xf32>
    %add3A_56 = arith.addf %concatenate3A, %add3A_52 : vector<1000x512xf32>
    %add3A_57 = arith.addf %add3A_56, %get3A_55 : vector<1000x512xf32>
    %max3A = arith.constant 0.000000e+00 : f32
    %max3A_58 = vector.broadcast %max3A : f32 to vector<1000x512xf32>
    %max3A_59 = arith.maximumf %add3A_57, %max3A_58 : vector<1000x512xf32>
    %add3A_60 = arith.addf %max3A_59, %get3A_55 : vector<1000x512xf32>
    %get3A_61 = arith.constant 0 : index
    %get3A_62 = arith.constant 0 : index
    %get3A_63 = arith.constant 0 : index
    %get3A_64 = vector.load %arg9[%get3A_61, %get3A_62, %get3A_63] : memref<1x1x1000xi32, #tpu.memory_space<vmem>>, vector<1x1x1000xi32>
    %get3A_65 = vector.shape_cast %get3A_64 : vector<1x1x1000xi32> to vector<1000xi32>
    %iota3A = tpu.iota {dimensions = array<i32: 0>} : vector<128x1000xi32>
    %broadcast_in_dim3A = vector.shape_cast %get3A_65 : vector<1000xi32> to vector<1x1000xi32>
    %eq3A = vector.broadcast %broadcast_in_dim3A : vector<1x1000xi32> to vector<128x1000xi32>
    %eq3A_66 = arith.cmpi eq, %iota3A, %eq3A : vector<128x1000xi32>
    %convert_element_type3A = arith.extui %eq3A_66 : vector<128x1000xi1> to vector<128x1000xi32>
    %convert_element_type3A_67 = arith.sitofp %convert_element_type3A : vector<128x1000xi32> to vector<128x1000xf32>
    %eq3A_68 = arith.constant 0 : i32
    %eq3A_69 = arith.cmpi eq, %arg0, %eq3A_68 : i32
    %convert_element_type3A_70 = arith.extui %eq3A_69 : i1 to i32
    %cond3A = arith.constant 0 : i32
    %cond3A_71 = arith.cmpi ne, %convert_element_type3A_70, %cond3A : i32
    scf.if %cond3A_71 {
      %broadcast_in_dim3A_89 = arith.constant 0.000000e+00 : f32
      %broadcast_in_dim3A_90 = vector.broadcast %broadcast_in_dim3A_89 : f32 to vector<128x512xf32>
      %swap3A_91 = arith.constant 0 : index
      %swap3A_92 = arith.constant 0 : index
      %swap3A_93 = vector.load %arg10[%swap3A_91, %swap3A_92] : memref<128x512xf32, #tpu.memory_space<vmem>>, vector<128x512xf32>
      tpu.vector_store %arg10[%swap3A_91, %swap3A_92], %broadcast_in_dim3A_90 {strides = array<i32>} : memref<128x512xf32, #tpu.memory_space<vmem>>, vector<128x512xf32>,
      %broadcast_in_dim3A_94 = arith.constant 0.000000e+00 : f32
      %broadcast_in_dim3A_95 = vector.broadcast %broadcast_in_dim3A_94 : f32 to vector<128x1xf32>
      %swap3A_96 = arith.constant 0 : index
      %swap3A_97 = arith.constant 0 : index
      %swap3A_98 = vector.load %arg11[%swap3A_96, %swap3A_97] : memref<128x1xf32, #tpu.memory_space<vmem>>, vector<128x1xf32>
      tpu.vector_store %arg11[%swap3A_96, %swap3A_97], %broadcast_in_dim3A_95 {strides = array<i32>} : memref<128x1xf32, #tpu.memory_space<vmem>>, vector<128x1xf32>,
    } else {
    }
    %get3A_72 = arith.constant 0 : index
    %get3A_73 = arith.constant 0 : index
    %get3A_74 = vector.load %arg10[%get3A_72, %get3A_73] : memref<128x512xf32, #tpu.memory_space<vmem>>, vector<128x512xf32>
    %dot_general3A_75 = arith.constant dense<0.000000e+00> : vector<128x512xf32>
    %dot_general3A_76 = tpu.matmul %convert_element_type3A_67, %add3A_60, %dot_general3A_75 {dimension_numbers = #tpu.dot_dimension_numbers<[1], [0], [0], [1], [0, 0, 1, 1], [], []>, transpose_lhs_hint = false} : vector<128x1000xf32>, vector<1000x512xf32>, vector<128x512xf32> -> vector<128x512xf32>
    %add3A_77 = arith.addf %get3A_74, %dot_general3A_76 : vector<128x512xf32>
    %swap3A = arith.constant 0 : index
    %swap3A_78 = arith.constant 0 : index
    %swap3A_79 = vector.load %arg10[%swap3A, %swap3A_78] : memref<128x512xf32, #tpu.memory_space<vmem>>, vector<128x512xf32>
    tpu.vector_store %arg10[%swap3A, %swap3A_78], %add3A_77 {strides = array<i32>} : memref<128x512xf32, #tpu.memory_space<vmem>>, vector<128x512xf32>,
    %get3A_80 = arith.constant 0 : index
    %get3A_81 = arith.constant 0 : index
    %get3A_82 = vector.load %arg11[%get3A_80, %get3A_81] : memref<128x1xf32, #tpu.memory_space<vmem>>, vector<128x1xf32>
    %reduce_sum3A = arith.constant dense<0.000000e+00> : vector<128xf32>
    %reduce_sum3A_83 = vector.multi_reduction <add>, %convert_element_type3A_67, %reduce_sum3A [1] : vector<128x1000xf32> to vector<128xf32>
    %broadcast_in_dim3A_84 = vector.shape_cast %reduce_sum3A_83 : vector<128xf32> to vector<128x1xf32>
    %add3A_85 = arith.addf %get3A_82, %broadcast_in_dim3A_84 : vector<128x1xf32>
    %swap3A_86 = arith.constant 0 : index
    %swap3A_87 = arith.constant 0 : index
    %swap3A_88 = vector.load %arg11[%swap3A_86, %swap3A_87] : memref<128x1xf32, #tpu.memory_space<vmem>>, vector<128x1xf32>
    tpu.vector_store %arg11[%swap3A_86, %swap3A_87], %add3A_85 {strides = array<i32>} : memref<128x1xf32, #tpu.memory_space<vmem>>, vector<128x1xf32>,
    return
  }
  func.func @transform_0(%arg0: i32) -> (i32, i32, i32) {
    %c0_i32 = arith.constant 0 : i32
    %c0_i32_0 = arith.constant 0 : i32
    %c0_i32_1 = arith.constant 0 : i32
    return %c0_i32, %arg0, %c0_i32_0 : i32, i32, i32
  }
  func.func @transform_1(%arg0: i32) -> (i32, i32, i32) {
    %c0_i32 = arith.constant 0 : i32
    %c0_i32_0 = arith.constant 0 : i32
    %c0_i32_1 = arith.constant 0 : i32
    return %c0_i32, %arg0, %c0_i32_0 : i32, i32, i32
  }
  func.func @transform_2(%arg0: i32) -> (i32, i32, i32) {
    %c0_i32 = arith.constant 0 : i32
    %c0_i32_0 = arith.constant 0 : i32
    %c0_i32_1 = arith.constant 0 : i32
    return %c0_i32, %arg0, %c0_i32_0 : i32, i32, i32
  }
  func.func @transform_3(%arg0: i32) -> (i32, i32, i32) {
    %c0_i32 = arith.constant 0 : i32
    %c0_i32_0 = arith.constant 0 : i32
    %c0_i32_1 = arith.constant 0 : i32
    return %c0_i32, %arg0, %c0_i32_0 : i32, i32, i32
  }
  func.func @transform_4(%arg0: i32) -> (i32, i32, i32) {
    %c0_i32 = arith.constant 0 : i32
    %c0_i32_0 = arith.constant 0 : i32
    %c0_i32_1 = arith.constant 0 : i32
    return %c0_i32, %arg0, %c0_i32_0 : i32, i32, i32
  }
  func.func @transform_5(%arg0: i32) -> (i32, i32) {
    %c0_i32 = arith.constant 0 : i32
    %c0_i32_0 = arith.constant 0 : i32
    return %arg0, %c0_i32 : i32, i32
  }
  func.func @transform_6(%arg0: i32) -> (i32, i32) {
    %c0_i32 = arith.constant 0 : i32
    %c0_i32_0 = arith.constant 0 : i32
    %c0_i32_1 = arith.constant 0 : i32
    return %c0_i32, %c0_i32_0 : i32, i32
  }
  func.func @transform_7(%arg0: i32) -> (i32, i32) {
    %c0_i32 = arith.constant 0 : i32
    %c0_i32_0 = arith.constant 0 : i32
    %c0_i32_1 = arith.constant 0 : i32
    return %c0_i32, %c0_i32_0 : i32, i32
  }
  func.func @transform_8(%arg0: i32) -> (i32, i32, i32) {
    %c0_i32 = arith.constant 0 : i32
    %c0_i32_0 = arith.constant 0 : i32
    %c0_i32_1 = arith.constant 0 : i32
    return %arg0, %c0_i32, %c0_i32_0 : i32, i32, i32
  }
  func.func @transform_9(%arg0: i32) -> (i32, i32) {
    %c0_i32 = arith.constant 0 : i32
    %c0_i32_0 = arith.constant 0 : i32
    %c0_i32_1 = arith.constant 0 : i32
    return %c0_i32, %c0_i32_0 : i32, i32
  }
  func.func @transform_10(%arg0: i32) -> (i32, i32) {
    %c0_i32 = arith.constant 0 : i32
    %c0_i32_0 = arith.constant 0 : i32
    %c0_i32_1 = arith.constant 0 : i32
    return %c0_i32, %c0_i32_0 : i32, i32
  }
}

module attributes {stable_mosaic.version = 14 : i64} {
  func.func @_fin_body(%arg0: memref<128x512xf32, #tpu.memory_space<vmem>>, %arg1: memref<128x1xf32, #tpu.memory_space<vmem>>, %arg2: memref<128x16xf32, #tpu.memory_space<vmem>>, %arg3: memref<16x512xf32, #tpu.memory_space<vmem>>, %arg4: memref<1x512xf32, #tpu.memory_space<vmem>>, %arg5: memref<1024x512xf32, #tpu.memory_space<vmem>>, %arg6: memref<1x512xf32, #tpu.memory_space<vmem>>, %arg7: memref<512x1xf32, #tpu.memory_space<vmem>>, %arg8: memref<1x1xf32, #tpu.memory_space<vmem>>, %arg9: memref<128x1xf32, #tpu.memory_space<vmem>>) attributes {dimension_semantics = [], scalar_prefetch = 0 : i64, scratch_operands = 0 : i64, tpu.core_type = #tpu.core_type<tc>} {
    %get3A = arith.constant 0 : index
    %get3A_0 = arith.constant 0 : index
    %get3A_1 = vector.load %arg0[%get3A, %get3A_0] : memref<128x512xf32, #tpu.memory_space<vmem>>, vector<128x512xf32>
    %get3A_2 = arith.constant 0 : index
    %get3A_3 = arith.constant 0 : index
    %get3A_4 = vector.load %arg1[%get3A_2, %get3A_3] : memref<128x1xf32, #tpu.memory_space<vmem>>, vector<128x1xf32>
    %max3A = arith.constant 1.000000e+00 : f32
    %max3A_5 = vector.broadcast %max3A : f32 to vector<128x1xf32>
    %max3A_6 = arith.maximumf %get3A_4, %max3A_5 : vector<128x1xf32>
    %div3A = vector.broadcast %max3A_6 : vector<128x1xf32> to vector<128x512xf32>
    %div3A_7 = arith.divf %get3A_1, %div3A : vector<128x512xf32>
    %get3A_8 = arith.constant 0 : index
    %get3A_9 = arith.constant 0 : index
    %get3A_10 = vector.load %arg2[%get3A_8, %get3A_9] : memref<128x16xf32, #tpu.memory_space<vmem>>, vector<128x16xf32>
    %get3A_11 = arith.constant 0 : index
    %get3A_12 = arith.constant 0 : index
    %get3A_13 = vector.load %arg3[%get3A_11, %get3A_12] : memref<16x512xf32, #tpu.memory_space<vmem>>, vector<16x512xf32>
    %dot_general3A = arith.constant dense<0.000000e+00> : vector<128x512xf32>
    %dot_general3A_14 = tpu.matmul %get3A_10, %get3A_13, %dot_general3A {dimension_numbers = #tpu.dot_dimension_numbers<[1], [0], [0], [1], [0, 0, 1, 1], [], []>, transpose_lhs_hint = false} : vector<128x16xf32>, vector<16x512xf32>, vector<128x512xf32> -> vector<128x512xf32>
    %get3A_15 = arith.constant 0 : index
    %get3A_16 = arith.constant 0 : index
    %get3A_17 = vector.load %arg4[%get3A_15, %get3A_16] : memref<1x512xf32, #tpu.memory_space<vmem>>, vector<1x512xf32>
    %add3A = vector.broadcast %get3A_17 : vector<1x512xf32> to vector<128x512xf32>
    %add3A_18 = arith.addf %dot_general3A_14, %add3A : vector<128x512xf32>
    %concatenate3A = tpu.concatenate %div3A_7, %add3A_18 in 1 : vector<128x512xf32>, vector<128x512xf32> -> vector<128x1024xf32>
    %get3A_19 = arith.constant 0 : index
    %get3A_20 = arith.constant 0 : index
    %get3A_21 = vector.load %arg5[%get3A_19, %get3A_20] : memref<1024x512xf32, #tpu.memory_space<vmem>>, vector<1024x512xf32>
    %dot_general3A_22 = arith.constant dense<0.000000e+00> : vector<128x512xf32>
    %dot_general3A_23 = tpu.matmul %concatenate3A, %get3A_21, %dot_general3A_22 {dimension_numbers = #tpu.dot_dimension_numbers<[1], [0], [0], [1], [0, 0, 1, 1], [], []>, transpose_lhs_hint = false} : vector<128x1024xf32>, vector<1024x512xf32>, vector<128x512xf32> -> vector<128x512xf32>
    %get3A_24 = arith.constant 0 : index
    %get3A_25 = arith.constant 0 : index
    %get3A_26 = vector.load %arg6[%get3A_24, %get3A_25] : memref<1x512xf32, #tpu.memory_space<vmem>>, vector<1x512xf32>
    %add3A_27 = vector.broadcast %get3A_26 : vector<1x512xf32> to vector<128x512xf32>
    %add3A_28 = arith.addf %dot_general3A_23, %add3A_27 : vector<128x512xf32>
    %max3A_29 = arith.constant 0.000000e+00 : f32
    %max3A_30 = vector.broadcast %max3A_29 : f32 to vector<128x512xf32>
    %max3A_31 = arith.maximumf %add3A_28, %max3A_30 : vector<128x512xf32>
    %get3A_32 = arith.constant 0 : index
    %get3A_33 = arith.constant 0 : index
    %get3A_34 = vector.load %arg7[%get3A_32, %get3A_33] : memref<512x1xf32, #tpu.memory_space<vmem>>, vector<512x1xf32>
    %dot_general3A_35 = arith.constant dense<0.000000e+00> : vector<128x1xf32>
    %dot_general3A_36 = tpu.matmul %max3A_31, %get3A_34, %dot_general3A_35 {dimension_numbers = #tpu.dot_dimension_numbers<[1], [0], [0], [1], [0, 0, 1, 1], [], []>, transpose_lhs_hint = false} : vector<128x512xf32>, vector<512x1xf32>, vector<128x1xf32> -> vector<128x1xf32>
    %get3A_37 = arith.constant 0 : index
    %get3A_38 = arith.constant 0 : index
    %get3A_39 = vector.load %arg8[%get3A_37, %get3A_38] : memref<1x1xf32, #tpu.memory_space<vmem>>, vector<1x1xf32>
    %add3A_40 = vector.broadcast %get3A_39 : vector<1x1xf32> to vector<128x1xf32>
    %add3A_41 = arith.addf %dot_general3A_36, %add3A_40 : vector<128x1xf32>
    %swap3A = arith.constant 0 : index
    %swap3A_42 = arith.constant 0 : index
    %swap3A_43 = vector.load %arg9[%swap3A, %swap3A_42] : memref<128x1xf32, #tpu.memory_space<vmem>>, vector<128x1xf32>
    tpu.vector_store %arg9[%swap3A, %swap3A_42], %add3A_41 {strides = array<i32>} : memref<128x1xf32, #tpu.memory_space<vmem>>, vector<128x1xf32>,
    return
  }
}

</mosaic_0001>

<sc_bundles>
// kernel: sc_edge_agg.11.cloned.1.call-start
scs
__scs_entry_jumppad:
0x0: {  	(pc) =	sbr.rel $0x88, $3  }
0x1: {  	(tag) =	ssettag $0x0;
	lr =	simm.s32 $0x1  }
0x2: {  	[smem:$0x3F88] =	sst lr;
	_ =	strace $0xD0000000  }
0x3: {  	_ = 	snop  }
0x4: {  	_ = 	snop  }
0x5: {  	_ = 	snop  }
0x6: {  	_ = 	snop  }
0x7: {  	_ = 	snop  }
__scs_overlays_trampoline_lowered:
0x8: {  	[smem:$0x3F97] =	sst s0  }
0x9: {  	[smem:$0x3F98] =	sst s1  }
0xa: {  	[smem:$0x3F99] =	sst s2  }
0xb: {  	[smem:$0x3F9A] =	sst s3  }
0xc: {  	[smem:$0x3F9B] =	sst s4  }
0xd: {  	[smem:$0x3F9C] =	sst s5  }
0xe: {  	[smem:$0x3F9D] =	sst s6  }
0xf: {  	[smem:$0x3F9E] =	sst s7  }
0x10: {  	[smem:$0x3F9F] =	sst s8  }
0x11: {  	[smem:$0x3FA0] =	sst s9;
	s0 =	simm.s32 @!p0 $0x0  }
0x12: {  	s1 =	sld [smem:$0x3F86];
	s0 =	simm.s32 @p0 $0x1  }
0x13: {  	[smem:$0x3FA1] =	sst s0;
	s0 =	simm.s32 @!p1 $0x0  }
0x14: {  	s2 =	sld [smem:$0x3F85];
	s0 =	simm.s32 @p1 $0x1  }
0x15: {  	[smem:$0x3FA2] =	sst s0;
	s0 =	simm.s32 @!p2 $0x0  }
0x16: {  	s3 =	sld [smem:$0x3FDB];
	s0 =	simm.s32 @p2 $0x1  }
0x17: {  	s4 =	simm.s32 $0x1BF5;
	[smem:$0x3FA4] =	sst s0  }
0x18: {  	s0 =	sld [smem:$0x3F87];
	_ =	swait.ge [sflag:s4], $0x0  }
0x19: {  	s7 =	sld [smem:$0x3F88]  }
0x1a: {  	s8 =	sadd.s32 $0xFFFFE003, lr  }
0x1b: {  	s9 =	sadd.s32 $0xFFFFFEF7, lr;
	s5 =	simm.s32 $0xFFFFFFFF;
	p2 =	slt.u32 s8, $0xFFFFF086  }
0x1c: {  	p1 =	slt.u32 s9, $0xF7A;
	s5 =	simm.s32 @!p2 $0x0  }
0x1d: {  	s5 =	simm.s32 @p1 $0x1;
	p0 =	seq.s32 s7, s2  }
0x1e: {  	s7 =	smul.u32 @!p0 $0xF7A, s2;
	p2 =	seq.s32 @!p0 s5, $0x0  }
0x1f: {  	s9 =	smul.u32 $0xF7A, s1;
	s8 =	simm.s32 @!p0 $0x1BF5;
	p2 =	por !p2, p0  }
0x20: {  	[sflag:s8] =	ssyncset.s32 @!p0 $0xFFFFF086;
	s6 =	sadd.s32 @!p0 s3, s7;
	s7 =	simm.s32 @!p0 $0x108  }
0x21: {  	s3 =	sadd.s32 s3, s9;
	s6 =	sadd.s32 @!p0 $0x88, s6;
	s7 =	simm.s32 @p2 $0x1082  }
0x22: {  	[simem:s7], [sflag:s8] =	dma.local @!p0 [hbm:s6], $0xF7A  }
0x23: {  	s9 =	sor.u32 $0xD0000000, s2;
	s6 =	simm.s32 $0x108;
	_ =	swait.ge @!p0 [sflag:s8], $0x0  }
0x24: {  	s3 =	sadd.s32 $0x88, s3;
	s6 =	simm.s32 @!p1 $0x1082;
	[sflag:s4] =	ssyncset.s32 $0xFFFFF086  }
0x25: {  	[simem:s6], [sflag:s4] =	dma.local [hbm:s3], $0xF7A  }
0x26: {  	[smem:$0x3F88] =	sst s1;
	(tag) =	ssettag s2;
	_ =	strace s9  }
0x27: {  	s1 =	sld [smem:$0x3F98]  }
0x28: {  	s2 =	sld [smem:$0x3F99]  }
0x29: {  	s4 =	sld [smem:$0x3F9B]  }
0x2a: {  	p0 =	seq.s32 s5, $0x0;
	s5 =	sld [smem:$0x3F9C]  }
0x2b: {  	s6 =	sld [smem:$0x3F9D]  }
0x2c: {  	s7 =	sld [smem:$0x3F9E]  }
0x2d: {  	s3 =	simm.s32 $0x108;
	s8 =	sld [smem:$0x3F9F]  }
0x2e: {  	s3 =	simm.s32 @!p0 $0x1082;
	s9 =	sld [smem:$0x3FA0]  }
0x2f: {  	lr =	sadd.s32 s0, s3;
	s0 =	sld [smem:$0x3F97]  }
0x30: {  	s3 =	sld [smem:$0x3F9A]  }
0x31: {  	[smem:$0x3FA3] =	sst s10  }
0x32: {  	s10 =	sld [smem:$0x3FA1];
	_ =	sdelay $0x3  }
0x33: {  	p0 =	seq.s32 s10, $0x1;
	s10 =	sld [smem:$0x3FA3];
	_ =	sdelay $0x3  }
0x34: {  	[smem:$0x3FA3] =	sst s10  }
0x35: {  	s10 =	sld [smem:$0x3FA2];
	_ =	sdelay $0x3  }
0x36: {  	p1 =	seq.s32 s10, $0x1;
	s10 =	sld [smem:$0x3FA3];
	_ =	sdelay $0x3  }
0x37: {  	[smem:$0x3FA3] =	sst s10  }
0x38: {  	s10 =	sld [smem:$0x3FA4]  }
0x39: {  	_ = 	snop;
	(pc) =	sbr.ind lr, $3  }
0x3a: {  	_ = 	snop  }
0x3b: {  	_ = 	snop  }
0x3c: {  	p2 =	seq.s32 s10, $0x1;
	s10 =	sld [smem:$0x3FA3]  }
0x3d: {  	_ =	shalt  }
0x3e: {  	_ =	shalt  }
0x3f: {  	_ =	shalt  }
0x40: {  	_ =	shalt  }
0x41: {  	_ =	shalt  }
0x42: {  	_ =	shalt  }
0x43: {  	_ =	shalt  }
0x44: {  	_ =	shalt  }
0x45: {  	_ =	shalt  }
0x46: {  	_ =	shalt  }
0x47: {  	_ =	shalt  }
0x48: {  	_ =	shalt  }
0x49: {  	_ =	shalt  }
0x4a: {  	_ =	shalt  }
0x4b: {  	_ =	shalt  }
0x4c: {  	_ =	shalt  }
0x4d: {  	_ =	shalt  }
0x4e: {  	_ =	shalt  }
0x4f: {  	_ =	shalt  }
0x50: {  	_ =	shalt  }
0x51: {  	_ =	shalt  }
0x52: {  	_ =	shalt  }
0x53: {  	_ =	shalt  }
0x54: {  	_ =	shalt  }
0x55: {  	_ =	shalt  }
0x56: {  	_ =	shalt  }
0x57: {  	_ =	shalt  }
0x58: {  	_ =	shalt  }
0x59: {  	_ =	shalt  }
0x5a: {  	_ =	shalt  }
0x5b: {  	_ =	shalt  }
0x5c: {  	_ =	shalt  }
0x5d: {  	_ =	shalt  }
0x5e: {  	_ =	shalt  }
0x5f: {  	_ =	shalt  }
0x60: {  	_ =	shalt  }
0x61: {  	_ =	shalt  }
0x62: {  	_ =	shalt  }
0x63: {  	_ =	shalt  }
0x64: {  	_ =	shalt  }
0x65: {  	_ =	shalt  }
0x66: {  	_ =	shalt  }
0x67: {  	_ =	shalt  }
0x68: {  	_ =	shalt  }
0x69: {  	_ =	shalt  }
0x6a: {  	_ =	shalt  }
0x6b: {  	_ =	shalt  }
0x6c: {  	_ =	shalt  }
0x6d: {  	_ =	shalt  }
0x6e: {  	_ =	shalt  }
0x6f: {  	_ =	shalt  }
0x70: {  	_ =	shalt  }
0x71: {  	_ =	shalt  }
0x72: {  	_ =	shalt  }
0x73: {  	_ =	shalt  }
0x74: {  	_ =	shalt  }
0x75: {  	_ =	shalt  }
0x76: {  	_ =	shalt  }
0x77: {  	_ =	shalt  }
0x78: {  	_ =	shalt  }
0x79: {  	_ =	shalt  }
0x7a: {  	_ =	shalt  }
0x7b: {  	_ =	shalt  }
0x7c: {  	_ =	shalt  }
0x7d: {  	_ =	shalt  }
0x7e: {  	_ =	shalt  }
0x7f: {  	_ =	shalt  }
0x80: {  	_ =	shalt  }
0x81: {  	_ =	shalt  }
0x82: {  	_ =	shalt  }
0x83: {  	_ =	shalt  }
0x84: {  	_ =	shalt  }
0x85: {  	_ =	shalt  }
0x86: {  	_ =	shalt  }
0x87: {  	_ =	shalt  }
.Lfunc_end0:
.L_simem_size_0:
called_computation.3_lowered:
.L_overlay_start_0:
0x88: {  	s2 =	sld [smem:$0x3FD9]  }
0x89: {  	s3 =	sld [smem:$0x3FFE];
	_ =	sdelay $0x1  }
0x8a: {  	s1 =	srdreg.scid  }
0x8b: {  	s0 =	sand.u32 $0x1, s1  }
0x8c: {  	s16 =	sshll.u32 s0, $0xA;
	s2 =	sadd.s32 s3, s2  }
0x8d: {  	s2 =	sadd.s32 s2, s16  }
0x8e: {  	[smem:$0x3FAF] =	sst s2  }
0x8f: {  	_ = 	snop  }
0x90: {  	(tm) =	ssettm $0x1  }
0x91: {  	s17 =	sld [smem:$0x3FFB];
	_ =	sdelay $0x3  }
0x92: {  	_ =	strace s17  }
0x93: {  	s2 =	sld [smem:$0x3FFC];
	_ =	sdelay $0x3  }
0x94: {  	_ =	strace s2  }
0x95: {  	s2 =	sld [smem:$0x3FFD];
	_ =	sdelay $0x3  }
0x96: {  	_ =	strace s2  }
0x97: {  	_ =	strace $0x8FFFFFFF  }
0x98: {  	s18 =	sld [smem:$0x3FDB];
	_ =	sdelay $0x1  }
0x99: {  	s19 =	simm.s32 $_scs_section_size  }
0x9a: {  	s4 =	simm.s32 $_size__tile_overlayer_lowered;
	s5 =	simm.s32 $_tile_overlayer_lowered  }
0x9b: {  	s22 =	simm.s32 $0x1BFF;
	s21 =	sshll.u32 s5, $0x1;
	s2 =	sadd.s32 s19, s18  }
0x9c: {  	s6 =	simm.s32 $0x0;
	s20 =	sshll.u32 s4, $0x1;
	s4 =	sadd.s32 s21, s2  }
0x9d: {  	[timem:s6], [sflag:s22] =	dma.local [hbm:s4], s20  }
0x9e: {  	_ =	swait.ge [sflag:s22], s20  }
0x9f: {  	s3 =	ssub.s32 $0x0, s20;
	[sflag:s22] =	ssyncset.done $0x0  }
0xa0: {  	[sflag:s22] =	ssyncadd.s32 s3;
	_ =	sdelay $0x1  }
0xa1: {  	s23 =	simm.s32 $0x1B8B  }
0xa2: {  	_ =	swait.ge [sflag:s23], $0x1  }
0xa3: {  	[sflag:s23] =	ssyncset.done $0x0  }
0xa4: {  	s25 =	simm.s32 $0x1B8E;
	s24 =	sld [smem:$0x3FFE];
	[sflag:s23] =	ssyncadd.s32 $0xFFFFFFFF  }
0xa5: {  	s26 =	simm.s32 $execute0_lowered;
	[smem:$0x3FD2] =	sst s25  }
0xa6: {  	s4 =	sshll.u32 s26, $0x1;
	_ =	strace $0x8000004F;
	[dreg:$0x1] =	wrdreg $0xFFFFFFFF  }
0xa7: {  	s28 =	simm.s32 $_size_execute0_lowered;
	s2 =	sadd.s32 s2, s4;
	[dreg:$0x0] =	wrdreg $0x0  }
0xa8: {  	s4 =	sshll.u32 s28, $0x1;
	[dreg:$0x2] =	wrdreg s2  }
0xa9: {  	[dreg:$0x3] =	wrdreg s4  }
0xaa: {  	[dreg:$0x4] =	wrdreg $0xC0  }
0xab: {  	_ =	task [dreg:s6], $0x5FFFF  }
0xac: {  	[dreg:$0x1] =	wrdreg $0xFFFFFFFF  }
0xad: {  	[dreg:$0x0] =	wrdreg $0x60  }
0xae: {  	[dreg:$0x2] =	wrdreg s24  }
0xaf: {  	[dreg:$0x3] =	wrdreg $0x82000  }
0xb0: {  	[dreg:$0x4] =	wrdreg $0x9  }
0xb1: {  	_ =	task.clear_ibuf [dreg:s6], $0x5FFFF;
	_ =	strace $0x9000004F  }
0xb2: {  	s29 =	simm.s32 $0x9;
	_ =	strace $0x80000051  }
0xb3: {  	_ =	swait.ge [sflag:s29], $0x1  }
0xb4: {  	[sflag:s29] =	ssyncadd.s32 $0xFFFFFFFF  }
0xb5: {  	_ =	strace $0x90000051  }
0xb6: {  	_ =	sfence  }
0xb7: {  	s30 =	sld [smem:$0x0];
	_ =	sdelay $0x2  }
0xb8: {  	s31 =	sshll.u32 s1, $0xD;
	s1 =	sshrl.u32 s1, $0x2  }
0xb9: {  	s3 =	sand.u32 $0x4000, s31;
	s1 =	sadd.s32 s1, s30  }
0xba: {  	s0 =	sor.u32 s3, s0;
	s1 =	sshll.u32 s1, $0x11  }
0xbb: {  	s0 =	sor.u32 s1, s0  }
0xbc: {  	s0 =	sadd.s32 $0x8F2B, s0  }
0xbd: {  	[sflag:s0] =	ssyncadd.remote.s32 $0x1  }
0xbe: {  	_ =	sfence.sel $0xFFFF  }
0xbf: {  	[dreg:$0x0] =	wrdreg $0xFFFFFFFF;
	(pc) =	sbr.abs _section_cstart, $3  }
0xc0: {  	[dreg:$0x1] =	wrdreg $0xFFFFFFFF  }
0xc1: {  	_ =	task.clear_ibuf [dreg:s6], $0x2FFFF;
	_ =	strace $0x9FFFFFFF  }
0xc2: {  	(tm) =	ssettm $0x7FFFFFFF  }
0xc3: {  	_ =	shalt  }
tec
execute0_lowered:
.L_overlay_start_1:
0x0: {  	(tag) =	ssettag $0x1  }
0x1: {  	s9 =	rddreg [dreg:$0x0]  }
0x2: {  	s1 =	rddreg [dreg:$0x1];
	s3 =	simm.s32 $0x0  }
0x3: {  	s2 =	srdreg.scid;
	s22 =	simm.s32 $0x200;
	s23 =	simm.s32 $0x100  }
0x4: {  	s28 =	simm.s32 $0x180;
	[smem:$0x7FF] =	sst s3;
	s10 =	sand.u32 $0x1, s2  }
0x5: {  	s29 =	simm.s32 $0x0;
	s2 =	stileid.u32;
	s7 =	smul.u32 $0x140000, s10  }
0x6: {  	s18 =	sadd.s32 $0x2EA00, s9;
	s4 =	sadd.s32 $0x168400, s9;
	s8 =	smul.u32 $0x14000, s2  }
0x7: {  	s5 =	sadd.s32 $0x7800, s9;
	s6 =	sadd.s32 $0x56A00, s9;
	s14 =	smul.u32 $0x50000, s2  }
0x8: {  	_ =	strace $0x80000050;
	s12 =	ssub.s32 $0x2, s10;
	s17 =	smul.u32 $0xA0000, s10  }
0x9: {  	s13 =	sshll.u32 s10, $0x4;
	s30 =	sshll.u32 s2, $0x6;
	s20 =	smul.u32 $0xA000, s2  }
0xa: {  	s24 =	sshrl.u32 s12, $0x1;
	s25 =	sor.u32 s2, s13;
	s11 =	sadd.s32 s8, s7  }
0xb: {  	s7 =	sadd.s32 $0x7DC00, s9;
	s8 =	sadd.s32 $0xA4E00, s9;
	s16 =	ssub.s32 s12, s24  }
0xc: {  	s26 =	sshrl.u32 s14, $0x2;
	s17 =	sadd.s32 s20, s17;
	s24 =	simm.s32 $0x1  }
0xd: {  	s11 =	sshrl.u32 s11, $0x3;
	s19 =	sadd.s32 s26, s1;
	s20 =	sor.u32 $0x200, s17  }
0xe: {  	s17 =	sor.u32 $0x100, s17;
	s26 =	simm.s32 $0x2;
	s15 =	sadd.s32 s11, s9  }
0xf: {  	s11 =	smul.u32 $0xA000, s25;
	s9 =	sor.u32 $0x1C03, s30;
	s20 =	sshrl.u32 s20, $0x3  }
0x10: {  	s21 =	sshrl.u32 s17, $0x3;
	s25 =	simm.s32 $0x4200;
	s12 =	sadd.s32 $0x16AC00, s15  }
0x11: {  	s19 =	sshrl.u32 s19, $0x3;
	s13 =	sadd.s32 $0x1BAC00, s15;
	s14 =	sadd.s32 $0x20AC00, s15  }
0x12: {  	s17 =	sadd.s32 s20, s18;
	s20 =	simm.s32 $0x3;
	s31 =	sshrl.u32 s11, $0x3  }
0x13: {  	s11 =	sadd.s32 $0xCC000, s15;
	s15 =	smax.u32 s16, $0x1;
	s10 =	sadd.s32 s18, s31  }
0x14: {  	s18 =	sadd.s32 s21, s18;
	s21 =	simm.s32 $0x80;
	s16 =	sadd.s32 $0x13E0, s10  }
.LBB2_1:
0x15: {  	[spmem:s19], [sflag:s9] =	dma.local [hbm:s4], $0x2800  }
0x16: {  	_ =	swait.ge [sflag:s20], $0x2800  }
0x17: {  	[sflag:s20] =	ssyncset.done $0x0  }
0x18: {  	[sflag:s20] =	ssyncadd.s32 $0xFFFFD800  }
0x19: {  	[bflag:$0x0] =	sbarrier.arrive $0xFFFF  }
0x1a: {  	[tilespmem:s3], [sflag:$0x3] =	stream.linear.gather [hbm4b:s10+s3], $0x100, $0x38;
	[tilespmem:$0x1C200] =	vst v63  }
0x1b: {  	_ =	swait.ge [sflag:s20], $0x100  }
0x1c: {  	[sflag:s20] =	ssyncset.done $0x0  }
0x1d: {  	[sflag:s20] =	ssyncadd.s32 $0xFFFFFF00  }
0x1e: {  	[tilespmem:s22], [sflag:$0x1] =	stream.indirect.gather [hbm4b:s5+s21], $0x80, s3, s21, $0xb8;
	[tilespmem:$0x1C200] =	vst v63  }
0x1f: {  	s30 =	sadd.s32 $0x0, s18  }
0x20: {  	[tilespmem:s23], [sflag:$0x3] =	stream.linear.gather [hbm4b:s30+s3], $0x100, $0x38;
	[tilespmem:$0x1C200] =	vst v63  }
0x21: {  	_ =	swait.ge [sflag:s20], $0x100  }
0x22: {  	[sflag:s20] =	ssyncset.done $0x0  }
0x23: {  	[sflag:s20] =	ssyncadd.s32 $0xFFFFFF00  }
0x24: {  	_ =	swait.ge [sflag:s24], $0x4000  }
0x25: {  	[sflag:s24] =	ssyncset.done $0x0  }
0x26: {  	[sflag:s24] =	ssyncadd.s32 $0xFFFFC000  }
0x27: {  	[tilespmem:s25], [sflag:$0x2] =	stream.indirect.gather [hbm4b:s5+s21], $0x80, s23, s21, $0xb8;
	[tilespmem:$0x1C200] =	vst v63  }
0x28: {  	_ = 	snop  }
0x29: {  	[spmem:s1] =	stream.indirect.scatter.add.f32 [tilespmem:s22], [sflag:$0x3], $0x80, s21, s21, $0xb8;
	[tilespmem:$0x1C200] =	vst v63  }
0x2a: {  	_ =	swait.ge [sflag:s20], $0x4000  }
0x2b: {  	[sflag:s20] =	ssyncset.done $0x0  }
0x2c: {  	s30 =	sadd.s32 $0x0, s17;
	[sflag:s20] =	ssyncadd.s32 $0xFFFFC000  }
0x2d: {  	[tilespmem:s3], [sflag:$0x3] =	stream.linear.gather [hbm4b:s30+s3], $0x100, $0x38;
	[tilespmem:$0x1C200] =	vst v63  }
0x2e: {  	_ =	swait.ge [sflag:s20], $0x100  }
0x2f: {  	[sflag:s20] =	ssyncset.done $0x0  }
0x30: {  	[sflag:s20] =	ssyncadd.s32 $0xFFFFFF00  }
0x31: {  	_ =	swait.ge [sflag:s26], $0x4000  }
0x32: {  	[sflag:s26] =	ssyncset.done $0x0  }
0x33: {  	[sflag:s26] =	ssyncadd.s32 $0xFFFFC000  }
0x34: {  	[tilespmem:s22], [sflag:$0x1] =	stream.indirect.gather [hbm4b:s5+s21], $0x80, s3, s21, $0xb8;
	[tilespmem:$0x1C200] =	vst v63  }
0x35: {  	_ = 	snop  }
0x36: {  	[spmem:s1] =	stream.indirect.scatter.add.f32 [tilespmem:s25], [sflag:$0x3], $0x80, s28, s21, $0xb8;
	[tilespmem:$0x1C200] =	vst v63  }
0x37: {  	_ =	swait.ge [sflag:s20], $0x4000  }
0x38: {  	s30 =	simm.s32 $0x40;
	[sflag:s20] =	ssyncset.done $0x0  }
.LBB2_2:
0x39: {  	p0 =	sne.s32 s30, $0x1380  }
0x3a: {  	[sflag:s20] =	ssyncadd.s32 $0xFFFFC000;
	s31 =	smov.u32 s30;
	s30 =	sadd.s32 $0x40, s30  }
0x3b: {  	s0 =	sadd.s32 s31, s18  }
0x3c: {  	[tilespmem:s23], [sflag:$0x3] =	stream.linear.gather [hbm4b:s0+s3], $0x100, $0x38;
	[tilespmem:$0x1C200] =	vst v63  }
0x3d: {  	_ =	swait.ge [sflag:s20], $0x100  }
0x3e: {  	[sflag:s20] =	ssyncset.done $0x0  }
0x3f: {  	[sflag:s20] =	ssyncadd.s32 $0xFFFFFF00  }
0x40: {  	_ =	swait.ge [sflag:s24], $0x4000  }
0x41: {  	[sflag:s24] =	ssyncset.done $0x0  }
0x42: {  	[sflag:s24] =	ssyncadd.s32 $0xFFFFC000  }
0x43: {  	[tilespmem:s25], [sflag:$0x2] =	stream.indirect.gather [hbm4b:s5+s21], $0x80, s23, s21, $0xb8;
	[tilespmem:$0x1C200] =	vst v63  }
0x44: {  	_ = 	snop  }
0x45: {  	[spmem:s1] =	stream.indirect.scatter.add.f32 [tilespmem:s22], [sflag:$0x3], $0x80, s21, s21, $0xb8;
	[tilespmem:$0x1C200] =	vst v63  }
0x46: {  	_ =	swait.ge [sflag:s20], $0x4000  }
0x47: {  	[sflag:s20] =	ssyncset.done $0x0  }
0x48: {  	s0 =	sadd.s32 s31, s17;
	[sflag:s20] =	ssyncadd.s32 $0xFFFFC000  }
0x49: {  	[tilespmem:s3], [sflag:$0x3] =	stream.linear.gather [hbm4b:s0+s3], $0x100, $0x38;
	[tilespmem:$0x1C200] =	vst v63  }
0x4a: {  	_ =	swait.ge [sflag:s20], $0x100  }
0x4b: {  	[sflag:s20] =	ssyncset.done $0x0  }
0x4c: {  	[sflag:s20] =	ssyncadd.s32 $0xFFFFFF00  }
0x4d: {  	_ =	swait.ge [sflag:s26], $0x4000  }
0x4e: {  	[sflag:s26] =	ssyncset.done $0x0  }
0x4f: {  	[sflag:s26] =	ssyncadd.s32 $0xFFFFC000  }
0x50: {  	[tilespmem:s22], [sflag:$0x1] =	stream.indirect.gather [hbm4b:s5+s21], $0x80, s3, s21, $0xb8;
	[tilespmem:$0x1C200] =	vst v63  }
.Ltmp0:
0x51: {  	_ = 	snop;
	(pc) =	sbr.rel @p0 .LBB2_2-.Ltmp0, $4  }
0x52: {  	_ = 	snop  }
0x53: {  	[spmem:s1] =	stream.indirect.scatter.add.f32 [tilespmem:s25], [sflag:$0x3], $0x80, s28, s21, $0xb8;
	[tilespmem:$0x1C200] =	vst v63  }
0x54: {  	_ =	swait.ge [sflag:s20], $0x4000  }
0x55: {  	[sflag:s20] =	ssyncset.done $0x0  }
0x56: {  	[sflag:s20] =	ssyncadd.s32 $0xFFFFC000;
	s0 =	simm.s32 $0x0  }
0x57: {  	[tilespmem:s23], [sflag:$0x3] =	stream.linear.gather [hbm4b:s16+s0], $0x100, $0x38;
	[tilespmem:$0x1C200] =	vst v63  }
0x58: {  	_ =	swait.ge [sflag:s20], $0x100  }
0x59: {  	[sflag:s20] =	ssyncset.done $0x0  }
0x5a: {  	[sflag:s20] =	ssyncadd.s32 $0xFFFFFF00  }
0x5b: {  	_ =	swait.ge [sflag:s24], $0x4000  }
0x5c: {  	[sflag:s24] =	ssyncset.done $0x0  }
0x5d: {  	[sflag:s24] =	ssyncadd.s32 $0xFFFFC000  }
0x5e: {  	[tilespmem:s25], [sflag:$0x2] =	stream.indirect.gather [hbm4b:s5+s21], $0x80, s23, s21, $0xb8;
	[tilespmem:$0x1C200] =	vst v63  }
0x5f: {  	_ = 	snop  }
0x60: {  	[spmem:s1] =	stream.indirect.scatter.add.f32 [tilespmem:s22], [sflag:$0x3], $0x80, s21, s21, $0xb8;
	[tilespmem:$0x1C200] =	vst v63  }
0x61: {  	_ =	swait.ge [sflag:s20], $0x4000  }
0x62: {  	[sflag:s20] =	ssyncset.done $0x0  }
0x63: {  	[sflag:s20] =	ssyncadd.s32 $0xFFFFC000  }
0x64: {  	[tilespmem:s0], [sflag:$0x3] =	stream.linear.gather [hbm4b:s10+s0], $0x100, $0x38;
	[tilespmem:$0x1C200] =	vst v63  }
0x65: {  	_ =	swait.ge [sflag:s20], $0x100  }
0x66: {  	[sflag:s20] =	ssyncset.done $0x0  }
0x67: {  	[sflag:s20] =	ssyncadd.s32 $0xFFFFFF00  }
0x68: {  	_ =	swait.ge [sflag:s26], $0x4000  }
0x69: {  	[sflag:s26] =	ssyncset.done $0x0  }
0x6a: {  	[sflag:s26] =	ssyncadd.s32 $0xFFFFC000  }
0x6b: {  	[tilespmem:s22], [sflag:$0x1] =	stream.indirect.gather [hbm4b:s5+s21], $0x80, s0, s21, $0xb8;
	[tilespmem:$0x1C200] =	vst v63  }
0x6c: {  	_ = 	snop  }
0x6d: {  	[spmem:s1] =	stream.indirect.scatter.add.f32 [tilespmem:s25], [sflag:$0x3], $0x80, s28, s21, $0xb8;
	[tilespmem:$0x1C200] =	vst v63  }
0x6e: {  	_ =	swait.ge [sflag:s20], $0x4000  }
0x6f: {  	[sflag:s20] =	ssyncset.done $0x0  }
0x70: {  	[sflag:s20] =	ssyncadd.s32 $0xFFFFC000  }
0x71: {  	_ =	swait.ge [sflag:s24], $0x4000  }
0x72: {  	[sflag:s24] =	ssyncset.done $0x0  }
0x73: {  	[sflag:s24] =	ssyncadd.s32 $0xFFFFC000  }
0x74: {  	[bflag:$0x0] =	sbarrier.arrive $0xFFFF  }
0x75: {  	[hbm:s11], [sflag:s9] =	dma.local [spmem:s19], $0x2800  }
0x76: {  	_ =	swait.ge [sflag:s20], $0x2800  }
0x77: {  	[sflag:s20] =	ssyncset.done $0x0  }
0x78: {  	[sflag:s20] =	ssyncadd.s32 $0xFFFFD800  }
0x79: {  	[spmem:s19], [sflag:s9] =	dma.local [hbm:s4], $0x2800  }
0x7a: {  	_ =	swait.ge [sflag:s20], $0x2800  }
0x7b: {  	[sflag:s20] =	ssyncset.done $0x0  }
0x7c: {  	[sflag:s20] =	ssyncadd.s32 $0xFFFFD800  }
0x7d: {  	[bflag:$0x0] =	sbarrier.arrive $0xFFFF  }
0x7e: {  	[tilespmem:s0], [sflag:$0x3] =	stream.linear.gather [hbm4b:s10+s0], $0x100, $0x38;
	[tilespmem:$0x1C200] =	vst v63  }
0x7f: {  	_ =	swait.ge [sflag:s20], $0x100  }
0x80: {  	[sflag:s20] =	ssyncset.done $0x0  }
0x81: {  	[sflag:s20] =	ssyncadd.s32 $0xFFFFFF00  }
0x82: {  	[tilespmem:s22], [sflag:$0x1] =	stream.indirect.gather [hbm4b:s6+s21], $0x80, s0, s21, $0xb8;
	[tilespmem:$0x1C200] =	vst v63  }
0x83: {  	s31 =	sadd.s32 $0x0, s18  }
0x84: {  	[tilespmem:s23], [sflag:$0x3] =	stream.linear.gather [hbm4b:s31+s3], $0x100, $0x38;
	[tilespmem:$0x1C200] =	vst v63  }
0x85: {  	_ =	swait.ge [sflag:s20], $0x100  }
0x86: {  	[sflag:s20] =	ssyncset.done $0x0  }
0x87: {  	[sflag:s20] =	ssyncadd.s32 $0xFFFFFF00  }
0x88: {  	_ =	swait.ge [sflag:s24], $0x4000  }
0x89: {  	[sflag:s24] =	ssyncset.done $0x0  }
0x8a: {  	[sflag:s24] =	ssyncadd.s32 $0xFFFFC000  }
0x8b: {  	[tilespmem:s25], [sflag:$0x2] =	stream.indirect.gather [hbm4b:s6+s21], $0x80, s23, s21, $0xb8;
	[tilespmem:$0x1C200] =	vst v63  }
0x8c: {  	_ = 	snop  }
0x8d: {  	[spmem:s1] =	stream.indirect.scatter.add.f32 [tilespmem:s22], [sflag:$0x3], $0x80, s21, s21, $0xb8;
	[tilespmem:$0x1C200] =	vst v63  }
0x8e: {  	_ =	swait.ge [sflag:s20], $0x4000  }
0x8f: {  	[sflag:s20] =	ssyncset.done $0x0  }
0x90: {  	s31 =	sadd.s32 $0x0, s17;
	[sflag:s20] =	ssyncadd.s32 $0xFFFFC000  }
0x91: {  	[tilespmem:s3], [sflag:$0x3] =	stream.linear.gather [hbm4b:s31+s3], $0x100, $0x38;
	[tilespmem:$0x1C200] =	vst v63  }
0x92: {  	_ =	swait.ge [sflag:s20], $0x100  }
0x93: {  	[sflag:s20] =	ssyncset.done $0x0  }
0x94: {  	[sflag:s20] =	ssyncadd.s32 $0xFFFFFF00  }
0x95: {  	_ =	swait.ge [sflag:s26], $0x4000  }
0x96: {  	[sflag:s26] =	ssyncset.done $0x0  }
0x97: {  	[sflag:s26] =	ssyncadd.s32 $0xFFFFC000  }
0x98: {  	[tilespmem:s22], [sflag:$0x1] =	stream.indirect.gather [hbm4b:s6+s21], $0x80, s3, s21, $0xb8;
	[tilespmem:$0x1C200] =	vst v63  }
0x99: {  	_ = 	snop  }
0x9a: {  	[spmem:s1] =	stream.indirect.scatter.add.f32 [tilespmem:s25], [sflag:$0x3], $0x80, s28, s21, $0xb8;
	[tilespmem:$0x1C200] =	vst v63  }
0x9b: {  	_ =	swait.ge [sflag:s20], $0x4000  }
0x9c: {  	s30 =	simm.s32 $0x40;
	[sflag:s20] =	ssyncset.done $0x0  }
.LBB2_4:
0x9d: {  	p0 =	sne.s32 s30, $0x1380  }
0x9e: {  	[sflag:s20] =	ssyncadd.s32 $0xFFFFC000;
	s0 =	smov.u32 s30;
	s30 =	sadd.s32 $0x40, s30  }
0x9f: {  	s31 =	sadd.s32 s0, s18  }
0xa0: {  	[tilespmem:s23], [sflag:$0x3] =	stream.linear.gather [hbm4b:s31+s3], $0x100, $0x38;
	[tilespmem:$0x1C200] =	vst v63  }
0xa1: {  	_ =	swait.ge [sflag:s20], $0x100  }
0xa2: {  	[sflag:s20] =	ssyncset.done $0x0  }
0xa3: {  	[sflag:s20] =	ssyncadd.s32 $0xFFFFFF00  }
0xa4: {  	_ =	swait.ge [sflag:s24], $0x4000  }
0xa5: {  	[sflag:s24] =	ssyncset.done $0x0  }
0xa6: {  	[sflag:s24] =	ssyncadd.s32 $0xFFFFC000  }
0xa7: {  	[tilespmem:s25], [sflag:$0x2] =	stream.indirect.gather [hbm4b:s6+s21], $0x80, s23, s21, $0xb8;
	[tilespmem:$0x1C200] =	vst v63  }
0xa8: {  	_ = 	snop  }
0xa9: {  	[spmem:s1] =	stream.indirect.scatter.add.f32 [tilespmem:s22], [sflag:$0x3], $0x80, s21, s21, $0xb8;
	[tilespmem:$0x1C200] =	vst v63  }
0xaa: {  	_ =	swait.ge [sflag:s20], $0x4000  }
0xab: {  	[sflag:s20] =	ssyncset.done $0x0  }
0xac: {  	s0 =	sadd.s32 s0, s17;
	[sflag:s20] =	ssyncadd.s32 $0xFFFFC000  }
0xad: {  	[tilespmem:s3], [sflag:$0x3] =	stream.linear.gather [hbm4b:s0+s3], $0x100, $0x38;
	[tilespmem:$0x1C200] =	vst v63  }
0xae: {  	_ =	swait.ge [sflag:s20], $0x100  }
0xaf: {  	[sflag:s20] =	ssyncset.done $0x0  }
0xb0: {  	[sflag:s20] =	ssyncadd.s32 $0xFFFFFF00  }
0xb1: {  	_ =	swait.ge [sflag:s26], $0x4000  }
0xb2: {  	[sflag:s26] =	ssyncset.done $0x0  }
0xb3: {  	[sflag:s26] =	ssyncadd.s32 $0xFFFFC000  }
0xb4: {  	[tilespmem:s22], [sflag:$0x1] =	stream.indirect.gather [hbm4b:s6+s21], $0x80, s3, s21, $0xb8;
	[tilespmem:$0x1C200] =	vst v63  }
.Ltmp1:
0xb5: {  	_ = 	snop;
	(pc) =	sbr.rel @p0 .LBB2_4-.Ltmp1, $4  }
0xb6: {  	_ = 	snop  }
0xb7: {  	[spmem:s1] =	stream.indirect.scatter.add.f32 [tilespmem:s25], [sflag:$0x3], $0x80, s28, s21, $0xb8;
	[tilespmem:$0x1C200] =	vst v63  }
0xb8: {  	_ =	swait.ge [sflag:s20], $0x4000  }
0xb9: {  	[sflag:s20] =	ssyncset.done $0x0  }
0xba: {  	[sflag:s20] =	ssyncadd.s32 $0xFFFFC000;
	s0 =	simm.s32 $0x0  }
0xbb: {  	[tilespmem:s23], [sflag:$0x3] =	stream.linear.gather [hbm4b:s16+s0], $0x100, $0x38;
	[tilespmem:$0x1C200] =	vst v63  }
0xbc: {  	_ =	swait.ge [sflag:s20], $0x100  }
0xbd: {  	[sflag:s20] =	ssyncset.done $0x0  }
0xbe: {  	[sflag:s20] =	ssyncadd.s32 $0xFFFFFF00  }
0xbf: {  	_ =	swait.ge [sflag:s24], $0x4000  }
0xc0: {  	[sflag:s24] =	ssyncset.done $0x0  }
0xc1: {  	[sflag:s24] =	ssyncadd.s32 $0xFFFFC000  }
0xc2: {  	[tilespmem:s25], [sflag:$0x2] =	stream.indirect.gather [hbm4b:s6+s21], $0x80, s23, s21, $0xb8;
	[tilespmem:$0x1C200] =	vst v63  }
0xc3: {  	_ = 	snop  }
0xc4: {  	[spmem:s1] =	stream.indirect.scatter.add.f32 [tilespmem:s22], [sflag:$0x3], $0x80, s21, s21, $0xb8;
	[tilespmem:$0x1C200] =	vst v63  }
0xc5: {  	_ =	swait.ge [sflag:s20], $0x4000  }
0xc6: {  	[sflag:s20] =	ssyncset.done $0x0  }
0xc7: {  	[sflag:s20] =	ssyncadd.s32 $0xFFFFC000  }
0xc8: {  	[tilespmem:s0], [sflag:$0x3] =	stream.linear.gather [hbm4b:s10+s0], $0x100, $0x38;
	[tilespmem:$0x1C200] =	vst v63  }
0xc9: {  	_ =	swait.ge [sflag:s20], $0x100  }
0xca: {  	[sflag:s20] =	ssyncset.done $0x0  }
0xcb: {  	[sflag:s20] =	ssyncadd.s32 $0xFFFFFF00  }
0xcc: {  	_ =	swait.ge [sflag:s26], $0x4000  }
0xcd: {  	[sflag:s26] =	ssyncset.done $0x0  }
0xce: {  	[sflag:s26] =	ssyncadd.s32 $0xFFFFC000  }
0xcf: {  	[tilespmem:s22], [sflag:$0x1] =	stream.indirect.gather [hbm4b:s6+s21], $0x80, s0, s21, $0xb8;
	[tilespmem:$0x1C200] =	vst v63  }
0xd0: {  	_ = 	snop  }
0xd1: {  	[spmem:s1] =	stream.indirect.scatter.add.f32 [tilespmem:s25], [sflag:$0x3], $0x80, s28, s21, $0xb8;
	[tilespmem:$0x1C200] =	vst v63  }
0xd2: {  	_ =	swait.ge [sflag:s20], $0x4000  }
0xd3: {  	[sflag:s20] =	ssyncset.done $0x0  }
0xd4: {  	[sflag:s20] =	ssyncadd.s32 $0xFFFFC000  }
0xd5: {  	_ =	swait.ge [sflag:s24], $0x4000  }
0xd6: {  	[sflag:s24] =	ssyncset.done $0x0  }
0xd7: {  	[sflag:s24] =	ssyncadd.s32 $0xFFFFC000  }
0xd8: {  	[bflag:$0x0] =	sbarrier.arrive $0xFFFF  }
0xd9: {  	[hbm:s12], [sflag:s9] =	dma.local [spmem:s19], $0x2800  }
0xda: {  	_ =	swait.ge [sflag:s20], $0x2800  }
0xdb: {  	[sflag:s20] =	ssyncset.done $0x0  }
0xdc: {  	[sflag:s20] =	ssyncadd.s32 $0xFFFFD800  }
0xdd: {  	[spmem:s19], [sflag:s9] =	dma.local [hbm:s4], $0x2800  }
0xde: {  	_ =	swait.ge [sflag:s20], $0x2800  }
0xdf: {  	[sflag:s20] =	ssyncset.done $0x0  }
0xe0: {  	[sflag:s20] =	ssyncadd.s32 $0xFFFFD800  }
0xe1: {  	[bflag:$0x0] =	sbarrier.arrive $0xFFFF  }
0xe2: {  	[tilespmem:s0], [sflag:$0x3] =	stream.linear.gather [hbm4b:s10+s0], $0x100, $0x38;
	[tilespmem:$0x1C200] =	vst v63  }
0xe3: {  	_ =	swait.ge [sflag:s20], $0x100  }
0xe4: {  	[sflag:s20] =	ssyncset.done $0x0  }
0xe5: {  	[sflag:s20] =	ssyncadd.s32 $0xFFFFFF00  }
0xe6: {  	[tilespmem:s22], [sflag:$0x1] =	stream.indirect.gather [hbm4b:s7+s21], $0x80, s0, s21, $0xb8;
	[tilespmem:$0x1C200] =	vst v63  }
0xe7: {  	s31 =	sadd.s32 $0x0, s18  }
0xe8: {  	[tilespmem:s23], [sflag:$0x3] =	stream.linear.gather [hbm4b:s31+s3], $0x100, $0x38;
	[tilespmem:$0x1C200] =	vst v63  }
0xe9: {  	_ =	swait.ge [sflag:s20], $0x100  }
0xea: {  	[sflag:s20] =	ssyncset.done $0x0  }
0xeb: {  	[sflag:s20] =	ssyncadd.s32 $0xFFFFFF00  }
0xec: {  	_ =	swait.ge [sflag:s24], $0x4000  }
0xed: {  	[sflag:s24] =	ssyncset.done $0x0  }
0xee: {  	[sflag:s24] =	ssyncadd.s32 $0xFFFFC000  }
0xef: {  	[tilespmem:s25], [sflag:$0x2] =	stream.indirect.gather [hbm4b:s7+s21], $0x80, s23, s21, $0xb8;
	[tilespmem:$0x1C200] =	vst v63  }
0xf0: {  	_ = 	snop  }
0xf1: {  	[spmem:s1] =	stream.indirect.scatter.add.f32 [tilespmem:s22], [sflag:$0x3], $0x80, s21, s21, $0xb8;
	[tilespmem:$0x1C200] =	vst v63  }
0xf2: {  	_ =	swait.ge [sflag:s20], $0x4000  }
0xf3: {  	[sflag:s20] =	ssyncset.done $0x0  }
0xf4: {  	s31 =	sadd.s32 $0x0, s17;
	[sflag:s20] =	ssyncadd.s32 $0xFFFFC000  }
0xf5: {  	[tilespmem:s3], [sflag:$0x3] =	stream.linear.gather [hbm4b:s31+s3], $0x100, $0x38;
	[tilespmem:$0x1C200] =	vst v63  }
0xf6: {  	_ =	swait.ge [sflag:s20], $0x100  }
0xf7: {  	[sflag:s20] =	ssyncset.done $0x0  }
0xf8: {  	[sflag:s20] =	ssyncadd.s32 $0xFFFFFF00  }
0xf9: {  	_ =	swait.ge [sflag:s26], $0x4000  }
0xfa: {  	[sflag:s26] =	ssyncset.done $0x0  }
0xfb: {  	[sflag:s26] =	ssyncadd.s32 $0xFFFFC000  }
0xfc: {  	[tilespmem:s22], [sflag:$0x1] =	stream.indirect.gather [hbm4b:s7+s21], $0x80, s3, s21, $0xb8;
	[tilespmem:$0x1C200] =	vst v63  }
0xfd: {  	_ = 	snop  }
0xfe: {  	[spmem:s1] =	stream.indirect.scatter.add.f32 [tilespmem:s25], [sflag:$0x3], $0x80, s28, s21, $0xb8;
	[tilespmem:$0x1C200] =	vst v63  }
0xff: {  	_ =	swait.ge [sflag:s20], $0x4000  }
0x100: {  	s30 =	simm.s32 $0x40;
	[sflag:s20] =	ssyncset.done $0x0  }
.LBB2_6:
0x101: {  	p0 =	sne.s32 s30, $0x1380  }
0x102: {  	[sflag:s20] =	ssyncadd.s32 $0xFFFFC000;
	s0 =	smov.u32 s30;
	s30 =	sadd.s32 $0x40, s30  }
0x103: {  	s31 =	sadd.s32 s0, s18  }
0x104: {  	[tilespmem:s23], [sflag:$0x3] =	stream.linear.gather [hbm4b:s31+s3], $0x100, $0x38;
	[tilespmem:$0x1C200] =	vst v63  }
0x105: {  	_ =	swait.ge [sflag:s20], $0x100  }
0x106: {  	[sflag:s20] =	ssyncset.done $0x0  }
0x107: {  	[sflag:s20] =	ssyncadd.s32 $0xFFFFFF00  }
0x108: {  	_ =	swait.ge [sflag:s24], $0x4000  }
0x109: {  	[sflag:s24] =	ssyncset.done $0x0  }
0x10a: {  	[sflag:s24] =	ssyncadd.s32 $0xFFFFC000  }
0x10b: {  	[tilespmem:s25], [sflag:$0x2] =	stream.indirect.gather [hbm4b:s7+s21], $0x80, s23, s21, $0xb8;
	[tilespmem:$0x1C200] =	vst v63  }
0x10c: {  	_ = 	snop  }
0x10d: {  	[spmem:s1] =	stream.indirect.scatter.add.f32 [tilespmem:s22], [sflag:$0x3], $0x80, s21, s21, $0xb8;
	[tilespmem:$0x1C200] =	vst v63  }
0x10e: {  	_ =	swait.ge [sflag:s20], $0x4000  }
0x10f: {  	[sflag:s20] =	ssyncset.done $0x0  }
0x110: {  	s0 =	sadd.s32 s0, s17;
	[sflag:s20] =	ssyncadd.s32 $0xFFFFC000  }
0x111: {  	[tilespmem:s3], [sflag:$0x3] =	stream.linear.gather [hbm4b:s0+s3], $0x100, $0x38;
	[tilespmem:$0x1C200] =	vst v63  }
0x112: {  	_ =	swait.ge [sflag:s20], $0x100  }
0x113: {  	[sflag:s20] =	ssyncset.done $0x0  }
0x114: {  	[sflag:s20] =	ssyncadd.s32 $0xFFFFFF00  }
0x115: {  	_ =	swait.ge [sflag:s26], $0x4000  }
0x116: {  	[sflag:s26] =	ssyncset.done $0x0  }
0x117: {  	[sflag:s26] =	ssyncadd.s32 $0xFFFFC000  }
0x118: {  	[tilespmem:s22], [sflag:$0x1] =	stream.indirect.gather [hbm4b:s7+s21], $0x80, s3, s21, $0xb8;
	[tilespmem:$0x1C200] =	vst v63  }
.Ltmp2:
0x119: {  	_ = 	snop;
	(pc) =	sbr.rel @p0 .LBB2_6-.Ltmp2, $4  }
0x11a: {  	_ = 	snop  }
0x11b: {  	[spmem:s1] =	stream.indirect.scatter.add.f32 [tilespmem:s25], [sflag:$0x3], $0x80, s28, s21, $0xb8;
	[tilespmem:$0x1C200] =	vst v63  }
0x11c: {  	_ =	swait.ge [sflag:s20], $0x4000  }
0x11d: {  	[sflag:s20] =	ssyncset.done $0x0  }
0x11e: {  	[sflag:s20] =	ssyncadd.s32 $0xFFFFC000;
	s0 =	simm.s32 $0x0  }
0x11f: {  	[tilespmem:s23], [sflag:$0x3] =	stream.linear.gather [hbm4b:s16+s0], $0x100, $0x38;
	[tilespmem:$0x1C200] =	vst v63  }
0x120: {  	_ =	swait.ge [sflag:s20], $0x100  }
0x121: {  	[sflag:s20] =	ssyncset.done $0x0  }
0x122: {  	[sflag:s20] =	ssyncadd.s32 $0xFFFFFF00  }
0x123: {  	_ =	swait.ge [sflag:s24], $0x4000  }
0x124: {  	[sflag:s24] =	ssyncset.done $0x0  }
0x125: {  	[sflag:s24] =	ssyncadd.s32 $0xFFFFC000  }
0x126: {  	[tilespmem:s25], [sflag:$0x2] =	stream.indirect.gather [hbm4b:s7+s21], $0x80, s23, s21, $0xb8;
	[tilespmem:$0x1C200] =	vst v63  }
0x127: {  	_ = 	snop  }
0x128: {  	[spmem:s1] =	stream.indirect.scatter.add.f32 [tilespmem:s22], [sflag:$0x3], $0x80, s21, s21, $0xb8;
	[tilespmem:$0x1C200] =	vst v63  }
0x129: {  	_ =	swait.ge [sflag:s20], $0x4000  }
0x12a: {  	[sflag:s20] =	ssyncset.done $0x0  }
0x12b: {  	[sflag:s20] =	ssyncadd.s32 $0xFFFFC000  }
0x12c: {  	[tilespmem:s0], [sflag:$0x3] =	stream.linear.gather [hbm4b:s10+s0], $0x100, $0x38;
	[tilespmem:$0x1C200] =	vst v63  }
0x12d: {  	_ =	swait.ge [sflag:s20], $0x100  }
0x12e: {  	[sflag:s20] =	ssyncset.done $0x0  }
0x12f: {  	[sflag:s20] =	ssyncadd.s32 $0xFFFFFF00  }
0x130: {  	_ =	swait.ge [sflag:s26], $0x4000  }
0x131: {  	[sflag:s26] =	ssyncset.done $0x0  }
0x132: {  	[sflag:s26] =	ssyncadd.s32 $0xFFFFC000  }
0x133: {  	[tilespmem:s22], [sflag:$0x1] =	stream.indirect.gather [hbm4b:s7+s21], $0x80, s0, s21, $0xb8;
	[tilespmem:$0x1C200] =	vst v63  }
0x134: {  	_ = 	snop  }
0x135: {  	[spmem:s1] =	stream.indirect.scatter.add.f32 [tilespmem:s25], [sflag:$0x3], $0x80, s28, s21, $0xb8;
	[tilespmem:$0x1C200] =	vst v63  }
0x136: {  	_ =	swait.ge [sflag:s20], $0x4000  }
0x137: {  	[sflag:s20] =	ssyncset.done $0x0  }
0x138: {  	[sflag:s20] =	ssyncadd.s32 $0xFFFFC000  }
0x139: {  	_ =	swait.ge [sflag:s24], $0x4000  }
0x13a: {  	[sflag:s24] =	ssyncset.done $0x0  }
0x13b: {  	[sflag:s24] =	ssyncadd.s32 $0xFFFFC000  }
0x13c: {  	[bflag:$0x0] =	sbarrier.arrive $0xFFFF  }
0x13d: {  	[hbm:s13], [sflag:s9] =	dma.local [spmem:s19], $0x2800  }
0x13e: {  	_ =	swait.ge [sflag:s20], $0x2800  }
0x13f: {  	[sflag:s20] =	ssyncset.done $0x0  }
0x140: {  	[sflag:s20] =	ssyncadd.s32 $0xFFFFD800  }
0x141: {  	[spmem:s19], [sflag:s9] =	dma.local [hbm:s4], $0x2800  }
0x142: {  	_ =	swait.ge [sflag:s20], $0x2800  }
0x143: {  	[sflag:s20] =	ssyncset.done $0x0  }
0x144: {  	[sflag:s20] =	ssyncadd.s32 $0xFFFFD800  }
0x145: {  	[bflag:$0x0] =	sbarrier.arrive $0xFFFF  }
0x146: {  	[tilespmem:s0], [sflag:$0x3] =	stream.linear.gather [hbm4b:s10+s0], $0x100, $0x38;
	[tilespmem:$0x1C200] =	vst v63  }
0x147: {  	_ =	swait.ge [sflag:s20], $0x100  }
0x148: {  	[sflag:s20] =	ssyncset.done $0x0  }
0x149: {  	[sflag:s20] =	ssyncadd.s32 $0xFFFFFF00  }
0x14a: {  	[tilespmem:s22], [sflag:$0x1] =	stream.indirect.gather [hbm4b:s8+s21], $0x80, s0, s21, $0xb8;
	[tilespmem:$0x1C200] =	vst v63  }
0x14b: {  	s31 =	sadd.s32 $0x0, s18  }
0x14c: {  	[tilespmem:s23], [sflag:$0x3] =	stream.linear.gather [hbm4b:s31+s3], $0x100, $0x38;
	[tilespmem:$0x1C200] =	vst v63  }
0x14d: {  	_ =	swait.ge [sflag:s20], $0x100  }
0x14e: {  	[sflag:s20] =	ssyncset.done $0x0  }
0x14f: {  	[sflag:s20] =	ssyncadd.s32 $0xFFFFFF00  }
0x150: {  	_ =	swait.ge [sflag:s24], $0x4000  }
0x151: {  	[sflag:s24] =	ssyncset.done $0x0  }
0x152: {  	[sflag:s24] =	ssyncadd.s32 $0xFFFFC000  }
0x153: {  	[tilespmem:s25], [sflag:$0x2] =	stream.indirect.gather [hbm4b:s8+s21], $0x80, s23, s21, $0xb8;
	[tilespmem:$0x1C200] =	vst v63  }
0x154: {  	_ = 	snop  }
0x155: {  	[spmem:s1] =	stream.indirect.scatter.add.f32 [tilespmem:s22], [sflag:$0x3], $0x80, s21, s21, $0xb8;
	[tilespmem:$0x1C200] =	vst v63  }
0x156: {  	_ =	swait.ge [sflag:s20], $0x4000  }
0x157: {  	[sflag:s20] =	ssyncset.done $0x0  }
0x158: {  	s31 =	sadd.s32 $0x0, s17;
	[sflag:s20] =	ssyncadd.s32 $0xFFFFC000  }
0x159: {  	[tilespmem:s3], [sflag:$0x3] =	stream.linear.gather [hbm4b:s31+s3], $0x100, $0x38;
	[tilespmem:$0x1C200] =	vst v63  }
0x15a: {  	_ =	swait.ge [sflag:s20], $0x100  }
0x15b: {  	[sflag:s20] =	ssyncset.done $0x0  }
0x15c: {  	[sflag:s20] =	ssyncadd.s32 $0xFFFFFF00  }
0x15d: {  	_ =	swait.ge [sflag:s26], $0x4000  }
0x15e: {  	[sflag:s26] =	ssyncset.done $0x0  }
0x15f: {  	[sflag:s26] =	ssyncadd.s32 $0xFFFFC000  }
0x160: {  	[tilespmem:s22], [sflag:$0x1] =	stream.indirect.gather [hbm4b:s8+s21], $0x80, s3, s21, $0xb8;
	[tilespmem:$0x1C200] =	vst v63  }
0x161: {  	_ = 	snop  }
0x162: {  	[spmem:s1] =	stream.indirect.scatter.add.f32 [tilespmem:s25], [sflag:$0x3], $0x80, s28, s21, $0xb8;
	[tilespmem:$0x1C200] =	vst v63  }
0x163: {  	_ =	swait.ge [sflag:s20], $0x4000  }
0x164: {  	s30 =	simm.s32 $0x40;
	[sflag:s20] =	ssyncset.done $0x0  }
.LBB2_8:
0x165: {  	p0 =	sne.s32 s30, $0x1380  }
0x166: {  	[sflag:s20] =	ssyncadd.s32 $0xFFFFC000;
	s0 =	smov.u32 s30;
	s30 =	sadd.s32 $0x40, s30  }
0x167: {  	s31 =	sadd.s32 s0, s18  }
0x168: {  	[tilespmem:s23], [sflag:$0x3] =	stream.linear.gather [hbm4b:s31+s3], $0x100, $0x38;
	[tilespmem:$0x1C200] =	vst v63  }
0x169: {  	_ =	swait.ge [sflag:s20], $0x100  }
0x16a: {  	[sflag:s20] =	ssyncset.done $0x0  }
0x16b: {  	[sflag:s20] =	ssyncadd.s32 $0xFFFFFF00  }
0x16c: {  	_ =	swait.ge [sflag:s24], $0x4000  }
0x16d: {  	[sflag:s24] =	ssyncset.done $0x0  }
0x16e: {  	[sflag:s24] =	ssyncadd.s32 $0xFFFFC000  }
0x16f: {  	[tilespmem:s25], [sflag:$0x2] =	stream.indirect.gather [hbm4b:s8+s21], $0x80, s23, s21, $0xb8;
	[tilespmem:$0x1C200] =	vst v63  }
0x170: {  	_ = 	snop  }
0x171: {  	[spmem:s1] =	stream.indirect.scatter.add.f32 [tilespmem:s22], [sflag:$0x3], $0x80, s21, s21, $0xb8;
	[tilespmem:$0x1C200] =	vst v63  }
0x172: {  	_ =	swait.ge [sflag:s20], $0x4000  }
0x173: {  	[sflag:s20] =	ssyncset.done $0x0  }
0x174: {  	s0 =	sadd.s32 s0, s17;
	[sflag:s20] =	ssyncadd.s32 $0xFFFFC000  }
0x175: {  	[tilespmem:s3], [sflag:$0x3] =	stream.linear.gather [hbm4b:s0+s3], $0x100, $0x38;
	[tilespmem:$0x1C200] =	vst v63  }
0x176: {  	_ =	swait.ge [sflag:s20], $0x100  }
0x177: {  	[sflag:s20] =	ssyncset.done $0x0  }
0x178: {  	[sflag:s20] =	ssyncadd.s32 $0xFFFFFF00  }
0x179: {  	_ =	swait.ge [sflag:s26], $0x4000  }
0x17a: {  	[sflag:s26] =	ssyncset.done $0x0  }
0x17b: {  	[sflag:s26] =	ssyncadd.s32 $0xFFFFC000  }
0x17c: {  	[tilespmem:s22], [sflag:$0x1] =	stream.indirect.gather [hbm4b:s8+s21], $0x80, s3, s21, $0xb8;
	[tilespmem:$0x1C200] =	vst v63  }
.Ltmp3:
0x17d: {  	_ = 	snop;
	(pc) =	sbr.rel @p0 .LBB2_8-.Ltmp3, $4  }
0x17e: {  	_ = 	snop  }
0x17f: {  	[spmem:s1] =	stream.indirect.scatter.add.f32 [tilespmem:s25], [sflag:$0x3], $0x80, s28, s21, $0xb8;
	[tilespmem:$0x1C200] =	vst v63  }
0x180: {  	_ =	swait.ge [sflag:s20], $0x4000  }
0x181: {  	[sflag:s20] =	ssyncset.done $0x0  }
0x182: {  	[sflag:s20] =	ssyncadd.s32 $0xFFFFC000  }
0x183: {  	[tilespmem:s23], [sflag:$0x3] =	stream.linear.gather [hbm4b:s16+s3], $0x100, $0x38;
	[tilespmem:$0x1C200] =	vst v63  }
0x184: {  	_ =	swait.ge [sflag:s20], $0x100  }
0x185: {  	[sflag:s20] =	ssyncset.done $0x0  }
0x186: {  	[sflag:s20] =	ssyncadd.s32 $0xFFFFFF00  }
0x187: {  	_ =	swait.ge [sflag:s24], $0x4000  }
0x188: {  	[sflag:s24] =	ssyncset.done $0x0  }
0x189: {  	[sflag:s24] =	ssyncadd.s32 $0xFFFFC000  }
0x18a: {  	[tilespmem:s25], [sflag:$0x2] =	stream.indirect.gather [hbm4b:s8+s21], $0x80, s23, s21, $0xb8;
	[tilespmem:$0x1C200] =	vst v63  }
0x18b: {  	_ = 	snop  }
0x18c: {  	[spmem:s1] =	stream.indirect.scatter.add.f32 [tilespmem:s22], [sflag:$0x3], $0x80, s21, s21, $0xb8;
	[tilespmem:$0x1C200] =	vst v63  }
0x18d: {  	_ =	swait.ge [sflag:s20], $0x4000  }
0x18e: {  	[sflag:s20] =	ssyncset.done $0x0  }
0x18f: {  	[sflag:s20] =	ssyncadd.s32 $0xFFFFC000  }
0x190: {  	[tilespmem:s3], [sflag:$0x3] =	stream.linear.gather [hbm4b:s10+s3], $0x100, $0x38;
	[tilespmem:$0x1C200] =	vst v63  }
0x191: {  	_ =	swait.ge [sflag:s20], $0x100  }
0x192: {  	[sflag:s20] =	ssyncset.done $0x0  }
0x193: {  	[sflag:s20] =	ssyncadd.s32 $0xFFFFFF00  }
0x194: {  	_ =	swait.ge [sflag:s26], $0x4000  }
0x195: {  	[sflag:s26] =	ssyncset.done $0x0  }
0x196: {  	[sflag:s26] =	ssyncadd.s32 $0xFFFFC000  }
0x197: {  	[tilespmem:s22], [sflag:$0x1] =	stream.indirect.gather [hbm4b:s8+s21], $0x80, s3, s21, $0xb8;
	[tilespmem:$0x1C200] =	vst v63  }
0x198: {  	_ = 	snop  }
0x199: {  	[spmem:s1] =	stream.indirect.scatter.add.f32 [tilespmem:s25], [sflag:$0x3], $0x80, s28, s21, $0xb8;
	[tilespmem:$0x1C200] =	vst v63  }
0x19a: {  	_ =	swait.ge [sflag:s20], $0x4000  }
0x19b: {  	[sflag:s20] =	ssyncset.done $0x0  }
0x19c: {  	[sflag:s20] =	ssyncadd.s32 $0xFFFFC000  }
0x19d: {  	_ =	swait.ge [sflag:s24], $0x4000  }
0x19e: {  	s29 =	sadd.s32 $0x1, s29;
	[sflag:s24] =	ssyncset.done $0x0  }
0x19f: {  	p0 =	sne.s32 s29, s15;
	[sflag:s24] =	ssyncadd.s32 $0xFFFFC000  }
.Ltmp4:
0x1a0: {  	[bflag:$0x0] =	sbarrier.arrive $0xFFFF;
	(pc) =	sbr.rel @p0 .LBB2_1-.Ltmp4, $4  }
0x1a1: {  	[hbm:s14], [sflag:s9] =	dma.local [spmem:s19], $0x2800  }
0x1a2: {  	_ =	swait.ge [sflag:s20], $0x2800  }
0x1a3: {  	[sflag:s20] =	ssyncset.done $0x0  }
0x1a4: {  	[sflag:s20] =	ssyncadd.s32 $0xFFFFD800  }
0x1a5: {  	_ =	sfence.sel $0x180000  }
0x1a6: {  	[bflag:$0x0] =	sbarrier.arrive $0xFFFF  }
0x1a7: {  	_ =	strace $0x90000050  }
0x1a8: {  	[bflag:$0x2] =	sbarrier.arrive $0xFFFF  }
0x1a9: {  	p0 =	sne.s32 s2, $0x0;
	s0 =	rddreg [dreg:$0x2]  }
0x1aa: {  	s0 =	sadd.s32 @!p0 $0x100000, s0  }
0x1ab: {  	[sflag:s0] =	ssyncadd.tile.s32 @!p0 $0x1;
	_ =	shalt  }
.Lfunc_end2:
_tile_overlayer_lowered:
.L_overlay_start_2:
0x1ac: {  	(tag) =	ssettag $0x2  }
0x1ad: {  	s0 =	rddreg [dreg:$0x0];
	s2 =	stileid.u32  }
0x1ae: {  	s1 =	rddreg [dreg:$0x1];
	p0 =	sne.s32 s2, $0x0  }
0x1af: {  	s3 =	rddreg [dreg:$0x2];
	[bflag:$0x3] =	sbarrier.arrive $0xFFFF;
	s2 =	simm.s32 @!p0 $0x1C03  }
0x1b0: {  	[timem:s3], [sflag:s2] =	dma.local @!p0 [hbm:s0], s1  }
0x1b1: {  	s0 =	simm.s32 @!p0 $0x3  }
0x1b2: {  	_ =	swait.ge @!p0 [sflag:s0], s1  }
0x1b3: {  	s1 =	ssub.s32 @!p0 $0x0, s1;
	[sflag:s0] =	ssyncset.done @!p0 $0x0  }
0x1b4: {  	[sflag:s0] =	ssyncadd.s32 @!p0 s1  }
0x1b5: {  	[bflag:$0x3] =	sbarrier.arrive $0xFFFF  }
0x1b6: {  	_ =	shalt  }

// kernel: sc_edge_agg.5.cloned.1.call-start
scs
__scs_entry_jumppad:
0x0: {  	(pc) =	sbr.rel $0x88, $3  }
0x1: {  	(tag) =	ssettag $0x0;
	lr =	simm.s32 $0x1  }
0x2: {  	[smem:$0x3F88] =	sst lr;
	_ =	strace $0xD0000000  }
0x3: {  	_ = 	snop  }
0x4: {  	_ = 	snop  }
0x5: {  	_ = 	snop  }
0x6: {  	_ = 	snop  }
0x7: {  	_ = 	snop  }
__scs_overlays_trampoline_lowered:
0x8: {  	[smem:$0x3F97] =	sst s0  }
0x9: {  	[smem:$0x3F98] =	sst s1  }
0xa: {  	[smem:$0x3F99] =	sst s2  }
0xb: {  	[smem:$0x3F9A] =	sst s3  }
0xc: {  	[smem:$0x3F9B] =	sst s4  }
0xd: {  	[smem:$0x3F9C] =	sst s5  }
0xe: {  	[smem:$0x3F9D] =	sst s6  }
0xf: {  	[smem:$0x3F9E] =	sst s7  }
0x10: {  	[smem:$0x3F9F] =	sst s8  }
0x11: {  	[smem:$0x3FA0] =	sst s9;
	s0 =	simm.s32 @!p0 $0x0  }
0x12: {  	s1 =	sld [smem:$0x3F86];
	s0 =	simm.s32 @p0 $0x1  }
0x13: {  	[smem:$0x3FA1] =	sst s0;
	s0 =	simm.s32 @!p1 $0x0  }
0x14: {  	s2 =	sld [smem:$0x3F85];
	s0 =	simm.s32 @p1 $0x1  }
0x15: {  	[smem:$0x3FA2] =	sst s0;
	s0 =	simm.s32 @!p2 $0x0  }
0x16: {  	s3 =	sld [smem:$0x3FDB];
	s0 =	simm.s32 @p2 $0x1  }
0x17: {  	s4 =	simm.s32 $0x1BF5;
	[smem:$0x3FA4] =	sst s0  }
0x18: {  	s0 =	sld [smem:$0x3F87];
	_ =	swait.ge [sflag:s4], $0x0  }
0x19: {  	s7 =	sld [smem:$0x3F88]  }
0x1a: {  	s8 =	sadd.s32 $0xFFFFE003, lr  }
0x1b: {  	s9 =	sadd.s32 $0xFFFFFEF7, lr;
	s5 =	simm.s32 $0xFFFFFFFF;
	p2 =	slt.u32 s8, $0xFFFFF086  }
0x1c: {  	p1 =	slt.u32 s9, $0xF7A;
	s5 =	simm.s32 @!p2 $0x0  }
0x1d: {  	s5 =	simm.s32 @p1 $0x1;
	p0 =	seq.s32 s7, s2  }
0x1e: {  	s7 =	smul.u32 @!p0 $0xF7A, s2;
	p2 =	seq.s32 @!p0 s5, $0x0  }
0x1f: {  	s9 =	smul.u32 $0xF7A, s1;
	s8 =	simm.s32 @!p0 $0x1BF5;
	p2 =	por !p2, p0  }
0x20: {  	[sflag:s8] =	ssyncset.s32 @!p0 $0xFFFFF086;
	s6 =	sadd.s32 @!p0 s3, s7;
	s7 =	simm.s32 @!p0 $0x108  }
0x21: {  	s3 =	sadd.s32 s3, s9;
	s6 =	sadd.s32 @!p0 $0x88, s6;
	s7 =	simm.s32 @p2 $0x1082  }
0x22: {  	[simem:s7], [sflag:s8] =	dma.local @!p0 [hbm:s6], $0xF7A  }
0x23: {  	s9 =	sor.u32 $0xD0000000, s2;
	s6 =	simm.s32 $0x108;
	_ =	swait.ge @!p0 [sflag:s8], $0x0  }
0x24: {  	s3 =	sadd.s32 $0x88, s3;
	s6 =	simm.s32 @!p1 $0x1082;
	[sflag:s4] =	ssyncset.s32 $0xFFFFF086  }
0x25: {  	[simem:s6], [sflag:s4] =	dma.local [hbm:s3], $0xF7A  }
0x26: {  	[smem:$0x3F88] =	sst s1;
	(tag) =	ssettag s2;
	_ =	strace s9  }
0x27: {  	s1 =	sld [smem:$0x3F98]  }
0x28: {  	s2 =	sld [smem:$0x3F99]  }
0x29: {  	s4 =	sld [smem:$0x3F9B]  }
0x2a: {  	p0 =	seq.s32 s5, $0x0;
	s5 =	sld [smem:$0x3F9C]  }
0x2b: {  	s6 =	sld [smem:$0x3F9D]  }
0x2c: {  	s7 =	sld [smem:$0x3F9E]  }
0x2d: {  	s3 =	simm.s32 $0x108;
	s8 =	sld [smem:$0x3F9F]  }
0x2e: {  	s3 =	simm.s32 @!p0 $0x1082;
	s9 =	sld [smem:$0x3FA0]  }
0x2f: {  	lr =	sadd.s32 s0, s3;
	s0 =	sld [smem:$0x3F97]  }
0x30: {  	s3 =	sld [smem:$0x3F9A]  }
0x31: {  	[smem:$0x3FA3] =	sst s10  }
0x32: {  	s10 =	sld [smem:$0x3FA1];
	_ =	sdelay $0x3  }
0x33: {  	p0 =	seq.s32 s10, $0x1;
	s10 =	sld [smem:$0x3FA3];
	_ =	sdelay $0x3  }
0x34: {  	[smem:$0x3FA3] =	sst s10  }
0x35: {  	s10 =	sld [smem:$0x3FA2];
	_ =	sdelay $0x3  }
0x36: {  	p1 =	seq.s32 s10, $0x1;
	s10 =	sld [smem:$0x3FA3];
	_ =	sdelay $0x3  }
0x37: {  	[smem:$0x3FA3] =	sst s10  }
0x38: {  	s10 =	sld [smem:$0x3FA4]  }
0x39: {  	_ = 	snop;
	(pc) =	sbr.ind lr, $3  }
0x3a: {  	_ = 	snop  }
0x3b: {  	_ = 	snop  }
0x3c: {  	p2 =	seq.s32 s10, $0x1;
	s10 =	sld [smem:$0x3FA3]  }
0x3d: {  	_ =	shalt  }
0x3e: {  	_ =	shalt  }
0x3f: {  	_ =	shalt  }
0x40: {  	_ =	shalt  }
0x41: {  	_ =	shalt  }
0x42: {  	_ =	shalt  }
0x43: {  	_ =	shalt  }
0x44: {  	_ =	shalt  }
0x45: {  	_ =	shalt  }
0x46: {  	_ =	shalt  }
0x47: {  	_ =	shalt  }
0x48: {  	_ =	shalt  }
0x49: {  	_ =	shalt  }
0x4a: {  	_ =	shalt  }
0x4b: {  	_ =	shalt  }
0x4c: {  	_ =	shalt  }
0x4d: {  	_ =	shalt  }
0x4e: {  	_ =	shalt  }
0x4f: {  	_ =	shalt  }
0x50: {  	_ =	shalt  }
0x51: {  	_ =	shalt  }
0x52: {  	_ =	shalt  }
0x53: {  	_ =	shalt  }
0x54: {  	_ =	shalt  }
0x55: {  	_ =	shalt  }
0x56: {  	_ =	shalt  }
0x57: {  	_ =	shalt  }
0x58: {  	_ =	shalt  }
0x59: {  	_ =	shalt  }
0x5a: {  	_ =	shalt  }
0x5b: {  	_ =	shalt  }
0x5c: {  	_ =	shalt  }
0x5d: {  	_ =	shalt  }
0x5e: {  	_ =	shalt  }
0x5f: {  	_ =	shalt  }
0x60: {  	_ =	shalt  }
0x61: {  	_ =	shalt  }
0x62: {  	_ =	shalt  }
0x63: {  	_ =	shalt  }
0x64: {  	_ =	shalt  }
0x65: {  	_ =	shalt  }
0x66: {  	_ =	shalt  }
0x67: {  	_ =	shalt  }
0x68: {  	_ =	shalt  }
0x69: {  	_ =	shalt  }
0x6a: {  	_ =	shalt  }
0x6b: {  	_ =	shalt  }
0x6c: {  	_ =	shalt  }
0x6d: {  	_ =	shalt  }
0x6e: {  	_ =	shalt  }
0x6f: {  	_ =	shalt  }
0x70: {  	_ =	shalt  }
0x71: {  	_ =	shalt  }
0x72: {  	_ =	shalt  }
0x73: {  	_ =	shalt  }
0x74: {  	_ =	shalt  }
0x75: {  	_ =	shalt  }
0x76: {  	_ =	shalt  }
0x77: {  	_ =	shalt  }
0x78: {  	_ =	shalt  }
0x79: {  	_ =	shalt  }
0x7a: {  	_ =	shalt  }
0x7b: {  	_ =	shalt  }
0x7c: {  	_ =	shalt  }
0x7d: {  	_ =	shalt  }
0x7e: {  	_ =	shalt  }
0x7f: {  	_ =	shalt  }
0x80: {  	_ =	shalt  }
0x81: {  	_ =	shalt  }
0x82: {  	_ =	shalt  }
0x83: {  	_ =	shalt  }
0x84: {  	_ =	shalt  }
0x85: {  	_ =	shalt  }
0x86: {  	_ =	shalt  }
0x87: {  	_ =	shalt  }
.Lfunc_end0:
.L_simem_size_0:
called_computation.1_lowered:
.L_overlay_start_0:
0x88: {  	s2 =	sld [smem:$0x3FD9]  }
0x89: {  	s3 =	sld [smem:$0x3FFE];
	_ =	sdelay $0x1  }
0x8a: {  	s1 =	srdreg.scid  }
0x8b: {  	s0 =	sand.u32 $0x1, s1  }
0x8c: {  	s16 =	sshll.u32 s0, $0xA;
	s2 =	sadd.s32 s3, s2  }
0x8d: {  	s2 =	sadd.s32 s2, s16  }
0x8e: {  	[smem:$0x3FAF] =	sst s2  }
0x8f: {  	_ = 	snop  }
0x90: {  	(tm) =	ssettm $0x1  }
0x91: {  	s17 =	sld [smem:$0x3FFB];
	_ =	sdelay $0x3  }
0x92: {  	_ =	strace s17  }
0x93: {  	s2 =	sld [smem:$0x3FFC];
	_ =	sdelay $0x3  }
0x94: {  	_ =	strace s2  }
0x95: {  	s2 =	sld [smem:$0x3FFD];
	_ =	sdelay $0x3  }
0x96: {  	_ =	strace s2  }
0x97: {  	_ =	strace $0x8FFFFFFF  }
0x98: {  	s18 =	sld [smem:$0x3FDB];
	_ =	sdelay $0x1  }
0x99: {  	s19 =	simm.s32 $_scs_section_size  }
0x9a: {  	s4 =	simm.s32 $_size__tile_overlayer_lowered;
	s5 =	simm.s32 $_tile_overlayer_lowered  }
0x9b: {  	s22 =	simm.s32 $0x1BFF;
	s21 =	sshll.u32 s5, $0x1;
	s2 =	sadd.s32 s19, s18  }
0x9c: {  	s6 =	simm.s32 $0x0;
	s20 =	sshll.u32 s4, $0x1;
	s4 =	sadd.s32 s21, s2  }
0x9d: {  	[timem:s6], [sflag:s22] =	dma.local [hbm:s4], s20  }
0x9e: {  	_ =	swait.ge [sflag:s22], s20  }
0x9f: {  	s3 =	ssub.s32 $0x0, s20;
	[sflag:s22] =	ssyncset.done $0x0  }
0xa0: {  	[sflag:s22] =	ssyncadd.s32 s3;
	_ =	sdelay $0x1  }
0xa1: {  	s23 =	simm.s32 $0x1B8B  }
0xa2: {  	_ =	swait.ge [sflag:s23], $0x1  }
0xa3: {  	[sflag:s23] =	ssyncset.done $0x0  }
0xa4: {  	s25 =	simm.s32 $0x1B8E;
	s24 =	sld [smem:$0x3FFE];
	[sflag:s23] =	ssyncadd.s32 $0xFFFFFFFF  }
0xa5: {  	s26 =	simm.s32 $execute0_lowered;
	[smem:$0x3FD2] =	sst s25  }
0xa6: {  	s4 =	sshll.u32 s26, $0x1;
	_ =	strace $0x80000046;
	[dreg:$0x1] =	wrdreg $0xFFFFFFFF  }
0xa7: {  	s28 =	simm.s32 $_size_execute0_lowered;
	s2 =	sadd.s32 s2, s4;
	[dreg:$0x0] =	wrdreg $0x0  }
0xa8: {  	s4 =	sshll.u32 s28, $0x1;
	[dreg:$0x2] =	wrdreg s2  }
0xa9: {  	[dreg:$0x3] =	wrdreg s4  }
0xaa: {  	[dreg:$0x4] =	wrdreg $0xC0  }
0xab: {  	_ =	task [dreg:s6], $0x5FFFF  }
0xac: {  	[dreg:$0x1] =	wrdreg $0xFFFFFFFF  }
0xad: {  	[dreg:$0x0] =	wrdreg $0x60  }
0xae: {  	[dreg:$0x2] =	wrdreg s24  }
0xaf: {  	[dreg:$0x3] =	wrdreg $0x82000  }
0xb0: {  	[dreg:$0x4] =	wrdreg $0xA  }
0xb1: {  	_ =	task.clear_ibuf [dreg:s6], $0x5FFFF;
	_ =	strace $0x90000046  }
0xb2: {  	s29 =	simm.s32 $0xA;
	_ =	strace $0x80000048  }
0xb3: {  	_ =	swait.ge [sflag:s29], $0x1  }
0xb4: {  	[sflag:s29] =	ssyncadd.s32 $0xFFFFFFFF  }
0xb5: {  	_ =	strace $0x90000048  }
0xb6: {  	_ =	sfence  }
0xb7: {  	s30 =	sld [smem:$0x0];
	_ =	sdelay $0x2  }
0xb8: {  	s31 =	sshll.u32 s1, $0xD;
	s1 =	sshrl.u32 s1, $0x2  }
0xb9: {  	s3 =	sand.u32 $0x4000, s31;
	s1 =	sadd.s32 s1, s30  }
0xba: {  	s0 =	sor.u32 s3, s0;
	s1 =	sshll.u32 s1, $0x11  }
0xbb: {  	s0 =	sor.u32 s1, s0  }
0xbc: {  	s0 =	sadd.s32 $0x8F2B, s0  }
0xbd: {  	[sflag:s0] =	ssyncadd.remote.s32 $0x1  }
0xbe: {  	_ =	sfence.sel $0xFFFF  }
0xbf: {  	[dreg:$0x0] =	wrdreg $0xFFFFFFFF;
	(pc) =	sbr.abs _section_cstart, $3  }
0xc0: {  	[dreg:$0x1] =	wrdreg $0xFFFFFFFF  }
0xc1: {  	_ =	task.clear_ibuf [dreg:s6], $0x2FFFF;
	_ =	strace $0x9FFFFFFF  }
0xc2: {  	(tm) =	ssettm $0x7FFFFFFF  }
0xc3: {  	_ =	shalt  }
tec
execute0_lowered:
.L_overlay_start_1:
0x0: {  	(tag) =	ssettag $0x1  }
0x1: {  	s9 =	rddreg [dreg:$0x0]  }
0x2: {  	s1 =	rddreg [dreg:$0x1];
	s3 =	simm.s32 $0x0  }
0x3: {  	s2 =	srdreg.scid;
	s22 =	simm.s32 $0x200;
	s23 =	simm.s32 $0x100  }
0x4: {  	s28 =	simm.s32 $0x180;
	[smem:$0x7FF] =	sst s3;
	s10 =	sand.u32 $0x1, s2  }
0x5: {  	s29 =	simm.s32 $0x0;
	s2 =	stileid.u32;
	s7 =	smul.u32 $0x140000, s10  }
0x6: {  	s18 =	sadd.s32 $0x2EA00, s9;
	s4 =	sadd.s32 $0x168400, s9;
	s8 =	smul.u32 $0x14000, s2  }
0x7: {  	s5 =	sadd.s32 $0x7800, s9;
	s6 =	sadd.s32 $0xF2E00, s9;
	s14 =	smul.u32 $0x50000, s2  }
0x8: {  	_ =	strace $0x80000047;
	s12 =	ssub.s32 $0x2, s10;
	s17 =	smul.u32 $0xA0000, s10  }
0x9: {  	s13 =	sshll.u32 s10, $0x4;
	s30 =	sshll.u32 s2, $0x6;
	s20 =	smul.u32 $0xA000, s2  }
0xa: {  	s24 =	sshrl.u32 s12, $0x1;
	s25 =	sor.u32 s2, s13;
	s11 =	sadd.s32 s8, s7  }
0xb: {  	s7 =	sadd.s32 $0x11A000, s9;
	s8 =	sadd.s32 $0x141200, s9;
	s16 =	ssub.s32 s12, s24  }
0xc: {  	s26 =	sshrl.u32 s14, $0x2;
	s17 =	sadd.s32 s20, s17;
	s24 =	simm.s32 $0x1  }
0xd: {  	s11 =	sshrl.u32 s11, $0x3;
	s19 =	sadd.s32 s26, s1;
	s20 =	sor.u32 $0x200, s17  }
0xe: {  	s17 =	sor.u32 $0x100, s17;
	s26 =	simm.s32 $0x2;
	s15 =	sadd.s32 s11, s9  }
0xf: {  	s11 =	smul.u32 $0xA000, s25;
	s9 =	sor.u32 $0x1C03, s30;
	s20 =	sshrl.u32 s20, $0x3  }
0x10: {  	s21 =	sshrl.u32 s17, $0x3;
	s25 =	simm.s32 $0x4200;
	s12 =	sadd.s32 $0x1BAC00, s15  }
0x11: {  	s19 =	sshrl.u32 s19, $0x3;
	s13 =	sadd.s32 $0x20AC00, s15;
	s14 =	sadd.s32 $0x25AC00, s15  }
0x12: {  	s17 =	sadd.s32 s20, s18;
	s20 =	simm.s32 $0x3;
	s31 =	sshrl.u32 s11, $0x3  }
0x13: {  	s11 =	sadd.s32 $0x16AC00, s15;
	s15 =	smax.u32 s16, $0x1;
	s10 =	sadd.s32 s18, s31  }
0x14: {  	s18 =	sadd.s32 s21, s18;
	s21 =	simm.s32 $0x80;
	s16 =	sadd.s32 $0x13E0, s10  }
.LBB2_1:
0x15: {  	[spmem:s19], [sflag:s9] =	dma.local [hbm:s4], $0x2800  }
0x16: {  	_ =	swait.ge [sflag:s20], $0x2800  }
0x17: {  	[sflag:s20] =	ssyncset.done $0x0  }
0x18: {  	[sflag:s20] =	ssyncadd.s32 $0xFFFFD800  }
0x19: {  	[bflag:$0x0] =	sbarrier.arrive $0xFFFF  }
0x1a: {  	[tilespmem:s3], [sflag:$0x3] =	stream.linear.gather [hbm4b:s10+s3], $0x100, $0x38;
	[tilespmem:$0x1C200] =	vst v63  }
0x1b: {  	_ =	swait.ge [sflag:s20], $0x100  }
0x1c: {  	[sflag:s20] =	ssyncset.done $0x0  }
0x1d: {  	[sflag:s20] =	ssyncadd.s32 $0xFFFFFF00  }
0x1e: {  	[tilespmem:s22], [sflag:$0x1] =	stream.indirect.gather [hbm4b:s5+s21], $0x80, s3, s21, $0xb8;
	[tilespmem:$0x1C200] =	vst v63  }
0x1f: {  	s30 =	sadd.s32 $0x0, s18  }
0x20: {  	[tilespmem:s23], [sflag:$0x3] =	stream.linear.gather [hbm4b:s30+s3], $0x100, $0x38;
	[tilespmem:$0x1C200] =	vst v63  }
0x21: {  	_ =	swait.ge [sflag:s20], $0x100  }
0x22: {  	[sflag:s20] =	ssyncset.done $0x0  }
0x23: {  	[sflag:s20] =	ssyncadd.s32 $0xFFFFFF00  }
0x24: {  	_ =	swait.ge [sflag:s24], $0x4000  }
0x25: {  	[sflag:s24] =	ssyncset.done $0x0  }
0x26: {  	[sflag:s24] =	ssyncadd.s32 $0xFFFFC000  }
0x27: {  	[tilespmem:s25], [sflag:$0x2] =	stream.indirect.gather [hbm4b:s5+s21], $0x80, s23, s21, $0xb8;
	[tilespmem:$0x1C200] =	vst v63  }
0x28: {  	_ = 	snop  }
0x29: {  	[spmem:s1] =	stream.indirect.scatter.add.f32 [tilespmem:s22], [sflag:$0x3], $0x80, s21, s21, $0xb8;
	[tilespmem:$0x1C200] =	vst v63  }
0x2a: {  	_ =	swait.ge [sflag:s20], $0x4000  }
0x2b: {  	[sflag:s20] =	ssyncset.done $0x0  }
0x2c: {  	s30 =	sadd.s32 $0x0, s17;
	[sflag:s20] =	ssyncadd.s32 $0xFFFFC000  }
0x2d: {  	[tilespmem:s3], [sflag:$0x3] =	stream.linear.gather [hbm4b:s30+s3], $0x100, $0x38;
	[tilespmem:$0x1C200] =	vst v63  }
0x2e: {  	_ =	swait.ge [sflag:s20], $0x100  }
0x2f: {  	[sflag:s20] =	ssyncset.done $0x0  }
0x30: {  	[sflag:s20] =	ssyncadd.s32 $0xFFFFFF00  }
0x31: {  	_ =	swait.ge [sflag:s26], $0x4000  }
0x32: {  	[sflag:s26] =	ssyncset.done $0x0  }
0x33: {  	[sflag:s26] =	ssyncadd.s32 $0xFFFFC000  }
0x34: {  	[tilespmem:s22], [sflag:$0x1] =	stream.indirect.gather [hbm4b:s5+s21], $0x80, s3, s21, $0xb8;
	[tilespmem:$0x1C200] =	vst v63  }
0x35: {  	_ = 	snop  }
0x36: {  	[spmem:s1] =	stream.indirect.scatter.add.f32 [tilespmem:s25], [sflag:$0x3], $0x80, s28, s21, $0xb8;
	[tilespmem:$0x1C200] =	vst v63  }
0x37: {  	_ =	swait.ge [sflag:s20], $0x4000  }
0x38: {  	s30 =	simm.s32 $0x40;
	[sflag:s20] =	ssyncset.done $0x0  }
.LBB2_2:
0x39: {  	p0 =	sne.s32 s30, $0x1380  }
0x3a: {  	[sflag:s20] =	ssyncadd.s32 $0xFFFFC000;
	s31 =	smov.u32 s30;
	s30 =	sadd.s32 $0x40, s30  }
0x3b: {  	s0 =	sadd.s32 s31, s18  }
0x3c: {  	[tilespmem:s23], [sflag:$0x3] =	stream.linear.gather [hbm4b:s0+s3], $0x100, $0x38;
	[tilespmem:$0x1C200] =	vst v63  }
0x3d: {  	_ =	swait.ge [sflag:s20], $0x100  }
0x3e: {  	[sflag:s20] =	ssyncset.done $0x0  }
0x3f: {  	[sflag:s20] =	ssyncadd.s32 $0xFFFFFF00  }
0x40: {  	_ =	swait.ge [sflag:s24], $0x4000  }
0x41: {  	[sflag:s24] =	ssyncset.done $0x0  }
0x42: {  	[sflag:s24] =	ssyncadd.s32 $0xFFFFC000  }
0x43: {  	[tilespmem:s25], [sflag:$0x2] =	stream.indirect.gather [hbm4b:s5+s21], $0x80, s23, s21, $0xb8;
	[tilespmem:$0x1C200] =	vst v63  }
0x44: {  	_ = 	snop  }
0x45: {  	[spmem:s1] =	stream.indirect.scatter.add.f32 [tilespmem:s22], [sflag:$0x3], $0x80, s21, s21, $0xb8;
	[tilespmem:$0x1C200] =	vst v63  }
0x46: {  	_ =	swait.ge [sflag:s20], $0x4000  }
0x47: {  	[sflag:s20] =	ssyncset.done $0x0  }
0x48: {  	s0 =	sadd.s32 s31, s17;
	[sflag:s20] =	ssyncadd.s32 $0xFFFFC000  }
0x49: {  	[tilespmem:s3], [sflag:$0x3] =	stream.linear.gather [hbm4b:s0+s3], $0x100, $0x38;
	[tilespmem:$0x1C200] =	vst v63  }
0x4a: {  	_ =	swait.ge [sflag:s20], $0x100  }
0x4b: {  	[sflag:s20] =	ssyncset.done $0x0  }
0x4c: {  	[sflag:s20] =	ssyncadd.s32 $0xFFFFFF00  }
0x4d: {  	_ =	swait.ge [sflag:s26], $0x4000  }
0x4e: {  	[sflag:s26] =	ssyncset.done $0x0  }
0x4f: {  	[sflag:s26] =	ssyncadd.s32 $0xFFFFC000  }
0x50: {  	[tilespmem:s22], [sflag:$0x1] =	stream.indirect.gather [hbm4b:s5+s21], $0x80, s3, s21, $0xb8;
	[tilespmem:$0x1C200] =	vst v63  }
.Ltmp0:
0x51: {  	_ = 	snop;
	(pc) =	sbr.rel @p0 .LBB2_2-.Ltmp0, $4  }
0x52: {  	_ = 	snop  }
0x53: {  	[spmem:s1] =	stream.indirect.scatter.add.f32 [tilespmem:s25], [sflag:$0x3], $0x80, s28, s21, $0xb8;
	[tilespmem:$0x1C200] =	vst v63  }
0x54: {  	_ =	swait.ge [sflag:s20], $0x4000  }
0x55: {  	[sflag:s20] =	ssyncset.done $0x0  }
0x56: {  	[sflag:s20] =	ssyncadd.s32 $0xFFFFC000;
	s0 =	simm.s32 $0x0  }
0x57: {  	[tilespmem:s23], [sflag:$0x3] =	stream.linear.gather [hbm4b:s16+s0], $0x100, $0x38;
	[tilespmem:$0x1C200] =	vst v63  }
0x58: {  	_ =	swait.ge [sflag:s20], $0x100  }
0x59: {  	[sflag:s20] =	ssyncset.done $0x0  }
0x5a: {  	[sflag:s20] =	ssyncadd.s32 $0xFFFFFF00  }
0x5b: {  	_ =	swait.ge [sflag:s24], $0x4000  }
0x5c: {  	[sflag:s24] =	ssyncset.done $0x0  }
0x5d: {  	[sflag:s24] =	ssyncadd.s32 $0xFFFFC000  }
0x5e: {  	[tilespmem:s25], [sflag:$0x2] =	stream.indirect.gather [hbm4b:s5+s21], $0x80, s23, s21, $0xb8;
	[tilespmem:$0x1C200] =	vst v63  }
0x5f: {  	_ = 	snop  }
0x60: {  	[spmem:s1] =	stream.indirect.scatter.add.f32 [tilespmem:s22], [sflag:$0x3], $0x80, s21, s21, $0xb8;
	[tilespmem:$0x1C200] =	vst v63  }
0x61: {  	_ =	swait.ge [sflag:s20], $0x4000  }
0x62: {  	[sflag:s20] =	ssyncset.done $0x0  }
0x63: {  	[sflag:s20] =	ssyncadd.s32 $0xFFFFC000  }
0x64: {  	[tilespmem:s0], [sflag:$0x3] =	stream.linear.gather [hbm4b:s10+s0], $0x100, $0x38;
	[tilespmem:$0x1C200] =	vst v63  }
0x65: {  	_ =	swait.ge [sflag:s20], $0x100  }
0x66: {  	[sflag:s20] =	ssyncset.done $0x0  }
0x67: {  	[sflag:s20] =	ssyncadd.s32 $0xFFFFFF00  }
0x68: {  	_ =	swait.ge [sflag:s26], $0x4000  }
0x69: {  	[sflag:s26] =	ssyncset.done $0x0  }
0x6a: {  	[sflag:s26] =	ssyncadd.s32 $0xFFFFC000  }
0x6b: {  	[tilespmem:s22], [sflag:$0x1] =	stream.indirect.gather [hbm4b:s5+s21], $0x80, s0, s21, $0xb8;
	[tilespmem:$0x1C200] =	vst v63  }
0x6c: {  	_ = 	snop  }
0x6d: {  	[spmem:s1] =	stream.indirect.scatter.add.f32 [tilespmem:s25], [sflag:$0x3], $0x80, s28, s21, $0xb8;
	[tilespmem:$0x1C200] =	vst v63  }
0x6e: {  	_ =	swait.ge [sflag:s20], $0x4000  }
0x6f: {  	[sflag:s20] =	ssyncset.done $0x0  }
0x70: {  	[sflag:s20] =	ssyncadd.s32 $0xFFFFC000  }
0x71: {  	_ =	swait.ge [sflag:s24], $0x4000  }
0x72: {  	[sflag:s24] =	ssyncset.done $0x0  }
0x73: {  	[sflag:s24] =	ssyncadd.s32 $0xFFFFC000  }
0x74: {  	[bflag:$0x0] =	sbarrier.arrive $0xFFFF  }
0x75: {  	[hbm:s11], [sflag:s9] =	dma.local [spmem:s19], $0x2800  }
0x76: {  	_ =	swait.ge [sflag:s20], $0x2800  }
0x77: {  	[sflag:s20] =	ssyncset.done $0x0  }
0x78: {  	[sflag:s20] =	ssyncadd.s32 $0xFFFFD800  }
0x79: {  	[spmem:s19], [sflag:s9] =	dma.local [hbm:s4], $0x2800  }
0x7a: {  	_ =	swait.ge [sflag:s20], $0x2800  }
0x7b: {  	[sflag:s20] =	ssyncset.done $0x0  }
0x7c: {  	[sflag:s20] =	ssyncadd.s32 $0xFFFFD800  }
0x7d: {  	[bflag:$0x0] =	sbarrier.arrive $0xFFFF  }
0x7e: {  	[tilespmem:s0], [sflag:$0x3] =	stream.linear.gather [hbm4b:s10+s0], $0x100, $0x38;
	[tilespmem:$0x1C200] =	vst v63  }
0x7f: {  	_ =	swait.ge [sflag:s20], $0x100  }
0x80: {  	[sflag:s20] =	ssyncset.done $0x0  }
0x81: {  	[sflag:s20] =	ssyncadd.s32 $0xFFFFFF00  }
0x82: {  	[tilespmem:s22], [sflag:$0x1] =	stream.indirect.gather [hbm4b:s6+s21], $0x80, s0, s21, $0xb8;
	[tilespmem:$0x1C200] =	vst v63  }
0x83: {  	s31 =	sadd.s32 $0x0, s18  }
0x84: {  	[tilespmem:s23], [sflag:$0x3] =	stream.linear.gather [hbm4b:s31+s3], $0x100, $0x38;
	[tilespmem:$0x1C200] =	vst v63  }
0x85: {  	_ =	swait.ge [sflag:s20], $0x100  }
0x86: {  	[sflag:s20] =	ssyncset.done $0x0  }
0x87: {  	[sflag:s20] =	ssyncadd.s32 $0xFFFFFF00  }
0x88: {  	_ =	swait.ge [sflag:s24], $0x4000  }
0x89: {  	[sflag:s24] =	ssyncset.done $0x0  }
0x8a: {  	[sflag:s24] =	ssyncadd.s32 $0xFFFFC000  }
0x8b: {  	[tilespmem:s25], [sflag:$0x2] =	stream.indirect.gather [hbm4b:s6+s21], $0x80, s23, s21, $0xb8;
	[tilespmem:$0x1C200] =	vst v63  }
0x8c: {  	_ = 	snop  }
0x8d: {  	[spmem:s1] =	stream.indirect.scatter.add.f32 [tilespmem:s22], [sflag:$0x3], $0x80, s21, s21, $0xb8;
	[tilespmem:$0x1C200] =	vst v63  }
0x8e: {  	_ =	swait.ge [sflag:s20], $0x4000  }
0x8f: {  	[sflag:s20] =	ssyncset.done $0x0  }
0x90: {  	s31 =	sadd.s32 $0x0, s17;
	[sflag:s20] =	ssyncadd.s32 $0xFFFFC000  }
0x91: {  	[tilespmem:s3], [sflag:$0x3] =	stream.linear.gather [hbm4b:s31+s3], $0x100, $0x38;
	[tilespmem:$0x1C200] =	vst v63  }
0x92: {  	_ =	swait.ge [sflag:s20], $0x100  }
0x93: {  	[sflag:s20] =	ssyncset.done $0x0  }
0x94: {  	[sflag:s20] =	ssyncadd.s32 $0xFFFFFF00  }
0x95: {  	_ =	swait.ge [sflag:s26], $0x4000  }
0x96: {  	[sflag:s26] =	ssyncset.done $0x0  }
0x97: {  	[sflag:s26] =	ssyncadd.s32 $0xFFFFC000  }
0x98: {  	[tilespmem:s22], [sflag:$0x1] =	stream.indirect.gather [hbm4b:s6+s21], $0x80, s3, s21, $0xb8;
	[tilespmem:$0x1C200] =	vst v63  }
0x99: {  	_ = 	snop  }
0x9a: {  	[spmem:s1] =	stream.indirect.scatter.add.f32 [tilespmem:s25], [sflag:$0x3], $0x80, s28, s21, $0xb8;
	[tilespmem:$0x1C200] =	vst v63  }
0x9b: {  	_ =	swait.ge [sflag:s20], $0x4000  }
0x9c: {  	s30 =	simm.s32 $0x40;
	[sflag:s20] =	ssyncset.done $0x0  }
.LBB2_4:
0x9d: {  	p0 =	sne.s32 s30, $0x1380  }
0x9e: {  	[sflag:s20] =	ssyncadd.s32 $0xFFFFC000;
	s0 =	smov.u32 s30;
	s30 =	sadd.s32 $0x40, s30  }
0x9f: {  	s31 =	sadd.s32 s0, s18  }
0xa0: {  	[tilespmem:s23], [sflag:$0x3] =	stream.linear.gather [hbm4b:s31+s3], $0x100, $0x38;
	[tilespmem:$0x1C200] =	vst v63  }
0xa1: {  	_ =	swait.ge [sflag:s20], $0x100  }
0xa2: {  	[sflag:s20] =	ssyncset.done $0x0  }
0xa3: {  	[sflag:s20] =	ssyncadd.s32 $0xFFFFFF00  }
0xa4: {  	_ =	swait.ge [sflag:s24], $0x4000  }
0xa5: {  	[sflag:s24] =	ssyncset.done $0x0  }
0xa6: {  	[sflag:s24] =	ssyncadd.s32 $0xFFFFC000  }
0xa7: {  	[tilespmem:s25], [sflag:$0x2] =	stream.indirect.gather [hbm4b:s6+s21], $0x80, s23, s21, $0xb8;
	[tilespmem:$0x1C200] =	vst v63  }
0xa8: {  	_ = 	snop  }
0xa9: {  	[spmem:s1] =	stream.indirect.scatter.add.f32 [tilespmem:s22], [sflag:$0x3], $0x80, s21, s21, $0xb8;
	[tilespmem:$0x1C200] =	vst v63  }
0xaa: {  	_ =	swait.ge [sflag:s20], $0x4000  }
0xab: {  	[sflag:s20] =	ssyncset.done $0x0  }
0xac: {  	s0 =	sadd.s32 s0, s17;
	[sflag:s20] =	ssyncadd.s32 $0xFFFFC000  }
0xad: {  	[tilespmem:s3], [sflag:$0x3] =	stream.linear.gather [hbm4b:s0+s3], $0x100, $0x38;
	[tilespmem:$0x1C200] =	vst v63  }
0xae: {  	_ =	swait.ge [sflag:s20], $0x100  }
0xaf: {  	[sflag:s20] =	ssyncset.done $0x0  }
0xb0: {  	[sflag:s20] =	ssyncadd.s32 $0xFFFFFF00  }
0xb1: {  	_ =	swait.ge [sflag:s26], $0x4000  }
0xb2: {  	[sflag:s26] =	ssyncset.done $0x0  }
0xb3: {  	[sflag:s26] =	ssyncadd.s32 $0xFFFFC000  }
0xb4: {  	[tilespmem:s22], [sflag:$0x1] =	stream.indirect.gather [hbm4b:s6+s21], $0x80, s3, s21, $0xb8;
	[tilespmem:$0x1C200] =	vst v63  }
.Ltmp1:
0xb5: {  	_ = 	snop;
	(pc) =	sbr.rel @p0 .LBB2_4-.Ltmp1, $4  }
0xb6: {  	_ = 	snop  }
0xb7: {  	[spmem:s1] =	stream.indirect.scatter.add.f32 [tilespmem:s25], [sflag:$0x3], $0x80, s28, s21, $0xb8;
	[tilespmem:$0x1C200] =	vst v63  }
0xb8: {  	_ =	swait.ge [sflag:s20], $0x4000  }
0xb9: {  	[sflag:s20] =	ssyncset.done $0x0  }
0xba: {  	[sflag:s20] =	ssyncadd.s32 $0xFFFFC000;
	s0 =	simm.s32 $0x0  }
0xbb: {  	[tilespmem:s23], [sflag:$0x3] =	stream.linear.gather [hbm4b:s16+s0], $0x100, $0x38;
	[tilespmem:$0x1C200] =	vst v63  }
0xbc: {  	_ =	swait.ge [sflag:s20], $0x100  }
0xbd: {  	[sflag:s20] =	ssyncset.done $0x0  }
0xbe: {  	[sflag:s20] =	ssyncadd.s32 $0xFFFFFF00  }
0xbf: {  	_ =	swait.ge [sflag:s24], $0x4000  }
0xc0: {  	[sflag:s24] =	ssyncset.done $0x0  }
0xc1: {  	[sflag:s24] =	ssyncadd.s32 $0xFFFFC000  }
0xc2: {  	[tilespmem:s25], [sflag:$0x2] =	stream.indirect.gather [hbm4b:s6+s21], $0x80, s23, s21, $0xb8;
	[tilespmem:$0x1C200] =	vst v63  }
0xc3: {  	_ = 	snop  }
0xc4: {  	[spmem:s1] =	stream.indirect.scatter.add.f32 [tilespmem:s22], [sflag:$0x3], $0x80, s21, s21, $0xb8;
	[tilespmem:$0x1C200] =	vst v63  }
0xc5: {  	_ =	swait.ge [sflag:s20], $0x4000  }
0xc6: {  	[sflag:s20] =	ssyncset.done $0x0  }
0xc7: {  	[sflag:s20] =	ssyncadd.s32 $0xFFFFC000  }
0xc8: {  	[tilespmem:s0], [sflag:$0x3] =	stream.linear.gather [hbm4b:s10+s0], $0x100, $0x38;
	[tilespmem:$0x1C200] =	vst v63  }
0xc9: {  	_ =	swait.ge [sflag:s20], $0x100  }
0xca: {  	[sflag:s20] =	ssyncset.done $0x0  }
0xcb: {  	[sflag:s20] =	ssyncadd.s32 $0xFFFFFF00  }
0xcc: {  	_ =	swait.ge [sflag:s26], $0x4000  }
0xcd: {  	[sflag:s26] =	ssyncset.done $0x0  }
0xce: {  	[sflag:s26] =	ssyncadd.s32 $0xFFFFC000  }
0xcf: {  	[tilespmem:s22], [sflag:$0x1] =	stream.indirect.gather [hbm4b:s6+s21], $0x80, s0, s21, $0xb8;
	[tilespmem:$0x1C200] =	vst v63  }
0xd0: {  	_ = 	snop  }
0xd1: {  	[spmem:s1] =	stream.indirect.scatter.add.f32 [tilespmem:s25], [sflag:$0x3], $0x80, s28, s21, $0xb8;
	[tilespmem:$0x1C200] =	vst v63  }
0xd2: {  	_ =	swait.ge [sflag:s20], $0x4000  }
0xd3: {  	[sflag:s20] =	ssyncset.done $0x0  }
0xd4: {  	[sflag:s20] =	ssyncadd.s32 $0xFFFFC000  }
0xd5: {  	_ =	swait.ge [sflag:s24], $0x4000  }
0xd6: {  	[sflag:s24] =	ssyncset.done $0x0  }
0xd7: {  	[sflag:s24] =	ssyncadd.s32 $0xFFFFC000  }
0xd8: {  	[bflag:$0x0] =	sbarrier.arrive $0xFFFF  }
0xd9: {  	[hbm:s12], [sflag:s9] =	dma.local [spmem:s19], $0x2800  }
0xda: {  	_ =	swait.ge [sflag:s20], $0x2800  }
0xdb: {  	[sflag:s20] =	ssyncset.done $0x0  }
0xdc: {  	[sflag:s20] =	ssyncadd.s32 $0xFFFFD800  }
0xdd: {  	[spmem:s19], [sflag:s9] =	dma.local [hbm:s4], $0x2800  }
0xde: {  	_ =	swait.ge [sflag:s20], $0x2800  }
0xdf: {  	[sflag:s20] =	ssyncset.done $0x0  }
0xe0: {  	[sflag:s20] =	ssyncadd.s32 $0xFFFFD800  }
0xe1: {  	[bflag:$0x0] =	sbarrier.arrive $0xFFFF  }
0xe2: {  	[tilespmem:s0], [sflag:$0x3] =	stream.linear.gather [hbm4b:s10+s0], $0x100, $0x38;
	[tilespmem:$0x1C200] =	vst v63  }
0xe3: {  	_ =	swait.ge [sflag:s20], $0x100  }
0xe4: {  	[sflag:s20] =	ssyncset.done $0x0  }
0xe5: {  	[sflag:s20] =	ssyncadd.s32 $0xFFFFFF00  }
0xe6: {  	[tilespmem:s22], [sflag:$0x1] =	stream.indirect.gather [hbm4b:s7+s21], $0x80, s0, s21, $0xb8;
	[tilespmem:$0x1C200] =	vst v63  }
0xe7: {  	s31 =	sadd.s32 $0x0, s18  }
0xe8: {  	[tilespmem:s23], [sflag:$0x3] =	stream.linear.gather [hbm4b:s31+s3], $0x100, $0x38;
	[tilespmem:$0x1C200] =	vst v63  }
0xe9: {  	_ =	swait.ge [sflag:s20], $0x100  }
0xea: {  	[sflag:s20] =	ssyncset.done $0x0  }
0xeb: {  	[sflag:s20] =	ssyncadd.s32 $0xFFFFFF00  }
0xec: {  	_ =	swait.ge [sflag:s24], $0x4000  }
0xed: {  	[sflag:s24] =	ssyncset.done $0x0  }
0xee: {  	[sflag:s24] =	ssyncadd.s32 $0xFFFFC000  }
0xef: {  	[tilespmem:s25], [sflag:$0x2] =	stream.indirect.gather [hbm4b:s7+s21], $0x80, s23, s21, $0xb8;
	[tilespmem:$0x1C200] =	vst v63  }
0xf0: {  	_ = 	snop  }
0xf1: {  	[spmem:s1] =	stream.indirect.scatter.add.f32 [tilespmem:s22], [sflag:$0x3], $0x80, s21, s21, $0xb8;
	[tilespmem:$0x1C200] =	vst v63  }
0xf2: {  	_ =	swait.ge [sflag:s20], $0x4000  }
0xf3: {  	[sflag:s20] =	ssyncset.done $0x0  }
0xf4: {  	s31 =	sadd.s32 $0x0, s17;
	[sflag:s20] =	ssyncadd.s32 $0xFFFFC000  }
0xf5: {  	[tilespmem:s3], [sflag:$0x3] =	stream.linear.gather [hbm4b:s31+s3], $0x100, $0x38;
	[tilespmem:$0x1C200] =	vst v63  }
0xf6: {  	_ =	swait.ge [sflag:s20], $0x100  }
0xf7: {  	[sflag:s20] =	ssyncset.done $0x0  }
0xf8: {  	[sflag:s20] =	ssyncadd.s32 $0xFFFFFF00  }
0xf9: {  	_ =	swait.ge [sflag:s26], $0x4000  }
0xfa: {  	[sflag:s26] =	ssyncset.done $0x0  }
0xfb: {  	[sflag:s26] =	ssyncadd.s32 $0xFFFFC000  }
0xfc: {  	[tilespmem:s22], [sflag:$0x1] =	stream.indirect.gather [hbm4b:s7+s21], $0x80, s3, s21, $0xb8;
	[tilespmem:$0x1C200] =	vst v63  }
0xfd: {  	_ = 	snop  }
0xfe: {  	[spmem:s1] =	stream.indirect.scatter.add.f32 [tilespmem:s25], [sflag:$0x3], $0x80, s28, s21, $0xb8;
	[tilespmem:$0x1C200] =	vst v63  }
0xff: {  	_ =	swait.ge [sflag:s20], $0x4000  }
0x100: {  	s30 =	simm.s32 $0x40;
	[sflag:s20] =	ssyncset.done $0x0  }
.LBB2_6:
0x101: {  	p0 =	sne.s32 s30, $0x1380  }
0x102: {  	[sflag:s20] =	ssyncadd.s32 $0xFFFFC000;
	s0 =	smov.u32 s30;
	s30 =	sadd.s32 $0x40, s30  }
0x103: {  	s31 =	sadd.s32 s0, s18  }
0x104: {  	[tilespmem:s23], [sflag:$0x3] =	stream.linear.gather [hbm4b:s31+s3], $0x100, $0x38;
	[tilespmem:$0x1C200] =	vst v63  }
0x105: {  	_ =	swait.ge [sflag:s20], $0x100  }
0x106: {  	[sflag:s20] =	ssyncset.done $0x0  }
0x107: {  	[sflag:s20] =	ssyncadd.s32 $0xFFFFFF00  }
0x108: {  	_ =	swait.ge [sflag:s24], $0x4000  }
0x109: {  	[sflag:s24] =	ssyncset.done $0x0  }
0x10a: {  	[sflag:s24] =	ssyncadd.s32 $0xFFFFC000  }
0x10b: {  	[tilespmem:s25], [sflag:$0x2] =	stream.indirect.gather [hbm4b:s7+s21], $0x80, s23, s21, $0xb8;
	[tilespmem:$0x1C200] =	vst v63  }
0x10c: {  	_ = 	snop  }
0x10d: {  	[spmem:s1] =	stream.indirect.scatter.add.f32 [tilespmem:s22], [sflag:$0x3], $0x80, s21, s21, $0xb8;
	[tilespmem:$0x1C200] =	vst v63  }
0x10e: {  	_ =	swait.ge [sflag:s20], $0x4000  }
0x10f: {  	[sflag:s20] =	ssyncset.done $0x0  }
0x110: {  	s0 =	sadd.s32 s0, s17;
	[sflag:s20] =	ssyncadd.s32 $0xFFFFC000  }
0x111: {  	[tilespmem:s3], [sflag:$0x3] =	stream.linear.gather [hbm4b:s0+s3], $0x100, $0x38;
	[tilespmem:$0x1C200] =	vst v63  }
0x112: {  	_ =	swait.ge [sflag:s20], $0x100  }
0x113: {  	[sflag:s20] =	ssyncset.done $0x0  }
0x114: {  	[sflag:s20] =	ssyncadd.s32 $0xFFFFFF00  }
0x115: {  	_ =	swait.ge [sflag:s26], $0x4000  }
0x116: {  	[sflag:s26] =	ssyncset.done $0x0  }
0x117: {  	[sflag:s26] =	ssyncadd.s32 $0xFFFFC000  }
0x118: {  	[tilespmem:s22], [sflag:$0x1] =	stream.indirect.gather [hbm4b:s7+s21], $0x80, s3, s21, $0xb8;
	[tilespmem:$0x1C200] =	vst v63  }
.Ltmp2:
0x119: {  	_ = 	snop;
	(pc) =	sbr.rel @p0 .LBB2_6-.Ltmp2, $4  }
0x11a: {  	_ = 	snop  }
0x11b: {  	[spmem:s1] =	stream.indirect.scatter.add.f32 [tilespmem:s25], [sflag:$0x3], $0x80, s28, s21, $0xb8;
	[tilespmem:$0x1C200] =	vst v63  }
0x11c: {  	_ =	swait.ge [sflag:s20], $0x4000  }
0x11d: {  	[sflag:s20] =	ssyncset.done $0x0  }
0x11e: {  	[sflag:s20] =	ssyncadd.s32 $0xFFFFC000;
	s0 =	simm.s32 $0x0  }
0x11f: {  	[tilespmem:s23], [sflag:$0x3] =	stream.linear.gather [hbm4b:s16+s0], $0x100, $0x38;
	[tilespmem:$0x1C200] =	vst v63  }
0x120: {  	_ =	swait.ge [sflag:s20], $0x100  }
0x121: {  	[sflag:s20] =	ssyncset.done $0x0  }
0x122: {  	[sflag:s20] =	ssyncadd.s32 $0xFFFFFF00  }
0x123: {  	_ =	swait.ge [sflag:s24], $0x4000  }
0x124: {  	[sflag:s24] =	ssyncset.done $0x0  }
0x125: {  	[sflag:s24] =	ssyncadd.s32 $0xFFFFC000  }
0x126: {  	[tilespmem:s25], [sflag:$0x2] =	stream.indirect.gather [hbm4b:s7+s21], $0x80, s23, s21, $0xb8;
	[tilespmem:$0x1C200] =	vst v63  }
0x127: {  	_ = 	snop  }
0x128: {  	[spmem:s1] =	stream.indirect.scatter.add.f32 [tilespmem:s22], [sflag:$0x3], $0x80, s21, s21, $0xb8;
	[tilespmem:$0x1C200] =	vst v63  }
0x129: {  	_ =	swait.ge [sflag:s20], $0x4000  }
0x12a: {  	[sflag:s20] =	ssyncset.done $0x0  }
0x12b: {  	[sflag:s20] =	ssyncadd.s32 $0xFFFFC000  }
0x12c: {  	[tilespmem:s0], [sflag:$0x3] =	stream.linear.gather [hbm4b:s10+s0], $0x100, $0x38;
	[tilespmem:$0x1C200] =	vst v63  }
0x12d: {  	_ =	swait.ge [sflag:s20], $0x100  }
0x12e: {  	[sflag:s20] =	ssyncset.done $0x0  }
0x12f: {  	[sflag:s20] =	ssyncadd.s32 $0xFFFFFF00  }
0x130: {  	_ =	swait.ge [sflag:s26], $0x4000  }
0x131: {  	[sflag:s26] =	ssyncset.done $0x0  }
0x132: {  	[sflag:s26] =	ssyncadd.s32 $0xFFFFC000  }
0x133: {  	[tilespmem:s22], [sflag:$0x1] =	stream.indirect.gather [hbm4b:s7+s21], $0x80, s0, s21, $0xb8;
	[tilespmem:$0x1C200] =	vst v63  }
0x134: {  	_ = 	snop  }
0x135: {  	[spmem:s1] =	stream.indirect.scatter.add.f32 [tilespmem:s25], [sflag:$0x3], $0x80, s28, s21, $0xb8;
	[tilespmem:$0x1C200] =	vst v63  }
0x136: {  	_ =	swait.ge [sflag:s20], $0x4000  }
0x137: {  	[sflag:s20] =	ssyncset.done $0x0  }
0x138: {  	[sflag:s20] =	ssyncadd.s32 $0xFFFFC000  }
0x139: {  	_ =	swait.ge [sflag:s24], $0x4000  }
0x13a: {  	[sflag:s24] =	ssyncset.done $0x0  }
0x13b: {  	[sflag:s24] =	ssyncadd.s32 $0xFFFFC000  }
0x13c: {  	[bflag:$0x0] =	sbarrier.arrive $0xFFFF  }
0x13d: {  	[hbm:s13], [sflag:s9] =	dma.local [spmem:s19], $0x2800  }
0x13e: {  	_ =	swait.ge [sflag:s20], $0x2800  }
0x13f: {  	[sflag:s20] =	ssyncset.done $0x0  }
0x140: {  	[sflag:s20] =	ssyncadd.s32 $0xFFFFD800  }
0x141: {  	[spmem:s19], [sflag:s9] =	dma.local [hbm:s4], $0x2800  }
0x142: {  	_ =	swait.ge [sflag:s20], $0x2800  }
0x143: {  	[sflag:s20] =	ssyncset.done $0x0  }
0x144: {  	[sflag:s20] =	ssyncadd.s32 $0xFFFFD800  }
0x145: {  	[bflag:$0x0] =	sbarrier.arrive $0xFFFF  }
0x146: {  	[tilespmem:s0], [sflag:$0x3] =	stream.linear.gather [hbm4b:s10+s0], $0x100, $0x38;
	[tilespmem:$0x1C200] =	vst v63  }
0x147: {  	_ =	swait.ge [sflag:s20], $0x100  }
0x148: {  	[sflag:s20] =	ssyncset.done $0x0  }
0x149: {  	[sflag:s20] =	ssyncadd.s32 $0xFFFFFF00  }
0x14a: {  	[tilespmem:s22], [sflag:$0x1] =	stream.indirect.gather [hbm4b:s8+s21], $0x80, s0, s21, $0xb8;
	[tilespmem:$0x1C200] =	vst v63  }
0x14b: {  	s31 =	sadd.s32 $0x0, s18  }
0x14c: {  	[tilespmem:s23], [sflag:$0x3] =	stream.linear.gather [hbm4b:s31+s3], $0x100, $0x38;
	[tilespmem:$0x1C200] =	vst v63  }
0x14d: {  	_ =	swait.ge [sflag:s20], $0x100  }
0x14e: {  	[sflag:s20] =	ssyncset.done $0x0  }
0x14f: {  	[sflag:s20] =	ssyncadd.s32 $0xFFFFFF00  }
0x150: {  	_ =	swait.ge [sflag:s24], $0x4000  }
0x151: {  	[sflag:s24] =	ssyncset.done $0x0  }
0x152: {  	[sflag:s24] =	ssyncadd.s32 $0xFFFFC000  }
0x153: {  	[tilespmem:s25], [sflag:$0x2] =	stream.indirect.gather [hbm4b:s8+s21], $0x80, s23, s21, $0xb8;
	[tilespmem:$0x1C200] =	vst v63  }
0x154: {  	_ = 	snop  }
0x155: {  	[spmem:s1] =	stream.indirect.scatter.add.f32 [tilespmem:s22], [sflag:$0x3], $0x80, s21, s21, $0xb8;
	[tilespmem:$0x1C200] =	vst v63  }
0x156: {  	_ =	swait.ge [sflag:s20], $0x4000  }
0x157: {  	[sflag:s20] =	ssyncset.done $0x0  }
0x158: {  	s31 =	sadd.s32 $0x0, s17;
	[sflag:s20] =	ssyncadd.s32 $0xFFFFC000  }
0x159: {  	[tilespmem:s3], [sflag:$0x3] =	stream.linear.gather [hbm4b:s31+s3], $0x100, $0x38;
	[tilespmem:$0x1C200] =	vst v63  }
0x15a: {  	_ =	swait.ge [sflag:s20], $0x100  }
0x15b: {  	[sflag:s20] =	ssyncset.done $0x0  }
0x15c: {  	[sflag:s20] =	ssyncadd.s32 $0xFFFFFF00  }
0x15d: {  	_ =	swait.ge [sflag:s26], $0x4000  }
0x15e: {  	[sflag:s26] =	ssyncset.done $0x0  }
0x15f: {  	[sflag:s26] =	ssyncadd.s32 $0xFFFFC000  }
0x160: {  	[tilespmem:s22], [sflag:$0x1] =	stream.indirect.gather [hbm4b:s8+s21], $0x80, s3, s21, $0xb8;
	[tilespmem:$0x1C200] =	vst v63  }
0x161: {  	_ = 	snop  }
0x162: {  	[spmem:s1] =	stream.indirect.scatter.add.f32 [tilespmem:s25], [sflag:$0x3], $0x80, s28, s21, $0xb8;
	[tilespmem:$0x1C200] =	vst v63  }
0x163: {  	_ =	swait.ge [sflag:s20], $0x4000  }
0x164: {  	s30 =	simm.s32 $0x40;
	[sflag:s20] =	ssyncset.done $0x0  }
.LBB2_8:
0x165: {  	p0 =	sne.s32 s30, $0x1380  }
0x166: {  	[sflag:s20] =	ssyncadd.s32 $0xFFFFC000;
	s0 =	smov.u32 s30;
	s30 =	sadd.s32 $0x40, s30  }
0x167: {  	s31 =	sadd.s32 s0, s18  }
0x168: {  	[tilespmem:s23], [sflag:$0x3] =	stream.linear.gather [hbm4b:s31+s3], $0x100, $0x38;
	[tilespmem:$0x1C200] =	vst v63  }
0x169: {  	_ =	swait.ge [sflag:s20], $0x100  }
0x16a: {  	[sflag:s20] =	ssyncset.done $0x0  }
0x16b: {  	[sflag:s20] =	ssyncadd.s32 $0xFFFFFF00  }
0x16c: {  	_ =	swait.ge [sflag:s24], $0x4000  }
0x16d: {  	[sflag:s24] =	ssyncset.done $0x0  }
0x16e: {  	[sflag:s24] =	ssyncadd.s32 $0xFFFFC000  }
0x16f: {  	[tilespmem:s25], [sflag:$0x2] =	stream.indirect.gather [hbm4b:s8+s21], $0x80, s23, s21, $0xb8;
	[tilespmem:$0x1C200] =	vst v63  }
0x170: {  	_ = 	snop  }
0x171: {  	[spmem:s1] =	stream.indirect.scatter.add.f32 [tilespmem:s22], [sflag:$0x3], $0x80, s21, s21, $0xb8;
	[tilespmem:$0x1C200] =	vst v63  }
0x172: {  	_ =	swait.ge [sflag:s20], $0x4000  }
0x173: {  	[sflag:s20] =	ssyncset.done $0x0  }
0x174: {  	s0 =	sadd.s32 s0, s17;
	[sflag:s20] =	ssyncadd.s32 $0xFFFFC000  }
0x175: {  	[tilespmem:s3], [sflag:$0x3] =	stream.linear.gather [hbm4b:s0+s3], $0x100, $0x38;
	[tilespmem:$0x1C200] =	vst v63  }
0x176: {  	_ =	swait.ge [sflag:s20], $0x100  }
0x177: {  	[sflag:s20] =	ssyncset.done $0x0  }
0x178: {  	[sflag:s20] =	ssyncadd.s32 $0xFFFFFF00  }
0x179: {  	_ =	swait.ge [sflag:s26], $0x4000  }
0x17a: {  	[sflag:s26] =	ssyncset.done $0x0  }
0x17b: {  	[sflag:s26] =	ssyncadd.s32 $0xFFFFC000  }
0x17c: {  	[tilespmem:s22], [sflag:$0x1] =	stream.indirect.gather [hbm4b:s8+s21], $0x80, s3, s21, $0xb8;
	[tilespmem:$0x1C200] =	vst v63  }
.Ltmp3:
0x17d: {  	_ = 	snop;
	(pc) =	sbr.rel @p0 .LBB2_8-.Ltmp3, $4  }
0x17e: {  	_ = 	snop  }
0x17f: {  	[spmem:s1] =	stream.indirect.scatter.add.f32 [tilespmem:s25], [sflag:$0x3], $0x80, s28, s21, $0xb8;
	[tilespmem:$0x1C200] =	vst v63  }
0x180: {  	_ =	swait.ge [sflag:s20], $0x4000  }
0x181: {  	[sflag:s20] =	ssyncset.done $0x0  }
0x182: {  	[sflag:s20] =	ssyncadd.s32 $0xFFFFC000  }
0x183: {  	[tilespmem:s23], [sflag:$0x3] =	stream.linear.gather [hbm4b:s16+s3], $0x100, $0x38;
	[tilespmem:$0x1C200] =	vst v63  }
0x184: {  	_ =	swait.ge [sflag:s20], $0x100  }
0x185: {  	[sflag:s20] =	ssyncset.done $0x0  }
0x186: {  	[sflag:s20] =	ssyncadd.s32 $0xFFFFFF00  }
0x187: {  	_ =	swait.ge [sflag:s24], $0x4000  }
0x188: {  	[sflag:s24] =	ssyncset.done $0x0  }
0x189: {  	[sflag:s24] =	ssyncadd.s32 $0xFFFFC000  }
0x18a: {  	[tilespmem:s25], [sflag:$0x2] =	stream.indirect.gather [hbm4b:s8+s21], $0x80, s23, s21, $0xb8;
	[tilespmem:$0x1C200] =	vst v63  }
0x18b: {  	_ = 	snop  }
0x18c: {  	[spmem:s1] =	stream.indirect.scatter.add.f32 [tilespmem:s22], [sflag:$0x3], $0x80, s21, s21, $0xb8;
	[tilespmem:$0x1C200] =	vst v63  }
0x18d: {  	_ =	swait.ge [sflag:s20], $0x4000  }
0x18e: {  	[sflag:s20] =	ssyncset.done $0x0  }
0x18f: {  	[sflag:s20] =	ssyncadd.s32 $0xFFFFC000  }
0x190: {  	[tilespmem:s3], [sflag:$0x3] =	stream.linear.gather [hbm4b:s10+s3], $0x100, $0x38;
	[tilespmem:$0x1C200] =	vst v63  }
0x191: {  	_ =	swait.ge [sflag:s20], $0x100  }
0x192: {  	[sflag:s20] =	ssyncset.done $0x0  }
0x193: {  	[sflag:s20] =	ssyncadd.s32 $0xFFFFFF00  }
0x194: {  	_ =	swait.ge [sflag:s26], $0x4000  }
0x195: {  	[sflag:s26] =	ssyncset.done $0x0  }
0x196: {  	[sflag:s26] =	ssyncadd.s32 $0xFFFFC000  }
0x197: {  	[tilespmem:s22], [sflag:$0x1] =	stream.indirect.gather [hbm4b:s8+s21], $0x80, s3, s21, $0xb8;
	[tilespmem:$0x1C200] =	vst v63  }
0x198: {  	_ = 	snop  }
0x199: {  	[spmem:s1] =	stream.indirect.scatter.add.f32 [tilespmem:s25], [sflag:$0x3], $0x80, s28, s21, $0xb8;
	[tilespmem:$0x1C200] =	vst v63  }
0x19a: {  	_ =	swait.ge [sflag:s20], $0x4000  }
0x19b: {  	[sflag:s20] =	ssyncset.done $0x0  }
0x19c: {  	[sflag:s20] =	ssyncadd.s32 $0xFFFFC000  }
0x19d: {  	_ =	swait.ge [sflag:s24], $0x4000  }
0x19e: {  	s29 =	sadd.s32 $0x1, s29;
	[sflag:s24] =	ssyncset.done $0x0  }
0x19f: {  	p0 =	sne.s32 s29, s15;
	[sflag:s24] =	ssyncadd.s32 $0xFFFFC000  }
.Ltmp4:
0x1a0: {  	[bflag:$0x0] =	sbarrier.arrive $0xFFFF;
	(pc) =	sbr.rel @p0 .LBB2_1-.Ltmp4, $4  }
0x1a1: {  	[hbm:s14], [sflag:s9] =	dma.local [spmem:s19], $0x2800  }
0x1a2: {  	_ =	swait.ge [sflag:s20], $0x2800  }
0x1a3: {  	[sflag:s20] =	ssyncset.done $0x0  }
0x1a4: {  	[sflag:s20] =	ssyncadd.s32 $0xFFFFD800  }
0x1a5: {  	_ =	sfence.sel $0x180000  }
0x1a6: {  	[bflag:$0x0] =	sbarrier.arrive $0xFFFF  }
0x1a7: {  	_ =	strace $0x90000047  }
0x1a8: {  	[bflag:$0x2] =	sbarrier.arrive $0xFFFF  }
0x1a9: {  	p0 =	sne.s32 s2, $0x0;
	s0 =	rddreg [dreg:$0x2]  }
0x1aa: {  	s0 =	sadd.s32 @!p0 $0x100000, s0  }
0x1ab: {  	[sflag:s0] =	ssyncadd.tile.s32 @!p0 $0x1;
	_ =	shalt  }
.Lfunc_end2:
_tile_overlayer_lowered:
.L_overlay_start_2:
0x1ac: {  	(tag) =	ssettag $0x2  }
0x1ad: {  	s0 =	rddreg [dreg:$0x0];
	s2 =	stileid.u32  }
0x1ae: {  	s1 =	rddreg [dreg:$0x1];
	p0 =	sne.s32 s2, $0x0  }
0x1af: {  	s3 =	rddreg [dreg:$0x2];
	[bflag:$0x3] =	sbarrier.arrive $0xFFFF;
	s2 =	simm.s32 @!p0 $0x1C03  }
0x1b0: {  	[timem:s3], [sflag:s2] =	dma.local @!p0 [hbm:s0], s1  }
0x1b1: {  	s0 =	simm.s32 @!p0 $0x3  }
0x1b2: {  	_ =	swait.ge @!p0 [sflag:s0], s1  }
0x1b3: {  	s1 =	ssub.s32 @!p0 $0x0, s1;
	[sflag:s0] =	ssyncset.done @!p0 $0x0  }
0x1b4: {  	[sflag:s0] =	ssyncadd.s32 @!p0 s1  }
0x1b5: {  	[bflag:$0x3] =	sbarrier.arrive $0xFFFF  }
0x1b6: {  	_ =	shalt  }

// kernel: sc_edge_agg.8.cloned.1.call-start
scs
__scs_entry_jumppad:
0x0: {  	(pc) =	sbr.rel $0x88, $3  }
0x1: {  	(tag) =	ssettag $0x0;
	lr =	simm.s32 $0x1  }
0x2: {  	[smem:$0x3F88] =	sst lr;
	_ =	strace $0xD0000000  }
0x3: {  	_ = 	snop  }
0x4: {  	_ = 	snop  }
0x5: {  	_ = 	snop  }
0x6: {  	_ = 	snop  }
0x7: {  	_ = 	snop  }
__scs_overlays_trampoline_lowered:
0x8: {  	[smem:$0x3F97] =	sst s0  }
0x9: {  	[smem:$0x3F98] =	sst s1  }
0xa: {  	[smem:$0x3F99] =	sst s2  }
0xb: {  	[smem:$0x3F9A] =	sst s3  }
0xc: {  	[smem:$0x3F9B] =	sst s4  }
0xd: {  	[smem:$0x3F9C] =	sst s5  }
0xe: {  	[smem:$0x3F9D] =	sst s6  }
0xf: {  	[smem:$0x3F9E] =	sst s7  }
0x10: {  	[smem:$0x3F9F] =	sst s8  }
0x11: {  	[smem:$0x3FA0] =	sst s9;
	s0 =	simm.s32 @!p0 $0x0  }
0x12: {  	s1 =	sld [smem:$0x3F86];
	s0 =	simm.s32 @p0 $0x1  }
0x13: {  	[smem:$0x3FA1] =	sst s0;
	s0 =	simm.s32 @!p1 $0x0  }
0x14: {  	s2 =	sld [smem:$0x3F85];
	s0 =	simm.s32 @p1 $0x1  }
0x15: {  	[smem:$0x3FA2] =	sst s0;
	s0 =	simm.s32 @!p2 $0x0  }
0x16: {  	s3 =	sld [smem:$0x3FDB];
	s0 =	simm.s32 @p2 $0x1  }
0x17: {  	s4 =	simm.s32 $0x1BF5;
	[smem:$0x3FA4] =	sst s0  }
0x18: {  	s0 =	sld [smem:$0x3F87];
	_ =	swait.ge [sflag:s4], $0x0  }
0x19: {  	s7 =	sld [smem:$0x3F88]  }
0x1a: {  	s8 =	sadd.s32 $0xFFFFE003, lr  }
0x1b: {  	s9 =	sadd.s32 $0xFFFFFEF7, lr;
	s5 =	simm.s32 $0xFFFFFFFF;
	p2 =	slt.u32 s8, $0xFFFFF086  }
0x1c: {  	p1 =	slt.u32 s9, $0xF7A;
	s5 =	simm.s32 @!p2 $0x0  }
0x1d: {  	s5 =	simm.s32 @p1 $0x1;
	p0 =	seq.s32 s7, s2  }
0x1e: {  	s7 =	smul.u32 @!p0 $0xF7A, s2;
	p2 =	seq.s32 @!p0 s5, $0x0  }
0x1f: {  	s9 =	smul.u32 $0xF7A, s1;
	s8 =	simm.s32 @!p0 $0x1BF5;
	p2 =	por !p2, p0  }
0x20: {  	[sflag:s8] =	ssyncset.s32 @!p0 $0xFFFFF086;
	s6 =	sadd.s32 @!p0 s3, s7;
	s7 =	simm.s32 @!p0 $0x108  }
0x21: {  	s3 =	sadd.s32 s3, s9;
	s6 =	sadd.s32 @!p0 $0x88, s6;
	s7 =	simm.s32 @p2 $0x1082  }
0x22: {  	[simem:s7], [sflag:s8] =	dma.local @!p0 [hbm:s6], $0xF7A  }
0x23: {  	s9 =	sor.u32 $0xD0000000, s2;
	s6 =	simm.s32 $0x108;
	_ =	swait.ge @!p0 [sflag:s8], $0x0  }
0x24: {  	s3 =	sadd.s32 $0x88, s3;
	s6 =	simm.s32 @!p1 $0x1082;
	[sflag:s4] =	ssyncset.s32 $0xFFFFF086  }
0x25: {  	[simem:s6], [sflag:s4] =	dma.local [hbm:s3], $0xF7A  }
0x26: {  	[smem:$0x3F88] =	sst s1;
	(tag) =	ssettag s2;
	_ =	strace s9  }
0x27: {  	s1 =	sld [smem:$0x3F98]  }
0x28: {  	s2 =	sld [smem:$0x3F99]  }
0x29: {  	s4 =	sld [smem:$0x3F9B]  }
0x2a: {  	p0 =	seq.s32 s5, $0x0;
	s5 =	sld [smem:$0x3F9C]  }
0x2b: {  	s6 =	sld [smem:$0x3F9D]  }
0x2c: {  	s7 =	sld [smem:$0x3F9E]  }
0x2d: {  	s3 =	simm.s32 $0x108;
	s8 =	sld [smem:$0x3F9F]  }
0x2e: {  	s3 =	simm.s32 @!p0 $0x1082;
	s9 =	sld [smem:$0x3FA0]  }
0x2f: {  	lr =	sadd.s32 s0, s3;
	s0 =	sld [smem:$0x3F97]  }
0x30: {  	s3 =	sld [smem:$0x3F9A]  }
0x31: {  	[smem:$0x3FA3] =	sst s10  }
0x32: {  	s10 =	sld [smem:$0x3FA1];
	_ =	sdelay $0x3  }
0x33: {  	p0 =	seq.s32 s10, $0x1;
	s10 =	sld [smem:$0x3FA3];
	_ =	sdelay $0x3  }
0x34: {  	[smem:$0x3FA3] =	sst s10  }
0x35: {  	s10 =	sld [smem:$0x3FA2];
	_ =	sdelay $0x3  }
0x36: {  	p1 =	seq.s32 s10, $0x1;
	s10 =	sld [smem:$0x3FA3];
	_ =	sdelay $0x3  }
0x37: {  	[smem:$0x3FA3] =	sst s10  }
0x38: {  	s10 =	sld [smem:$0x3FA4]  }
0x39: {  	_ = 	snop;
	(pc) =	sbr.ind lr, $3  }
0x3a: {  	_ = 	snop  }
0x3b: {  	_ = 	snop  }
0x3c: {  	p2 =	seq.s32 s10, $0x1;
	s10 =	sld [smem:$0x3FA3]  }
0x3d: {  	_ =	shalt  }
0x3e: {  	_ =	shalt  }
0x3f: {  	_ =	shalt  }
0x40: {  	_ =	shalt  }
0x41: {  	_ =	shalt  }
0x42: {  	_ =	shalt  }
0x43: {  	_ =	shalt  }
0x44: {  	_ =	shalt  }
0x45: {  	_ =	shalt  }
0x46: {  	_ =	shalt  }
0x47: {  	_ =	shalt  }
0x48: {  	_ =	shalt  }
0x49: {  	_ =	shalt  }
0x4a: {  	_ =	shalt  }
0x4b: {  	_ =	shalt  }
0x4c: {  	_ =	shalt  }
0x4d: {  	_ =	shalt  }
0x4e: {  	_ =	shalt  }
0x4f: {  	_ =	shalt  }
0x50: {  	_ =	shalt  }
0x51: {  	_ =	shalt  }
0x52: {  	_ =	shalt  }
0x53: {  	_ =	shalt  }
0x54: {  	_ =	shalt  }
0x55: {  	_ =	shalt  }
0x56: {  	_ =	shalt  }
0x57: {  	_ =	shalt  }
0x58: {  	_ =	shalt  }
0x59: {  	_ =	shalt  }
0x5a: {  	_ =	shalt  }
0x5b: {  	_ =	shalt  }
0x5c: {  	_ =	shalt  }
0x5d: {  	_ =	shalt  }
0x5e: {  	_ =	shalt  }
0x5f: {  	_ =	shalt  }
0x60: {  	_ =	shalt  }
0x61: {  	_ =	shalt  }
0x62: {  	_ =	shalt  }
0x63: {  	_ =	shalt  }
0x64: {  	_ =	shalt  }
0x65: {  	_ =	shalt  }
0x66: {  	_ =	shalt  }
0x67: {  	_ =	shalt  }
0x68: {  	_ =	shalt  }
0x69: {  	_ =	shalt  }
0x6a: {  	_ =	shalt  }
0x6b: {  	_ =	shalt  }
0x6c: {  	_ =	shalt  }
0x6d: {  	_ =	shalt  }
0x6e: {  	_ =	shalt  }
0x6f: {  	_ =	shalt  }
0x70: {  	_ =	shalt  }
0x71: {  	_ =	shalt  }
0x72: {  	_ =	shalt  }
0x73: {  	_ =	shalt  }
0x74: {  	_ =	shalt  }
0x75: {  	_ =	shalt  }
0x76: {  	_ =	shalt  }
0x77: {  	_ =	shalt  }
0x78: {  	_ =	shalt  }
0x79: {  	_ =	shalt  }
0x7a: {  	_ =	shalt  }
0x7b: {  	_ =	shalt  }
0x7c: {  	_ =	shalt  }
0x7d: {  	_ =	shalt  }
0x7e: {  	_ =	shalt  }
0x7f: {  	_ =	shalt  }
0x80: {  	_ =	shalt  }
0x81: {  	_ =	shalt  }
0x82: {  	_ =	shalt  }
0x83: {  	_ =	shalt  }
0x84: {  	_ =	shalt  }
0x85: {  	_ =	shalt  }
0x86: {  	_ =	shalt  }
0x87: {  	_ =	shalt  }
.Lfunc_end0:
.L_simem_size_0:
called_computation.2_lowered:
.L_overlay_start_0:
0x88: {  	s2 =	sld [smem:$0x3FD9]  }
0x89: {  	s3 =	sld [smem:$0x3FFE];
	_ =	sdelay $0x1  }
0x8a: {  	s1 =	srdreg.scid  }
0x8b: {  	s0 =	sand.u32 $0x1, s1  }
0x8c: {  	s16 =	sshll.u32 s0, $0xA;
	s2 =	sadd.s32 s3, s2  }
0x8d: {  	s2 =	sadd.s32 s2, s16  }
0x8e: {  	[smem:$0x3FAF] =	sst s2  }
0x8f: {  	_ = 	snop  }
0x90: {  	(tm) =	ssettm $0x1  }
0x91: {  	s17 =	sld [smem:$0x3FFB];
	_ =	sdelay $0x3  }
0x92: {  	_ =	strace s17  }
0x93: {  	s2 =	sld [smem:$0x3FFC];
	_ =	sdelay $0x3  }
0x94: {  	_ =	strace s2  }
0x95: {  	s2 =	sld [smem:$0x3FFD];
	_ =	sdelay $0x3  }
0x96: {  	_ =	strace s2  }
0x97: {  	_ =	strace $0x8FFFFFFF  }
0x98: {  	s18 =	sld [smem:$0x3FDB];
	_ =	sdelay $0x1  }
0x99: {  	s19 =	simm.s32 $_scs_section_size  }
0x9a: {  	s4 =	simm.s32 $_size__tile_overlayer_lowered;
	s5 =	simm.s32 $_tile_overlayer_lowered  }
0x9b: {  	s22 =	simm.s32 $0x1BFF;
	s21 =	sshll.u32 s5, $0x1;
	s2 =	sadd.s32 s19, s18  }
0x9c: {  	s6 =	simm.s32 $0x0;
	s20 =	sshll.u32 s4, $0x1;
	s4 =	sadd.s32 s21, s2  }
0x9d: {  	[timem:s6], [sflag:s22] =	dma.local [hbm:s4], s20  }
0x9e: {  	_ =	swait.ge [sflag:s22], s20  }
0x9f: {  	s3 =	ssub.s32 $0x0, s20;
	[sflag:s22] =	ssyncset.done $0x0  }
0xa0: {  	[sflag:s22] =	ssyncadd.s32 s3;
	_ =	sdelay $0x1  }
0xa1: {  	s23 =	simm.s32 $0x1B8B  }
0xa2: {  	_ =	swait.ge [sflag:s23], $0x1  }
0xa3: {  	[sflag:s23] =	ssyncset.done $0x0  }
0xa4: {  	s25 =	simm.s32 $0x1B8E;
	s24 =	sld [smem:$0x3FFE];
	[sflag:s23] =	ssyncadd.s32 $0xFFFFFFFF  }
0xa5: {  	s26 =	simm.s32 $execute0_lowered;
	[smem:$0x3FD2] =	sst s25  }
0xa6: {  	s4 =	sshll.u32 s26, $0x1;
	_ =	strace $0x8000004C;
	[dreg:$0x1] =	wrdreg $0xFFFFFFFF  }
0xa7: {  	s28 =	simm.s32 $_size_execute0_lowered;
	s2 =	sadd.s32 s2, s4;
	[dreg:$0x0] =	wrdreg $0x0  }
0xa8: {  	s4 =	sshll.u32 s28, $0x1;
	[dreg:$0x2] =	wrdreg s2  }
0xa9: {  	[dreg:$0x3] =	wrdreg s4  }
0xaa: {  	[dreg:$0x4] =	wrdreg $0xC0  }
0xab: {  	_ =	task [dreg:s6], $0x5FFFF  }
0xac: {  	[dreg:$0x1] =	wrdreg $0xFFFFFFFF  }
0xad: {  	[dreg:$0x0] =	wrdreg $0x60  }
0xae: {  	[dreg:$0x2] =	wrdreg s24  }
0xaf: {  	[dreg:$0x3] =	wrdreg $0x82000  }
0xb0: {  	[dreg:$0x4] =	wrdreg $0x9  }
0xb1: {  	_ =	task.clear_ibuf [dreg:s6], $0x5FFFF;
	_ =	strace $0x9000004C  }
0xb2: {  	s29 =	simm.s32 $0x9;
	_ =	strace $0x8000004E  }
0xb3: {  	_ =	swait.ge [sflag:s29], $0x1  }
0xb4: {  	[sflag:s29] =	ssyncadd.s32 $0xFFFFFFFF  }
0xb5: {  	_ =	strace $0x9000004E  }
0xb6: {  	_ =	sfence  }
0xb7: {  	s30 =	sld [smem:$0x0];
	_ =	sdelay $0x2  }
0xb8: {  	s31 =	sshll.u32 s1, $0xD;
	s1 =	sshrl.u32 s1, $0x2  }
0xb9: {  	s3 =	sand.u32 $0x4000, s31;
	s1 =	sadd.s32 s1, s30  }
0xba: {  	s0 =	sor.u32 s3, s0;
	s1 =	sshll.u32 s1, $0x11  }
0xbb: {  	s0 =	sor.u32 s1, s0  }
0xbc: {  	s0 =	sadd.s32 $0x8F2B, s0  }
0xbd: {  	[sflag:s0] =	ssyncadd.remote.s32 $0x1  }
0xbe: {  	_ =	sfence.sel $0xFFFF  }
0xbf: {  	[dreg:$0x0] =	wrdreg $0xFFFFFFFF;
	(pc) =	sbr.abs _section_cstart, $3  }
0xc0: {  	[dreg:$0x1] =	wrdreg $0xFFFFFFFF  }
0xc1: {  	_ =	task.clear_ibuf [dreg:s6], $0x2FFFF;
	_ =	strace $0x9FFFFFFF  }
0xc2: {  	(tm) =	ssettm $0x7FFFFFFF  }
0xc3: {  	_ =	shalt  }
tec
execute0_lowered:
.L_overlay_start_1:
0x0: {  	(tag) =	ssettag $0x1  }
0x1: {  	s9 =	rddreg [dreg:$0x0]  }
0x2: {  	s1 =	rddreg [dreg:$0x1];
	s3 =	simm.s32 $0x0  }
0x3: {  	s2 =	srdreg.scid;
	s22 =	simm.s32 $0x200;
	s23 =	simm.s32 $0x100  }
0x4: {  	s28 =	simm.s32 $0x180;
	[smem:$0x7FF] =	sst s3;
	s10 =	sand.u32 $0x1, s2  }
0x5: {  	s29 =	simm.s32 $0x0;
	s2 =	stileid.u32;
	s7 =	smul.u32 $0x140000, s10  }
0x6: {  	s18 =	sadd.s32 $0x2EA00, s9;
	s4 =	sadd.s32 $0x168400, s9;
	s8 =	smul.u32 $0x14000, s2  }
0x7: {  	s5 =	sadd.s32 $0x7800, s9;
	s6 =	sadd.s32 $0x56A00, s9;
	s14 =	smul.u32 $0x50000, s2  }
0x8: {  	_ =	strace $0x8000004D;
	s12 =	ssub.s32 $0x2, s10;
	s17 =	smul.u32 $0xA0000, s10  }
0x9: {  	s13 =	sshll.u32 s10, $0x4;
	s30 =	sshll.u32 s2, $0x6;
	s20 =	smul.u32 $0xA000, s2  }
0xa: {  	s24 =	sshrl.u32 s12, $0x1;
	s25 =	sor.u32 s2, s13;
	s11 =	sadd.s32 s8, s7  }
0xb: {  	s7 =	sadd.s32 $0x7DC00, s9;
	s8 =	sadd.s32 $0xA4E00, s9;
	s16 =	ssub.s32 s12, s24  }
0xc: {  	s26 =	sshrl.u32 s14, $0x2;
	s17 =	sadd.s32 s20, s17;
	s24 =	simm.s32 $0x1  }
0xd: {  	s11 =	sshrl.u32 s11, $0x3;
	s19 =	sadd.s32 s26, s1;
	s20 =	sor.u32 $0x200, s17  }
0xe: {  	s17 =	sor.u32 $0x100, s17;
	s26 =	simm.s32 $0x2;
	s15 =	sadd.s32 s11, s9  }
0xf: {  	s11 =	smul.u32 $0xA000, s25;
	s9 =	sor.u32 $0x1C03, s30;
	s20 =	sshrl.u32 s20, $0x3  }
0x10: {  	s21 =	sshrl.u32 s17, $0x3;
	s25 =	simm.s32 $0x4200;
	s12 =	sadd.s32 $0x16AC00, s15  }
0x11: {  	s19 =	sshrl.u32 s19, $0x3;
	s13 =	sadd.s32 $0x1BAC00, s15;
	s14 =	sadd.s32 $0x20AC00, s15  }
0x12: {  	s17 =	sadd.s32 s20, s18;
	s20 =	simm.s32 $0x3;
	s31 =	sshrl.u32 s11, $0x3  }
0x13: {  	s11 =	sadd.s32 $0xCC000, s15;
	s15 =	smax.u32 s16, $0x1;
	s10 =	sadd.s32 s18, s31  }
0x14: {  	s18 =	sadd.s32 s21, s18;
	s21 =	simm.s32 $0x80;
	s16 =	sadd.s32 $0x13E0, s10  }
.LBB2_1:
0x15: {  	[spmem:s19], [sflag:s9] =	dma.local [hbm:s4], $0x2800  }
0x16: {  	_ =	swait.ge [sflag:s20], $0x2800  }
0x17: {  	[sflag:s20] =	ssyncset.done $0x0  }
0x18: {  	[sflag:s20] =	ssyncadd.s32 $0xFFFFD800  }
0x19: {  	[bflag:$0x0] =	sbarrier.arrive $0xFFFF  }
0x1a: {  	[tilespmem:s3], [sflag:$0x3] =	stream.linear.gather [hbm4b:s10+s3], $0x100, $0x38;
	[tilespmem:$0x1C200] =	vst v63  }
0x1b: {  	_ =	swait.ge [sflag:s20], $0x100  }
0x1c: {  	[sflag:s20] =	ssyncset.done $0x0  }
0x1d: {  	[sflag:s20] =	ssyncadd.s32 $0xFFFFFF00  }
0x1e: {  	[tilespmem:s22], [sflag:$0x1] =	stream.indirect.gather [hbm4b:s5+s21], $0x80, s3, s21, $0xb8;
	[tilespmem:$0x1C200] =	vst v63  }
0x1f: {  	s30 =	sadd.s32 $0x0, s18  }
0x20: {  	[tilespmem:s23], [sflag:$0x3] =	stream.linear.gather [hbm4b:s30+s3], $0x100, $0x38;
	[tilespmem:$0x1C200] =	vst v63  }
0x21: {  	_ =	swait.ge [sflag:s20], $0x100  }
0x22: {  	[sflag:s20] =	ssyncset.done $0x0  }
0x23: {  	[sflag:s20] =	ssyncadd.s32 $0xFFFFFF00  }
0x24: {  	_ =	swait.ge [sflag:s24], $0x4000  }
0x25: {  	[sflag:s24] =	ssyncset.done $0x0  }
0x26: {  	[sflag:s24] =	ssyncadd.s32 $0xFFFFC000  }
0x27: {  	[tilespmem:s25], [sflag:$0x2] =	stream.indirect.gather [hbm4b:s5+s21], $0x80, s23, s21, $0xb8;
	[tilespmem:$0x1C200] =	vst v63  }
0x28: {  	_ = 	snop  }
0x29: {  	[spmem:s1] =	stream.indirect.scatter.add.f32 [tilespmem:s22], [sflag:$0x3], $0x80, s21, s21, $0xb8;
	[tilespmem:$0x1C200] =	vst v63  }
0x2a: {  	_ =	swait.ge [sflag:s20], $0x4000  }
0x2b: {  	[sflag:s20] =	ssyncset.done $0x0  }
0x2c: {  	s30 =	sadd.s32 $0x0, s17;
	[sflag:s20] =	ssyncadd.s32 $0xFFFFC000  }
0x2d: {  	[tilespmem:s3], [sflag:$0x3] =	stream.linear.gather [hbm4b:s30+s3], $0x100, $0x38;
	[tilespmem:$0x1C200] =	vst v63  }
0x2e: {  	_ =	swait.ge [sflag:s20], $0x100  }
0x2f: {  	[sflag:s20] =	ssyncset.done $0x0  }
0x30: {  	[sflag:s20] =	ssyncadd.s32 $0xFFFFFF00  }
0x31: {  	_ =	swait.ge [sflag:s26], $0x4000  }
0x32: {  	[sflag:s26] =	ssyncset.done $0x0  }
0x33: {  	[sflag:s26] =	ssyncadd.s32 $0xFFFFC000  }
0x34: {  	[tilespmem:s22], [sflag:$0x1] =	stream.indirect.gather [hbm4b:s5+s21], $0x80, s3, s21, $0xb8;
	[tilespmem:$0x1C200] =	vst v63  }
0x35: {  	_ = 	snop  }
0x36: {  	[spmem:s1] =	stream.indirect.scatter.add.f32 [tilespmem:s25], [sflag:$0x3], $0x80, s28, s21, $0xb8;
	[tilespmem:$0x1C200] =	vst v63  }
0x37: {  	_ =	swait.ge [sflag:s20], $0x4000  }
0x38: {  	s30 =	simm.s32 $0x40;
	[sflag:s20] =	ssyncset.done $0x0  }
.LBB2_2:
0x39: {  	p0 =	sne.s32 s30, $0x1380  }
0x3a: {  	[sflag:s20] =	ssyncadd.s32 $0xFFFFC000;
	s31 =	smov.u32 s30;
	s30 =	sadd.s32 $0x40, s30  }
0x3b: {  	s0 =	sadd.s32 s31, s18  }
0x3c: {  	[tilespmem:s23], [sflag:$0x3] =	stream.linear.gather [hbm4b:s0+s3], $0x100, $0x38;
	[tilespmem:$0x1C200] =	vst v63  }
0x3d: {  	_ =	swait.ge [sflag:s20], $0x100  }
0x3e: {  	[sflag:s20] =	ssyncset.done $0x0  }
0x3f: {  	[sflag:s20] =	ssyncadd.s32 $0xFFFFFF00  }
0x40: {  	_ =	swait.ge [sflag:s24], $0x4000  }
0x41: {  	[sflag:s24] =	ssyncset.done $0x0  }
0x42: {  	[sflag:s24] =	ssyncadd.s32 $0xFFFFC000  }
0x43: {  	[tilespmem:s25], [sflag:$0x2] =	stream.indirect.gather [hbm4b:s5+s21], $0x80, s23, s21, $0xb8;
	[tilespmem:$0x1C200] =	vst v63  }
0x44: {  	_ = 	snop  }
0x45: {  	[spmem:s1] =	stream.indirect.scatter.add.f32 [tilespmem:s22], [sflag:$0x3], $0x80, s21, s21, $0xb8;
	[tilespmem:$0x1C200] =	vst v63  }
0x46: {  	_ =	swait.ge [sflag:s20], $0x4000  }
0x47: {  	[sflag:s20] =	ssyncset.done $0x0  }
0x48: {  	s0 =	sadd.s32 s31, s17;
	[sflag:s20] =	ssyncadd.s32 $0xFFFFC000  }
0x49: {  	[tilespmem:s3], [sflag:$0x3] =	stream.linear.gather [hbm4b:s0+s3], $0x100, $0x38;
	[tilespmem:$0x1C200] =	vst v63  }
0x4a: {  	_ =	swait.ge [sflag:s20], $0x100  }
0x4b: {  	[sflag:s20] =	ssyncset.done $0x0  }
0x4c: {  	[sflag:s20] =	ssyncadd.s32 $0xFFFFFF00  }
0x4d: {  	_ =	swait.ge [sflag:s26], $0x4000  }
0x4e: {  	[sflag:s26] =	ssyncset.done $0x0  }
0x4f: {  	[sflag:s26] =	ssyncadd.s32 $0xFFFFC000  }
0x50: {  	[tilespmem:s22], [sflag:$0x1] =	stream.indirect.gather [hbm4b:s5+s21], $0x80, s3, s21, $0xb8;
	[tilespmem:$0x1C200] =	vst v63  }
.Ltmp0:
0x51: {  	_ = 	snop;
	(pc) =	sbr.rel @p0 .LBB2_2-.Ltmp0, $4  }
0x52: {  	_ = 	snop  }
0x53: {  	[spmem:s1] =	stream.indirect.scatter.add.f32 [tilespmem:s25], [sflag:$0x3], $0x80, s28, s21, $0xb8;
	[tilespmem:$0x1C200] =	vst v63  }
0x54: {  	_ =	swait.ge [sflag:s20], $0x4000  }
0x55: {  	[sflag:s20] =	ssyncset.done $0x0  }
0x56: {  	[sflag:s20] =	ssyncadd.s32 $0xFFFFC000;
	s0 =	simm.s32 $0x0  }
0x57: {  	[tilespmem:s23], [sflag:$0x3] =	stream.linear.gather [hbm4b:s16+s0], $0x100, $0x38;
	[tilespmem:$0x1C200] =	vst v63  }
0x58: {  	_ =	swait.ge [sflag:s20], $0x100  }
0x59: {  	[sflag:s20] =	ssyncset.done $0x0  }
0x5a: {  	[sflag:s20] =	ssyncadd.s32 $0xFFFFFF00  }
0x5b: {  	_ =	swait.ge [sflag:s24], $0x4000  }
0x5c: {  	[sflag:s24] =	ssyncset.done $0x0  }
0x5d: {  	[sflag:s24] =	ssyncadd.s32 $0xFFFFC000  }
0x5e: {  	[tilespmem:s25], [sflag:$0x2] =	stream.indirect.gather [hbm4b:s5+s21], $0x80, s23, s21, $0xb8;
	[tilespmem:$0x1C200] =	vst v63  }
0x5f: {  	_ = 	snop  }
0x60: {  	[spmem:s1] =	stream.indirect.scatter.add.f32 [tilespmem:s22], [sflag:$0x3], $0x80, s21, s21, $0xb8;
	[tilespmem:$0x1C200] =	vst v63  }
0x61: {  	_ =	swait.ge [sflag:s20], $0x4000  }
0x62: {  	[sflag:s20] =	ssyncset.done $0x0  }
0x63: {  	[sflag:s20] =	ssyncadd.s32 $0xFFFFC000  }
0x64: {  	[tilespmem:s0], [sflag:$0x3] =	stream.linear.gather [hbm4b:s10+s0], $0x100, $0x38;
	[tilespmem:$0x1C200] =	vst v63  }
0x65: {  	_ =	swait.ge [sflag:s20], $0x100  }
0x66: {  	[sflag:s20] =	ssyncset.done $0x0  }
0x67: {  	[sflag:s20] =	ssyncadd.s32 $0xFFFFFF00  }
0x68: {  	_ =	swait.ge [sflag:s26], $0x4000  }
0x69: {  	[sflag:s26] =	ssyncset.done $0x0  }
0x6a: {  	[sflag:s26] =	ssyncadd.s32 $0xFFFFC000  }
0x6b: {  	[tilespmem:s22], [sflag:$0x1] =	stream.indirect.gather [hbm4b:s5+s21], $0x80, s0, s21, $0xb8;
	[tilespmem:$0x1C200] =	vst v63  }
0x6c: {  	_ = 	snop  }
0x6d: {  	[spmem:s1] =	stream.indirect.scatter.add.f32 [tilespmem:s25], [sflag:$0x3], $0x80, s28, s21, $0xb8;
	[tilespmem:$0x1C200] =	vst v63  }
0x6e: {  	_ =	swait.ge [sflag:s20], $0x4000  }
0x6f: {  	[sflag:s20] =	ssyncset.done $0x0  }
0x70: {  	[sflag:s20] =	ssyncadd.s32 $0xFFFFC000  }
0x71: {  	_ =	swait.ge [sflag:s24], $0x4000  }
0x72: {  	[sflag:s24] =	ssyncset.done $0x0  }
0x73: {  	[sflag:s24] =	ssyncadd.s32 $0xFFFFC000  }
0x74: {  	[bflag:$0x0] =	sbarrier.arrive $0xFFFF  }
0x75: {  	[hbm:s11], [sflag:s9] =	dma.local [spmem:s19], $0x2800  }
0x76: {  	_ =	swait.ge [sflag:s20], $0x2800  }
0x77: {  	[sflag:s20] =	ssyncset.done $0x0  }
0x78: {  	[sflag:s20] =	ssyncadd.s32 $0xFFFFD800  }
0x79: {  	[spmem:s19], [sflag:s9] =	dma.local [hbm:s4], $0x2800  }
0x7a: {  	_ =	swait.ge [sflag:s20], $0x2800  }
0x7b: {  	[sflag:s20] =	ssyncset.done $0x0  }
0x7c: {  	[sflag:s20] =	ssyncadd.s32 $0xFFFFD800  }
0x7d: {  	[bflag:$0x0] =	sbarrier.arrive $0xFFFF  }
0x7e: {  	[tilespmem:s0], [sflag:$0x3] =	stream.linear.gather [hbm4b:s10+s0], $0x100, $0x38;
	[tilespmem:$0x1C200] =	vst v63  }
0x7f: {  	_ =	swait.ge [sflag:s20], $0x100  }
0x80: {  	[sflag:s20] =	ssyncset.done $0x0  }
0x81: {  	[sflag:s20] =	ssyncadd.s32 $0xFFFFFF00  }
0x82: {  	[tilespmem:s22], [sflag:$0x1] =	stream.indirect.gather [hbm4b:s6+s21], $0x80, s0, s21, $0xb8;
	[tilespmem:$0x1C200] =	vst v63  }
0x83: {  	s31 =	sadd.s32 $0x0, s18  }
0x84: {  	[tilespmem:s23], [sflag:$0x3] =	stream.linear.gather [hbm4b:s31+s3], $0x100, $0x38;
	[tilespmem:$0x1C200] =	vst v63  }
0x85: {  	_ =	swait.ge [sflag:s20], $0x100  }
0x86: {  	[sflag:s20] =	ssyncset.done $0x0  }
0x87: {  	[sflag:s20] =	ssyncadd.s32 $0xFFFFFF00  }
0x88: {  	_ =	swait.ge [sflag:s24], $0x4000  }
0x89: {  	[sflag:s24] =	ssyncset.done $0x0  }
0x8a: {  	[sflag:s24] =	ssyncadd.s32 $0xFFFFC000  }
0x8b: {  	[tilespmem:s25], [sflag:$0x2] =	stream.indirect.gather [hbm4b:s6+s21], $0x80, s23, s21, $0xb8;
	[tilespmem:$0x1C200] =	vst v63  }
0x8c: {  	_ = 	snop  }
0x8d: {  	[spmem:s1] =	stream.indirect.scatter.add.f32 [tilespmem:s22], [sflag:$0x3], $0x80, s21, s21, $0xb8;
	[tilespmem:$0x1C200] =	vst v63  }
0x8e: {  	_ =	swait.ge [sflag:s20], $0x4000  }
0x8f: {  	[sflag:s20] =	ssyncset.done $0x0  }
0x90: {  	s31 =	sadd.s32 $0x0, s17;
	[sflag:s20] =	ssyncadd.s32 $0xFFFFC000  }
0x91: {  	[tilespmem:s3], [sflag:$0x3] =	stream.linear.gather [hbm4b:s31+s3], $0x100, $0x38;
	[tilespmem:$0x1C200] =	vst v63  }
0x92: {  	_ =	swait.ge [sflag:s20], $0x100  }
0x93: {  	[sflag:s20] =	ssyncset.done $0x0  }
0x94: {  	[sflag:s20] =	ssyncadd.s32 $0xFFFFFF00  }
0x95: {  	_ =	swait.ge [sflag:s26], $0x4000  }
0x96: {  	[sflag:s26] =	ssyncset.done $0x0  }
0x97: {  	[sflag:s26] =	ssyncadd.s32 $0xFFFFC000  }
0x98: {  	[tilespmem:s22], [sflag:$0x1] =	stream.indirect.gather [hbm4b:s6+s21], $0x80, s3, s21, $0xb8;
	[tilespmem:$0x1C200] =	vst v63  }
0x99: {  	_ = 	snop  }
0x9a: {  	[spmem:s1] =	stream.indirect.scatter.add.f32 [tilespmem:s25], [sflag:$0x3], $0x80, s28, s21, $0xb8;
	[tilespmem:$0x1C200] =	vst v63  }
0x9b: {  	_ =	swait.ge [sflag:s20], $0x4000  }
0x9c: {  	s30 =	simm.s32 $0x40;
	[sflag:s20] =	ssyncset.done $0x0  }
.LBB2_4:
0x9d: {  	p0 =	sne.s32 s30, $0x1380  }
0x9e: {  	[sflag:s20] =	ssyncadd.s32 $0xFFFFC000;
	s0 =	smov.u32 s30;
	s30 =	sadd.s32 $0x40, s30  }
0x9f: {  	s31 =	sadd.s32 s0, s18  }
0xa0: {  	[tilespmem:s23], [sflag:$0x3] =	stream.linear.gather [hbm4b:s31+s3], $0x100, $0x38;
	[tilespmem:$0x1C200] =	vst v63  }
0xa1: {  	_ =	swait.ge [sflag:s20], $0x100  }
0xa2: {  	[sflag:s20] =	ssyncset.done $0x0  }
0xa3: {  	[sflag:s20] =	ssyncadd.s32 $0xFFFFFF00  }
0xa4: {  	_ =	swait.ge [sflag:s24], $0x4000  }
0xa5: {  	[sflag:s24] =	ssyncset.done $0x0  }
0xa6: {  	[sflag:s24] =	ssyncadd.s32 $0xFFFFC000  }
0xa7: {  	[tilespmem:s25], [sflag:$0x2] =	stream.indirect.gather [hbm4b:s6+s21], $0x80, s23, s21, $0xb8;
	[tilespmem:$0x1C200] =	vst v63  }
0xa8: {  	_ = 	snop  }
0xa9: {  	[spmem:s1] =	stream.indirect.scatter.add.f32 [tilespmem:s22], [sflag:$0x3], $0x80, s21, s21, $0xb8;
	[tilespmem:$0x1C200] =	vst v63  }
0xaa: {  	_ =	swait.ge [sflag:s20], $0x4000  }
0xab: {  	[sflag:s20] =	ssyncset.done $0x0  }
0xac: {  	s0 =	sadd.s32 s0, s17;
	[sflag:s20] =	ssyncadd.s32 $0xFFFFC000  }
0xad: {  	[tilespmem:s3], [sflag:$0x3] =	stream.linear.gather [hbm4b:s0+s3], $0x100, $0x38;
	[tilespmem:$0x1C200] =	vst v63  }
0xae: {  	_ =	swait.ge [sflag:s20], $0x100  }
0xaf: {  	[sflag:s20] =	ssyncset.done $0x0  }
0xb0: {  	[sflag:s20] =	ssyncadd.s32 $0xFFFFFF00  }
0xb1: {  	_ =	swait.ge [sflag:s26], $0x4000  }
0xb2: {  	[sflag:s26] =	ssyncset.done $0x0  }
0xb3: {  	[sflag:s26] =	ssyncadd.s32 $0xFFFFC000  }
0xb4: {  	[tilespmem:s22], [sflag:$0x1] =	stream.indirect.gather [hbm4b:s6+s21], $0x80, s3, s21, $0xb8;
	[tilespmem:$0x1C200] =	vst v63  }
.Ltmp1:
0xb5: {  	_ = 	snop;
	(pc) =	sbr.rel @p0 .LBB2_4-.Ltmp1, $4  }
0xb6: {  	_ = 	snop  }
0xb7: {  	[spmem:s1] =	stream.indirect.scatter.add.f32 [tilespmem:s25], [sflag:$0x3], $0x80, s28, s21, $0xb8;
	[tilespmem:$0x1C200] =	vst v63  }
0xb8: {  	_ =	swait.ge [sflag:s20], $0x4000  }
0xb9: {  	[sflag:s20] =	ssyncset.done $0x0  }
0xba: {  	[sflag:s20] =	ssyncadd.s32 $0xFFFFC000;
	s0 =	simm.s32 $0x0  }
0xbb: {  	[tilespmem:s23], [sflag:$0x3] =	stream.linear.gather [hbm4b:s16+s0], $0x100, $0x38;
	[tilespmem:$0x1C200] =	vst v63  }
0xbc: {  	_ =	swait.ge [sflag:s20], $0x100  }
0xbd: {  	[sflag:s20] =	ssyncset.done $0x0  }
0xbe: {  	[sflag:s20] =	ssyncadd.s32 $0xFFFFFF00  }
0xbf: {  	_ =	swait.ge [sflag:s24], $0x4000  }
0xc0: {  	[sflag:s24] =	ssyncset.done $0x0  }
0xc1: {  	[sflag:s24] =	ssyncadd.s32 $0xFFFFC000  }
0xc2: {  	[tilespmem:s25], [sflag:$0x2] =	stream.indirect.gather [hbm4b:s6+s21], $0x80, s23, s21, $0xb8;
	[tilespmem:$0x1C200] =	vst v63  }
0xc3: {  	_ = 	snop  }
0xc4: {  	[spmem:s1] =	stream.indirect.scatter.add.f32 [tilespmem:s22], [sflag:$0x3], $0x80, s21, s21, $0xb8;
	[tilespmem:$0x1C200] =	vst v63  }
0xc5: {  	_ =	swait.ge [sflag:s20], $0x4000  }
0xc6: {  	[sflag:s20] =	ssyncset.done $0x0  }
0xc7: {  	[sflag:s20] =	ssyncadd.s32 $0xFFFFC000  }
0xc8: {  	[tilespmem:s0], [sflag:$0x3] =	stream.linear.gather [hbm4b:s10+s0], $0x100, $0x38;
	[tilespmem:$0x1C200] =	vst v63  }
0xc9: {  	_ =	swait.ge [sflag:s20], $0x100  }
0xca: {  	[sflag:s20] =	ssyncset.done $0x0  }
0xcb: {  	[sflag:s20] =	ssyncadd.s32 $0xFFFFFF00  }
0xcc: {  	_ =	swait.ge [sflag:s26], $0x4000  }
0xcd: {  	[sflag:s26] =	ssyncset.done $0x0  }
0xce: {  	[sflag:s26] =	ssyncadd.s32 $0xFFFFC000  }
0xcf: {  	[tilespmem:s22], [sflag:$0x1] =	stream.indirect.gather [hbm4b:s6+s21], $0x80, s0, s21, $0xb8;
	[tilespmem:$0x1C200] =	vst v63  }
0xd0: {  	_ = 	snop  }
0xd1: {  	[spmem:s1] =	stream.indirect.scatter.add.f32 [tilespmem:s25], [sflag:$0x3], $0x80, s28, s21, $0xb8;
	[tilespmem:$0x1C200] =	vst v63  }
0xd2: {  	_ =	swait.ge [sflag:s20], $0x4000  }
0xd3: {  	[sflag:s20] =	ssyncset.done $0x0  }
0xd4: {  	[sflag:s20] =	ssyncadd.s32 $0xFFFFC000  }
0xd5: {  	_ =	swait.ge [sflag:s24], $0x4000  }
0xd6: {  	[sflag:s24] =	ssyncset.done $0x0  }
0xd7: {  	[sflag:s24] =	ssyncadd.s32 $0xFFFFC000  }
0xd8: {  	[bflag:$0x0] =	sbarrier.arrive $0xFFFF  }
0xd9: {  	[hbm:s12], [sflag:s9] =	dma.local [spmem:s19], $0x2800  }
0xda: {  	_ =	swait.ge [sflag:s20], $0x2800  }
0xdb: {  	[sflag:s20] =	ssyncset.done $0x0  }
0xdc: {  	[sflag:s20] =	ssyncadd.s32 $0xFFFFD800  }
0xdd: {  	[spmem:s19], [sflag:s9] =	dma.local [hbm:s4], $0x2800  }
0xde: {  	_ =	swait.ge [sflag:s20], $0x2800  }
0xdf: {  	[sflag:s20] =	ssyncset.done $0x0  }
0xe0: {  	[sflag:s20] =	ssyncadd.s32 $0xFFFFD800  }
0xe1: {  	[bflag:$0x0] =	sbarrier.arrive $0xFFFF  }
0xe2: {  	[tilespmem:s0], [sflag:$0x3] =	stream.linear.gather [hbm4b:s10+s0], $0x100, $0x38;
	[tilespmem:$0x1C200] =	vst v63  }
0xe3: {  	_ =	swait.ge [sflag:s20], $0x100  }
0xe4: {  	[sflag:s20] =	ssyncset.done $0x0  }
0xe5: {  	[sflag:s20] =	ssyncadd.s32 $0xFFFFFF00  }
0xe6: {  	[tilespmem:s22], [sflag:$0x1] =	stream.indirect.gather [hbm4b:s7+s21], $0x80, s0, s21, $0xb8;
	[tilespmem:$0x1C200] =	vst v63  }
0xe7: {  	s31 =	sadd.s32 $0x0, s18  }
0xe8: {  	[tilespmem:s23], [sflag:$0x3] =	stream.linear.gather [hbm4b:s31+s3], $0x100, $0x38;
	[tilespmem:$0x1C200] =	vst v63  }
0xe9: {  	_ =	swait.ge [sflag:s20], $0x100  }
0xea: {  	[sflag:s20] =	ssyncset.done $0x0  }
0xeb: {  	[sflag:s20] =	ssyncadd.s32 $0xFFFFFF00  }
0xec: {  	_ =	swait.ge [sflag:s24], $0x4000  }
0xed: {  	[sflag:s24] =	ssyncset.done $0x0  }
0xee: {  	[sflag:s24] =	ssyncadd.s32 $0xFFFFC000  }
0xef: {  	[tilespmem:s25], [sflag:$0x2] =	stream.indirect.gather [hbm4b:s7+s21], $0x80, s23, s21, $0xb8;
	[tilespmem:$0x1C200] =	vst v63  }
0xf0: {  	_ = 	snop  }
0xf1: {  	[spmem:s1] =	stream.indirect.scatter.add.f32 [tilespmem:s22], [sflag:$0x3], $0x80, s21, s21, $0xb8;
	[tilespmem:$0x1C200] =	vst v63  }
0xf2: {  	_ =	swait.ge [sflag:s20], $0x4000  }
0xf3: {  	[sflag:s20] =	ssyncset.done $0x0  }
0xf4: {  	s31 =	sadd.s32 $0x0, s17;
	[sflag:s20] =	ssyncadd.s32 $0xFFFFC000  }
0xf5: {  	[tilespmem:s3], [sflag:$0x3] =	stream.linear.gather [hbm4b:s31+s3], $0x100, $0x38;
	[tilespmem:$0x1C200] =	vst v63  }
0xf6: {  	_ =	swait.ge [sflag:s20], $0x100  }
0xf7: {  	[sflag:s20] =	ssyncset.done $0x0  }
0xf8: {  	[sflag:s20] =	ssyncadd.s32 $0xFFFFFF00  }
0xf9: {  	_ =	swait.ge [sflag:s26], $0x4000  }
0xfa: {  	[sflag:s26] =	ssyncset.done $0x0  }
0xfb: {  	[sflag:s26] =	ssyncadd.s32 $0xFFFFC000  }
0xfc: {  	[tilespmem:s22], [sflag:$0x1] =	stream.indirect.gather [hbm4b:s7+s21], $0x80, s3, s21, $0xb8;
	[tilespmem:$0x1C200] =	vst v63  }
0xfd: {  	_ = 	snop  }
0xfe: {  	[spmem:s1] =	stream.indirect.scatter.add.f32 [tilespmem:s25], [sflag:$0x3], $0x80, s28, s21, $0xb8;
	[tilespmem:$0x1C200] =	vst v63  }
0xff: {  	_ =	swait.ge [sflag:s20], $0x4000  }
0x100: {  	s30 =	simm.s32 $0x40;
	[sflag:s20] =	ssyncset.done $0x0  }
.LBB2_6:
0x101: {  	p0 =	sne.s32 s30, $0x1380  }
0x102: {  	[sflag:s20] =	ssyncadd.s32 $0xFFFFC000;
	s0 =	smov.u32 s30;
	s30 =	sadd.s32 $0x40, s30  }
0x103: {  	s31 =	sadd.s32 s0, s18  }
0x104: {  	[tilespmem:s23], [sflag:$0x3] =	stream.linear.gather [hbm4b:s31+s3], $0x100, $0x38;
	[tilespmem:$0x1C200] =	vst v63  }
0x105: {  	_ =	swait.ge [sflag:s20], $0x100  }
0x106: {  	[sflag:s20] =	ssyncset.done $0x0  }
0x107: {  	[sflag:s20] =	ssyncadd.s32 $0xFFFFFF00  }
0x108: {  	_ =	swait.ge [sflag:s24], $0x4000  }
0x109: {  	[sflag:s24] =	ssyncset.done $0x0  }
0x10a: {  	[sflag:s24] =	ssyncadd.s32 $0xFFFFC000  }
0x10b: {  	[tilespmem:s25], [sflag:$0x2] =	stream.indirect.gather [hbm4b:s7+s21], $0x80, s23, s21, $0xb8;
	[tilespmem:$0x1C200] =	vst v63  }
0x10c: {  	_ = 	snop  }
0x10d: {  	[spmem:s1] =	stream.indirect.scatter.add.f32 [tilespmem:s22], [sflag:$0x3], $0x80, s21, s21, $0xb8;
	[tilespmem:$0x1C200] =	vst v63  }
0x10e: {  	_ =	swait.ge [sflag:s20], $0x4000  }
0x10f: {  	[sflag:s20] =	ssyncset.done $0x0  }
0x110: {  	s0 =	sadd.s32 s0, s17;
	[sflag:s20] =	ssyncadd.s32 $0xFFFFC000  }
0x111: {  	[tilespmem:s3], [sflag:$0x3] =	stream.linear.gather [hbm4b:s0+s3], $0x100, $0x38;
	[tilespmem:$0x1C200] =	vst v63  }
0x112: {  	_ =	swait.ge [sflag:s20], $0x100  }
0x113: {  	[sflag:s20] =	ssyncset.done $0x0  }
0x114: {  	[sflag:s20] =	ssyncadd.s32 $0xFFFFFF00  }
0x115: {  	_ =	swait.ge [sflag:s26], $0x4000  }
0x116: {  	[sflag:s26] =	ssyncset.done $0x0  }
0x117: {  	[sflag:s26] =	ssyncadd.s32 $0xFFFFC000  }
0x118: {  	[tilespmem:s22], [sflag:$0x1] =	stream.indirect.gather [hbm4b:s7+s21], $0x80, s3, s21, $0xb8;
	[tilespmem:$0x1C200] =	vst v63  }
.Ltmp2:
0x119: {  	_ = 	snop;
	(pc) =	sbr.rel @p0 .LBB2_6-.Ltmp2, $4  }
0x11a: {  	_ = 	snop  }
0x11b: {  	[spmem:s1] =	stream.indirect.scatter.add.f32 [tilespmem:s25], [sflag:$0x3], $0x80, s28, s21, $0xb8;
	[tilespmem:$0x1C200] =	vst v63  }
0x11c: {  	_ =	swait.ge [sflag:s20], $0x4000  }
0x11d: {  	[sflag:s20] =	ssyncset.done $0x0  }
0x11e: {  	[sflag:s20] =	ssyncadd.s32 $0xFFFFC000;
	s0 =	simm.s32 $0x0  }
0x11f: {  	[tilespmem:s23], [sflag:$0x3] =	stream.linear.gather [hbm4b:s16+s0], $0x100, $0x38;
	[tilespmem:$0x1C200] =	vst v63  }
0x120: {  	_ =	swait.ge [sflag:s20], $0x100  }
0x121: {  	[sflag:s20] =	ssyncset.done $0x0  }
0x122: {  	[sflag:s20] =	ssyncadd.s32 $0xFFFFFF00  }
0x123: {  	_ =	swait.ge [sflag:s24], $0x4000  }
0x124: {  	[sflag:s24] =	ssyncset.done $0x0  }
0x125: {  	[sflag:s24] =	ssyncadd.s32 $0xFFFFC000  }
0x126: {  	[tilespmem:s25], [sflag:$0x2] =	stream.indirect.gather [hbm4b:s7+s21], $0x80, s23, s21, $0xb8;
	[tilespmem:$0x1C200] =	vst v63  }
0x127: {  	_ = 	snop  }
0x128: {  	[spmem:s1] =	stream.indirect.scatter.add.f32 [tilespmem:s22], [sflag:$0x3], $0x80, s21, s21, $0xb8;
	[tilespmem:$0x1C200] =	vst v63  }
0x129: {  	_ =	swait.ge [sflag:s20], $0x4000  }
0x12a: {  	[sflag:s20] =	ssyncset.done $0x0  }
0x12b: {  	[sflag:s20] =	ssyncadd.s32 $0xFFFFC000  }
0x12c: {  	[tilespmem:s0], [sflag:$0x3] =	stream.linear.gather [hbm4b:s10+s0], $0x100, $0x38;
	[tilespmem:$0x1C200] =	vst v63  }
0x12d: {  	_ =	swait.ge [sflag:s20], $0x100  }
0x12e: {  	[sflag:s20] =	ssyncset.done $0x0  }
0x12f: {  	[sflag:s20] =	ssyncadd.s32 $0xFFFFFF00  }
0x130: {  	_ =	swait.ge [sflag:s26], $0x4000  }
0x131: {  	[sflag:s26] =	ssyncset.done $0x0  }
0x132: {  	[sflag:s26] =	ssyncadd.s32 $0xFFFFC000  }
0x133: {  	[tilespmem:s22], [sflag:$0x1] =	stream.indirect.gather [hbm4b:s7+s21], $0x80, s0, s21, $0xb8;
	[tilespmem:$0x1C200] =	vst v63  }
0x134: {  	_ = 	snop  }
0x135: {  	[spmem:s1] =	stream.indirect.scatter.add.f32 [tilespmem:s25], [sflag:$0x3], $0x80, s28, s21, $0xb8;
	[tilespmem:$0x1C200] =	vst v63  }
0x136: {  	_ =	swait.ge [sflag:s20], $0x4000  }
0x137: {  	[sflag:s20] =	ssyncset.done $0x0  }
0x138: {  	[sflag:s20] =	ssyncadd.s32 $0xFFFFC000  }
0x139: {  	_ =	swait.ge [sflag:s24], $0x4000  }
0x13a: {  	[sflag:s24] =	ssyncset.done $0x0  }
0x13b: {  	[sflag:s24] =	ssyncadd.s32 $0xFFFFC000  }
0x13c: {  	[bflag:$0x0] =	sbarrier.arrive $0xFFFF  }
0x13d: {  	[hbm:s13], [sflag:s9] =	dma.local [spmem:s19], $0x2800  }
0x13e: {  	_ =	swait.ge [sflag:s20], $0x2800  }
0x13f: {  	[sflag:s20] =	ssyncset.done $0x0  }
0x140: {  	[sflag:s20] =	ssyncadd.s32 $0xFFFFD800  }
0x141: {  	[spmem:s19], [sflag:s9] =	dma.local [hbm:s4], $0x2800  }
0x142: {  	_ =	swait.ge [sflag:s20], $0x2800  }
0x143: {  	[sflag:s20] =	ssyncset.done $0x0  }
0x144: {  	[sflag:s20] =	ssyncadd.s32 $0xFFFFD800  }
0x145: {  	[bflag:$0x0] =	sbarrier.arrive $0xFFFF  }
0x146: {  	[tilespmem:s0], [sflag:$0x3] =	stream.linear.gather [hbm4b:s10+s0], $0x100, $0x38;
	[tilespmem:$0x1C200] =	vst v63  }
0x147: {  	_ =	swait.ge [sflag:s20], $0x100  }
0x148: {  	[sflag:s20] =	ssyncset.done $0x0  }
0x149: {  	[sflag:s20] =	ssyncadd.s32 $0xFFFFFF00  }
0x14a: {  	[tilespmem:s22], [sflag:$0x1] =	stream.indirect.gather [hbm4b:s8+s21], $0x80, s0, s21, $0xb8;
	[tilespmem:$0x1C200] =	vst v63  }
0x14b: {  	s31 =	sadd.s32 $0x0, s18  }
0x14c: {  	[tilespmem:s23], [sflag:$0x3] =	stream.linear.gather [hbm4b:s31+s3], $0x100, $0x38;
	[tilespmem:$0x1C200] =	vst v63  }
0x14d: {  	_ =	swait.ge [sflag:s20], $0x100  }
0x14e: {  	[sflag:s20] =	ssyncset.done $0x0  }
0x14f: {  	[sflag:s20] =	ssyncadd.s32 $0xFFFFFF00  }
0x150: {  	_ =	swait.ge [sflag:s24], $0x4000  }
0x151: {  	[sflag:s24] =	ssyncset.done $0x0  }
0x152: {  	[sflag:s24] =	ssyncadd.s32 $0xFFFFC000  }
0x153: {  	[tilespmem:s25], [sflag:$0x2] =	stream.indirect.gather [hbm4b:s8+s21], $0x80, s23, s21, $0xb8;
	[tilespmem:$0x1C200] =	vst v63  }
0x154: {  	_ = 	snop  }
0x155: {  	[spmem:s1] =	stream.indirect.scatter.add.f32 [tilespmem:s22], [sflag:$0x3], $0x80, s21, s21, $0xb8;
	[tilespmem:$0x1C200] =	vst v63  }
0x156: {  	_ =	swait.ge [sflag:s20], $0x4000  }
0x157: {  	[sflag:s20] =	ssyncset.done $0x0  }
0x158: {  	s31 =	sadd.s32 $0x0, s17;
	[sflag:s20] =	ssyncadd.s32 $0xFFFFC000  }
0x159: {  	[tilespmem:s3], [sflag:$0x3] =	stream.linear.gather [hbm4b:s31+s3], $0x100, $0x38;
	[tilespmem:$0x1C200] =	vst v63  }
0x15a: {  	_ =	swait.ge [sflag:s20], $0x100  }
0x15b: {  	[sflag:s20] =	ssyncset.done $0x0  }
0x15c: {  	[sflag:s20] =	ssyncadd.s32 $0xFFFFFF00  }
0x15d: {  	_ =	swait.ge [sflag:s26], $0x4000  }
0x15e: {  	[sflag:s26] =	ssyncset.done $0x0  }
0x15f: {  	[sflag:s26] =	ssyncadd.s32 $0xFFFFC000  }
0x160: {  	[tilespmem:s22], [sflag:$0x1] =	stream.indirect.gather [hbm4b:s8+s21], $0x80, s3, s21, $0xb8;
	[tilespmem:$0x1C200] =	vst v63  }
0x161: {  	_ = 	snop  }
0x162: {  	[spmem:s1] =	stream.indirect.scatter.add.f32 [tilespmem:s25], [sflag:$0x3], $0x80, s28, s21, $0xb8;
	[tilespmem:$0x1C200] =	vst v63  }
0x163: {  	_ =	swait.ge [sflag:s20], $0x4000  }
0x164: {  	s30 =	simm.s32 $0x40;
	[sflag:s20] =	ssyncset.done $0x0  }
.LBB2_8:
0x165: {  	p0 =	sne.s32 s30, $0x1380  }
0x166: {  	[sflag:s20] =	ssyncadd.s32 $0xFFFFC000;
	s0 =	smov.u32 s30;
	s30 =	sadd.s32 $0x40, s30  }
0x167: {  	s31 =	sadd.s32 s0, s18  }
0x168: {  	[tilespmem:s23], [sflag:$0x3] =	stream.linear.gather [hbm4b:s31+s3], $0x100, $0x38;
	[tilespmem:$0x1C200] =	vst v63  }
0x169: {  	_ =	swait.ge [sflag:s20], $0x100  }
0x16a: {  	[sflag:s20] =	ssyncset.done $0x0  }
0x16b: {  	[sflag:s20] =	ssyncadd.s32 $0xFFFFFF00  }
0x16c: {  	_ =	swait.ge [sflag:s24], $0x4000  }
0x16d: {  	[sflag:s24] =	ssyncset.done $0x0  }
0x16e: {  	[sflag:s24] =	ssyncadd.s32 $0xFFFFC000  }
0x16f: {  	[tilespmem:s25], [sflag:$0x2] =	stream.indirect.gather [hbm4b:s8+s21], $0x80, s23, s21, $0xb8;
	[tilespmem:$0x1C200] =	vst v63  }
0x170: {  	_ = 	snop  }
0x171: {  	[spmem:s1] =	stream.indirect.scatter.add.f32 [tilespmem:s22], [sflag:$0x3], $0x80, s21, s21, $0xb8;
	[tilespmem:$0x1C200] =	vst v63  }
0x172: {  	_ =	swait.ge [sflag:s20], $0x4000  }
0x173: {  	[sflag:s20] =	ssyncset.done $0x0  }
0x174: {  	s0 =	sadd.s32 s0, s17;
	[sflag:s20] =	ssyncadd.s32 $0xFFFFC000  }
0x175: {  	[tilespmem:s3], [sflag:$0x3] =	stream.linear.gather [hbm4b:s0+s3], $0x100, $0x38;
	[tilespmem:$0x1C200] =	vst v63  }
0x176: {  	_ =	swait.ge [sflag:s20], $0x100  }
0x177: {  	[sflag:s20] =	ssyncset.done $0x0  }
0x178: {  	[sflag:s20] =	ssyncadd.s32 $0xFFFFFF00  }
0x179: {  	_ =	swait.ge [sflag:s26], $0x4000  }
0x17a: {  	[sflag:s26] =	ssyncset.done $0x0  }
0x17b: {  	[sflag:s26] =	ssyncadd.s32 $0xFFFFC000  }
0x17c: {  	[tilespmem:s22], [sflag:$0x1] =	stream.indirect.gather [hbm4b:s8+s21], $0x80, s3, s21, $0xb8;
	[tilespmem:$0x1C200] =	vst v63  }
.Ltmp3:
0x17d: {  	_ = 	snop;
	(pc) =	sbr.rel @p0 .LBB2_8-.Ltmp3, $4  }
0x17e: {  	_ = 	snop  }
0x17f: {  	[spmem:s1] =	stream.indirect.scatter.add.f32 [tilespmem:s25], [sflag:$0x3], $0x80, s28, s21, $0xb8;
	[tilespmem:$0x1C200] =	vst v63  }
0x180: {  	_ =	swait.ge [sflag:s20], $0x4000  }
0x181: {  	[sflag:s20] =	ssyncset.done $0x0  }
0x182: {  	[sflag:s20] =	ssyncadd.s32 $0xFFFFC000  }
0x183: {  	[tilespmem:s23], [sflag:$0x3] =	stream.linear.gather [hbm4b:s16+s3], $0x100, $0x38;
	[tilespmem:$0x1C200] =	vst v63  }
0x184: {  	_ =	swait.ge [sflag:s20], $0x100  }
0x185: {  	[sflag:s20] =	ssyncset.done $0x0  }
0x186: {  	[sflag:s20] =	ssyncadd.s32 $0xFFFFFF00  }
0x187: {  	_ =	swait.ge [sflag:s24], $0x4000  }
0x188: {  	[sflag:s24] =	ssyncset.done $0x0  }
0x189: {  	[sflag:s24] =	ssyncadd.s32 $0xFFFFC000  }
0x18a: {  	[tilespmem:s25], [sflag:$0x2] =	stream.indirect.gather [hbm4b:s8+s21], $0x80, s23, s21, $0xb8;
	[tilespmem:$0x1C200] =	vst v63  }
0x18b: {  	_ = 	snop  }
0x18c: {  	[spmem:s1] =	stream.indirect.scatter.add.f32 [tilespmem:s22], [sflag:$0x3], $0x80, s21, s21, $0xb8;
	[tilespmem:$0x1C200] =	vst v63  }
0x18d: {  	_ =	swait.ge [sflag:s20], $0x4000  }
0x18e: {  	[sflag:s20] =	ssyncset.done $0x0  }
0x18f: {  	[sflag:s20] =	ssyncadd.s32 $0xFFFFC000  }
0x190: {  	[tilespmem:s3], [sflag:$0x3] =	stream.linear.gather [hbm4b:s10+s3], $0x100, $0x38;
	[tilespmem:$0x1C200] =	vst v63  }
0x191: {  	_ =	swait.ge [sflag:s20], $0x100  }
0x192: {  	[sflag:s20] =	ssyncset.done $0x0  }
0x193: {  	[sflag:s20] =	ssyncadd.s32 $0xFFFFFF00  }
0x194: {  	_ =	swait.ge [sflag:s26], $0x4000  }
0x195: {  	[sflag:s26] =	ssyncset.done $0x0  }
0x196: {  	[sflag:s26] =	ssyncadd.s32 $0xFFFFC000  }
0x197: {  	[tilespmem:s22], [sflag:$0x1] =	stream.indirect.gather [hbm4b:s8+s21], $0x80, s3, s21, $0xb8;
	[tilespmem:$0x1C200] =	vst v63  }
0x198: {  	_ = 	snop  }
0x199: {  	[spmem:s1] =	stream.indirect.scatter.add.f32 [tilespmem:s25], [sflag:$0x3], $0x80, s28, s21, $0xb8;
	[tilespmem:$0x1C200] =	vst v63  }
0x19a: {  	_ =	swait.ge [sflag:s20], $0x4000  }
0x19b: {  	[sflag:s20] =	ssyncset.done $0x0  }
0x19c: {  	[sflag:s20] =	ssyncadd.s32 $0xFFFFC000  }
0x19d: {  	_ =	swait.ge [sflag:s24], $0x4000  }
0x19e: {  	s29 =	sadd.s32 $0x1, s29;
	[sflag:s24] =	ssyncset.done $0x0  }
0x19f: {  	p0 =	sne.s32 s29, s15;
	[sflag:s24] =	ssyncadd.s32 $0xFFFFC000  }
.Ltmp4:
0x1a0: {  	[bflag:$0x0] =	sbarrier.arrive $0xFFFF;
	(pc) =	sbr.rel @p0 .LBB2_1-.Ltmp4, $4  }
0x1a1: {  	[hbm:s14], [sflag:s9] =	dma.local [spmem:s19], $0x2800  }
0x1a2: {  	_ =	swait.ge [sflag:s20], $0x2800  }
0x1a3: {  	[sflag:s20] =	ssyncset.done $0x0  }
0x1a4: {  	[sflag:s20] =	ssyncadd.s32 $0xFFFFD800  }
0x1a5: {  	_ =	sfence.sel $0x180000  }
0x1a6: {  	[bflag:$0x0] =	sbarrier.arrive $0xFFFF  }
0x1a7: {  	_ =	strace $0x9000004D  }
0x1a8: {  	[bflag:$0x2] =	sbarrier.arrive $0xFFFF  }
0x1a9: {  	p0 =	sne.s32 s2, $0x0;
	s0 =	rddreg [dreg:$0x2]  }
0x1aa: {  	s0 =	sadd.s32 @!p0 $0x100000, s0  }
0x1ab: {  	[sflag:s0] =	ssyncadd.tile.s32 @!p0 $0x1;
	_ =	shalt  }
.Lfunc_end2:
_tile_overlayer_lowered:
.L_overlay_start_2:
0x1ac: {  	(tag) =	ssettag $0x2  }
0x1ad: {  	s0 =	rddreg [dreg:$0x0];
	s2 =	stileid.u32  }
0x1ae: {  	s1 =	rddreg [dreg:$0x1];
	p0 =	sne.s32 s2, $0x0  }
0x1af: {  	s3 =	rddreg [dreg:$0x2];
	[bflag:$0x3] =	sbarrier.arrive $0xFFFF;
	s2 =	simm.s32 @!p0 $0x1C03  }
0x1b0: {  	[timem:s3], [sflag:s2] =	dma.local @!p0 [hbm:s0], s1  }
0x1b1: {  	s0 =	simm.s32 @!p0 $0x3  }
0x1b2: {  	_ =	swait.ge @!p0 [sflag:s0], s1  }
0x1b3: {  	s1 =	ssub.s32 @!p0 $0x0, s1;
	[sflag:s0] =	ssyncset.done @!p0 $0x0  }
0x1b4: {  	[sflag:s0] =	ssyncadd.s32 @!p0 s1  }
0x1b5: {  	[bflag:$0x3] =	sbarrier.arrive $0xFFFF  }
0x1b6: {  	_ =	shalt  }

// kernel: sc_edge_stats.3.cloned.1.call-start
scs
__scs_entry_jumppad:
0x0: {  	(pc) =	sbr.rel $0x88, $3  }
0x1: {  	(tag) =	ssettag $0x0;
	lr =	simm.s32 $0x1  }
0x2: {  	[smem:$0x3F88] =	sst lr;
	_ =	strace $0xD0000000  }
0x3: {  	_ = 	snop  }
0x4: {  	_ = 	snop  }
0x5: {  	_ = 	snop  }
0x6: {  	_ = 	snop  }
0x7: {  	_ = 	snop  }
__scs_overlays_trampoline_lowered:
0x8: {  	[smem:$0x3F97] =	sst s0  }
0x9: {  	[smem:$0x3F98] =	sst s1  }
0xa: {  	[smem:$0x3F99] =	sst s2  }
0xb: {  	[smem:$0x3F9A] =	sst s3  }
0xc: {  	[smem:$0x3F9B] =	sst s4  }
0xd: {  	[smem:$0x3F9C] =	sst s5  }
0xe: {  	[smem:$0x3F9D] =	sst s6  }
0xf: {  	[smem:$0x3F9E] =	sst s7  }
0x10: {  	[smem:$0x3F9F] =	sst s8  }
0x11: {  	[smem:$0x3FA0] =	sst s9;
	s0 =	simm.s32 @!p0 $0x0  }
0x12: {  	s1 =	sld [smem:$0x3F86];
	s0 =	simm.s32 @p0 $0x1  }
0x13: {  	[smem:$0x3FA1] =	sst s0;
	s0 =	simm.s32 @!p1 $0x0  }
0x14: {  	s2 =	sld [smem:$0x3F85];
	s0 =	simm.s32 @p1 $0x1  }
0x15: {  	[smem:$0x3FA2] =	sst s0;
	s0 =	simm.s32 @!p2 $0x0  }
0x16: {  	s3 =	sld [smem:$0x3FDB];
	s0 =	simm.s32 @p2 $0x1  }
0x17: {  	s4 =	simm.s32 $0x1BF5;
	[smem:$0x3FA4] =	sst s0  }
0x18: {  	s0 =	sld [smem:$0x3F87];
	_ =	swait.ge [sflag:s4], $0x0  }
0x19: {  	s7 =	sld [smem:$0x3F88]  }
0x1a: {  	s8 =	sadd.s32 $0xFFFFE003, lr  }
0x1b: {  	s9 =	sadd.s32 $0xFFFFFEF7, lr;
	s5 =	simm.s32 $0xFFFFFFFF;
	p2 =	slt.u32 s8, $0xFFFFF086  }
0x1c: {  	p1 =	slt.u32 s9, $0xF7A;
	s5 =	simm.s32 @!p2 $0x0  }
0x1d: {  	s5 =	simm.s32 @p1 $0x1;
	p0 =	seq.s32 s7, s2  }
0x1e: {  	s7 =	smul.u32 @!p0 $0xF7A, s2;
	p2 =	seq.s32 @!p0 s5, $0x0  }
0x1f: {  	s9 =	smul.u32 $0xF7A, s1;
	s8 =	simm.s32 @!p0 $0x1BF5;
	p2 =	por !p2, p0  }
0x20: {  	[sflag:s8] =	ssyncset.s32 @!p0 $0xFFFFF086;
	s6 =	sadd.s32 @!p0 s3, s7;
	s7 =	simm.s32 @!p0 $0x108  }
0x21: {  	s3 =	sadd.s32 s3, s9;
	s6 =	sadd.s32 @!p0 $0x88, s6;
	s7 =	simm.s32 @p2 $0x1082  }
0x22: {  	[simem:s7], [sflag:s8] =	dma.local @!p0 [hbm:s6], $0xF7A  }
0x23: {  	s9 =	sor.u32 $0xD0000000, s2;
	s6 =	simm.s32 $0x108;
	_ =	swait.ge @!p0 [sflag:s8], $0x0  }
0x24: {  	s3 =	sadd.s32 $0x88, s3;
	s6 =	simm.s32 @!p1 $0x1082;
	[sflag:s4] =	ssyncset.s32 $0xFFFFF086  }
0x25: {  	[simem:s6], [sflag:s4] =	dma.local [hbm:s3], $0xF7A  }
0x26: {  	[smem:$0x3F88] =	sst s1;
	(tag) =	ssettag s2;
	_ =	strace s9  }
0x27: {  	s1 =	sld [smem:$0x3F98]  }
0x28: {  	s2 =	sld [smem:$0x3F99]  }
0x29: {  	s4 =	sld [smem:$0x3F9B]  }
0x2a: {  	p0 =	seq.s32 s5, $0x0;
	s5 =	sld [smem:$0x3F9C]  }
0x2b: {  	s6 =	sld [smem:$0x3F9D]  }
0x2c: {  	s7 =	sld [smem:$0x3F9E]  }
0x2d: {  	s3 =	simm.s32 $0x108;
	s8 =	sld [smem:$0x3F9F]  }
0x2e: {  	s3 =	simm.s32 @!p0 $0x1082;
	s9 =	sld [smem:$0x3FA0]  }
0x2f: {  	lr =	sadd.s32 s0, s3;
	s0 =	sld [smem:$0x3F97]  }
0x30: {  	s3 =	sld [smem:$0x3F9A]  }
0x31: {  	[smem:$0x3FA3] =	sst s10  }
0x32: {  	s10 =	sld [smem:$0x3FA1];
	_ =	sdelay $0x3  }
0x33: {  	p0 =	seq.s32 s10, $0x1;
	s10 =	sld [smem:$0x3FA3];
	_ =	sdelay $0x3  }
0x34: {  	[smem:$0x3FA3] =	sst s10  }
0x35: {  	s10 =	sld [smem:$0x3FA2];
	_ =	sdelay $0x3  }
0x36: {  	p1 =	seq.s32 s10, $0x1;
	s10 =	sld [smem:$0x3FA3];
	_ =	sdelay $0x3  }
0x37: {  	[smem:$0x3FA3] =	sst s10  }
0x38: {  	s10 =	sld [smem:$0x3FA4]  }
0x39: {  	_ = 	snop;
	(pc) =	sbr.ind lr, $3  }
0x3a: {  	_ = 	snop  }
0x3b: {  	_ = 	snop  }
0x3c: {  	p2 =	seq.s32 s10, $0x1;
	s10 =	sld [smem:$0x3FA3]  }
0x3d: {  	_ =	shalt  }
0x3e: {  	_ =	shalt  }
0x3f: {  	_ =	shalt  }
0x40: {  	_ =	shalt  }
0x41: {  	_ =	shalt  }
0x42: {  	_ =	shalt  }
0x43: {  	_ =	shalt  }
0x44: {  	_ =	shalt  }
0x45: {  	_ =	shalt  }
0x46: {  	_ =	shalt  }
0x47: {  	_ =	shalt  }
0x48: {  	_ =	shalt  }
0x49: {  	_ =	shalt  }
0x4a: {  	_ =	shalt  }
0x4b: {  	_ =	shalt  }
0x4c: {  	_ =	shalt  }
0x4d: {  	_ =	shalt  }
0x4e: {  	_ =	shalt  }
0x4f: {  	_ =	shalt  }
0x50: {  	_ =	shalt  }
0x51: {  	_ =	shalt  }
0x52: {  	_ =	shalt  }
0x53: {  	_ =	shalt  }
0x54: {  	_ =	shalt  }
0x55: {  	_ =	shalt  }
0x56: {  	_ =	shalt  }
0x57: {  	_ =	shalt  }
0x58: {  	_ =	shalt  }
0x59: {  	_ =	shalt  }
0x5a: {  	_ =	shalt  }
0x5b: {  	_ =	shalt  }
0x5c: {  	_ =	shalt  }
0x5d: {  	_ =	shalt  }
0x5e: {  	_ =	shalt  }
0x5f: {  	_ =	shalt  }
0x60: {  	_ =	shalt  }
0x61: {  	_ =	shalt  }
0x62: {  	_ =	shalt  }
0x63: {  	_ =	shalt  }
0x64: {  	_ =	shalt  }
0x65: {  	_ =	shalt  }
0x66: {  	_ =	shalt  }
0x67: {  	_ =	shalt  }
0x68: {  	_ =	shalt  }
0x69: {  	_ =	shalt  }
0x6a: {  	_ =	shalt  }
0x6b: {  	_ =	shalt  }
0x6c: {  	_ =	shalt  }
0x6d: {  	_ =	shalt  }
0x6e: {  	_ =	shalt  }
0x6f: {  	_ =	shalt  }
0x70: {  	_ =	shalt  }
0x71: {  	_ =	shalt  }
0x72: {  	_ =	shalt  }
0x73: {  	_ =	shalt  }
0x74: {  	_ =	shalt  }
0x75: {  	_ =	shalt  }
0x76: {  	_ =	shalt  }
0x77: {  	_ =	shalt  }
0x78: {  	_ =	shalt  }
0x79: {  	_ =	shalt  }
0x7a: {  	_ =	shalt  }
0x7b: {  	_ =	shalt  }
0x7c: {  	_ =	shalt  }
0x7d: {  	_ =	shalt  }
0x7e: {  	_ =	shalt  }
0x7f: {  	_ =	shalt  }
0x80: {  	_ =	shalt  }
0x81: {  	_ =	shalt  }
0x82: {  	_ =	shalt  }
0x83: {  	_ =	shalt  }
0x84: {  	_ =	shalt  }
0x85: {  	_ =	shalt  }
0x86: {  	_ =	shalt  }
0x87: {  	_ =	shalt  }
.Lfunc_end0:
.L_simem_size_0:
called_computation_lowered:
.L_overlay_start_0:
0x88: {  	s2 =	sld [smem:$0x3FD9]  }
0x89: {  	s3 =	sld [smem:$0x3FFE];
	_ =	sdelay $0x1  }
0x8a: {  	s1 =	srdreg.scid  }
0x8b: {  	s0 =	sand.u32 $0x1, s1  }
0x8c: {  	s17 =	sshll.u32 s0, $0xA;
	s2 =	sadd.s32 s3, s2  }
0x8d: {  	s2 =	sadd.s32 s2, s17  }
0x8e: {  	[smem:$0x3FAF] =	sst s2  }
0x8f: {  	_ = 	snop  }
0x90: {  	(tm) =	ssettm $0x1  }
0x91: {  	s18 =	sld [smem:$0x3FFB];
	_ =	sdelay $0x3  }
0x92: {  	_ =	strace s18  }
0x93: {  	s2 =	sld [smem:$0x3FFC];
	_ =	sdelay $0x3  }
0x94: {  	_ =	strace s2  }
0x95: {  	s2 =	sld [smem:$0x3FFD];
	_ =	sdelay $0x3  }
0x96: {  	_ =	strace s2  }
0x97: {  	_ =	strace $0x8FFFFFFF  }
0x98: {  	s19 =	sld [smem:$0x3FDB];
	_ =	sdelay $0x1  }
0x99: {  	s20 =	simm.s32 $_scs_section_size  }
0x9a: {  	s4 =	simm.s32 $_size__tile_overlayer_lowered;
	s5 =	simm.s32 $_tile_overlayer_lowered  }
0x9b: {  	s6 =	simm.s32 $0x1BFF;
	s21 =	sshll.u32 s5, $0x1;
	s3 =	sadd.s32 s20, s19  }
0x9c: {  	s22 =	simm.s32 $0x0;
	s4 =	sshll.u32 s4, $0x1;
	s5 =	sadd.s32 s21, s3  }
0x9d: {  	[timem:s22], [sflag:s6] =	dma.local [hbm:s5], s4  }
0x9e: {  	_ =	swait.ge [sflag:s6], s4  }
0x9f: {  	s4 =	ssub.s32 $0x0, s4;
	[sflag:s6] =	ssyncset.done $0x0  }
0xa0: {  	[sflag:s6] =	ssyncadd.s32 s4;
	_ =	sdelay $0x1  }
0xa1: {  	s23 =	simm.s32 $0x1B8B  }
0xa2: {  	_ =	swait.ge [sflag:s23], $0x1  }
0xa3: {  	[sflag:s23] =	ssyncset.done $0x0  }
0xa4: {  	[sflag:s23] =	ssyncadd.s32 $0xFFFFFFFF  }
0xa5: {  	s4 =	sld [smem:$0x0]  }
0xa6: {  	s5 =	sand.u32 $0xFFFFFFFE, s1  }
0xa7: {  	p0 =	sne.s32 s1, s5  }
0xa8: {  	s5 =	sshll.u32 @p0 s5, $0xE  }
0xa9: {  	s5 =	sadd.s32 @p0 $0x11B8D, s5;
	s6 =	sshll.u32 @p0 s4, $0x11  }
0xaa: {  	s5 =	sor.u32 @p0 s6, s5  }
0xab: {  	[sflag:s5] =	ssyncadd.remote.s32 @p0 $0x1;
	_ =	sdelay $0x1  }
0xac: {  	s5 =	simm.s32 @p0 $0x1B8D  }
0xad: {  	_ =	swait.eq @p0 [sflag:s5], $0x1  }
0xae: {  	[sflag:s5] =	ssyncadd.s32 @p0 $0xFFFFFFFF  }
0xaf: {  	s6 =	sshll.u32 @!p0 s1, $0xE  }
0xb0: {  	s6 =	sor.u32 @!p0 $0x4000, s6;
	s5 =	simm.s32 @!p0 $0x1B8D  }
0xb1: {  	s4 =	sshll.u32 @!p0 s4, $0x11;
	s6 =	sadd.s32 @!p0 $0x11B8D, s6;
	_ =	swait.eq @!p0 [sflag:s5], $0x1  }
0xb2: {  	s4 =	sor.u32 @!p0 s4, s6;
	[sflag:s5] =	ssyncadd.s32 @!p0 $0xFFFFFFFF  }
0xb3: {  	s25 =	simm.s32 $0x1B8E;
	s24 =	sld [smem:$0x3FFE];
	[sflag:s4] =	ssyncadd.remote.s32 @!p0 $0x1  }
0xb4: {  	s26 =	simm.s32 $execute0_lowered;
	[smem:$0x3FD2] =	sst s25  }
0xb5: {  	s5 =	sshll.u32 s26, $0x1;
	_ =	strace $0x80000049;
	[dreg:$0x1] =	wrdreg $0xFFFFFFFF  }
0xb6: {  	s28 =	simm.s32 $_size_execute0_lowered;
	s3 =	sadd.s32 s3, s5;
	[dreg:$0x0] =	wrdreg $0x0  }
0xb7: {  	s5 =	sshll.u32 s28, $0x1;
	[dreg:$0x2] =	wrdreg s3  }
0xb8: {  	[dreg:$0x3] =	wrdreg s5  }
0xb9: {  	[dreg:$0x4] =	wrdreg $0xC0  }
0xba: {  	_ =	task [dreg:s22], $0x5FFFF  }
0xbb: {  	[dreg:$0x1] =	wrdreg $0xFFFFFFFF  }
0xbc: {  	[dreg:$0x0] =	wrdreg $0x60  }
0xbd: {  	[dreg:$0x2] =	wrdreg s24  }
0xbe: {  	[dreg:$0x3] =	wrdreg $0x40800  }
0xbf: {  	[dreg:$0x4] =	wrdreg $0x9  }
0xc0: {  	_ =	task.clear_ibuf [dreg:s22], $0x5FFFF;
	_ =	strace $0x90000049  }
0xc1: {  	s29 =	simm.s32 $0x9;
	_ =	strace $0x8000004B  }
0xc2: {  	_ =	swait.ge [sflag:s29], $0x1  }
0xc3: {  	[sflag:s29] =	ssyncadd.s32 $0xFFFFFFFF  }
0xc4: {  	_ =	strace $0x9000004B  }
0xc5: {  	_ =	sfence  }
0xc6: {  	s30 =	sld [smem:$0x0];
	_ =	sdelay $0x2  }
0xc7: {  	s31 =	sshll.u32 s1, $0xD;
	s1 =	sshrl.u32 s1, $0x2  }
0xc8: {  	s4 =	sand.u32 $0x4000, s31;
	s1 =	sadd.s32 s1, s30  }
0xc9: {  	s0 =	sor.u32 s4, s0;
	s1 =	sshll.u32 s1, $0x11  }
0xca: {  	s0 =	sor.u32 s1, s0  }
0xcb: {  	s0 =	sadd.s32 $0x8F2B, s0  }
0xcc: {  	[sflag:s0] =	ssyncadd.remote.s32 $0x1  }
0xcd: {  	_ =	sfence.sel $0xFFFF  }
0xce: {  	[dreg:$0x0] =	wrdreg $0xFFFFFFFF;
	(pc) =	sbr.abs _section_cstart, $3  }
0xcf: {  	[dreg:$0x1] =	wrdreg $0xFFFFFFFF  }
0xd0: {  	_ =	task.clear_ibuf [dreg:s22], $0x2FFFF;
	_ =	strace $0x9FFFFFFF  }
0xd1: {  	(tm) =	ssettm $0x7FFFFFFF  }
tec
execute0_lowered:
.L_overlay_start_1:
0x0: {  	(tag) =	ssettag $0x1  }
0x1: {  	s0 =	srdreg.scid  }
0x2: {  	s5 =	rddreg [dreg:$0x0];
	s6 =	sand.u32 $0x1, s0  }
0x3: {  	s0 =	stileid.u32;
	s4 =	smul.u32 $0x50000, s6  }
0x4: {  	s2 =	rddreg [dreg:$0x1];
	s7 =	smul.u32 $0x5000, s0  }
0x5: {  	s1 =	rddreg [dreg:$0x2];
	s3 =	simm.s32 $0x0;
	s8 =	smul.u32 $0x140000, s6  }
0x6: {  	[smem:$0x7FF] =	sst s3;
	s26 =	smul.u32 $0x14000, s0  }
0x7: {  	s9 =	smul.u32 $0x500000, s6;
	_ =	strace $0x8000004A;
	s31 =	ssub.s32 $0x2, s6  }
0x8: {  	s30 =	smul.u32 $0x50000, s0;
	s12 =	sshll.u32 s0, $0x6;
	s6 =	sshrl.u32 s31, $0x1  }
0x9: {  	s4 =	sadd.s32 s7, s4;
	s28 =	sadd.s32 s26, s8;
	s29 =	sadd.s32 s9, s5  }
0xa: {  	s11 =	sshrl.u32 s30, $0x2;
	s13 =	ssub.s32 s31, s6;
	s4 =	sshrl.u32 s4, $0x3  }
0xb: {  	s7 =	sshrl.u32 s28, $0x3;
	s11 =	sadd.s32 s11, s2;
	s8 =	sadd.s32 s30, s29  }
0xc: {  	s10 =	sadd.s32 s4, s5;
	s4 =	sadd.s32 $0x168400, s5;
	s7 =	sadd.s32 s7, s5  }
0xd: {  	s5 =	sor.u32 $0x1C01, s12;
	s8 =	sadd.s32 $0x2BEC00, s8;
	s12 =	simm.s32 $0x80  }
0xe: {  	s6 =	sadd.s32 $0xCBEC00, s7;
	s7 =	smax.u32 s13, $0x1;
	s9 =	sadd.s32 $0x2AAC00, s10  }
0xf: {  	s10 =	sshrl.u32 s11, $0x3;
	s11 =	simm.s32 $0x1;
	s13 =	simm.s32 $0x0  }
.LBB2_1:
0x10: {  	[spmem:s10], [sflag:s5] =	dma.local [hbm:s4], $0x2800  }
0x11: {  	_ =	swait.ge [sflag:s11], $0x2800  }
0x12: {  	[sflag:s11] =	ssyncset.done $0x0  }
0x13: {  	[sflag:s11] =	ssyncadd.s32 $0xFFFFD800  }
0x14: {  	s14 =	sadd.s32 $0x0, s9;
	[bflag:$0x0] =	sbarrier.arrive $0xFFFF  }
0x15: {  	[tilespmem:s3], [sflag:$0x1] =	stream.linear.gather [hbm4b:s14+s3], $0x80, $0x38;
	[tilespmem:$0x18080] =	vst v63  }
0x16: {  	_ =	swait.ge [sflag:s11], $0x80  }
0x17: {  	[sflag:s11] =	ssyncset.done $0x0  }
0x18: {  	[sflag:s11] =	ssyncadd.s32 $0xFFFFFF80  }
0x19: {  	[tilespmem:s12], [sflag:$0x1] =	stream.linear.gather [hbm4b:s8+s3], $0x4000, $0x38;
	[tilespmem:$0x18080] =	vst v63  }
0x1a: {  	_ =	swait.ge [sflag:s11], $0x4000  }
0x1b: {  	[sflag:s11] =	ssyncset.done $0x0  }
0x1c: {  	[sflag:s11] =	ssyncadd.s32 $0xFFFFC000  }
0x1d: {  	[spmem:s2] =	stream.indirect.scatter.add.f32 [tilespmem:s12], [sflag:$0x1], $0x80, s3, s12, $0xb8;
	[tilespmem:$0x18080] =	vst v63  }
0x1e: {  	s15 =	simm.s32 $0x10;
	_ =	swait.ge [sflag:s11], $0x4000  }
0x1f: {  	s16 =	simm.s32 $0x20;
	s14 =	sadd.s32 $0x800, s8;
	[sflag:s11] =	ssyncset.done $0x0  }
.LBB2_2:
0x20: {  	s17 =	sadd.s32 s15, s9  }
0x21: {  	[sflag:s11] =	ssyncadd.s32 $0xFFFFC000;
	s15 =	smov.u32 s16;
	s18 =	sadd.s32 $0x10, s16  }
0x22: {  	[tilespmem:s3], [sflag:$0x1] =	stream.linear.gather [hbm4b:s17+s3], $0x80, $0x38;
	[tilespmem:$0x18080] =	vst v63  }
0x23: {  	p0 =	sne.s32 s16, $0x9F0;
	_ =	swait.ge [sflag:s11], $0x80  }
0x24: {  	[sflag:s11] =	ssyncset.done $0x0  }
0x25: {  	[sflag:s11] =	ssyncadd.s32 $0xFFFFFF80  }
0x26: {  	[tilespmem:s12], [sflag:$0x1] =	stream.linear.gather [hbm4b:s14+s3], $0x4000, $0x38;
	[tilespmem:$0x18080] =	vst v63  }
0x27: {  	_ =	swait.ge [sflag:s11], $0x4000  }
.Ltmp0:
0x28: {  	[sflag:s11] =	ssyncset.done $0x0;
	(pc) =	sbr.rel @p0 .LBB2_2-.Ltmp0, $4  }
0x29: {  	[sflag:s11] =	ssyncadd.s32 $0xFFFFC000  }
0x2a: {  	[spmem:s2] =	stream.indirect.scatter.add.f32 [tilespmem:s12], [sflag:$0x1], $0x80, s3, s12, $0xb8;
	[tilespmem:$0x18080] =	vst v63  }
0x2b: {  	_ =	swait.ge [sflag:s11], $0x4000  }
0x2c: {  	s16 =	smov.u32 s18;
	s14 =	sadd.s32 $0x800, s14;
	[sflag:s11] =	ssyncset.done $0x0  }
0x2d: {  	s15 =	sadd.s32 s15, s9;
	[sflag:s11] =	ssyncadd.s32 $0xFFFFC000  }
0x2e: {  	[tilespmem:s3], [sflag:$0x1] =	stream.linear.gather [hbm4b:s15+s3], $0x80, $0x38;
	[tilespmem:$0x18080] =	vst v63  }
0x2f: {  	_ =	swait.ge [sflag:s11], $0x80  }
0x30: {  	[sflag:s11] =	ssyncset.done $0x0  }
0x31: {  	[sflag:s11] =	ssyncadd.s32 $0xFFFFFF80  }
0x32: {  	[tilespmem:s12], [sflag:$0x1] =	stream.linear.gather [hbm4b:s14+s3], $0x4000, $0x38;
	[tilespmem:$0x18080] =	vst v63  }
0x33: {  	_ =	swait.ge [sflag:s11], $0x4000  }
0x34: {  	[sflag:s11] =	ssyncset.done $0x0  }
0x35: {  	[sflag:s11] =	ssyncadd.s32 $0xFFFFC000  }
0x36: {  	[spmem:s2] =	stream.indirect.scatter.add.f32 [tilespmem:s12], [sflag:$0x1], $0x80, s3, s12, $0xb8;
	[tilespmem:$0x18080] =	vst v63  }
0x37: {  	_ =	swait.ge [sflag:s11], $0x4000  }
0x38: {  	s13 =	sadd.s32 $0x1, s13;
	[sflag:s11] =	ssyncset.done $0x0  }
0x39: {  	p0 =	sne.s32 s13, s7;
	[sflag:s11] =	ssyncadd.s32 $0xFFFFC000  }
.Ltmp1:
0x3a: {  	[bflag:$0x0] =	sbarrier.arrive $0xFFFF;
	(pc) =	sbr.rel @p0 .LBB2_1-.Ltmp1, $4  }
0x3b: {  	[hbm:s6], [sflag:s5] =	dma.local [spmem:s10], $0x2800  }
0x3c: {  	_ =	swait.ge [sflag:s11], $0x2800  }
0x3d: {  	[sflag:s11] =	ssyncset.done $0x0  }
0x3e: {  	[sflag:s11] =	ssyncadd.s32 $0xFFFFD800  }
0x3f: {  	_ =	sfence.sel $0x180000  }
0x40: {  	[bflag:$0x0] =	sbarrier.arrive $0xFFFF  }
0x41: {  	p0 =	sne.s32 s0, $0x0;
	_ =	strace $0x9000004A  }
0x42: {  	s0 =	sadd.s32 @!p0 $0x100000, s1;
	[bflag:$0x2] =	sbarrier.arrive $0xFFFF  }
0x43: {  	[sflag:s0] =	ssyncadd.tile.s32 @!p0 $0x1;
	_ =	shalt  }
.Lfunc_end2:
_tile_overlayer_lowered:
.L_overlay_start_2:
0x44: {  	(tag) =	ssettag $0x2  }
0x45: {  	s0 =	rddreg [dreg:$0x0];
	s2 =	stileid.u32  }
0x46: {  	s1 =	rddreg [dreg:$0x1];
	p0 =	sne.s32 s2, $0x0  }
0x47: {  	s3 =	rddreg [dreg:$0x2];
	[bflag:$0x3] =	sbarrier.arrive $0xFFFF;
	s2 =	simm.s32 @!p0 $0x1C01  }
0x48: {  	[timem:s3], [sflag:s2] =	dma.local @!p0 [hbm:s0], s1  }
0x49: {  	s0 =	simm.s32 @!p0 $0x1  }
0x4a: {  	_ =	swait.ge @!p0 [sflag:s0], s1  }
0x4b: {  	s1 =	ssub.s32 @!p0 $0x0, s1;
	[sflag:s0] =	ssyncset.done @!p0 $0x0  }
0x4c: {  	[sflag:s0] =	ssyncadd.s32 @!p0 s1  }
0x4d: {  	[bflag:$0x3] =	sbarrier.arrive $0xFFFF  }
0x4e: {  	_ =	shalt  }

</sc_bundles>
